<compile_context>
chip_gen: v7x
topology: tpu7x:2x2x1
jax: 0.10.2.dev20260603
libtpu: 0.0.44.dev20260713+nightly
codegen_flags: <defaults>
</compile_context>

<pallas_src>
import functools

import jax
import jax.numpy as jnp
from jax import lax
from jax.experimental import pallas as pl
from jax.experimental.pallas import tpu as pltpu
from jax.experimental.pallas import tpu_sc as plsc

N = 10000
E = 160000
NF = 2000
EF = 4000
NB = 160000
BB = 256
EMB = 128
NC = 2
NS = 16
NW = NC * NS
EP = 163840

f32 = jnp.float32
i32 = jnp.int32


def _mesh():
    return plsc.VectorSubcoreMesh(
        core_axis_name="c", subcore_axis_name="s", num_cores=NC, num_subcores=NS)


def _wid():
    return lax.axis_index("s") * NC + lax.axis_index("c")


def _row_split(total):
    main = (total // (8 * NS)) * 8
    extra_tiles = (total - main * NS) // 8
    extra_base = main * NS
    return main, extra_tiles, extra_base


def _zero_accum(z_h, accum, s, total):
    main, extra_tiles, extra_base = _row_split(total)
    base = pl.multiple_of(s * main, 8)
    pltpu.sync_copy(z_h.at[pl.ds(0, main)], accum.at[pl.ds(base, main)])
    if extra_tiles:
        @pl.when(s < extra_tiles)
        def _():
            eb = pl.multiple_of(extra_base + s * 8, 8)
            pltpu.sync_copy(z_h.at[pl.ds(0, 8)], accum.at[pl.ds(eb, 8)])


def _writeback(accum, out0, out1, s, total):
    c = lax.axis_index("c")
    main, extra_tiles, extra_base = _row_split(total)

    def _copy_ranges(out):
        base = pl.multiple_of(s * main, 8)
        pltpu.sync_copy(accum.at[pl.ds(base, main)], out.at[pl.ds(base, main)])
        if extra_tiles:
            @pl.when(s < extra_tiles)
            def _():
                eb = pl.multiple_of(extra_base + s * 8, 8)
                pltpu.sync_copy(accum.at[pl.ds(eb, 8)], out.at[pl.ds(eb, 8)])

    @pl.when(c == 0)
    def _():
        _copy_ranges(out0)

    @pl.when(c == 1)
    def _():
        _copy_ranges(out1)


def _u_build(eib0_2d, eib1_2d, eab_2d, ei1_ext, ei1p_2d, nfb_pad2, zrows, z1d):
    PER_TILE = EP // (NW * 128)
    NTRASH = 16
    onedim = jax.ShapeDtypeStruct((N,), f32)

    @functools.partial(
        pl.kernel,
        out_type=(jax.ShapeDtypeStruct((N, 16), f32),
                  jax.ShapeDtypeStruct((N, 16), f32),
                  onedim, onedim, onedim, onedim, onedim, onedim),
        mesh=_mesh(),
        scratch_types=[
            pltpu.VMEM_SHARED((N + NTRASH, 16), f32),
            pltpu.VMEM_SHARED((N + NTRASH,), f32),
            pltpu.VMEM_SHARED((N + NTRASH,), f32),
            pltpu.VMEM_SHARED((N + NTRASH,), f32),
            pltpu.VMEM((PER_TILE, 128), i32),
            pltpu.VMEM((PER_TILE, 128), i32),
            pltpu.VMEM((PER_TILE, 128), f32),
            pltpu.VMEM((PER_TILE, 128), i32),
            [pltpu.VMEM((128,), i32) for _ in range(2)],
            [pltpu.VMEM((128, 16), f32) for _ in range(2)],
            pltpu.VMEM((128,), f32),
            pltpu.VMEM((632,), f32),
            pltpu.SemaphoreType.DMA,
            pltpu.SemaphoreType.DMA,
        ],
        compiler_params=pltpu.CompilerParams(use_tc_tiling_on_sc=False),
    )
    def k(eib0_h, eib1_h, eab_h, ei1x_h, ei1p_h, nfb_h, z_h, z1_h,
          out0, out1, t1a, t1b, tda, tdb, dga, dgb,
          accum, acc1, accd, accg, b0_2, b1_2, eab_2, pb_2, dsta, rows,
          ones_b, bounce, gs, ss):
        s = lax.axis_index("s")
        w = _wid()
        _zero_accum(z_h, accum, s, N)
        main, extra_tiles, extra_base = _row_split(N)
        base1 = pl.multiple_of(s * main, 8)
        pltpu.sync_copy(z1_h.at[pl.ds(0, main)], bounce.at[pl.ds(0, main)])
        for acc in (acc1, accd, accg):
            pltpu.sync_copy(bounce.at[pl.ds(0, main)], acc.at[pl.ds(base1, main)])
        if extra_tiles:
            @pl.when(s < extra_tiles)
            def _():
                eb_ = pl.multiple_of(extra_base + s * 8, 8)
                for acc in (acc1, accd, accg):
                    pltpu.sync_copy(bounce.at[pl.ds(0, 8)], acc.at[pl.ds(eb_, 8)])
        for j in range(8):
            ones_b[pl.ds(j * 16, 16)] = jnp.ones((16,), f32)
        cbase = pl.multiple_of(w * PER_TILE, 8)
        pltpu.sync_copy(eib0_h.at[pl.ds(cbase, PER_TILE)], b0_2)
        pltpu.sync_copy(eib1_h.at[pl.ds(cbase, PER_TILE)], b1_2)
        pltpu.sync_copy(eab_h.at[pl.ds(cbase, PER_TILE)], eab_2)
        pltpu.sync_copy(ei1p_h.at[pl.ds(cbase, PER_TILE)], pb_2)
        plsc.subcore_barrier()

        def a_gather(j, ci):
            pltpu.async_copy(ei1x_h.at[b0_2.at[ci]], dsta[j], gs)
            pltpu.async_copy(nfb_h.at[b1_2.at[ci]], rows[j], gs)

        def a_drain_gather(j):
            pltpu.make_async_copy(ei1x_h.at[b0_2.at[0]], dsta[j], gs).wait()
            pltpu.make_async_copy(nfb_h.at[b1_2.at[0]], rows[j], gs).wait()

        def a_scatter(j, ci):
            pltpu.async_copy(rows[j], accum.at[dsta[j]], ss, add=True)
            pltpu.async_copy(eab_2.at[ci], acc1.at[dsta[j]], ss, add=True)
            pltpu.async_copy(ones_b, accd.at[dsta[j]], ss, add=True)

        def a_drain_scatter(j):
            pltpu.make_async_copy(rows[j], accum.at[dsta[j]], ss).wait()
            pltpu.make_async_copy(eab_2.at[0], acc1.at[dsta[j]], ss).wait()
            pltpu.make_async_copy(ones_b, accd.at[dsta[j]], ss).wait()

        for j in range(2):
            a_gather(j, j)

        def group_a(g, carry):
            for j in range(2):
                ci = g * 2 + j
                a_drain_gather(j)
                a_scatter(j, ci)
                a_drain_scatter(j)

                @pl.when(ci + 2 < PER_TILE)
                def _():
                    a_gather(j, ci + 2)
            return carry

        lax.fori_loop(0, PER_TILE // 2, group_a, 0)

        def b_gather(j, ci):
            off = pl.multiple_of((cbase + ci) * 128, 128)
            pltpu.async_copy(nfb_h.at[pl.ds(off, 128)], rows[j], gs)

        def b_drain_gather(j):
            pltpu.make_async_copy(nfb_h.at[pl.ds(0, 128)], rows[j], gs).wait()

        def b_scatter(j, ci):
            pltpu.async_copy(rows[j], accum.at[pb_2.at[ci]], ss, add=True)
            pltpu.async_copy(ones_b, accg.at[pb_2.at[ci]], ss, add=True)

        def b_drain_scatter(j, ci):
            pltpu.make_async_copy(rows[j], accum.at[pb_2.at[ci]], ss).wait()
            pltpu.make_async_copy(ones_b, accg.at[pb_2.at[ci]], ss).wait()

        for j in range(2):
            b_gather(j, j)

        def group_b(g, carry):
            for j in range(2):
                ci = g * 2 + j
                b_drain_gather(j)
                b_scatter(j, ci)
                b_drain_scatter(j, ci)

                @pl.when(ci + 2 < PER_TILE)
                def _():
                    b_gather(j, ci + 2)
            return carry

        lax.fori_loop(0, PER_TILE // 2, group_b, 0)
        plsc.subcore_barrier()
        _writeback(accum, out0, out1, s, N)
        c = lax.axis_index("c")

        def wb1(acc, oa, ob):
            nb_ = main + (8 if extra_tiles else 0)
            pltpu.sync_copy(acc.at[pl.ds(base1, main)], bounce.at[pl.ds(0, main)])
            if extra_tiles:
                @pl.when(s < extra_tiles)
                def _():
                    eb_ = pl.multiple_of(extra_base + s * 8, 8)
                    pltpu.sync_copy(acc.at[pl.ds(eb_, 8)],
                                    bounce.at[pl.ds(main, 8)])

            @pl.when(c == 0)
            def _():
                pltpu.sync_copy(bounce.at[pl.ds(0, main)],
                                oa.at[pl.ds(base1, main)])

            @pl.when(c == 1)
            def _():
                pltpu.sync_copy(bounce.at[pl.ds(0, main)],
                                ob.at[pl.ds(base1, main)])
            if extra_tiles:
                @pl.when((s < extra_tiles) & (c == 0))
                def _():
                    eb_ = pl.multiple_of(extra_base + s * 8, 8)
                    pltpu.sync_copy(bounce.at[pl.ds(main, 8)],
                                    oa.at[pl.ds(eb_, 8)])

                @pl.when((s < extra_tiles) & (c == 1))
                def _():
                    eb_ = pl.multiple_of(extra_base + s * 8, 8)
                    pltpu.sync_copy(bounce.at[pl.ds(main, 8)],
                                    ob.at[pl.ds(eb_, 8)])

        wb1(acc1, t1a, t1b)
        wb1(accd, tda, tdb)
        wb1(accg, dga, dgb)

    return k(eib0_2d, eib1_2d, eab_2d, ei1_ext, ei1p_2d, nfb_pad2, zrows, z1d)


def _spmv(x, ei0_2d, ei1_2d, zrows):
    C = 128
    PER_TILE = EP // (NW * C)
    NTRASH = 16
    NSTEP = 42

    @functools.partial(
        pl.kernel,
        out_type=(jax.ShapeDtypeStruct((N, EMB), f32),
                  jax.ShapeDtypeStruct((N, EMB), f32)),
        mesh=_mesh(),
        scratch_types=[
            pltpu.VMEM_SHARED((N + NTRASH, EMB), f32),
            pltpu.VMEM((PER_TILE, C), i32),
            pltpu.VMEM((PER_TILE, C), i32),
            [pltpu.VMEM((C, EMB), f32) for _ in range(2)],
            [pltpu.SemaphoreType.DMA for _ in range(2)],
            [pltpu.SemaphoreType.DMA for _ in range(2)],
        ],
    )
    def k(x_h, ei0_h, ei1_h, z_h, out0, out1, accum, src2, dst2, rows, gs, ss):
        s = lax.axis_index("s")
        w = _wid()
        _zero_accum(z_h, accum, s, N)
        cbase = pl.multiple_of(w * PER_TILE, 8)
        pltpu.sync_copy(ei0_h.at[pl.ds(cbase, PER_TILE)], src2)
        pltpu.sync_copy(ei1_h.at[pl.ds(cbase, PER_TILE)], dst2)
        plsc.subcore_barrier()

        def issue_g(p, ci):
            pltpu.async_copy(x_h.at[src2.at[ci]], rows[p], gs[p])

        def drain_g(p):
            pltpu.make_async_copy(x_h.at[src2.at[0]], rows[p], gs[p]).wait()

        def issue_s(p, ci):
            pltpu.async_copy(rows[p], accum.at[dst2.at[ci]], ss[p], add=True)

        def drain_s(p):
            pltpu.make_async_copy(rows[p], accum.at[dst2.at[0]], ss[p]).wait()

        issue_g(0, 0)
        issue_g(1, 1)

        def body(g, carry):
            for p in range(2):
                ci = g * 2 + p
                drain_g(p)
                issue_s(p, ci)
                drain_s(p)

                @pl.when(ci + 2 < PER_TILE)
                def _():
                    issue_g(p, ci + 2)
            return carry

        lax.fori_loop(0, PER_TILE // 2, body, 0)
        plsc.subcore_barrier()
        _writeback(accum, out0, out1, s, N)

    return k(x, ei0_2d, ei1_2d, zrows)


def _frag_stage(pre3, a2f, batch, fs, ft, z128):
    C = 80
    nchunks = N // C
    per = -(-nchunks // NS)
    CF = 40
    nf_chunks = EF // CF

    @functools.partial(
        pl.kernel,
        out_type=(jax.ShapeDtypeStruct((NF, EMB), f32),
                  jax.ShapeDtypeStruct((NF, EMB), f32),
                  jax.ShapeDtypeStruct((BB, EMB), f32),
                  jax.ShapeDtypeStruct((BB, EMB), f32)),
        mesh=_mesh(),
        scratch_types=[
            pltpu.VMEM_SHARED((NF, EMB), f32),
            pltpu.VMEM_SHARED((NF, EMB), f32),
            pltpu.VMEM_SHARED((BB, EMB), f32),
            pltpu.VMEM((C,), i32),
            pltpu.VMEM((C,), i32),
            pltpu.VMEM((C, EMB), f32),
            pltpu.VMEM((CF,), i32),
            pltpu.VMEM((CF,), i32),
            pltpu.VMEM((CF, EMB), f32),
            pltpu.SemaphoreType.DMA,
        ],
    )
    def k(x_h, a2f_h, batch_h, fs_h, ft_h, z_h, fs0, fs1, xap0, xap1,
          xfacc, fsacc, xapacc, dstf, dstb, rows, ib, db, frows, sem):
        s = lax.axis_index("s")
        c = lax.axis_index("c")
        w = _wid()
        _zero_accum(z_h, xfacc, s, NF)
        _zero_accum(z_h, fsacc, s, NF)
        _zero_accum(z_h, xapacc, s, BB)
        plsc.subcore_barrier()

        def body(ci, carry):
            idx = s + ci * NS

            @pl.when(idx < nchunks)
            def _():
                off = pl.multiple_of(idx * C, 8)
                pltpu.sync_copy(x_h.at[pl.ds(off, C)], rows)
                pltpu.sync_copy(a2f_h.at[pl.ds(off, C)], dstf)
                pltpu.sync_copy(rows, xfacc.at[dstf], add=True)

                @pl.when(idx % 2 == c)
                def _():
                    def relu_row(r, cc):
                        for j in range(8):
                            v = rows[r, pl.ds(j * 16, 16)]
                            rows[r, pl.ds(j * 16, 16)] = jnp.maximum(v, 0.0)
                        return cc

                    lax.fori_loop(0, C, relu_row, 0)
                    pltpu.sync_copy(batch_h.at[pl.ds(off, C)], dstb)
                    pltpu.sync_copy(rows, xapacc.at[dstb], add=True)
            return carry

        lax.fori_loop(0, per, body, 0)
        plsc.subcore_barrier()

        def body2(ci, carry):
            idx = (s * NC + c) + ci * NW

            @pl.when(idx < nf_chunks)
            def _():
                off = pl.multiple_of(idx * CF, 8)
                pltpu.sync_copy(fs_h.at[pl.ds(off, CF)], ib)
                pltpu.async_copy(xfacc.at[ib], frows, sem).wait()
                pltpu.sync_copy(ft_h.at[pl.ds(off, CF)], db)
                pltpu.sync_copy(frows, fsacc.at[db], add=True)
            return carry

        lax.fori_loop(0, -(-nf_chunks // NW), body2, 0)
        plsc.subcore_barrier()
        _writeback(fsacc, fs0, fs1, s, NF)
        _writeback(xapacc, xap0, xap1, s, BB)

    return k(pre3, a2f, batch, fs, ft, z128)


def _layer_update(p0, p1, x, u0, u1, ue0, ue1, w, v, ve, b, relu):
    blk = 2000

    def body(p0_r, p1_r, x_r, u0_r, u1_r, ue0_r, ue1_r, w_r, v_r, ve_r, b_r,
             out_r):
        sx = p0_r[...] + p1_r[...] + x_r[...]
        acc = jnp.dot(sx, w_r[...], preferred_element_type=f32,
                      precision=lax.Precision.HIGHEST)
        acc = acc + jnp.dot(u0_r[...] + u1_r[...], v_r[...],
                            preferred_element_type=f32,
                      precision=lax.Precision.HIGHEST)
        acc = acc + jnp.dot(ue0_r[...] + ue1_r[...], ve_r[...],
                            preferred_element_type=f32,
                      precision=lax.Precision.HIGHEST)
        acc = acc + b_r[0:1, :]
        out_r[...] = jnp.maximum(acc, 0.0) if relu else acc

    return pl.pallas_call(
        body,
        grid=(N // blk,),
        in_specs=[
            pl.BlockSpec((blk, EMB), lambda i: (i, 0)),
            pl.BlockSpec((blk, EMB), lambda i: (i, 0)),
            pl.BlockSpec((blk, EMB), lambda i: (i, 0)),
            pl.BlockSpec((blk, 16), lambda i: (i, 0)),
            pl.BlockSpec((blk, 16), lambda i: (i, 0)),
            pl.BlockSpec((blk, 3), lambda i: (i, 0)),
            pl.BlockSpec((blk, 3), lambda i: (i, 0)),
            pl.BlockSpec((EMB, EMB), lambda i: (0, 0)),
            pl.BlockSpec((16, EMB), lambda i: (0, 0)),
            pl.BlockSpec((3, EMB), lambda i: (0, 0)),
            pl.BlockSpec((8, EMB), lambda i: (0, 0)),
        ],
        out_specs=pl.BlockSpec((blk, EMB), lambda i: (i, 0)),
        out_shape=jax.ShapeDtypeStruct((N, EMB), f32),
    )(p0, p1, x, u0, u1, ue0, ue1, w, v, ve, b)


def _tail(xap0, xap1, fs0, fs1, w1, b1, w2, b2, wa, wf, b3, wo, bo, oh):
    def body(xap0_r, xap1_r, fs0_r, fs1_r, w1_r, b1_r, w2_r, b2_r,
             wa_r, wf_r, b3_r, wo_r, bo_r, oh_r, out_r):
        def q16(t):
            return t.astype(jnp.bfloat16).astype(f32)

        fsum = q16(fs0_r[...] + fs1_r[...])
        h = jnp.maximum(jnp.dot(fsum, w1_r[...], preferred_element_type=f32,
                      precision=lax.Precision.HIGHEST)
                        + b1_r[0:1, :], 0.0)
        xf = jnp.maximum(jnp.dot(q16(h), w2_r[...], preferred_element_type=f32,
                      precision=lax.Precision.HIGHEST)
                         + b2_r[0:1, :], 0.0)
        xfp = lax.dot_general(oh_r[...], xf, (((0,), (0,)), ((), ())),
                              preferred_element_type=f32,
                              precision=lax.Precision.HIGHEST)
        xap = q16(xap0_r[...] + xap1_r[...])
        hh = jnp.maximum(jnp.dot(xap, wa_r[...], preferred_element_type=f32,
                      precision=lax.Precision.HIGHEST)
                         + jnp.dot(q16(xfp), wf_r[...],
                                   preferred_element_type=f32,
                      precision=lax.Precision.HIGHEST)
                         + b3_r[0:1, :], 0.0)
        out_r[...] = jnp.dot(q16(hh), wo_r[...], preferred_element_type=f32,
                      precision=lax.Precision.HIGHEST) + bo_r[0:1, :]

    return pl.pallas_call(
        body,
        out_shape=jax.ShapeDtypeStruct((BB, EMB), f32),
    )(xap0, xap1, fs0, fs1, w1, b1, w2, b2, wa, wf, b3, wo, bo, oh)


def kernel(x_atoms, x_frags, edge_attr, node_features_bonds, edge_attr_bonds,
           params, edge_index, frag_index, batch, frag_batch, atom_to_frag_ids,
           edge_index_bonds_graph):
    ei0 = jnp.asarray(edge_index[0], i32)
    ei1 = jnp.asarray(edge_index[1], i32)
    eib0 = jnp.asarray(edge_index_bonds_graph[0], i32)
    eib1 = jnp.asarray(edge_index_bonds_graph[1], i32)
    fs = jnp.asarray(frag_index[0], i32)
    ft = jnp.asarray(frag_index[1], i32)
    a2f = jnp.asarray(atom_to_frag_ids, i32)
    bat = jnp.asarray(batch, i32)
    fbat = jnp.asarray(frag_batch, i32)
    eab = edge_attr_bonds[:, 0]

    def q(a):
        return a.astype(jnp.bfloat16).astype(f32)

    nfb_pad2 = q(jnp.pad(node_features_bonds, ((0, EP - NB), (0, 4))))
    x0_pad = jnp.pad(x_atoms, ((0, 0), (0, EMB - x_atoms.shape[1])))

    z625x16 = jnp.zeros((N // NS, 16), f32)
    z625x128 = jnp.zeros((N // NS, EMB), f32)
    z128x128 = jnp.zeros((128, EMB), f32)
    z1d = jnp.zeros((N // NS,), f32)

    pad_src = (jnp.arange(EP - E, dtype=i32) % N)
    pad_dst = N + (jnp.arange(EP - E, dtype=i32) % 16)
    ei1_pad = jnp.concatenate([ei1, pad_dst])
    ei0_2d = jnp.concatenate([ei0, pad_src]).reshape(EP // 128, 128)
    ei1_2d = ei1_pad.reshape(EP // 128, 128)
    ei1p128 = ei1_2d

    eib0_2d = jnp.concatenate(
        [eib0, E + (jnp.arange(EP - E, dtype=i32) % 16)]).reshape(EP // 128, 128)
    eib1_2d = jnp.concatenate(
        [eib1, jnp.arange(EP - E, dtype=i32) % NB]).reshape(EP // 128, 128)
    eab_2d = jnp.concatenate(
        [eab, jnp.zeros((EP - E,), f32)]).reshape(EP // 128, 128)
    ei1_ext = jnp.concatenate([ei1, N + jnp.arange(16, dtype=i32)])

    u0, u1, t1a, t1b, tda, tdb, dga, dgb = _u_build(
        eib0_2d, eib1_2d, eab_2d, ei1_ext, ei1p128, nfb_pad2, z625x16, z1d)
    ue0 = jnp.stack([t1a, tda, dga], axis=1)
    ue1 = jnp.stack([t1b, tdb, dgb], axis=1)

    layers = params["layers"]
    x = q(x0_pad)
    pre3 = None
    for l in range(4):
        lp = layers[l]
        wl = lp["atom_embed"]["W"]
        if l == 0:
            wl = jnp.pad(wl, ((0, EMB - wl.shape[0]), (0, 0)))
        wl = q(wl)
        vl = jnp.concatenate([
            q(lp["edge_embed"]["W"]),
            jnp.zeros((4, EMB), f32),
        ], axis=0)
        w1r = lp["edge_attr_bond_embed"]["W"]
        c2r = (lp["edge_attr_bond_embed"]["b"] + lp["edge_embed"]["b"])[None, :]
        ve = jnp.concatenate([
            w1r,
            c2r,
            1.5 * w1r + c2r + lp["atom_embed"]["b"][None, :],
        ], axis=0)
        bl = jnp.broadcast_to(lp["atom_embed"]["b"][None, :], (8, EMB))
        p0, p1 = _spmv(x, ei0_2d, ei1_2d, z625x128)
        out = _layer_update(p0, p1, x, u0, u1, ue0, ue1, wl, vl, ve, bl,
                            relu=(l < 3))
        if l == 3:
            pre3 = out
        else:
            x = q(out)

    fs0, fs1, xap0, xap1 = _frag_stage(pre3, a2f, bat, fs, ft, z128x128)

    lp3 = layers[3]
    w1 = q(lp3["frag_mlp1"]["W"])
    b1 = jnp.broadcast_to(lp3["frag_mlp1"]["b"][None, :], (8, 2 * EMB))
    w2 = q(lp3["frag_mlp2"]["W"])
    b2 = jnp.broadcast_to(lp3["frag_mlp2"]["b"][None, :], (8, EMB))
    wa = q(params["lin1"]["W"][:EMB])
    wf = q(params["lin1"]["W"][EMB:])
    b3 = jnp.broadcast_to(params["lin1"]["b"][None, :], (8, 2 * EMB))
    wo = q(jnp.pad(params["out"]["W"], ((0, 0), (0, EMB - 1))))
    bo = jnp.pad(params["out"]["b"][None, :], ((0, 7), (0, EMB - 1)))
    oh = (fbat[:, None] == jnp.arange(BB)[None, :]).astype(f32)

    res = _tail(xap0, xap1, fs0, fs1, w1, b1, w2, b2, wa, wf, b3, wo, bo, oh)
    return res[:, :1]

# --- scband reference (transcript-rebuilt; emitter-appended) ---
"""Pipeline reference for scband-frag-net-fine-tune-22771916603960 (READ-ONLY COPY).

The authoritative reference and input builder live on the scoring server;
editing this copy changes nothing except your own understanding.
"""

import jax, jax.numpy as jnp
import numpy as np

N_ATOMS = 10000
E = 160000
N_FRAG = 2000
E_FRAG = 4000
N_BOND = 160000
E_BOND = 160000
B = 256
EMB = 128
ATOM_F = 45
FRAG_F = 45
EDGE_F = 12
NUM_LAYER = 4


def _lin(key, fi, fo):
    k1, k2 = jax.random.split(key)
    return {"W": jax.random.normal(k1, (fi, fo), jnp.float32) * 0.02,
            "b": jax.random.normal(k2, (fo,), jnp.float32) * 0.02}


def _make_params(key):
    layers = []
    for l in range(NUM_LAYER):
        key, k1, k2, k3, k4, k5 = jax.random.split(key, 6)
        ain = ATOM_F if l == 0 else EMB
        layers.append({
            "atom_embed": _lin(k1, ain, EMB),
            "edge_embed": _lin(k2, EDGE_F, EMB),
            "edge_attr_bond_embed": _lin(k3, 1, EMB),
            "frag_mlp1": _lin(k4, EMB, 2 * EMB),
            "frag_mlp2": _lin(k5, 2 * EMB, EMB),
        })
    key, k1, k2 = jax.random.split(key, 3)
    return {"layers": layers, "lin1": _lin(k1, 2 * EMB, 2 * EMB), "out": _lin(k2, 2 * EMB, 1)}


def setup_inputs(seed: int = 0):
    key = jax.random.key(seed)
    ks = jax.random.split(key, 12)
    return {
        "x_atoms": jax.random.normal(ks[0], (N_ATOMS, ATOM_F), jnp.float32),
        "x_frags": jax.random.normal(ks[1], (N_FRAG, FRAG_F), jnp.float32),
        "edge_attr": jax.random.normal(ks[2], (E, EDGE_F), jnp.float32),
        "node_features_bonds": jax.random.normal(ks[3], (N_BOND, EDGE_F), jnp.float32),
        "edge_attr_bonds": jax.random.normal(ks[4], (E_BOND, 1), jnp.float32),
        "params": _make_params(ks[5]),
        "edge_index": jax.random.randint(ks[6], (2, E), 0, N_ATOMS),
        "frag_index": jax.random.randint(ks[7], (2, E_FRAG), 0, N_FRAG),
        "batch": jnp.sort(jax.random.randint(ks[8], (N_ATOMS,), 0, B)),
        "frag_batch": jnp.sort(jax.random.randint(ks[9], (N_FRAG,), 0, B)),
        "atom_to_frag_ids": jnp.sort(jax.random.randint(ks[10], (N_ATOMS,), 0, N_FRAG)),
        "edge_index_bonds_graph": jax.random.randint(ks[11], (2, E_BOND), 0, N_BOND),
    }


def _apply(p, x):
    return x @ p["W"] + p["b"]


def _layer(p, x_atoms, edge_index, frag_index, atom_to_frag_ids, nfb, eib, eab):
    nb = nfb.shape[0]
    sl = jnp.arange(nb)
    eib_sl = jnp.concatenate([eib, jnp.stack([sl, sl])], axis=1)
    eab_full = jnp.concatenate([eab, 1.5 * jnp.ones((nb, 1), eab.dtype)], axis=0)
    target_b, source_b = eib_sl[0], eib_sl[1]
    eab_emb = _apply(p["edge_attr_bond_embed"], eab_full)
    node_feats_b = _apply(p["edge_embed"], nfb)
    msg_b = eab_emb + node_feats_b[source_b]
    edge_attr = jax.ops.segment_sum(msg_b, target_b, num_segments=nb)
    n = x_atoms.shape[0]
    sla = jnp.arange(n)
    ei_sl = jnp.concatenate([edge_index, jnp.stack([sla, sla])], axis=1)
    edge_attr = jnp.concatenate([edge_attr, jnp.zeros((n, EMB), edge_attr.dtype)], axis=0)
    xa = _apply(p["atom_embed"], x_atoms)
    source, target = ei_sl[0], ei_sl[1]
    msg = edge_attr + xa[source]
    x_atoms_new = jax.ops.segment_sum(msg, target, num_segments=n)
    x_frags = jax.ops.segment_sum(x_atoms_new, atom_to_frag_ids, num_segments=N_FRAG)
    fs, ft = frag_index[0], frag_index[1]
    frag_sum = jax.ops.segment_sum(x_frags[fs], ft, num_segments=N_FRAG)
    h = jnp.maximum(_apply(p["frag_mlp1"], frag_sum), 0.0)
    x_frags_new = _apply(p["frag_mlp2"], h)
    return x_atoms_new, x_frags_new


def reference(x_atoms, x_frags, edge_attr, node_features_bonds, edge_attr_bonds, params, edge_index, frag_index, batch, frag_batch, atom_to_frag_ids, edge_index_bonds_graph):
    xa, xf = x_atoms, x_frags
    for l in range(NUM_LAYER):
        xa, xf = _layer(params["layers"][l], xa, edge_index, frag_index, atom_to_frag_ids, node_features_bonds, edge_index_bonds_graph, edge_attr_bonds)
        xa = jnp.maximum(xa, 0.0)
        xf = jnp.maximum(xf, 0.0)
    xfp = jax.ops.segment_sum(xf, frag_batch, num_segments=B)
    xap = jax.ops.segment_sum(xa, batch, num_segments=B)
    cat = jnp.concatenate([xap, xfp], axis=1)
    h = jnp.maximum(_apply(params["lin1"], cat), 0.0)
    return _apply(params["out"], h)

if __name__ == "__main__":
    import jax
    _d = setup_inputs()
    print(jax.jit(kernel)(*tuple(_d.values())))

</pallas_src>

<mosaic_0001>
#map = affine_map<(d0, d1) -> (0, 0)>
module attributes {stable_mosaic.version = 14 : i64} {
  func.func @k(%arg0: i32, %arg1: i32, %arg2: memref<10000x128xf32, #tpu.memory_space<hbm>>, %arg3: memref<1280x128xi32, #tpu.memory_space<hbm>>, %arg4: memref<1280x128xi32, #tpu.memory_space<hbm>>, %arg5: memref<625x128xf32, #tpu.memory_space<hbm>>, %arg6: memref<10000x128xf32, #tpu.memory_space<hbm>>, %arg7: memref<10000x128xf32, #tpu.memory_space<hbm>>, %arg8: memref<10016x128xf32, #tpu.memory_space<vmem_shared>>, %arg9: memref<40x128xi32, #tpu.memory_space<vmem>>, %arg10: memref<40x128xi32, #tpu.memory_space<vmem>>, %arg11: memref<128x128xf32, #tpu.memory_space<vmem>>, %arg12: memref<128x128xf32, #tpu.memory_space<vmem>>, %arg13: memref<!tpu.dma_semaphore, #tpu.memory_space<semaphore_mem>>, %arg14: memref<!tpu.dma_semaphore, #tpu.memory_space<semaphore_mem>>, %arg15: memref<!tpu.dma_semaphore, #tpu.memory_space<semaphore_mem>>, %arg16: memref<!tpu.dma_semaphore, #tpu.memory_space<semaphore_mem>>) attributes {dimension_semantics = [#tpu.dimension_semantics<core_parallel>, #tpu.dimension_semantics<subcore_parallel>], iteration_bounds = array<i64: 2, 16>, scalar_prefetch = 0 : i64, scratch_operands = 9 : i64, tpu.core_type = #tpu.core_type<sc_vector_subcore>, window_params = [{transform_indices = #map}, {transform_indices = #map}, {transform_indices = #map}, {transform_indices = #map}, {transform_indices = #map}, {transform_indices = #map}]} {
    %mul3A = arith.constant 2 : i32
    %mul3A_0 = arith.muli %arg1, %mul3A : i32
    %add3A = arith.addi %mul3A_0, %arg0 : i32
    %mul3A_1 = arith.constant 624 : i32
    %mul3A_2 = arith.muli %arg1, %mul3A_1 : i32
    %multiple_of3A = tpu.assume_multiple %mul3A_2, 8 : i32
    "tpu.region"() ({
      %run_scoped3A = tpu.sem_alloc : memref<!tpu.dma_semaphore, #tpu.memory_space<semaphore_mem>>
      %dma_start3A_36 = arith.constant 0 : i32
      %dma_start3A_37 = tpu.memref_slice %arg8[%multiple_of3A, %dma_start3A_36] : memref<10016x128xf32, #tpu.memory_space<vmem_shared>> -> memref<624x128xf32, #tpu.memory_space<vmem_shared>>
      %dma_start3A_38 = arith.constant 0 : i32
      %dma_start3A_39 = arith.constant 0 : i32
      %dma_start3A_40 = tpu.memref_slice %arg5[%dma_start3A_38, %dma_start3A_39] : memref<625x128xf32, #tpu.memory_space<hbm>> -> memref<624x128xf32, #tpu.memory_space<hbm>>
      tpu.enqueue_dma source(%dma_start3A_40 : memref<624x128xf32, #tpu.memory_space<hbm>>) target(%dma_start3A_37 : memref<624x128xf32, #tpu.memory_space<vmem_shared>>) target_semaphore(%run_scoped3A : memref<!tpu.dma_semaphore, #tpu.memory_space<semaphore_mem>>)
      %dma_wait3A = arith.constant 0 : i32
      %dma_wait3A_41 = tpu.memref_slice %arg8[%multiple_of3A, %dma_wait3A] : memref<10016x128xf32, #tpu.memory_space<vmem_shared>> -> memref<624x128xf32, #tpu.memory_space<vmem_shared>>
      %dma_wait3A_42 = arith.constant 0 : i32
      %dma_wait3A_43 = arith.constant 0 : i32
      %dma_wait3A_44 = tpu.memref_slice %arg5[%dma_wait3A_42, %dma_wait3A_43] : memref<625x128xf32, #tpu.memory_space<hbm>> -> memref<624x128xf32, #tpu.memory_space<hbm>>
      tpu.wait_dma2 semaphore(%run_scoped3A : memref<!tpu.dma_semaphore, #tpu.memory_space<semaphore_mem>>) src(%dma_wait3A_44 : memref<624x128xf32, #tpu.memory_space<hbm>>) dst(%dma_wait3A_41 : memref<624x128xf32, #tpu.memory_space<vmem_shared>>)
      tpu.yield
    }) : () -> ()
    %lt3A = arith.constant 2 : i32
    %lt3A_3 = arith.cmpi slt, %arg1, %lt3A : i32
    %convert_element_type3A = arith.extui %lt3A_3 : i1 to i32
    %cond3A = arith.constant 0 : i32
    %cond3A_4 = arith.cmpi ne, %convert_element_type3A, %cond3A : i32
    scf.if %cond3A_4 {
      %mul3A_36 = arith.constant 8 : i32
      %mul3A_37 = arith.muli %arg1, %mul3A_36 : i32
      %add3A_38 = arith.constant 9984 : i32
      %add3A_39 = arith.addi %add3A_38, %mul3A_37 : i32
      %multiple_of3A_40 = tpu.assume_multiple %add3A_39, 8 : i32
      "tpu.region"() ({
        %run_scoped3A = tpu.sem_alloc : memref<!tpu.dma_semaphore, #tpu.memory_space<semaphore_mem>>
        %dma_start3A_41 = arith.constant 0 : i32
        %dma_start3A_42 = tpu.memref_slice %arg8[%multiple_of3A_40, %dma_start3A_41] : memref<10016x128xf32, #tpu.memory_space<vmem_shared>> -> memref<8x128xf32, #tpu.memory_space<vmem_shared>>
        %dma_start3A_43 = arith.constant 0 : i32
        %dma_start3A_44 = arith.constant 0 : i32
        %dma_start3A_45 = tpu.memref_slice %arg5[%dma_start3A_43, %dma_start3A_44] : memref<625x128xf32, #tpu.memory_space<hbm>> -> memref<8x128xf32, #tpu.memory_space<hbm>>
        tpu.enqueue_dma source(%dma_start3A_45 : memref<8x128xf32, #tpu.memory_space<hbm>>) target(%dma_start3A_42 : memref<8x128xf32, #tpu.memory_space<vmem_shared>>) target_semaphore(%run_scoped3A : memref<!tpu.dma_semaphore, #tpu.memory_space<semaphore_mem>>)
        %dma_wait3A = arith.constant 0 : i32
        %dma_wait3A_46 = tpu.memref_slice %arg8[%multiple_of3A_40, %dma_wait3A] : memref<10016x128xf32, #tpu.memory_space<vmem_shared>> -> memref<8x128xf32, #tpu.memory_space<vmem_shared>>
        %dma_wait3A_47 = arith.constant 0 : i32
        %dma_wait3A_48 = arith.constant 0 : i32
        %dma_wait3A_49 = tpu.memref_slice %arg5[%dma_wait3A_47, %dma_wait3A_48] : memref<625x128xf32, #tpu.memory_space<hbm>> -> memref<8x128xf32, #tpu.memory_space<hbm>>
        tpu.wait_dma2 semaphore(%run_scoped3A : memref<!tpu.dma_semaphore, #tpu.memory_space<semaphore_mem>>) src(%dma_wait3A_49 : memref<8x128xf32, #tpu.memory_space<hbm>>) dst(%dma_wait3A_46 : memref<8x128xf32, #tpu.memory_space<vmem_shared>>)
        tpu.yield
      }) : () -> ()
    } else {
    }
    %mul3A_5 = arith.constant 40 : i32
    %mul3A_6 = arith.muli %add3A, %mul3A_5 : i32
    %multiple_of3A_7 = tpu.assume_multiple %mul3A_6, 8 : i32
    "tpu.region"() ({
      %run_scoped3A = tpu.sem_alloc : memref<!tpu.dma_semaphore, #tpu.memory_space<semaphore_mem>>
      %dma_start3A_36 = arith.constant 0 : i32
      %dma_start3A_37 = tpu.memref_slice %arg3[%multiple_of3A_7, %dma_start3A_36] : memref<1280x128xi32, #tpu.memory_space<hbm>> -> memref<40x128xi32, #tpu.memory_space<hbm>>
      %dma_start3A_38 = arith.constant 0 : i32
      %dma_start3A_39 = tpu.memref_slice %arg3[%multiple_of3A_7, %dma_start3A_38] : memref<1280x128xi32, #tpu.memory_space<hbm>> -> memref<40x128xi32, #tpu.memory_space<hbm>>
      tpu.enqueue_dma source(%dma_start3A_39 : memref<40x128xi32, #tpu.memory_space<hbm>>) target(%arg9 : memref<40x128xi32, #tpu.memory_space<vmem>>) target_semaphore(%run_scoped3A : memref<!tpu.dma_semaphore, #tpu.memory_space<semaphore_mem>>)
      %dma_wait3A = arith.constant 0 : i32
      %dma_wait3A_40 = tpu.memref_slice %arg3[%multiple_of3A_7, %dma_wait3A] : memref<1280x128xi32, #tpu.memory_space<hbm>> -> memref<40x128xi32, #tpu.memory_space<hbm>>
      %dma_wait3A_41 = arith.constant 0 : i32
      %dma_wait3A_42 = tpu.memref_slice %arg3[%multiple_of3A_7, %dma_wait3A_41] : memref<1280x128xi32, #tpu.memory_space<hbm>> -> memref<40x128xi32, #tpu.memory_space<hbm>>
      tpu.wait_dma2 semaphore(%run_scoped3A : memref<!tpu.dma_semaphore, #tpu.memory_space<semaphore_mem>>) src(%dma_wait3A_42 : memref<40x128xi32, #tpu.memory_space<hbm>>) dst(%arg9 : memref<40x128xi32, #tpu.memory_space<vmem>>)
      tpu.yield
    }) : () -> ()
    "tpu.region"() ({
      %run_scoped3A = tpu.sem_alloc : memref<!tpu.dma_semaphore, #tpu.memory_space<semaphore_mem>>
      %dma_start3A_36 = arith.constant 0 : i32
      %dma_start3A_37 = tpu.memref_slice %arg4[%multiple_of3A_7, %dma_start3A_36] : memref<1280x128xi32, #tpu.memory_space<hbm>> -> memref<40x128xi32, #tpu.memory_space<hbm>>
      %dma_start3A_38 = arith.constant 0 : i32
      %dma_start3A_39 = tpu.memref_slice %arg4[%multiple_of3A_7, %dma_start3A_38] : memref<1280x128xi32, #tpu.memory_space<hbm>> -> memref<40x128xi32, #tpu.memory_space<hbm>>
      tpu.enqueue_dma source(%dma_start3A_39 : memref<40x128xi32, #tpu.memory_space<hbm>>) target(%arg10 : memref<40x128xi32, #tpu.memory_space<vmem>>) target_semaphore(%run_scoped3A : memref<!tpu.dma_semaphore, #tpu.memory_space<semaphore_mem>>)
      %dma_wait3A = arith.constant 0 : i32
      %dma_wait3A_40 = tpu.memref_slice %arg4[%multiple_of3A_7, %dma_wait3A] : memref<1280x128xi32, #tpu.memory_space<hbm>> -> memref<40x128xi32, #tpu.memory_space<hbm>>
      %dma_wait3A_41 = arith.constant 0 : i32
      %dma_wait3A_42 = tpu.memref_slice %arg4[%multiple_of3A_7, %dma_wait3A_41] : memref<1280x128xi32, #tpu.memory_space<hbm>> -> memref<40x128xi32, #tpu.memory_space<hbm>>
      tpu.wait_dma2 semaphore(%run_scoped3A : memref<!tpu.dma_semaphore, #tpu.memory_space<semaphore_mem>>) src(%dma_wait3A_42 : memref<40x128xi32, #tpu.memory_space<hbm>>) dst(%arg10 : memref<40x128xi32, #tpu.memory_space<vmem>>)
      tpu.yield
    }) : () -> ()
    %barrier3A = arith.constant 0 : index
    tpu.barrier barrier_id(%barrier3A)
    %dma_start3A = arith.constant 0 : i32
    %dma_start3A_8 = arith.constant 0 : i32
    %dma_start3A_9 = tpu.memref_slice %arg9[%dma_start3A, %dma_start3A_8] : memref<40x128xi32, #tpu.memory_space<vmem>> -> memref<1x128xi32, #tpu.memory_space<vmem>>
    %dma_start3A_10 = tpu.memref_squeeze %dma_start3A_9 : memref<1x128xi32, #tpu.memory_space<vmem>> -> memref<128xi32, #tpu.memory_space<vmem>>
    %dma_start3A_11 = arith.constant 0 : i32
    %dma_start3A_12 = arith.constant 0 : i32
    %dma_start3A_13 = tpu.memref_slice %arg2[%dma_start3A_11, %dma_start3A_12] : memref<10000x128xf32, #tpu.memory_space<hbm>> -> memref<10000x128xf32, #tpu.memory_space<hbm>>
    tpu.enqueue_indirect_dma source(%dma_start3A_13 : memref<10000x128xf32, #tpu.memory_space<hbm>>) target(%arg11 : memref<128x128xf32, #tpu.memory_space<vmem>>) offsets(%dma_start3A_10 : memref<128xi32, #tpu.memory_space<vmem>>) semaphore(%arg13 : memref<!tpu.dma_semaphore, #tpu.memory_space<semaphore_mem>>)
    %dma_start3A_14 = arith.constant 1 : i32
    %dma_start3A_15 = arith.constant 0 : i32
    %dma_start3A_16 = tpu.memref_slice %arg9[%dma_start3A_14, %dma_start3A_15] : memref<40x128xi32, #tpu.memory_space<vmem>> -> memref<1x128xi32, #tpu.memory_space<vmem>>
    %dma_start3A_17 = tpu.memref_squeeze %dma_start3A_16 : memref<1x128xi32, #tpu.memory_space<vmem>> -> memref<128xi32, #tpu.memory_space<vmem>>
    %dma_start3A_18 = arith.constant 0 : i32
    %dma_start3A_19 = arith.constant 0 : i32
    %dma_start3A_20 = tpu.memref_slice %arg2[%dma_start3A_18, %dma_start3A_19] : memref<10000x128xf32, #tpu.memory_space<hbm>> -> memref<10000x128xf32, #tpu.memory_space<hbm>>
    tpu.enqueue_indirect_dma source(%dma_start3A_20 : memref<10000x128xf32, #tpu.memory_space<hbm>>) target(%arg12 : memref<128x128xf32, #tpu.memory_space<vmem>>) offsets(%dma_start3A_17 : memref<128xi32, #tpu.memory_space<vmem>>) semaphore(%arg14 : memref<!tpu.dma_semaphore, #tpu.memory_space<semaphore_mem>>)
    %scan3A = arith.constant 0 : i32
    %scan3A_21 = arith.constant 0 : i32
    %scan3A_22 = arith.constant 20 : i32
    %scan3A_23 = arith.addi %scan3A_21, %scan3A_22 : i32
    %scan3A_24 = arith.constant 1 : i32
    scf.for %scan3A_36 = %scan3A_21 to %scan3A_23 step %scan3A_24  : i32 {
      %mul3A_37 = arith.constant 2 : i32
      %mul3A_38 = arith.muli %scan3A_36, %mul3A_37 : i32
      %add3A_39 = arith.constant 0 : i32
      %add3A_40 = arith.addi %mul3A_38, %add3A_39 : i32
      %dma_wait3A = arith.constant 0 : i32
      %dma_wait3A_41 = arith.constant 0 : i32
      %dma_wait3A_42 = tpu.memref_slice %arg9[%dma_wait3A, %dma_wait3A_41] : memref<40x128xi32, #tpu.memory_space<vmem>> -> memref<1x128xi32, #tpu.memory_space<vmem>>
      %dma_wait3A_43 = tpu.memref_squeeze %dma_wait3A_42 : memref<1x128xi32, #tpu.memory_space<vmem>> -> memref<128xi32, #tpu.memory_space<vmem>>
      %dma_wait3A_44 = arith.constant 0 : i32
      %dma_wait3A_45 = arith.constant 0 : i32
      %dma_wait3A_46 = tpu.memref_slice %arg2[%dma_wait3A_44, %dma_wait3A_45] : memref<10000x128xf32, #tpu.memory_space<hbm>> -> memref<10000x128xf32, #tpu.memory_space<hbm>>
      tpu.wait_indirect_dma semaphore(%arg13 : memref<!tpu.dma_semaphore, #tpu.memory_space<semaphore_mem>>) src(%dma_wait3A_46 : memref<10000x128xf32, #tpu.memory_space<hbm>>) dst(%arg11 : memref<128x128xf32, #tpu.memory_space<vmem>>)
      %dma_start3A_47 = arith.constant 0 : i32
      %dma_start3A_48 = tpu.memref_slice %arg10[%add3A_40, %dma_start3A_47] : memref<40x128xi32, #tpu.memory_space<vmem>> -> memref<1x128xi32, #tpu.memory_space<vmem>>
      %dma_start3A_49 = tpu.memref_squeeze %dma_start3A_48 : memref<1x128xi32, #tpu.memory_space<vmem>> -> memref<128xi32, #tpu.memory_space<vmem>>
      %dma_start3A_50 = arith.constant 0 : i32
      %dma_start3A_51 = arith.constant 0 : i32
      %dma_start3A_52 = tpu.memref_slice %arg8[%dma_start3A_50, %dma_start3A_51] : memref<10016x128xf32, #tpu.memory_space<vmem_shared>> -> memref<10016x128xf32, #tpu.memory_space<vmem_shared>>
      tpu.enqueue_indirect_dma source(%arg11 : memref<128x128xf32, #tpu.memory_space<vmem>>) target(%dma_start3A_52 : memref<10016x128xf32, #tpu.memory_space<vmem_shared>>) offsets(%dma_start3A_49 : memref<128xi32, #tpu.memory_space<vmem>>) semaphore(%arg15 : memref<!tpu.dma_semaphore, #tpu.memory_space<semaphore_mem>>) {add = true}
      %dma_wait3A_53 = arith.constant 0 : i32
      %dma_wait3A_54 = arith.constant 0 : i32
      %dma_wait3A_55 = tpu.memref_slice %arg10[%dma_wait3A_53, %dma_wait3A_54] : memref<40x128xi32, #tpu.memory_space<vmem>> -> memref<1x128xi32, #tpu.memory_space<vmem>>
      %dma_wait3A_56 = tpu.memref_squeeze %dma_wait3A_55 : memref<1x128xi32, #tpu.memory_space<vmem>> -> memref<128xi32, #tpu.memory_space<vmem>>
      %dma_wait3A_57 = arith.constant 0 : i32
      %dma_wait3A_58 = arith.constant 0 : i32
      %dma_wait3A_59 = tpu.memref_slice %arg8[%dma_wait3A_57, %dma_wait3A_58] : memref<10016x128xf32, #tpu.memory_space<vmem_shared>> -> memref<10016x128xf32, #tpu.memory_space<vmem_shared>>
      tpu.wait_indirect_dma semaphore(%arg15 : memref<!tpu.dma_semaphore, #tpu.memory_space<semaphore_mem>>) src(%arg11 : memref<128x128xf32, #tpu.memory_space<vmem>>) dst(%dma_wait3A_59 : memref<10016x128xf32, #tpu.memory_space<vmem_shared>>)
      %add3A_60 = arith.constant 2 : i32
      %add3A_61 = arith.addi %add3A_40, %add3A_60 : i32
      %lt3A_62 = arith.constant 40 : i32
      %lt3A_63 = arith.cmpi slt, %add3A_61, %lt3A_62 : i32
      %convert_element_type3A_64 = arith.extui %lt3A_63 : i1 to i32
      %cond3A_65 = arith.constant 0 : i32
      %cond3A_66 = arith.cmpi ne, %convert_element_type3A_64, %cond3A_65 : i32
      scf.if %cond3A_66 {
        %add3A_98 = arith.constant 2 : i32
        %add3A_99 = arith.addi %add3A_40, %add3A_98 : i32
        %dma_start3A_100 = arith.constant 0 : i32
        %dma_start3A_101 = tpu.memref_slice %arg9[%add3A_99, %dma_start3A_100] : memref<40x128xi32, #tpu.memory_space<vmem>> -> memref<1x128xi32, #tpu.memory_space<vmem>>
        %dma_start3A_102 = tpu.memref_squeeze %dma_start3A_101 : memref<1x128xi32, #tpu.memory_space<vmem>> -> memref<128xi32, #tpu.memory_space<vmem>>
        %dma_start3A_103 = arith.constant 0 : i32
        %dma_start3A_104 = arith.constant 0 : i32
        %dma_start3A_105 = tpu.memref_slice %arg2[%dma_start3A_103, %dma_start3A_104] : memref<10000x128xf32, #tpu.memory_space<hbm>> -> memref<10000x128xf32, #tpu.memory_space<hbm>>
        tpu.enqueue_indirect_dma source(%dma_start3A_105 : memref<10000x128xf32, #tpu.memory_space<hbm>>) target(%arg11 : memref<128x128xf32, #tpu.memory_space<vmem>>) offsets(%dma_start3A_102 : memref<128xi32, #tpu.memory_space<vmem>>) semaphore(%arg13 : memref<!tpu.dma_semaphore, #tpu.memory_space<semaphore_mem>>)
      } else {
      }
      %mul3A_67 = arith.constant 2 : i32
      %mul3A_68 = arith.muli %scan3A_36, %mul3A_67 : i32
      %add3A_69 = arith.constant 1 : i32
      %add3A_70 = arith.addi %mul3A_68, %add3A_69 : i32
      %dma_wait3A_71 = arith.constant 0 : i32
      %dma_wait3A_72 = arith.constant 0 : i32
      %dma_wait3A_73 = tpu.memref_slice %arg9[%dma_wait3A_71, %dma_wait3A_72] : memref<40x128xi32, #tpu.memory_space<vmem>> -> memref<1x128xi32, #tpu.memory_space<vmem>>
      %dma_wait3A_74 = tpu.memref_squeeze %dma_wait3A_73 : memref<1x128xi32, #tpu.memory_space<vmem>> -> memref<128xi32, #tpu.memory_space<vmem>>
      %dma_wait3A_75 = arith.constant 0 : i32
      %dma_wait3A_76 = arith.constant 0 : i32
      %dma_wait3A_77 = tpu.memref_slice %arg2[%dma_wait3A_75, %dma_wait3A_76] : memref<10000x128xf32, #tpu.memory_space<hbm>> -> memref<10000x128xf32, #tpu.memory_space<hbm>>
      tpu.wait_indirect_dma semaphore(%arg14 : memref<!tpu.dma_semaphore, #tpu.memory_space<semaphore_mem>>) src(%dma_wait3A_77 : memref<10000x128xf32, #tpu.memory_space<hbm>>) dst(%arg12 : memref<128x128xf32, #tpu.memory_space<vmem>>)
      %dma_start3A_78 = arith.constant 0 : i32
      %dma_start3A_79 = tpu.memref_slice %arg10[%add3A_70, %dma_start3A_78] : memref<40x128xi32, #tpu.memory_space<vmem>> -> memref<1x128xi32, #tpu.memory_space<vmem>>
      %dma_start3A_80 = tpu.memref_squeeze %dma_start3A_79 : memref<1x128xi32, #tpu.memory_space<vmem>> -> memref<128xi32, #tpu.memory_space<vmem>>
      %dma_start3A_81 = arith.constant 0 : i32
      %dma_start3A_82 = arith.constant 0 : i32
      %dma_start3A_83 = tpu.memref_slice %arg8[%dma_start3A_81, %dma_start3A_82] : memref<10016x128xf32, #tpu.memory_space<vmem_shared>> -> memref<10016x128xf32, #tpu.memory_space<vmem_shared>>
      tpu.enqueue_indirect_dma source(%arg12 : memref<128x128xf32, #tpu.memory_space<vmem>>) target(%dma_start3A_83 : memref<10016x128xf32, #tpu.memory_space<vmem_shared>>) offsets(%dma_start3A_80 : memref<128xi32, #tpu.memory_space<vmem>>) semaphore(%arg16 : memref<!tpu.dma_semaphore, #tpu.memory_space<semaphore_mem>>) {add = true}
      %dma_wait3A_84 = arith.constant 0 : i32
      %dma_wait3A_85 = arith.constant 0 : i32
      %dma_wait3A_86 = tpu.memref_slice %arg10[%dma_wait3A_84, %dma_wait3A_85] : memref<40x128xi32, #tpu.memory_space<vmem>> -> memref<1x128xi32, #tpu.memory_space<vmem>>
      %dma_wait3A_87 = tpu.memref_squeeze %dma_wait3A_86 : memref<1x128xi32, #tpu.memory_space<vmem>> -> memref<128xi32, #tpu.memory_space<vmem>>
      %dma_wait3A_88 = arith.constant 0 : i32
      %dma_wait3A_89 = arith.constant 0 : i32
      %dma_wait3A_90 = tpu.memref_slice %arg8[%dma_wait3A_88, %dma_wait3A_89] : memref<10016x128xf32, #tpu.memory_space<vmem_shared>> -> memref<10016x128xf32, #tpu.memory_space<vmem_shared>>
      tpu.wait_indirect_dma semaphore(%arg16 : memref<!tpu.dma_semaphore, #tpu.memory_space<semaphore_mem>>) src(%arg12 : memref<128x128xf32, #tpu.memory_space<vmem>>) dst(%dma_wait3A_90 : memref<10016x128xf32, #tpu.memory_space<vmem_shared>>)
      %add3A_91 = arith.constant 2 : i32
      %add3A_92 = arith.addi %add3A_70, %add3A_91 : i32
      %lt3A_93 = arith.constant 40 : i32
      %lt3A_94 = arith.cmpi slt, %add3A_92, %lt3A_93 : i32
      %convert_element_type3A_95 = arith.extui %lt3A_94 : i1 to i32
      %cond3A_96 = arith.constant 0 : i32
      %cond3A_97 = arith.cmpi ne, %convert_element_type3A_95, %cond3A_96 : i32
      scf.if %cond3A_97 {
        %add3A_98 = arith.constant 2 : i32
        %add3A_99 = arith.addi %add3A_70, %add3A_98 : i32
        %dma_start3A_100 = arith.constant 0 : i32
        %dma_start3A_101 = tpu.memref_slice %arg9[%add3A_99, %dma_start3A_100] : memref<40x128xi32, #tpu.memory_space<vmem>> -> memref<1x128xi32, #tpu.memory_space<vmem>>
        %dma_start3A_102 = tpu.memref_squeeze %dma_start3A_101 : memref<1x128xi32, #tpu.memory_space<vmem>> -> memref<128xi32, #tpu.memory_space<vmem>>
        %dma_start3A_103 = arith.constant 0 : i32
        %dma_start3A_104 = arith.constant 0 : i32
        %dma_start3A_105 = tpu.memref_slice %arg2[%dma_start3A_103, %dma_start3A_104] : memref<10000x128xf32, #tpu.memory_space<hbm>> -> memref<10000x128xf32, #tpu.memory_space<hbm>>
        tpu.enqueue_indirect_dma source(%dma_start3A_105 : memref<10000x128xf32, #tpu.memory_space<hbm>>) target(%arg12 : memref<128x128xf32, #tpu.memory_space<vmem>>) offsets(%dma_start3A_102 : memref<128xi32, #tpu.memory_space<vmem>>) semaphore(%arg14 : memref<!tpu.dma_semaphore, #tpu.memory_space<semaphore_mem>>)
      } else {
      }
    }
    %scan3A_25 = arith.constant 20 : i32
    %barrier3A_26 = arith.constant 0 : index
    tpu.barrier barrier_id(%barrier3A_26)
    %eq3A = arith.constant 0 : i32
    %eq3A_27 = arith.cmpi eq, %arg0, %eq3A : i32
    %convert_element_type3A_28 = arith.extui %eq3A_27 : i1 to i32
    %cond3A_29 = arith.constant 0 : i32
    %cond3A_30 = arith.cmpi ne, %convert_element_type3A_28, %cond3A_29 : i32
    scf.if %cond3A_30 {
      %mul3A_36 = arith.constant 624 : i32
      %mul3A_37 = arith.muli %arg1, %mul3A_36 : i32
      %multiple_of3A_38 = tpu.assume_multiple %mul3A_37, 8 : i32
      "tpu.region"() ({
        %run_scoped3A = tpu.sem_alloc : memref<!tpu.dma_semaphore, #tpu.memory_space<semaphore_mem>>
        %dma_start3A_44 = arith.constant 0 : i32
        %dma_start3A_45 = tpu.memref_slice %arg6[%multiple_of3A_38, %dma_start3A_44] : memref<10000x128xf32, #tpu.memory_space<hbm>> -> memref<624x128xf32, #tpu.memory_space<hbm>>
        %dma_start3A_46 = arith.constant 0 : i32
        %dma_start3A_47 = tpu.memref_slice %arg8[%multiple_of3A_38, %dma_start3A_46] : memref<10016x128xf32, #tpu.memory_space<vmem_shared>> -> memref<624x128xf32, #tpu.memory_space<vmem_shared>>
        tpu.enqueue_dma source(%dma_start3A_47 : memref<624x128xf32, #tpu.memory_space<vmem_shared>>) target(%dma_start3A_45 : memref<624x128xf32, #tpu.memory_space<hbm>>) target_semaphore(%run_scoped3A : memref<!tpu.dma_semaphore, #tpu.memory_space<semaphore_mem>>)
        %dma_wait3A = arith.constant 0 : i32
        %dma_wait3A_48 = tpu.memref_slice %arg6[%multiple_of3A_38, %dma_wait3A] : memref<10000x128xf32, #tpu.memory_space<hbm>> -> memref<624x128xf32, #tpu.memory_space<hbm>>
        %dma_wait3A_49 = arith.constant 0 : i32
        %dma_wait3A_50 = tpu.memref_slice %arg8[%multiple_of3A_38, %dma_wait3A_49] : memref<10016x128xf32, #tpu.memory_space<vmem_shared>> -> memref<624x128xf32, #tpu.memory_space<vmem_shared>>
        tpu.wait_dma2 semaphore(%run_scoped3A : memref<!tpu.dma_semaphore, #tpu.memory_space<semaphore_mem>>) src(%dma_wait3A_50 : memref<624x128xf32, #tpu.memory_space<vmem_shared>>) dst(%dma_wait3A_48 : memref<624x128xf32, #tpu.memory_space<hbm>>)
        tpu.yield
      }) : () -> ()
      %lt3A_39 = arith.constant 2 : i32
      %lt3A_40 = arith.cmpi slt, %arg1, %lt3A_39 : i32
      %convert_element_type3A_41 = arith.extui %lt3A_40 : i1 to i32
      %cond3A_42 = arith.constant 0 : i32
      %cond3A_43 = arith.cmpi ne, %convert_element_type3A_41, %cond3A_42 : i32
      scf.if %cond3A_43 {
        %mul3A_44 = arith.constant 8 : i32
        %mul3A_45 = arith.muli %arg1, %mul3A_44 : i32
        %add3A_46 = arith.constant 9984 : i32
        %add3A_47 = arith.addi %add3A_46, %mul3A_45 : i32
        %multiple_of3A_48 = tpu.assume_multiple %add3A_47, 8 : i32
        "tpu.region"() ({
          %run_scoped3A = tpu.sem_alloc : memref<!tpu.dma_semaphore, #tpu.memory_space<semaphore_mem>>
          %dma_start3A_49 = arith.constant 0 : i32
          %dma_start3A_50 = tpu.memref_slice %arg6[%multiple_of3A_48, %dma_start3A_49] : memref<10000x128xf32, #tpu.memory_space<hbm>> -> memref<8x128xf32, #tpu.memory_space<hbm>>
          %dma_start3A_51 = arith.constant 0 : i32
          %dma_start3A_52 = tpu.memref_slice %arg8[%multiple_of3A_48, %dma_start3A_51] : memref<10016x128xf32, #tpu.memory_space<vmem_shared>> -> memref<8x128xf32, #tpu.memory_space<vmem_shared>>
          tpu.enqueue_dma source(%dma_start3A_52 : memref<8x128xf32, #tpu.memory_space<vmem_shared>>) target(%dma_start3A_50 : memref<8x128xf32, #tpu.memory_space<hbm>>) target_semaphore(%run_scoped3A : memref<!tpu.dma_semaphore, #tpu.memory_space<semaphore_mem>>)
          %dma_wait3A = arith.constant 0 : i32
          %dma_wait3A_53 = tpu.memref_slice %arg6[%multiple_of3A_48, %dma_wait3A] : memref<10000x128xf32, #tpu.memory_space<hbm>> -> memref<8x128xf32, #tpu.memory_space<hbm>>
          %dma_wait3A_54 = arith.constant 0 : i32
          %dma_wait3A_55 = tpu.memref_slice %arg8[%multiple_of3A_48, %dma_wait3A_54] : memref<10016x128xf32, #tpu.memory_space<vmem_shared>> -> memref<8x128xf32, #tpu.memory_space<vmem_shared>>
          tpu.wait_dma2 semaphore(%run_scoped3A : memref<!tpu.dma_semaphore, #tpu.memory_space<semaphore_mem>>) src(%dma_wait3A_55 : memref<8x128xf32, #tpu.memory_space<vmem_shared>>) dst(%dma_wait3A_53 : memref<8x128xf32, #tpu.memory_space<hbm>>)
          tpu.yield
        }) : () -> ()
      } else {
      }
    } else {
    }
    %eq3A_31 = arith.constant 1 : i32
    %eq3A_32 = arith.cmpi eq, %arg0, %eq3A_31 : i32
    %convert_element_type3A_33 = arith.extui %eq3A_32 : i1 to i32
    %cond3A_34 = arith.constant 0 : i32
    %cond3A_35 = arith.cmpi ne, %convert_element_type3A_33, %cond3A_34 : i32
    scf.if %cond3A_35 {
      %mul3A_36 = arith.constant 624 : i32
      %mul3A_37 = arith.muli %arg1, %mul3A_36 : i32
      %multiple_of3A_38 = tpu.assume_multiple %mul3A_37, 8 : i32
      "tpu.region"() ({
        %run_scoped3A = tpu.sem_alloc : memref<!tpu.dma_semaphore, #tpu.memory_space<semaphore_mem>>
        %dma_start3A_44 = arith.constant 0 : i32
        %dma_start3A_45 = tpu.memref_slice %arg7[%multiple_of3A_38, %dma_start3A_44] : memref<10000x128xf32, #tpu.memory_space<hbm>> -> memref<624x128xf32, #tpu.memory_space<hbm>>
        %dma_start3A_46 = arith.constant 0 : i32
        %dma_start3A_47 = tpu.memref_slice %arg8[%multiple_of3A_38, %dma_start3A_46] : memref<10016x128xf32, #tpu.memory_space<vmem_shared>> -> memref<624x128xf32, #tpu.memory_space<vmem_shared>>
        tpu.enqueue_dma source(%dma_start3A_47 : memref<624x128xf32, #tpu.memory_space<vmem_shared>>) target(%dma_start3A_45 : memref<624x128xf32, #tpu.memory_space<hbm>>) target_semaphore(%run_scoped3A : memref<!tpu.dma_semaphore, #tpu.memory_space<semaphore_mem>>)
        %dma_wait3A = arith.constant 0 : i32
        %dma_wait3A_48 = tpu.memref_slice %arg7[%multiple_of3A_38, %dma_wait3A] : memref<10000x128xf32, #tpu.memory_space<hbm>> -> memref<624x128xf32, #tpu.memory_space<hbm>>
        %dma_wait3A_49 = arith.constant 0 : i32
        %dma_wait3A_50 = tpu.memref_slice %arg8[%multiple_of3A_38, %dma_wait3A_49] : memref<10016x128xf32, #tpu.memory_space<vmem_shared>> -> memref<624x128xf32, #tpu.memory_space<vmem_shared>>
        tpu.wait_dma2 semaphore(%run_scoped3A : memref<!tpu.dma_semaphore, #tpu.memory_space<semaphore_mem>>) src(%dma_wait3A_50 : memref<624x128xf32, #tpu.memory_space<vmem_shared>>) dst(%dma_wait3A_48 : memref<624x128xf32, #tpu.memory_space<hbm>>)
        tpu.yield
      }) : () -> ()
      %lt3A_39 = arith.constant 2 : i32
      %lt3A_40 = arith.cmpi slt, %arg1, %lt3A_39 : i32
      %convert_element_type3A_41 = arith.extui %lt3A_40 : i1 to i32
      %cond3A_42 = arith.constant 0 : i32
      %cond3A_43 = arith.cmpi ne, %convert_element_type3A_41, %cond3A_42 : i32
      scf.if %cond3A_43 {
        %mul3A_44 = arith.constant 8 : i32
        %mul3A_45 = arith.muli %arg1, %mul3A_44 : i32
        %add3A_46 = arith.constant 9984 : i32
        %add3A_47 = arith.addi %add3A_46, %mul3A_45 : i32
        %multiple_of3A_48 = tpu.assume_multiple %add3A_47, 8 : i32
        "tpu.region"() ({
          %run_scoped3A = tpu.sem_alloc : memref<!tpu.dma_semaphore, #tpu.memory_space<semaphore_mem>>
          %dma_start3A_49 = arith.constant 0 : i32
          %dma_start3A_50 = tpu.memref_slice %arg7[%multiple_of3A_48, %dma_start3A_49] : memref<10000x128xf32, #tpu.memory_space<hbm>> -> memref<8x128xf32, #tpu.memory_space<hbm>>
          %dma_start3A_51 = arith.constant 0 : i32
          %dma_start3A_52 = tpu.memref_slice %arg8[%multiple_of3A_48, %dma_start3A_51] : memref<10016x128xf32, #tpu.memory_space<vmem_shared>> -> memref<8x128xf32, #tpu.memory_space<vmem_shared>>
          tpu.enqueue_dma source(%dma_start3A_52 : memref<8x128xf32, #tpu.memory_space<vmem_shared>>) target(%dma_start3A_50 : memref<8x128xf32, #tpu.memory_space<hbm>>) target_semaphore(%run_scoped3A : memref<!tpu.dma_semaphore, #tpu.memory_space<semaphore_mem>>)
          %dma_wait3A = arith.constant 0 : i32
          %dma_wait3A_53 = tpu.memref_slice %arg7[%multiple_of3A_48, %dma_wait3A] : memref<10000x128xf32, #tpu.memory_space<hbm>> -> memref<8x128xf32, #tpu.memory_space<hbm>>
          %dma_wait3A_54 = arith.constant 0 : i32
          %dma_wait3A_55 = tpu.memref_slice %arg8[%multiple_of3A_48, %dma_wait3A_54] : memref<10016x128xf32, #tpu.memory_space<vmem_shared>> -> memref<8x128xf32, #tpu.memory_space<vmem_shared>>
          tpu.wait_dma2 semaphore(%run_scoped3A : memref<!tpu.dma_semaphore, #tpu.memory_space<semaphore_mem>>) src(%dma_wait3A_55 : memref<8x128xf32, #tpu.memory_space<vmem_shared>>) dst(%dma_wait3A_53 : memref<8x128xf32, #tpu.memory_space<hbm>>)
          tpu.yield
        }) : () -> ()
      } else {
      }
    } else {
    }
    return
  }
}

#map = affine_map<(d0, d1) -> (0, 0)>
#map1 = affine_map<(d0, d1) -> (0)>
module attributes {stable_mosaic.version = 14 : i64} {
  func.func @k(%arg0: i32, %arg1: i32, %arg2: memref<1280x128xi32, #tpu.memory_space<hbm>>, %arg3: memref<1280x128xi32, #tpu.memory_space<hbm>>, %arg4: memref<1280x128xf32, #tpu.memory_space<hbm>>, %arg5: memref<160016xi32, #tpu.memory_space<hbm>>, %arg6: memref<1280x128xi32, #tpu.memory_space<hbm>>, %arg7: memref<163840x16xf32, #tpu.memory_space<hbm>>, %arg8: memref<625x16xf32, #tpu.memory_space<hbm>>, %arg9: memref<625xf32, #tpu.memory_space<hbm>>, %arg10: memref<10000x16xf32, #tpu.memory_space<hbm>>, %arg11: memref<10000x16xf32, #tpu.memory_space<hbm>>, %arg12: memref<10000xf32, #tpu.memory_space<hbm>>, %arg13: memref<10000xf32, #tpu.memory_space<hbm>>, %arg14: memref<10000xf32, #tpu.memory_space<hbm>>, %arg15: memref<10000xf32, #tpu.memory_space<hbm>>, %arg16: memref<10000xf32, #tpu.memory_space<hbm>>, %arg17: memref<10000xf32, #tpu.memory_space<hbm>>, %arg18: memref<10016x16xf32, #tpu.memory_space<vmem_shared>>, %arg19: memref<10016xf32, #tpu.memory_space<vmem_shared>>, %arg20: memref<10016xf32, #tpu.memory_space<vmem_shared>>, %arg21: memref<10016xf32, #tpu.memory_space<vmem_shared>>, %arg22: memref<40x128xi32, #tpu.memory_space<vmem>>, %arg23: memref<40x128xi32, #tpu.memory_space<vmem>>, %arg24: memref<40x128xf32, #tpu.memory_space<vmem>>, %arg25: memref<40x128xi32, #tpu.memory_space<vmem>>, %arg26: memref<128xi32, #tpu.memory_space<vmem>>, %arg27: memref<128xi32, #tpu.memory_space<vmem>>, %arg28: memref<128x16xf32, #tpu.memory_space<vmem>>, %arg29: memref<128x16xf32, #tpu.memory_space<vmem>>, %arg30: memref<128xf32, #tpu.memory_space<vmem>>, %arg31: memref<632xf32, #tpu.memory_space<vmem>>, %arg32: memref<!tpu.dma_semaphore, #tpu.memory_space<semaphore_mem>>, %arg33: memref<!tpu.dma_semaphore, #tpu.memory_space<semaphore_mem>>) attributes {dimension_semantics = [#tpu.dimension_semantics<core_parallel>, #tpu.dimension_semantics<subcore_parallel>], iteration_bounds = array<i64: 2, 16>, scalar_prefetch = 0 : i64, scratch_operands = 16 : i64, tpu.core_type = #tpu.core_type<sc_vector_subcore>, window_params = [{transform_indices = #map}, {transform_indices = #map}, {transform_indices = #map}, {transform_indices = #map1}, {transform_indices = #map}, {transform_indices = #map}, {transform_indices = #map}, {transform_indices = #map1}, {transform_indices = #map}, {transform_indices = #map}, {transform_indices = #map1}, {transform_indices = #map1}, {transform_indices = #map1}, {transform_indices = #map1}, {transform_indices = #map1}, {transform_indices = #map1}]} {
    %mul3A = arith.constant 2 : i32
    %mul3A_0 = arith.muli %arg1, %mul3A : i32
    %add3A = arith.addi %mul3A_0, %arg0 : i32
    %mul3A_1 = arith.constant 624 : i32
    %mul3A_2 = arith.muli %arg1, %mul3A_1 : i32
    %multiple_of3A = tpu.assume_multiple %mul3A_2, 8 : i32
    "tpu.region"() ({
      %run_scoped3A = tpu.sem_alloc : memref<!tpu.dma_semaphore, #tpu.memory_space<semaphore_mem>>
      %dma_start3A_218 = arith.constant 0 : i32
      %dma_start3A_219 = tpu.memref_slice %arg18[%multiple_of3A, %dma_start3A_218] : memref<10016x16xf32, #tpu.memory_space<vmem_shared>> -> memref<624x16xf32, #tpu.memory_space<vmem_shared>>
      %dma_start3A_220 = arith.constant 0 : i32
      %dma_start3A_221 = arith.constant 0 : i32
      %dma_start3A_222 = tpu.memref_slice %arg8[%dma_start3A_220, %dma_start3A_221] : memref<625x16xf32, #tpu.memory_space<hbm>> -> memref<624x16xf32, #tpu.memory_space<hbm>>
      tpu.enqueue_dma source(%dma_start3A_222 : memref<624x16xf32, #tpu.memory_space<hbm>>) target(%dma_start3A_219 : memref<624x16xf32, #tpu.memory_space<vmem_shared>>) target_semaphore(%run_scoped3A : memref<!tpu.dma_semaphore, #tpu.memory_space<semaphore_mem>>)
      %dma_wait3A = arith.constant 0 : i32
      %dma_wait3A_223 = tpu.memref_slice %arg18[%multiple_of3A, %dma_wait3A] : memref<10016x16xf32, #tpu.memory_space<vmem_shared>> -> memref<624x16xf32, #tpu.memory_space<vmem_shared>>
      %dma_wait3A_224 = arith.constant 0 : i32
      %dma_wait3A_225 = arith.constant 0 : i32
      %dma_wait3A_226 = tpu.memref_slice %arg8[%dma_wait3A_224, %dma_wait3A_225] : memref<625x16xf32, #tpu.memory_space<hbm>> -> memref<624x16xf32, #tpu.memory_space<hbm>>
      tpu.wait_dma2 semaphore(%run_scoped3A : memref<!tpu.dma_semaphore, #tpu.memory_space<semaphore_mem>>) src(%dma_wait3A_226 : memref<624x16xf32, #tpu.memory_space<hbm>>) dst(%dma_wait3A_223 : memref<624x16xf32, #tpu.memory_space<vmem_shared>>)
      tpu.yield
    }) : () -> ()
    %lt3A = arith.constant 2 : i32
    %lt3A_3 = arith.cmpi slt, %arg1, %lt3A : i32
    %convert_element_type3A = arith.extui %lt3A_3 : i1 to i32
    %cond3A = arith.constant 0 : i32
    %cond3A_4 = arith.cmpi ne, %convert_element_type3A, %cond3A : i32
    scf.if %cond3A_4 {
      %mul3A_218 = arith.constant 8 : i32
      %mul3A_219 = arith.muli %arg1, %mul3A_218 : i32
      %add3A_220 = arith.constant 9984 : i32
      %add3A_221 = arith.addi %add3A_220, %mul3A_219 : i32
      %multiple_of3A_222 = tpu.assume_multiple %add3A_221, 8 : i32
      "tpu.region"() ({
        %run_scoped3A = tpu.sem_alloc : memref<!tpu.dma_semaphore, #tpu.memory_space<semaphore_mem>>
        %dma_start3A_223 = arith.constant 0 : i32
        %dma_start3A_224 = tpu.memref_slice %arg18[%multiple_of3A_222, %dma_start3A_223] : memref<10016x16xf32, #tpu.memory_space<vmem_shared>> -> memref<8x16xf32, #tpu.memory_space<vmem_shared>>
        %dma_start3A_225 = arith.constant 0 : i32
        %dma_start3A_226 = arith.constant 0 : i32
        %dma_start3A_227 = tpu.memref_slice %arg8[%dma_start3A_225, %dma_start3A_226] : memref<625x16xf32, #tpu.memory_space<hbm>> -> memref<8x16xf32, #tpu.memory_space<hbm>>
        tpu.enqueue_dma source(%dma_start3A_227 : memref<8x16xf32, #tpu.memory_space<hbm>>) target(%dma_start3A_224 : memref<8x16xf32, #tpu.memory_space<vmem_shared>>) target_semaphore(%run_scoped3A : memref<!tpu.dma_semaphore, #tpu.memory_space<semaphore_mem>>)
        %dma_wait3A = arith.constant 0 : i32
        %dma_wait3A_228 = tpu.memref_slice %arg18[%multiple_of3A_222, %dma_wait3A] : memref<10016x16xf32, #tpu.memory_space<vmem_shared>> -> memref<8x16xf32, #tpu.memory_space<vmem_shared>>
        %dma_wait3A_229 = arith.constant 0 : i32
        %dma_wait3A_230 = arith.constant 0 : i32
        %dma_wait3A_231 = tpu.memref_slice %arg8[%dma_wait3A_229, %dma_wait3A_230] : memref<625x16xf32, #tpu.memory_space<hbm>> -> memref<8x16xf32, #tpu.memory_space<hbm>>
        tpu.wait_dma2 semaphore(%run_scoped3A : memref<!tpu.dma_semaphore, #tpu.memory_space<semaphore_mem>>) src(%dma_wait3A_231 : memref<8x16xf32, #tpu.memory_space<hbm>>) dst(%dma_wait3A_228 : memref<8x16xf32, #tpu.memory_space<vmem_shared>>)
        tpu.yield
      }) : () -> ()
    } else {
    }
    %mul3A_5 = arith.constant 624 : i32
    %mul3A_6 = arith.muli %arg1, %mul3A_5 : i32
    %multiple_of3A_7 = tpu.assume_multiple %mul3A_6, 8 : i32
    "tpu.region"() ({
      %run_scoped3A = tpu.sem_alloc : memref<!tpu.dma_semaphore, #tpu.memory_space<semaphore_mem>>
      %dma_start3A_218 = arith.constant 0 : i32
      %dma_start3A_219 = tpu.memref_slice %arg31[%dma_start3A_218] : memref<632xf32, #tpu.memory_space<vmem>> -> memref<624xf32, #tpu.memory_space<vmem>>
      %dma_start3A_220 = arith.constant 0 : i32
      %dma_start3A_221 = tpu.memref_slice %arg9[%dma_start3A_220] : memref<625xf32, #tpu.memory_space<hbm>> -> memref<624xf32, #tpu.memory_space<hbm>>
      %dma_start3A_222 = arith.constant 0 : i32
      %dma_start3A_223 = tpu.memref_slice %arg31[%dma_start3A_222] : memref<632xf32, #tpu.memory_space<vmem>> -> memref<624xf32, #tpu.memory_space<vmem>>
      %dma_start3A_224 = arith.constant 0 : i32
      %dma_start3A_225 = tpu.memref_slice %arg9[%dma_start3A_224] : memref<625xf32, #tpu.memory_space<hbm>> -> memref<624xf32, #tpu.memory_space<hbm>>
      tpu.enqueue_dma source(%dma_start3A_225 : memref<624xf32, #tpu.memory_space<hbm>>) target(%dma_start3A_223 : memref<624xf32, #tpu.memory_space<vmem>>) target_semaphore(%run_scoped3A : memref<!tpu.dma_semaphore, #tpu.memory_space<semaphore_mem>>)
      %dma_wait3A = arith.constant 0 : i32
      %dma_wait3A_226 = tpu.memref_slice %arg31[%dma_wait3A] : memref<632xf32, #tpu.memory_space<vmem>> -> memref<624xf32, #tpu.memory_space<vmem>>
      %dma_wait3A_227 = arith.constant 0 : i32
      %dma_wait3A_228 = tpu.memref_slice %arg9[%dma_wait3A_227] : memref<625xf32, #tpu.memory_space<hbm>> -> memref<624xf32, #tpu.memory_space<hbm>>
      %dma_wait3A_229 = arith.constant 0 : i32
      %dma_wait3A_230 = tpu.memref_slice %arg31[%dma_wait3A_229] : memref<632xf32, #tpu.memory_space<vmem>> -> memref<624xf32, #tpu.memory_space<vmem>>
      %dma_wait3A_231 = arith.constant 0 : i32
      %dma_wait3A_232 = tpu.memref_slice %arg9[%dma_wait3A_231] : memref<625xf32, #tpu.memory_space<hbm>> -> memref<624xf32, #tpu.memory_space<hbm>>
      tpu.wait_dma2 semaphore(%run_scoped3A : memref<!tpu.dma_semaphore, #tpu.memory_space<semaphore_mem>>) src(%dma_wait3A_232 : memref<624xf32, #tpu.memory_space<hbm>>) dst(%dma_wait3A_230 : memref<624xf32, #tpu.memory_space<vmem>>)
      tpu.yield
    }) : () -> ()
    "tpu.region"() ({
      %run_scoped3A = tpu.sem_alloc : memref<!tpu.dma_semaphore, #tpu.memory_space<semaphore_mem>>
      %dma_start3A_218 = arith.constant 0 : i32
      %dma_start3A_219 = tpu.memref_slice %arg31[%dma_start3A_218] : memref<632xf32, #tpu.memory_space<vmem>> -> memref<624xf32, #tpu.memory_space<vmem>>
      %dma_start3A_220 = tpu.memref_slice %arg19[%multiple_of3A_7] : memref<10016xf32, #tpu.memory_space<vmem_shared>> -> memref<624xf32, #tpu.memory_space<vmem_shared>>
      %dma_start3A_221 = tpu.memref_slice %arg19[%multiple_of3A_7] : memref<10016xf32, #tpu.memory_space<vmem_shared>> -> memref<624xf32, #tpu.memory_space<vmem_shared>>
      %dma_start3A_222 = arith.constant 0 : i32
      %dma_start3A_223 = tpu.memref_slice %arg31[%dma_start3A_222] : memref<632xf32, #tpu.memory_space<vmem>> -> memref<624xf32, #tpu.memory_space<vmem>>
      tpu.enqueue_dma source(%dma_start3A_223 : memref<624xf32, #tpu.memory_space<vmem>>) target(%dma_start3A_221 : memref<624xf32, #tpu.memory_space<vmem_shared>>) target_semaphore(%run_scoped3A : memref<!tpu.dma_semaphore, #tpu.memory_space<semaphore_mem>>)
      %dma_wait3A = arith.constant 0 : i32
      %dma_wait3A_224 = tpu.memref_slice %arg31[%dma_wait3A] : memref<632xf32, #tpu.memory_space<vmem>> -> memref<624xf32, #tpu.memory_space<vmem>>
      %dma_wait3A_225 = tpu.memref_slice %arg19[%multiple_of3A_7] : memref<10016xf32, #tpu.memory_space<vmem_shared>> -> memref<624xf32, #tpu.memory_space<vmem_shared>>
      %dma_wait3A_226 = tpu.memref_slice %arg19[%multiple_of3A_7] : memref<10016xf32, #tpu.memory_space<vmem_shared>> -> memref<624xf32, #tpu.memory_space<vmem_shared>>
      %dma_wait3A_227 = arith.constant 0 : i32
      %dma_wait3A_228 = tpu.memref_slice %arg31[%dma_wait3A_227] : memref<632xf32, #tpu.memory_space<vmem>> -> memref<624xf32, #tpu.memory_space<vmem>>
      tpu.wait_dma2 semaphore(%run_scoped3A : memref<!tpu.dma_semaphore, #tpu.memory_space<semaphore_mem>>) src(%dma_wait3A_228 : memref<624xf32, #tpu.memory_space<vmem>>) dst(%dma_wait3A_226 : memref<624xf32, #tpu.memory_space<vmem_shared>>)
      tpu.yield
    }) : () -> ()
    "tpu.region"() ({
      %run_scoped3A = tpu.sem_alloc : memref<!tpu.dma_semaphore, #tpu.memory_space<semaphore_mem>>
      %dma_start3A_218 = arith.constant 0 : i32
      %dma_start3A_219 = tpu.memref_slice %arg31[%dma_start3A_218] : memref<632xf32, #tpu.memory_space<vmem>> -> memref<624xf32, #tpu.memory_space<vmem>>
      %dma_start3A_220 = tpu.memref_slice %arg20[%multiple_of3A_7] : memref<10016xf32, #tpu.memory_space<vmem_shared>> -> memref<624xf32, #tpu.memory_space<vmem_shared>>
      %dma_start3A_221 = tpu.memref_slice %arg20[%multiple_of3A_7] : memref<10016xf32, #tpu.memory_space<vmem_shared>> -> memref<624xf32, #tpu.memory_space<vmem_shared>>
      %dma_start3A_222 = arith.constant 0 : i32
      %dma_start3A_223 = tpu.memref_slice %arg31[%dma_start3A_222] : memref<632xf32, #tpu.memory_space<vmem>> -> memref<624xf32, #tpu.memory_space<vmem>>
      tpu.enqueue_dma source(%dma_start3A_223 : memref<624xf32, #tpu.memory_space<vmem>>) target(%dma_start3A_221 : memref<624xf32, #tpu.memory_space<vmem_shared>>) target_semaphore(%run_scoped3A : memref<!tpu.dma_semaphore, #tpu.memory_space<semaphore_mem>>)
      %dma_wait3A = arith.constant 0 : i32
      %dma_wait3A_224 = tpu.memref_slice %arg31[%dma_wait3A] : memref<632xf32, #tpu.memory_space<vmem>> -> memref<624xf32, #tpu.memory_space<vmem>>
      %dma_wait3A_225 = tpu.memref_slice %arg20[%multiple_of3A_7] : memref<10016xf32, #tpu.memory_space<vmem_shared>> -> memref<624xf32, #tpu.memory_space<vmem_shared>>
      %dma_wait3A_226 = tpu.memref_slice %arg20[%multiple_of3A_7] : memref<10016xf32, #tpu.memory_space<vmem_shared>> -> memref<624xf32, #tpu.memory_space<vmem_shared>>
      %dma_wait3A_227 = arith.constant 0 : i32
      %dma_wait3A_228 = tpu.memref_slice %arg31[%dma_wait3A_227] : memref<632xf32, #tpu.memory_space<vmem>> -> memref<624xf32, #tpu.memory_space<vmem>>
      tpu.wait_dma2 semaphore(%run_scoped3A : memref<!tpu.dma_semaphore, #tpu.memory_space<semaphore_mem>>) src(%dma_wait3A_228 : memref<624xf32, #tpu.memory_space<vmem>>) dst(%dma_wait3A_226 : memref<624xf32, #tpu.memory_space<vmem_shared>>)
      tpu.yield
    }) : () -> ()
    "tpu.region"() ({
      %run_scoped3A = tpu.sem_alloc : memref<!tpu.dma_semaphore, #tpu.memory_space<semaphore_mem>>
      %dma_start3A_218 = arith.constant 0 : i32
      %dma_start3A_219 = tpu.memref_slice %arg31[%dma_start3A_218] : memref<632xf32, #tpu.memory_space<vmem>> -> memref<624xf32, #tpu.memory_space<vmem>>
      %dma_start3A_220 = tpu.memref_slice %arg21[%multiple_of3A_7] : memref<10016xf32, #tpu.memory_space<vmem_shared>> -> memref<624xf32, #tpu.memory_space<vmem_shared>>
      %dma_start3A_221 = tpu.memref_slice %arg21[%multiple_of3A_7] : memref<10016xf32, #tpu.memory_space<vmem_shared>> -> memref<624xf32, #tpu.memory_space<vmem_shared>>
      %dma_start3A_222 = arith.constant 0 : i32
      %dma_start3A_223 = tpu.memref_slice %arg31[%dma_start3A_222] : memref<632xf32, #tpu.memory_space<vmem>> -> memref<624xf32, #tpu.memory_space<vmem>>
      tpu.enqueue_dma source(%dma_start3A_223 : memref<624xf32, #tpu.memory_space<vmem>>) target(%dma_start3A_221 : memref<624xf32, #tpu.memory_space<vmem_shared>>) target_semaphore(%run_scoped3A : memref<!tpu.dma_semaphore, #tpu.memory_space<semaphore_mem>>)
      %dma_wait3A = arith.constant 0 : i32
      %dma_wait3A_224 = tpu.memref_slice %arg31[%dma_wait3A] : memref<632xf32, #tpu.memory_space<vmem>> -> memref<624xf32, #tpu.memory_space<vmem>>
      %dma_wait3A_225 = tpu.memref_slice %arg21[%multiple_of3A_7] : memref<10016xf32, #tpu.memory_space<vmem_shared>> -> memref<624xf32, #tpu.memory_space<vmem_shared>>
      %dma_wait3A_226 = tpu.memref_slice %arg21[%multiple_of3A_7] : memref<10016xf32, #tpu.memory_space<vmem_shared>> -> memref<624xf32, #tpu.memory_space<vmem_shared>>
      %dma_wait3A_227 = arith.constant 0 : i32
      %dma_wait3A_228 = tpu.memref_slice %arg31[%dma_wait3A_227] : memref<632xf32, #tpu.memory_space<vmem>> -> memref<624xf32, #tpu.memory_space<vmem>>
      tpu.wait_dma2 semaphore(%run_scoped3A : memref<!tpu.dma_semaphore, #tpu.memory_space<semaphore_mem>>) src(%dma_wait3A_228 : memref<624xf32, #tpu.memory_space<vmem>>) dst(%dma_wait3A_226 : memref<624xf32, #tpu.memory_space<vmem_shared>>)
      tpu.yield
    }) : () -> ()
    %lt3A_8 = arith.constant 2 : i32
    %lt3A_9 = arith.cmpi slt, %arg1, %lt3A_8 : i32
    %convert_element_type3A_10 = arith.extui %lt3A_9 : i1 to i32
    %cond3A_11 = arith.constant 0 : i32
    %cond3A_12 = arith.cmpi ne, %convert_element_type3A_10, %cond3A_11 : i32
    scf.if %cond3A_12 {
      %mul3A_218 = arith.constant 8 : i32
      %mul3A_219 = arith.muli %arg1, %mul3A_218 : i32
      %add3A_220 = arith.constant 9984 : i32
      %add3A_221 = arith.addi %add3A_220, %mul3A_219 : i32
      %multiple_of3A_222 = tpu.assume_multiple %add3A_221, 8 : i32
      "tpu.region"() ({
        %run_scoped3A = tpu.sem_alloc : memref<!tpu.dma_semaphore, #tpu.memory_space<semaphore_mem>>
        %dma_start3A_223 = arith.constant 0 : i32
        %dma_start3A_224 = tpu.memref_slice %arg31[%dma_start3A_223] : memref<632xf32, #tpu.memory_space<vmem>> -> memref<8xf32, #tpu.memory_space<vmem>>
        %dma_start3A_225 = tpu.memref_slice %arg19[%multiple_of3A_222] : memref<10016xf32, #tpu.memory_space<vmem_shared>> -> memref<8xf32, #tpu.memory_space<vmem_shared>>
        %dma_start3A_226 = tpu.memref_slice %arg19[%multiple_of3A_222] : memref<10016xf32, #tpu.memory_space<vmem_shared>> -> memref<8xf32, #tpu.memory_space<vmem_shared>>
        %dma_start3A_227 = arith.constant 0 : i32
        %dma_start3A_228 = tpu.memref_slice %arg31[%dma_start3A_227] : memref<632xf32, #tpu.memory_space<vmem>> -> memref<8xf32, #tpu.memory_space<vmem>>
        tpu.enqueue_dma source(%dma_start3A_228 : memref<8xf32, #tpu.memory_space<vmem>>) target(%dma_start3A_226 : memref<8xf32, #tpu.memory_space<vmem_shared>>) target_semaphore(%run_scoped3A : memref<!tpu.dma_semaphore, #tpu.memory_space<semaphore_mem>>)
        %dma_wait3A = arith.constant 0 : i32
        %dma_wait3A_229 = tpu.memref_slice %arg31[%dma_wait3A] : memref<632xf32, #tpu.memory_space<vmem>> -> memref<8xf32, #tpu.memory_space<vmem>>
        %dma_wait3A_230 = tpu.memref_slice %arg19[%multiple_of3A_222] : memref<10016xf32, #tpu.memory_space<vmem_shared>> -> memref<8xf32, #tpu.memory_space<vmem_shared>>
        %dma_wait3A_231 = tpu.memref_slice %arg19[%multiple_of3A_222] : memref<10016xf32, #tpu.memory_space<vmem_shared>> -> memref<8xf32, #tpu.memory_space<vmem_shared>>
        %dma_wait3A_232 = arith.constant 0 : i32
        %dma_wait3A_233 = tpu.memref_slice %arg31[%dma_wait3A_232] : memref<632xf32, #tpu.memory_space<vmem>> -> memref<8xf32, #tpu.memory_space<vmem>>
        tpu.wait_dma2 semaphore(%run_scoped3A : memref<!tpu.dma_semaphore, #tpu.memory_space<semaphore_mem>>) src(%dma_wait3A_233 : memref<8xf32, #tpu.memory_space<vmem>>) dst(%dma_wait3A_231 : memref<8xf32, #tpu.memory_space<vmem_shared>>)
        tpu.yield
      }) : () -> ()
      "tpu.region"() ({
        %run_scoped3A = tpu.sem_alloc : memref<!tpu.dma_semaphore, #tpu.memory_space<semaphore_mem>>
        %dma_start3A_223 = arith.constant 0 : i32
        %dma_start3A_224 = tpu.memref_slice %arg31[%dma_start3A_223] : memref<632xf32, #tpu.memory_space<vmem>> -> memref<8xf32, #tpu.memory_space<vmem>>
        %dma_start3A_225 = tpu.memref_slice %arg20[%multiple_of3A_222] : memref<10016xf32, #tpu.memory_space<vmem_shared>> -> memref<8xf32, #tpu.memory_space<vmem_shared>>
        %dma_start3A_226 = tpu.memref_slice %arg20[%multiple_of3A_222] : memref<10016xf32, #tpu.memory_space<vmem_shared>> -> memref<8xf32, #tpu.memory_space<vmem_shared>>
        %dma_start3A_227 = arith.constant 0 : i32
        %dma_start3A_228 = tpu.memref_slice %arg31[%dma_start3A_227] : memref<632xf32, #tpu.memory_space<vmem>> -> memref<8xf32, #tpu.memory_space<vmem>>
        tpu.enqueue_dma source(%dma_start3A_228 : memref<8xf32, #tpu.memory_space<vmem>>) target(%dma_start3A_226 : memref<8xf32, #tpu.memory_space<vmem_shared>>) target_semaphore(%run_scoped3A : memref<!tpu.dma_semaphore, #tpu.memory_space<semaphore_mem>>)
        %dma_wait3A = arith.constant 0 : i32
        %dma_wait3A_229 = tpu.memref_slice %arg31[%dma_wait3A] : memref<632xf32, #tpu.memory_space<vmem>> -> memref<8xf32, #tpu.memory_space<vmem>>
        %dma_wait3A_230 = tpu.memref_slice %arg20[%multiple_of3A_222] : memref<10016xf32, #tpu.memory_space<vmem_shared>> -> memref<8xf32, #tpu.memory_space<vmem_shared>>
        %dma_wait3A_231 = tpu.memref_slice %arg20[%multiple_of3A_222] : memref<10016xf32, #tpu.memory_space<vmem_shared>> -> memref<8xf32, #tpu.memory_space<vmem_shared>>
        %dma_wait3A_232 = arith.constant 0 : i32
        %dma_wait3A_233 = tpu.memref_slice %arg31[%dma_wait3A_232] : memref<632xf32, #tpu.memory_space<vmem>> -> memref<8xf32, #tpu.memory_space<vmem>>
        tpu.wait_dma2 semaphore(%run_scoped3A : memref<!tpu.dma_semaphore, #tpu.memory_space<semaphore_mem>>) src(%dma_wait3A_233 : memref<8xf32, #tpu.memory_space<vmem>>) dst(%dma_wait3A_231 : memref<8xf32, #tpu.memory_space<vmem_shared>>)
        tpu.yield
      }) : () -> ()
      "tpu.region"() ({
        %run_scoped3A = tpu.sem_alloc : memref<!tpu.dma_semaphore, #tpu.memory_space<semaphore_mem>>
        %dma_start3A_223 = arith.constant 0 : i32
        %dma_start3A_224 = tpu.memref_slice %arg31[%dma_start3A_223] : memref<632xf32, #tpu.memory_space<vmem>> -> memref<8xf32, #tpu.memory_space<vmem>>
        %dma_start3A_225 = tpu.memref_slice %arg21[%multiple_of3A_222] : memref<10016xf32, #tpu.memory_space<vmem_shared>> -> memref<8xf32, #tpu.memory_space<vmem_shared>>
        %dma_start3A_226 = tpu.memref_slice %arg21[%multiple_of3A_222] : memref<10016xf32, #tpu.memory_space<vmem_shared>> -> memref<8xf32, #tpu.memory_space<vmem_shared>>
        %dma_start3A_227 = arith.constant 0 : i32
        %dma_start3A_228 = tpu.memref_slice %arg31[%dma_start3A_227] : memref<632xf32, #tpu.memory_space<vmem>> -> memref<8xf32, #tpu.memory_space<vmem>>
        tpu.enqueue_dma source(%dma_start3A_228 : memref<8xf32, #tpu.memory_space<vmem>>) target(%dma_start3A_226 : memref<8xf32, #tpu.memory_space<vmem_shared>>) target_semaphore(%run_scoped3A : memref<!tpu.dma_semaphore, #tpu.memory_space<semaphore_mem>>)
        %dma_wait3A = arith.constant 0 : i32
        %dma_wait3A_229 = tpu.memref_slice %arg31[%dma_wait3A] : memref<632xf32, #tpu.memory_space<vmem>> -> memref<8xf32, #tpu.memory_space<vmem>>
        %dma_wait3A_230 = tpu.memref_slice %arg21[%multiple_of3A_222] : memref<10016xf32, #tpu.memory_space<vmem_shared>> -> memref<8xf32, #tpu.memory_space<vmem_shared>>
        %dma_wait3A_231 = tpu.memref_slice %arg21[%multiple_of3A_222] : memref<10016xf32, #tpu.memory_space<vmem_shared>> -> memref<8xf32, #tpu.memory_space<vmem_shared>>
        %dma_wait3A_232 = arith.constant 0 : i32
        %dma_wait3A_233 = tpu.memref_slice %arg31[%dma_wait3A_232] : memref<632xf32, #tpu.memory_space<vmem>> -> memref<8xf32, #tpu.memory_space<vmem>>
        tpu.wait_dma2 semaphore(%run_scoped3A : memref<!tpu.dma_semaphore, #tpu.memory_space<semaphore_mem>>) src(%dma_wait3A_233 : memref<8xf32, #tpu.memory_space<vmem>>) dst(%dma_wait3A_231 : memref<8xf32, #tpu.memory_space<vmem_shared>>)
        tpu.yield
      }) : () -> ()
    } else {
    }
    %broadcast_in_dim3A = arith.constant 1.000000e+00 : f32
    %broadcast_in_dim3A_13 = vector.broadcast %broadcast_in_dim3A : f32 to vector<16xf32>
    %swap3A = arith.constant 0 : index
    %swap3A_14 = tpu.vector_load %arg30[%swap3A] {strides = array<i32>} : memref<128xf32, #tpu.memory_space<vmem>>, vector<16xf32>,
    %swap3A_15 = vector.shape_cast %swap3A_14 : vector<16xf32> to vector<16xf32>
    %swap3A_16 = vector.shape_cast %broadcast_in_dim3A_13 : vector<16xf32> to vector<16xf32>
    tpu.vector_store %arg30[%swap3A], %swap3A_16 {strides = array<i32>} : memref<128xf32, #tpu.memory_space<vmem>>, vector<16xf32>,
    %broadcast_in_dim3A_17 = arith.constant 1.000000e+00 : f32
    %broadcast_in_dim3A_18 = vector.broadcast %broadcast_in_dim3A_17 : f32 to vector<16xf32>
    %swap3A_19 = arith.constant 16 : index
    %swap3A_20 = tpu.vector_load %arg30[%swap3A_19] {strides = array<i32>} : memref<128xf32, #tpu.memory_space<vmem>>, vector<16xf32>,
    %swap3A_21 = vector.shape_cast %swap3A_20 : vector<16xf32> to vector<16xf32>
    %swap3A_22 = vector.shape_cast %broadcast_in_dim3A_18 : vector<16xf32> to vector<16xf32>
    tpu.vector_store %arg30[%swap3A_19], %swap3A_22 {strides = array<i32>} : memref<128xf32, #tpu.memory_space<vmem>>, vector<16xf32>,
    %broadcast_in_dim3A_23 = arith.constant 1.000000e+00 : f32
    %broadcast_in_dim3A_24 = vector.broadcast %broadcast_in_dim3A_23 : f32 to vector<16xf32>
    %swap3A_25 = arith.constant 32 : index
    %swap3A_26 = tpu.vector_load %arg30[%swap3A_25] {strides = array<i32>} : memref<128xf32, #tpu.memory_space<vmem>>, vector<16xf32>,
    %swap3A_27 = vector.shape_cast %swap3A_26 : vector<16xf32> to vector<16xf32>
    %swap3A_28 = vector.shape_cast %broadcast_in_dim3A_24 : vector<16xf32> to vector<16xf32>
    tpu.vector_store %arg30[%swap3A_25], %swap3A_28 {strides = array<i32>} : memref<128xf32, #tpu.memory_space<vmem>>, vector<16xf32>,
    %broadcast_in_dim3A_29 = arith.constant 1.000000e+00 : f32
    %broadcast_in_dim3A_30 = vector.broadcast %broadcast_in_dim3A_29 : f32 to vector<16xf32>
    %swap3A_31 = arith.constant 48 : index
    %swap3A_32 = tpu.vector_load %arg30[%swap3A_31] {strides = array<i32>} : memref<128xf32, #tpu.memory_space<vmem>>, vector<16xf32>,
    %swap3A_33 = vector.shape_cast %swap3A_32 : vector<16xf32> to vector<16xf32>
    %swap3A_34 = vector.shape_cast %broadcast_in_dim3A_30 : vector<16xf32> to vector<16xf32>
    tpu.vector_store %arg30[%swap3A_31], %swap3A_34 {strides = array<i32>} : memref<128xf32, #tpu.memory_space<vmem>>, vector<16xf32>,
    %broadcast_in_dim3A_35 = arith.constant 1.000000e+00 : f32
    %broadcast_in_dim3A_36 = vector.broadcast %broadcast_in_dim3A_35 : f32 to vector<16xf32>
    %swap3A_37 = arith.constant 64 : index
    %swap3A_38 = tpu.vector_load %arg30[%swap3A_37] {strides = array<i32>} : memref<128xf32, #tpu.memory_space<vmem>>, vector<16xf32>,
    %swap3A_39 = vector.shape_cast %swap3A_38 : vector<16xf32> to vector<16xf32>
    %swap3A_40 = vector.shape_cast %broadcast_in_dim3A_36 : vector<16xf32> to vector<16xf32>
    tpu.vector_store %arg30[%swap3A_37], %swap3A_40 {strides = array<i32>} : memref<128xf32, #tpu.memory_space<vmem>>, vector<16xf32>,
    %broadcast_in_dim3A_41 = arith.constant 1.000000e+00 : f32
    %broadcast_in_dim3A_42 = vector.broadcast %broadcast_in_dim3A_41 : f32 to vector<16xf32>
    %swap3A_43 = arith.constant 80 : index
    %swap3A_44 = tpu.vector_load %arg30[%swap3A_43] {strides = array<i32>} : memref<128xf32, #tpu.memory_space<vmem>>, vector<16xf32>,
    %swap3A_45 = vector.shape_cast %swap3A_44 : vector<16xf32> to vector<16xf32>
    %swap3A_46 = vector.shape_cast %broadcast_in_dim3A_42 : vector<16xf32> to vector<16xf32>
    tpu.vector_store %arg30[%swap3A_43], %swap3A_46 {strides = array<i32>} : memref<128xf32, #tpu.memory_space<vmem>>, vector<16xf32>,
    %broadcast_in_dim3A_47 = arith.constant 1.000000e+00 : f32
    %broadcast_in_dim3A_48 = vector.broadcast %broadcast_in_dim3A_47 : f32 to vector<16xf32>
    %swap3A_49 = arith.constant 96 : index
    %swap3A_50 = tpu.vector_load %arg30[%swap3A_49] {strides = array<i32>} : memref<128xf32, #tpu.memory_space<vmem>>, vector<16xf32>,
    %swap3A_51 = vector.shape_cast %swap3A_50 : vector<16xf32> to vector<16xf32>
    %swap3A_52 = vector.shape_cast %broadcast_in_dim3A_48 : vector<16xf32> to vector<16xf32>
    tpu.vector_store %arg30[%swap3A_49], %swap3A_52 {strides = array<i32>} : memref<128xf32, #tpu.memory_space<vmem>>, vector<16xf32>,
    %broadcast_in_dim3A_53 = arith.constant 1.000000e+00 : f32
    %broadcast_in_dim3A_54 = vector.broadcast %broadcast_in_dim3A_53 : f32 to vector<16xf32>
    %swap3A_55 = arith.constant 112 : index
    %swap3A_56 = tpu.vector_load %arg30[%swap3A_55] {strides = array<i32>} : memref<128xf32, #tpu.memory_space<vmem>>, vector<16xf32>,
    %swap3A_57 = vector.shape_cast %swap3A_56 : vector<16xf32> to vector<16xf32>
    %swap3A_58 = vector.shape_cast %broadcast_in_dim3A_54 : vector<16xf32> to vector<16xf32>
    tpu.vector_store %arg30[%swap3A_55], %swap3A_58 {strides = array<i32>} : memref<128xf32, #tpu.memory_space<vmem>>, vector<16xf32>,
    %mul3A_59 = arith.constant 40 : i32
    %mul3A_60 = arith.muli %add3A, %mul3A_59 : i32
    %multiple_of3A_61 = tpu.assume_multiple %mul3A_60, 8 : i32
    "tpu.region"() ({
      %run_scoped3A = tpu.sem_alloc : memref<!tpu.dma_semaphore, #tpu.memory_space<semaphore_mem>>
      %dma_start3A_218 = arith.constant 0 : i32
      %dma_start3A_219 = tpu.memref_slice %arg2[%multiple_of3A_61, %dma_start3A_218] : memref<1280x128xi32, #tpu.memory_space<hbm>> -> memref<40x128xi32, #tpu.memory_space<hbm>>
      %dma_start3A_220 = arith.constant 0 : i32
      %dma_start3A_221 = tpu.memref_slice %arg2[%multiple_of3A_61, %dma_start3A_220] : memref<1280x128xi32, #tpu.memory_space<hbm>> -> memref<40x128xi32, #tpu.memory_space<hbm>>
      tpu.enqueue_dma source(%dma_start3A_221 : memref<40x128xi32, #tpu.memory_space<hbm>>) target(%arg22 : memref<40x128xi32, #tpu.memory_space<vmem>>) target_semaphore(%run_scoped3A : memref<!tpu.dma_semaphore, #tpu.memory_space<semaphore_mem>>)
      %dma_wait3A = arith.constant 0 : i32
      %dma_wait3A_222 = tpu.memref_slice %arg2[%multiple_of3A_61, %dma_wait3A] : memref<1280x128xi32, #tpu.memory_space<hbm>> -> memref<40x128xi32, #tpu.memory_space<hbm>>
      %dma_wait3A_223 = arith.constant 0 : i32
      %dma_wait3A_224 = tpu.memref_slice %arg2[%multiple_of3A_61, %dma_wait3A_223] : memref<1280x128xi32, #tpu.memory_space<hbm>> -> memref<40x128xi32, #tpu.memory_space<hbm>>
      tpu.wait_dma2 semaphore(%run_scoped3A : memref<!tpu.dma_semaphore, #tpu.memory_space<semaphore_mem>>) src(%dma_wait3A_224 : memref<40x128xi32, #tpu.memory_space<hbm>>) dst(%arg22 : memref<40x128xi32, #tpu.memory_space<vmem>>)
      tpu.yield
    }) : () -> ()
    "tpu.region"() ({
      %run_scoped3A = tpu.sem_alloc : memref<!tpu.dma_semaphore, #tpu.memory_space<semaphore_mem>>
      %dma_start3A_218 = arith.constant 0 : i32
      %dma_start3A_219 = tpu.memref_slice %arg3[%multiple_of3A_61, %dma_start3A_218] : memref<1280x128xi32, #tpu.memory_space<hbm>> -> memref<40x128xi32, #tpu.memory_space<hbm>>
      %dma_start3A_220 = arith.constant 0 : i32
      %dma_start3A_221 = tpu.memref_slice %arg3[%multiple_of3A_61, %dma_start3A_220] : memref<1280x128xi32, #tpu.memory_space<hbm>> -> memref<40x128xi32, #tpu.memory_space<hbm>>
      tpu.enqueue_dma source(%dma_start3A_221 : memref<40x128xi32, #tpu.memory_space<hbm>>) target(%arg23 : memref<40x128xi32, #tpu.memory_space<vmem>>) target_semaphore(%run_scoped3A : memref<!tpu.dma_semaphore, #tpu.memory_space<semaphore_mem>>)
      %dma_wait3A = arith.constant 0 : i32
      %dma_wait3A_222 = tpu.memref_slice %arg3[%multiple_of3A_61, %dma_wait3A] : memref<1280x128xi32, #tpu.memory_space<hbm>> -> memref<40x128xi32, #tpu.memory_space<hbm>>
      %dma_wait3A_223 = arith.constant 0 : i32
      %dma_wait3A_224 = tpu.memref_slice %arg3[%multiple_of3A_61, %dma_wait3A_223] : memref<1280x128xi32, #tpu.memory_space<hbm>> -> memref<40x128xi32, #tpu.memory_space<hbm>>
      tpu.wait_dma2 semaphore(%run_scoped3A : memref<!tpu.dma_semaphore, #tpu.memory_space<semaphore_mem>>) src(%dma_wait3A_224 : memref<40x128xi32, #tpu.memory_space<hbm>>) dst(%arg23 : memref<40x128xi32, #tpu.memory_space<vmem>>)
      tpu.yield
    }) : () -> ()
    "tpu.region"() ({
      %run_scoped3A = tpu.sem_alloc : memref<!tpu.dma_semaphore, #tpu.memory_space<semaphore_mem>>
      %dma_start3A_218 = arith.constant 0 : i32
      %dma_start3A_219 = tpu.memref_slice %arg4[%multiple_of3A_61, %dma_start3A_218] : memref<1280x128xf32, #tpu.memory_space<hbm>> -> memref<40x128xf32, #tpu.memory_space<hbm>>
      %dma_start3A_220 = arith.constant 0 : i32
      %dma_start3A_221 = tpu.memref_slice %arg4[%multiple_of3A_61, %dma_start3A_220] : memref<1280x128xf32, #tpu.memory_space<hbm>> -> memref<40x128xf32, #tpu.memory_space<hbm>>
      tpu.enqueue_dma source(%dma_start3A_221 : memref<40x128xf32, #tpu.memory_space<hbm>>) target(%arg24 : memref<40x128xf32, #tpu.memory_space<vmem>>) target_semaphore(%run_scoped3A : memref<!tpu.dma_semaphore, #tpu.memory_space<semaphore_mem>>)
      %dma_wait3A = arith.constant 0 : i32
      %dma_wait3A_222 = tpu.memref_slice %arg4[%multiple_of3A_61, %dma_wait3A] : memref<1280x128xf32, #tpu.memory_space<hbm>> -> memref<40x128xf32, #tpu.memory_space<hbm>>
      %dma_wait3A_223 = arith.constant 0 : i32
      %dma_wait3A_224 = tpu.memref_slice %arg4[%multiple_of3A_61, %dma_wait3A_223] : memref<1280x128xf32, #tpu.memory_space<hbm>> -> memref<40x128xf32, #tpu.memory_space<hbm>>
      tpu.wait_dma2 semaphore(%run_scoped3A : memref<!tpu.dma_semaphore, #tpu.memory_space<semaphore_mem>>) src(%dma_wait3A_224 : memref<40x128xf32, #tpu.memory_space<hbm>>) dst(%arg24 : memref<40x128xf32, #tpu.memory_space<vmem>>)
      tpu.yield
    }) : () -> ()
    "tpu.region"() ({
      %run_scoped3A = tpu.sem_alloc : memref<!tpu.dma_semaphore, #tpu.memory_space<semaphore_mem>>
      %dma_start3A_218 = arith.constant 0 : i32
      %dma_start3A_219 = tpu.memref_slice %arg6[%multiple_of3A_61, %dma_start3A_218] : memref<1280x128xi32, #tpu.memory_space<hbm>> -> memref<40x128xi32, #tpu.memory_space<hbm>>
      %dma_start3A_220 = arith.constant 0 : i32
      %dma_start3A_221 = tpu.memref_slice %arg6[%multiple_of3A_61, %dma_start3A_220] : memref<1280x128xi32, #tpu.memory_space<hbm>> -> memref<40x128xi32, #tpu.memory_space<hbm>>
      tpu.enqueue_dma source(%dma_start3A_221 : memref<40x128xi32, #tpu.memory_space<hbm>>) target(%arg25 : memref<40x128xi32, #tpu.memory_space<vmem>>) target_semaphore(%run_scoped3A : memref<!tpu.dma_semaphore, #tpu.memory_space<semaphore_mem>>)
      %dma_wait3A = arith.constant 0 : i32
      %dma_wait3A_222 = tpu.memref_slice %arg6[%multiple_of3A_61, %dma_wait3A] : memref<1280x128xi32, #tpu.memory_space<hbm>> -> memref<40x128xi32, #tpu.memory_space<hbm>>
      %dma_wait3A_223 = arith.constant 0 : i32
      %dma_wait3A_224 = tpu.memref_slice %arg6[%multiple_of3A_61, %dma_wait3A_223] : memref<1280x128xi32, #tpu.memory_space<hbm>> -> memref<40x128xi32, #tpu.memory_space<hbm>>
      tpu.wait_dma2 semaphore(%run_scoped3A : memref<!tpu.dma_semaphore, #tpu.memory_space<semaphore_mem>>) src(%dma_wait3A_224 : memref<40x128xi32, #tpu.memory_space<hbm>>) dst(%arg25 : memref<40x128xi32, #tpu.memory_space<vmem>>)
      tpu.yield
    }) : () -> ()
    %barrier3A = arith.constant 0 : index
    tpu.barrier barrier_id(%barrier3A)
    %dma_start3A = arith.constant 0 : i32
    %dma_start3A_62 = arith.constant 0 : i32
    %dma_start3A_63 = tpu.memref_slice %arg22[%dma_start3A, %dma_start3A_62] : memref<40x128xi32, #tpu.memory_space<vmem>> -> memref<1x128xi32, #tpu.memory_space<vmem>>
    %dma_start3A_64 = tpu.memref_squeeze %dma_start3A_63 : memref<1x128xi32, #tpu.memory_space<vmem>> -> memref<128xi32, #tpu.memory_space<vmem>>
    %dma_start3A_65 = arith.constant 0 : i32
    %dma_start3A_66 = tpu.memref_slice %arg5[%dma_start3A_65] : memref<160016xi32, #tpu.memory_space<hbm>> -> memref<160016xi32, #tpu.memory_space<hbm>>
    tpu.enqueue_indirect_dma source(%dma_start3A_66 : memref<160016xi32, #tpu.memory_space<hbm>>) target(%arg26 : memref<128xi32, #tpu.memory_space<vmem>>) offsets(%dma_start3A_64 : memref<128xi32, #tpu.memory_space<vmem>>) semaphore(%arg32 : memref<!tpu.dma_semaphore, #tpu.memory_space<semaphore_mem>>)
    %dma_start3A_67 = arith.constant 0 : i32
    %dma_start3A_68 = arith.constant 0 : i32
    %dma_start3A_69 = tpu.memref_slice %arg23[%dma_start3A_67, %dma_start3A_68] : memref<40x128xi32, #tpu.memory_space<vmem>> -> memref<1x128xi32, #tpu.memory_space<vmem>>
    %dma_start3A_70 = tpu.memref_squeeze %dma_start3A_69 : memref<1x128xi32, #tpu.memory_space<vmem>> -> memref<128xi32, #tpu.memory_space<vmem>>
    %dma_start3A_71 = arith.constant 0 : i32
    %dma_start3A_72 = arith.constant 0 : i32
    %dma_start3A_73 = tpu.memref_slice %arg7[%dma_start3A_71, %dma_start3A_72] : memref<163840x16xf32, #tpu.memory_space<hbm>> -> memref<163840x16xf32, #tpu.memory_space<hbm>>
    tpu.enqueue_indirect_dma source(%dma_start3A_73 : memref<163840x16xf32, #tpu.memory_space<hbm>>) target(%arg28 : memref<128x16xf32, #tpu.memory_space<vmem>>) offsets(%dma_start3A_70 : memref<128xi32, #tpu.memory_space<vmem>>) semaphore(%arg32 : memref<!tpu.dma_semaphore, #tpu.memory_space<semaphore_mem>>)
    %dma_start3A_74 = arith.constant 1 : i32
    %dma_start3A_75 = arith.constant 0 : i32
    %dma_start3A_76 = tpu.memref_slice %arg22[%dma_start3A_74, %dma_start3A_75] : memref<40x128xi32, #tpu.memory_space<vmem>> -> memref<1x128xi32, #tpu.memory_space<vmem>>
    %dma_start3A_77 = tpu.memref_squeeze %dma_start3A_76 : memref<1x128xi32, #tpu.memory_space<vmem>> -> memref<128xi32, #tpu.memory_space<vmem>>
    %dma_start3A_78 = arith.constant 0 : i32
    %dma_start3A_79 = tpu.memref_slice %arg5[%dma_start3A_78] : memref<160016xi32, #tpu.memory_space<hbm>> -> memref<160016xi32, #tpu.memory_space<hbm>>
    tpu.enqueue_indirect_dma source(%dma_start3A_79 : memref<160016xi32, #tpu.memory_space<hbm>>) target(%arg27 : memref<128xi32, #tpu.memory_space<vmem>>) offsets(%dma_start3A_77 : memref<128xi32, #tpu.memory_space<vmem>>) semaphore(%arg32 : memref<!tpu.dma_semaphore, #tpu.memory_space<semaphore_mem>>)
    %dma_start3A_80 = arith.constant 1 : i32
    %dma_start3A_81 = arith.constant 0 : i32
    %dma_start3A_82 = tpu.memref_slice %arg23[%dma_start3A_80, %dma_start3A_81] : memref<40x128xi32, #tpu.memory_space<vmem>> -> memref<1x128xi32, #tpu.memory_space<vmem>>
    %dma_start3A_83 = tpu.memref_squeeze %dma_start3A_82 : memref<1x128xi32, #tpu.memory_space<vmem>> -> memref<128xi32, #tpu.memory_space<vmem>>
    %dma_start3A_84 = arith.constant 0 : i32
    %dma_start3A_85 = arith.constant 0 : i32
    %dma_start3A_86 = tpu.memref_slice %arg7[%dma_start3A_84, %dma_start3A_85] : memref<163840x16xf32, #tpu.memory_space<hbm>> -> memref<163840x16xf32, #tpu.memory_space<hbm>>
    tpu.enqueue_indirect_dma source(%dma_start3A_86 : memref<163840x16xf32, #tpu.memory_space<hbm>>) target(%arg29 : memref<128x16xf32, #tpu.memory_space<vmem>>) offsets(%dma_start3A_83 : memref<128xi32, #tpu.memory_space<vmem>>) semaphore(%arg32 : memref<!tpu.dma_semaphore, #tpu.memory_space<semaphore_mem>>)
    %scan3A = arith.constant 0 : i32
    %scan3A_87 = arith.constant 0 : i32
    %scan3A_88 = arith.constant 20 : i32
    %scan3A_89 = arith.addi %scan3A_87, %scan3A_88 : i32
    %scan3A_90 = arith.constant 1 : i32
    scf.for %scan3A_218 = %scan3A_87 to %scan3A_89 step %scan3A_90  : i32 {
      %mul3A_219 = arith.constant 2 : i32
      %mul3A_220 = arith.muli %scan3A_218, %mul3A_219 : i32
      %add3A_221 = arith.constant 0 : i32
      %add3A_222 = arith.addi %mul3A_220, %add3A_221 : i32
      %dma_wait3A = arith.constant 0 : i32
      %dma_wait3A_223 = arith.constant 0 : i32
      %dma_wait3A_224 = tpu.memref_slice %arg22[%dma_wait3A, %dma_wait3A_223] : memref<40x128xi32, #tpu.memory_space<vmem>> -> memref<1x128xi32, #tpu.memory_space<vmem>>
      %dma_wait3A_225 = tpu.memref_squeeze %dma_wait3A_224 : memref<1x128xi32, #tpu.memory_space<vmem>> -> memref<128xi32, #tpu.memory_space<vmem>>
      %dma_wait3A_226 = arith.constant 0 : i32
      %dma_wait3A_227 = tpu.memref_slice %arg5[%dma_wait3A_226] : memref<160016xi32, #tpu.memory_space<hbm>> -> memref<160016xi32, #tpu.memory_space<hbm>>
      tpu.wait_indirect_dma semaphore(%arg32 : memref<!tpu.dma_semaphore, #tpu.memory_space<semaphore_mem>>) src(%dma_wait3A_227 : memref<160016xi32, #tpu.memory_space<hbm>>) dst(%arg26 : memref<128xi32, #tpu.memory_space<vmem>>)
      %dma_wait3A_228 = arith.constant 0 : i32
      %dma_wait3A_229 = arith.constant 0 : i32
      %dma_wait3A_230 = tpu.memref_slice %arg23[%dma_wait3A_228, %dma_wait3A_229] : memref<40x128xi32, #tpu.memory_space<vmem>> -> memref<1x128xi32, #tpu.memory_space<vmem>>
      %dma_wait3A_231 = tpu.memref_squeeze %dma_wait3A_230 : memref<1x128xi32, #tpu.memory_space<vmem>> -> memref<128xi32, #tpu.memory_space<vmem>>
      %dma_wait3A_232 = arith.constant 0 : i32
      %dma_wait3A_233 = arith.constant 0 : i32
      %dma_wait3A_234 = tpu.memref_slice %arg7[%dma_wait3A_232, %dma_wait3A_233] : memref<163840x16xf32, #tpu.memory_space<hbm>> -> memref<163840x16xf32, #tpu.memory_space<hbm>>
      tpu.wait_indirect_dma semaphore(%arg32 : memref<!tpu.dma_semaphore, #tpu.memory_space<semaphore_mem>>) src(%dma_wait3A_234 : memref<163840x16xf32, #tpu.memory_space<hbm>>) dst(%arg28 : memref<128x16xf32, #tpu.memory_space<vmem>>)
      %dma_start3A_235 = arith.constant 0 : i32
      %dma_start3A_236 = arith.constant 0 : i32
      %dma_start3A_237 = tpu.memref_slice %arg18[%dma_start3A_235, %dma_start3A_236] : memref<10016x16xf32, #tpu.memory_space<vmem_shared>> -> memref<10016x16xf32, #tpu.memory_space<vmem_shared>>
      tpu.enqueue_indirect_dma source(%arg28 : memref<128x16xf32, #tpu.memory_space<vmem>>) target(%dma_start3A_237 : memref<10016x16xf32, #tpu.memory_space<vmem_shared>>) offsets(%arg26 : memref<128xi32, #tpu.memory_space<vmem>>) semaphore(%arg33 : memref<!tpu.dma_semaphore, #tpu.memory_space<semaphore_mem>>) {add = true}
      %dma_start3A_238 = arith.constant 0 : i32
      %dma_start3A_239 = tpu.memref_slice %arg24[%add3A_222, %dma_start3A_238] : memref<40x128xf32, #tpu.memory_space<vmem>> -> memref<1x128xf32, #tpu.memory_space<vmem>>
      %dma_start3A_240 = tpu.memref_squeeze %dma_start3A_239 : memref<1x128xf32, #tpu.memory_space<vmem>> -> memref<128xf32, #tpu.memory_space<vmem>>
      %dma_start3A_241 = arith.constant 0 : i32
      %dma_start3A_242 = tpu.memref_slice %arg19[%dma_start3A_241] : memref<10016xf32, #tpu.memory_space<vmem_shared>> -> memref<10016xf32, #tpu.memory_space<vmem_shared>>
      tpu.enqueue_indirect_dma source(%dma_start3A_240 : memref<128xf32, #tpu.memory_space<vmem>>) target(%dma_start3A_242 : memref<10016xf32, #tpu.memory_space<vmem_shared>>) offsets(%arg26 : memref<128xi32, #tpu.memory_space<vmem>>) semaphore(%arg33 : memref<!tpu.dma_semaphore, #tpu.memory_space<semaphore_mem>>) {add = true}
      %dma_start3A_243 = arith.constant 0 : i32
      %dma_start3A_244 = tpu.memref_slice %arg20[%dma_start3A_243] : memref<10016xf32, #tpu.memory_space<vmem_shared>> -> memref<10016xf32, #tpu.memory_space<vmem_shared>>
      tpu.enqueue_indirect_dma source(%arg30 : memref<128xf32, #tpu.memory_space<vmem>>) target(%dma_start3A_244 : memref<10016xf32, #tpu.memory_space<vmem_shared>>) offsets(%arg26 : memref<128xi32, #tpu.memory_space<vmem>>) semaphore(%arg33 : memref<!tpu.dma_semaphore, #tpu.memory_space<semaphore_mem>>) {add = true}
      %dma_wait3A_245 = arith.constant 0 : i32
      %dma_wait3A_246 = arith.constant 0 : i32
      %dma_wait3A_247 = tpu.memref_slice %arg18[%dma_wait3A_245, %dma_wait3A_246] : memref<10016x16xf32, #tpu.memory_space<vmem_shared>> -> memref<10016x16xf32, #tpu.memory_space<vmem_shared>>
      tpu.wait_indirect_dma semaphore(%arg33 : memref<!tpu.dma_semaphore, #tpu.memory_space<semaphore_mem>>) src(%arg28 : memref<128x16xf32, #tpu.memory_space<vmem>>) dst(%dma_wait3A_247 : memref<10016x16xf32, #tpu.memory_space<vmem_shared>>)
      %dma_wait3A_248 = arith.constant 0 : i32
      %dma_wait3A_249 = arith.constant 0 : i32
      %dma_wait3A_250 = tpu.memref_slice %arg24[%dma_wait3A_248, %dma_wait3A_249] : memref<40x128xf32, #tpu.memory_space<vmem>> -> memref<1x128xf32, #tpu.memory_space<vmem>>
      %dma_wait3A_251 = tpu.memref_squeeze %dma_wait3A_250 : memref<1x128xf32, #tpu.memory_space<vmem>> -> memref<128xf32, #tpu.memory_space<vmem>>
      %dma_wait3A_252 = arith.constant 0 : i32
      %dma_wait3A_253 = tpu.memref_slice %arg19[%dma_wait3A_252] : memref<10016xf32, #tpu.memory_space<vmem_shared>> -> memref<10016xf32, #tpu.memory_space<vmem_shared>>
      tpu.wait_indirect_dma semaphore(%arg33 : memref<!tpu.dma_semaphore, #tpu.memory_space<semaphore_mem>>) src(%dma_wait3A_251 : memref<128xf32, #tpu.memory_space<vmem>>) dst(%dma_wait3A_253 : memref<10016xf32, #tpu.memory_space<vmem_shared>>)
      %dma_wait3A_254 = arith.constant 0 : i32
      %dma_wait3A_255 = tpu.memref_slice %arg20[%dma_wait3A_254] : memref<10016xf32, #tpu.memory_space<vmem_shared>> -> memref<10016xf32, #tpu.memory_space<vmem_shared>>
      tpu.wait_indirect_dma semaphore(%arg33 : memref<!tpu.dma_semaphore, #tpu.memory_space<semaphore_mem>>) src(%arg30 : memref<128xf32, #tpu.memory_space<vmem>>) dst(%dma_wait3A_255 : memref<10016xf32, #tpu.memory_space<vmem_shared>>)
      %add3A_256 = arith.constant 2 : i32
      %add3A_257 = arith.addi %add3A_222, %add3A_256 : i32
      %lt3A_258 = arith.constant 40 : i32
      %lt3A_259 = arith.cmpi slt, %add3A_257, %lt3A_258 : i32
      %convert_element_type3A_260 = arith.extui %lt3A_259 : i1 to i32
      %cond3A_261 = arith.constant 0 : i32
      %cond3A_262 = arith.cmpi ne, %convert_element_type3A_260, %cond3A_261 : i32
      scf.if %cond3A_262 {
        %add3A_308 = arith.constant 2 : i32
        %add3A_309 = arith.addi %add3A_222, %add3A_308 : i32
        %dma_start3A_310 = arith.constant 0 : i32
        %dma_start3A_311 = tpu.memref_slice %arg22[%add3A_309, %dma_start3A_310] : memref<40x128xi32, #tpu.memory_space<vmem>> -> memref<1x128xi32, #tpu.memory_space<vmem>>
        %dma_start3A_312 = tpu.memref_squeeze %dma_start3A_311 : memref<1x128xi32, #tpu.memory_space<vmem>> -> memref<128xi32, #tpu.memory_space<vmem>>
        %dma_start3A_313 = arith.constant 0 : i32
        %dma_start3A_314 = tpu.memref_slice %arg5[%dma_start3A_313] : memref<160016xi32, #tpu.memory_space<hbm>> -> memref<160016xi32, #tpu.memory_space<hbm>>
        tpu.enqueue_indirect_dma source(%dma_start3A_314 : memref<160016xi32, #tpu.memory_space<hbm>>) target(%arg26 : memref<128xi32, #tpu.memory_space<vmem>>) offsets(%dma_start3A_312 : memref<128xi32, #tpu.memory_space<vmem>>) semaphore(%arg32 : memref<!tpu.dma_semaphore, #tpu.memory_space<semaphore_mem>>)
        %dma_start3A_315 = arith.constant 0 : i32
        %dma_start3A_316 = tpu.memref_slice %arg23[%add3A_309, %dma_start3A_315] : memref<40x128xi32, #tpu.memory_space<vmem>> -> memref<1x128xi32, #tpu.memory_space<vmem>>
        %dma_start3A_317 = tpu.memref_squeeze %dma_start3A_316 : memref<1x128xi32, #tpu.memory_space<vmem>> -> memref<128xi32, #tpu.memory_space<vmem>>
        %dma_start3A_318 = arith.constant 0 : i32
        %dma_start3A_319 = arith.constant 0 : i32
        %dma_start3A_320 = tpu.memref_slice %arg7[%dma_start3A_318, %dma_start3A_319] : memref<163840x16xf32, #tpu.memory_space<hbm>> -> memref<163840x16xf32, #tpu.memory_space<hbm>>
        tpu.enqueue_indirect_dma source(%dma_start3A_320 : memref<163840x16xf32, #tpu.memory_space<hbm>>) target(%arg28 : memref<128x16xf32, #tpu.memory_space<vmem>>) offsets(%dma_start3A_317 : memref<128xi32, #tpu.memory_space<vmem>>) semaphore(%arg32 : memref<!tpu.dma_semaphore, #tpu.memory_space<semaphore_mem>>)
      } else {
      }
      %mul3A_263 = arith.constant 2 : i32
      %mul3A_264 = arith.muli %scan3A_218, %mul3A_263 : i32
      %add3A_265 = arith.constant 1 : i32
      %add3A_266 = arith.addi %mul3A_264, %add3A_265 : i32
      %dma_wait3A_267 = arith.constant 0 : i32
      %dma_wait3A_268 = arith.constant 0 : i32
      %dma_wait3A_269 = tpu.memref_slice %arg22[%dma_wait3A_267, %dma_wait3A_268] : memref<40x128xi32, #tpu.memory_space<vmem>> -> memref<1x128xi32, #tpu.memory_space<vmem>>
      %dma_wait3A_270 = tpu.memref_squeeze %dma_wait3A_269 : memref<1x128xi32, #tpu.memory_space<vmem>> -> memref<128xi32, #tpu.memory_space<vmem>>
      %dma_wait3A_271 = arith.constant 0 : i32
      %dma_wait3A_272 = tpu.memref_slice %arg5[%dma_wait3A_271] : memref<160016xi32, #tpu.memory_space<hbm>> -> memref<160016xi32, #tpu.memory_space<hbm>>
      tpu.wait_indirect_dma semaphore(%arg32 : memref<!tpu.dma_semaphore, #tpu.memory_space<semaphore_mem>>) src(%dma_wait3A_272 : memref<160016xi32, #tpu.memory_space<hbm>>) dst(%arg27 : memref<128xi32, #tpu.memory_space<vmem>>)
      %dma_wait3A_273 = arith.constant 0 : i32
      %dma_wait3A_274 = arith.constant 0 : i32
      %dma_wait3A_275 = tpu.memref_slice %arg23[%dma_wait3A_273, %dma_wait3A_274] : memref<40x128xi32, #tpu.memory_space<vmem>> -> memref<1x128xi32, #tpu.memory_space<vmem>>
      %dma_wait3A_276 = tpu.memref_squeeze %dma_wait3A_275 : memref<1x128xi32, #tpu.memory_space<vmem>> -> memref<128xi32, #tpu.memory_space<vmem>>
      %dma_wait3A_277 = arith.constant 0 : i32
      %dma_wait3A_278 = arith.constant 0 : i32
      %dma_wait3A_279 = tpu.memref_slice %arg7[%dma_wait3A_277, %dma_wait3A_278] : memref<163840x16xf32, #tpu.memory_space<hbm>> -> memref<163840x16xf32, #tpu.memory_space<hbm>>
      tpu.wait_indirect_dma semaphore(%arg32 : memref<!tpu.dma_semaphore, #tpu.memory_space<semaphore_mem>>) src(%dma_wait3A_279 : memref<163840x16xf32, #tpu.memory_space<hbm>>) dst(%arg29 : memref<128x16xf32, #tpu.memory_space<vmem>>)
      %dma_start3A_280 = arith.constant 0 : i32
      %dma_start3A_281 = arith.constant 0 : i32
      %dma_start3A_282 = tpu.memref_slice %arg18[%dma_start3A_280, %dma_start3A_281] : memref<10016x16xf32, #tpu.memory_space<vmem_shared>> -> memref<10016x16xf32, #tpu.memory_space<vmem_shared>>
      tpu.enqueue_indirect_dma source(%arg29 : memref<128x16xf32, #tpu.memory_space<vmem>>) target(%dma_start3A_282 : memref<10016x16xf32, #tpu.memory_space<vmem_shared>>) offsets(%arg27 : memref<128xi32, #tpu.memory_space<vmem>>) semaphore(%arg33 : memref<!tpu.dma_semaphore, #tpu.memory_space<semaphore_mem>>) {add = true}
      %dma_start3A_283 = arith.constant 0 : i32
      %dma_start3A_284 = tpu.memref_slice %arg24[%add3A_266, %dma_start3A_283] : memref<40x128xf32, #tpu.memory_space<vmem>> -> memref<1x128xf32, #tpu.memory_space<vmem>>
      %dma_start3A_285 = tpu.memref_squeeze %dma_start3A_284 : memref<1x128xf32, #tpu.memory_space<vmem>> -> memref<128xf32, #tpu.memory_space<vmem>>
      %dma_start3A_286 = arith.constant 0 : i32
      %dma_start3A_287 = tpu.memref_slice %arg19[%dma_start3A_286] : memref<10016xf32, #tpu.memory_space<vmem_shared>> -> memref<10016xf32, #tpu.memory_space<vmem_shared>>
      tpu.enqueue_indirect_dma source(%dma_start3A_285 : memref<128xf32, #tpu.memory_space<vmem>>) target(%dma_start3A_287 : memref<10016xf32, #tpu.memory_space<vmem_shared>>) offsets(%arg27 : memref<128xi32, #tpu.memory_space<vmem>>) semaphore(%arg33 : memref<!tpu.dma_semaphore, #tpu.memory_space<semaphore_mem>>) {add = true}
      %dma_start3A_288 = arith.constant 0 : i32
      %dma_start3A_289 = tpu.memref_slice %arg20[%dma_start3A_288] : memref<10016xf32, #tpu.memory_space<vmem_shared>> -> memref<10016xf32, #tpu.memory_space<vmem_shared>>
      tpu.enqueue_indirect_dma source(%arg30 : memref<128xf32, #tpu.memory_space<vmem>>) target(%dma_start3A_289 : memref<10016xf32, #tpu.memory_space<vmem_shared>>) offsets(%arg27 : memref<128xi32, #tpu.memory_space<vmem>>) semaphore(%arg33 : memref<!tpu.dma_semaphore, #tpu.memory_space<semaphore_mem>>) {add = true}
      %dma_wait3A_290 = arith.constant 0 : i32
      %dma_wait3A_291 = arith.constant 0 : i32
      %dma_wait3A_292 = tpu.memref_slice %arg18[%dma_wait3A_290, %dma_wait3A_291] : memref<10016x16xf32, #tpu.memory_space<vmem_shared>> -> memref<10016x16xf32, #tpu.memory_space<vmem_shared>>
      tpu.wait_indirect_dma semaphore(%arg33 : memref<!tpu.dma_semaphore, #tpu.memory_space<semaphore_mem>>) src(%arg29 : memref<128x16xf32, #tpu.memory_space<vmem>>) dst(%dma_wait3A_292 : memref<10016x16xf32, #tpu.memory_space<vmem_shared>>)
      %dma_wait3A_293 = arith.constant 0 : i32
      %dma_wait3A_294 = arith.constant 0 : i32
      %dma_wait3A_295 = tpu.memref_slice %arg24[%dma_wait3A_293, %dma_wait3A_294] : memref<40x128xf32, #tpu.memory_space<vmem>> -> memref<1x128xf32, #tpu.memory_space<vmem>>
      %dma_wait3A_296 = tpu.memref_squeeze %dma_wait3A_295 : memref<1x128xf32, #tpu.memory_space<vmem>> -> memref<128xf32, #tpu.memory_space<vmem>>
      %dma_wait3A_297 = arith.constant 0 : i32
      %dma_wait3A_298 = tpu.memref_slice %arg19[%dma_wait3A_297] : memref<10016xf32, #tpu.memory_space<vmem_shared>> -> memref<10016xf32, #tpu.memory_space<vmem_shared>>
      tpu.wait_indirect_dma semaphore(%arg33 : memref<!tpu.dma_semaphore, #tpu.memory_space<semaphore_mem>>) src(%dma_wait3A_296 : memref<128xf32, #tpu.memory_space<vmem>>) dst(%dma_wait3A_298 : memref<10016xf32, #tpu.memory_space<vmem_shared>>)
      %dma_wait3A_299 = arith.constant 0 : i32
      %dma_wait3A_300 = tpu.memref_slice %arg20[%dma_wait3A_299] : memref<10016xf32, #tpu.memory_space<vmem_shared>> -> memref<10016xf32, #tpu.memory_space<vmem_shared>>
      tpu.wait_indirect_dma semaphore(%arg33 : memref<!tpu.dma_semaphore, #tpu.memory_space<semaphore_mem>>) src(%arg30 : memref<128xf32, #tpu.memory_space<vmem>>) dst(%dma_wait3A_300 : memref<10016xf32, #tpu.memory_space<vmem_shared>>)
      %add3A_301 = arith.constant 2 : i32
      %add3A_302 = arith.addi %add3A_266, %add3A_301 : i32
      %lt3A_303 = arith.constant 40 : i32
      %lt3A_304 = arith.cmpi slt, %add3A_302, %lt3A_303 : i32
      %convert_element_type3A_305 = arith.extui %lt3A_304 : i1 to i32
      %cond3A_306 = arith.constant 0 : i32
      %cond3A_307 = arith.cmpi ne, %convert_element_type3A_305, %cond3A_306 : i32
      scf.if %cond3A_307 {
        %add3A_308 = arith.constant 2 : i32
        %add3A_309 = arith.addi %add3A_266, %add3A_308 : i32
        %dma_start3A_310 = arith.constant 0 : i32
        %dma_start3A_311 = tpu.memref_slice %arg22[%add3A_309, %dma_start3A_310] : memref<40x128xi32, #tpu.memory_space<vmem>> -> memref<1x128xi32, #tpu.memory_space<vmem>>
        %dma_start3A_312 = tpu.memref_squeeze %dma_start3A_311 : memref<1x128xi32, #tpu.memory_space<vmem>> -> memref<128xi32, #tpu.memory_space<vmem>>
        %dma_start3A_313 = arith.constant 0 : i32
        %dma_start3A_314 = tpu.memref_slice %arg5[%dma_start3A_313] : memref<160016xi32, #tpu.memory_space<hbm>> -> memref<160016xi32, #tpu.memory_space<hbm>>
        tpu.enqueue_indirect_dma source(%dma_start3A_314 : memref<160016xi32, #tpu.memory_space<hbm>>) target(%arg27 : memref<128xi32, #tpu.memory_space<vmem>>) offsets(%dma_start3A_312 : memref<128xi32, #tpu.memory_space<vmem>>) semaphore(%arg32 : memref<!tpu.dma_semaphore, #tpu.memory_space<semaphore_mem>>)
        %dma_start3A_315 = arith.constant 0 : i32
        %dma_start3A_316 = tpu.memref_slice %arg23[%add3A_309, %dma_start3A_315] : memref<40x128xi32, #tpu.memory_space<vmem>> -> memref<1x128xi32, #tpu.memory_space<vmem>>
        %dma_start3A_317 = tpu.memref_squeeze %dma_start3A_316 : memref<1x128xi32, #tpu.memory_space<vmem>> -> memref<128xi32, #tpu.memory_space<vmem>>
        %dma_start3A_318 = arith.constant 0 : i32
        %dma_start3A_319 = arith.constant 0 : i32
        %dma_start3A_320 = tpu.memref_slice %arg7[%dma_start3A_318, %dma_start3A_319] : memref<163840x16xf32, #tpu.memory_space<hbm>> -> memref<163840x16xf32, #tpu.memory_space<hbm>>
        tpu.enqueue_indirect_dma source(%dma_start3A_320 : memref<163840x16xf32, #tpu.memory_space<hbm>>) target(%arg29 : memref<128x16xf32, #tpu.memory_space<vmem>>) offsets(%dma_start3A_317 : memref<128xi32, #tpu.memory_space<vmem>>) semaphore(%arg32 : memref<!tpu.dma_semaphore, #tpu.memory_space<semaphore_mem>>)
      } else {
      }
    }
    %scan3A_91 = arith.constant 20 : i32
    %add3A_92 = arith.constant 0 : i32
    %add3A_93 = arith.addi %multiple_of3A_61, %add3A_92 : i32
    %mul3A_94 = arith.constant 128 : i32
    %mul3A_95 = arith.muli %add3A_93, %mul3A_94 : i32
    %multiple_of3A_96 = tpu.assume_multiple %mul3A_95, 128 : i32
    %dma_start3A_97 = arith.constant 0 : i32
    %dma_start3A_98 = tpu.memref_slice %arg7[%multiple_of3A_96, %dma_start3A_97] : memref<163840x16xf32, #tpu.memory_space<hbm>> -> memref<128x16xf32, #tpu.memory_space<hbm>>
    %dma_start3A_99 = arith.constant 0 : i32
    %dma_start3A_100 = tpu.memref_slice %arg7[%multiple_of3A_96, %dma_start3A_99] : memref<163840x16xf32, #tpu.memory_space<hbm>> -> memref<128x16xf32, #tpu.memory_space<hbm>>
    tpu.enqueue_dma source(%dma_start3A_100 : memref<128x16xf32, #tpu.memory_space<hbm>>) target(%arg28 : memref<128x16xf32, #tpu.memory_space<vmem>>) target_semaphore(%arg32 : memref<!tpu.dma_semaphore, #tpu.memory_space<semaphore_mem>>)
    %add3A_101 = arith.constant 1 : i32
    %add3A_102 = arith.addi %multiple_of3A_61, %add3A_101 : i32
    %mul3A_103 = arith.constant 128 : i32
    %mul3A_104 = arith.muli %add3A_102, %mul3A_103 : i32
    %multiple_of3A_105 = tpu.assume_multiple %mul3A_104, 128 : i32
    %dma_start3A_106 = arith.constant 0 : i32
    %dma_start3A_107 = tpu.memref_slice %arg7[%multiple_of3A_105, %dma_start3A_106] : memref<163840x16xf32, #tpu.memory_space<hbm>> -> memref<128x16xf32, #tpu.memory_space<hbm>>
    %dma_start3A_108 = arith.constant 0 : i32
    %dma_start3A_109 = tpu.memref_slice %arg7[%multiple_of3A_105, %dma_start3A_108] : memref<163840x16xf32, #tpu.memory_space<hbm>> -> memref<128x16xf32, #tpu.memory_space<hbm>>
    tpu.enqueue_dma source(%dma_start3A_109 : memref<128x16xf32, #tpu.memory_space<hbm>>) target(%arg29 : memref<128x16xf32, #tpu.memory_space<vmem>>) target_semaphore(%arg32 : memref<!tpu.dma_semaphore, #tpu.memory_space<semaphore_mem>>)
    %scan3A_110 = arith.constant 0 : i32
    %scan3A_111 = arith.constant 0 : i32
    %scan3A_112 = arith.constant 20 : i32
    %scan3A_113 = arith.addi %scan3A_111, %scan3A_112 : i32
    %scan3A_114 = arith.constant 1 : i32
    scf.for %scan3A_218 = %scan3A_111 to %scan3A_113 step %scan3A_114  : i32 {
      %mul3A_219 = arith.constant 2 : i32
      %mul3A_220 = arith.muli %scan3A_218, %mul3A_219 : i32
      %add3A_221 = arith.constant 0 : i32
      %add3A_222 = arith.addi %mul3A_220, %add3A_221 : i32
      %dma_wait3A = arith.constant 0 : i32
      %dma_wait3A_223 = arith.constant 0 : i32
      %dma_wait3A_224 = tpu.memref_slice %arg7[%dma_wait3A, %dma_wait3A_223] : memref<163840x16xf32, #tpu.memory_space<hbm>> -> memref<128x16xf32, #tpu.memory_space<hbm>>
      %dma_wait3A_225 = arith.constant 0 : i32
      %dma_wait3A_226 = arith.constant 0 : i32
      %dma_wait3A_227 = tpu.memref_slice %arg7[%dma_wait3A_225, %dma_wait3A_226] : memref<163840x16xf32, #tpu.memory_space<hbm>> -> memref<128x16xf32, #tpu.memory_space<hbm>>
      tpu.wait_dma2 semaphore(%arg32 : memref<!tpu.dma_semaphore, #tpu.memory_space<semaphore_mem>>) src(%dma_wait3A_227 : memref<128x16xf32, #tpu.memory_space<hbm>>) dst(%arg28 : memref<128x16xf32, #tpu.memory_space<vmem>>)
      %dma_start3A_228 = arith.constant 0 : i32
      %dma_start3A_229 = tpu.memref_slice %arg25[%add3A_222, %dma_start3A_228] : memref<40x128xi32, #tpu.memory_space<vmem>> -> memref<1x128xi32, #tpu.memory_space<vmem>>
      %dma_start3A_230 = tpu.memref_squeeze %dma_start3A_229 : memref<1x128xi32, #tpu.memory_space<vmem>> -> memref<128xi32, #tpu.memory_space<vmem>>
      %dma_start3A_231 = arith.constant 0 : i32
      %dma_start3A_232 = arith.constant 0 : i32
      %dma_start3A_233 = tpu.memref_slice %arg18[%dma_start3A_231, %dma_start3A_232] : memref<10016x16xf32, #tpu.memory_space<vmem_shared>> -> memref<10016x16xf32, #tpu.memory_space<vmem_shared>>
      tpu.enqueue_indirect_dma source(%arg28 : memref<128x16xf32, #tpu.memory_space<vmem>>) target(%dma_start3A_233 : memref<10016x16xf32, #tpu.memory_space<vmem_shared>>) offsets(%dma_start3A_230 : memref<128xi32, #tpu.memory_space<vmem>>) semaphore(%arg33 : memref<!tpu.dma_semaphore, #tpu.memory_space<semaphore_mem>>) {add = true}
      %dma_start3A_234 = arith.constant 0 : i32
      %dma_start3A_235 = tpu.memref_slice %arg25[%add3A_222, %dma_start3A_234] : memref<40x128xi32, #tpu.memory_space<vmem>> -> memref<1x128xi32, #tpu.memory_space<vmem>>
      %dma_start3A_236 = tpu.memref_squeeze %dma_start3A_235 : memref<1x128xi32, #tpu.memory_space<vmem>> -> memref<128xi32, #tpu.memory_space<vmem>>
      %dma_start3A_237 = arith.constant 0 : i32
      %dma_start3A_238 = tpu.memref_slice %arg21[%dma_start3A_237] : memref<10016xf32, #tpu.memory_space<vmem_shared>> -> memref<10016xf32, #tpu.memory_space<vmem_shared>>
      tpu.enqueue_indirect_dma source(%arg30 : memref<128xf32, #tpu.memory_space<vmem>>) target(%dma_start3A_238 : memref<10016xf32, #tpu.memory_space<vmem_shared>>) offsets(%dma_start3A_236 : memref<128xi32, #tpu.memory_space<vmem>>) semaphore(%arg33 : memref<!tpu.dma_semaphore, #tpu.memory_space<semaphore_mem>>) {add = true}
      %dma_wait3A_239 = arith.constant 0 : i32
      %dma_wait3A_240 = tpu.memref_slice %arg25[%add3A_222, %dma_wait3A_239] : memref<40x128xi32, #tpu.memory_space<vmem>> -> memref<1x128xi32, #tpu.memory_space<vmem>>
      %dma_wait3A_241 = tpu.memref_squeeze %dma_wait3A_240 : memref<1x128xi32, #tpu.memory_space<vmem>> -> memref<128xi32, #tpu.memory_space<vmem>>
      %dma_wait3A_242 = arith.constant 0 : i32
      %dma_wait3A_243 = arith.constant 0 : i32
      %dma_wait3A_244 = tpu.memref_slice %arg18[%dma_wait3A_242, %dma_wait3A_243] : memref<10016x16xf32, #tpu.memory_space<vmem_shared>> -> memref<10016x16xf32, #tpu.memory_space<vmem_shared>>
      tpu.wait_indirect_dma semaphore(%arg33 : memref<!tpu.dma_semaphore, #tpu.memory_space<semaphore_mem>>) src(%arg28 : memref<128x16xf32, #tpu.memory_space<vmem>>) dst(%dma_wait3A_244 : memref<10016x16xf32, #tpu.memory_space<vmem_shared>>)
      %dma_wait3A_245 = arith.constant 0 : i32
      %dma_wait3A_246 = tpu.memref_slice %arg25[%add3A_222, %dma_wait3A_245] : memref<40x128xi32, #tpu.memory_space<vmem>> -> memref<1x128xi32, #tpu.memory_space<vmem>>
      %dma_wait3A_247 = tpu.memref_squeeze %dma_wait3A_246 : memref<1x128xi32, #tpu.memory_space<vmem>> -> memref<128xi32, #tpu.memory_space<vmem>>
      %dma_wait3A_248 = arith.constant 0 : i32
      %dma_wait3A_249 = tpu.memref_slice %arg21[%dma_wait3A_248] : memref<10016xf32, #tpu.memory_space<vmem_shared>> -> memref<10016xf32, #tpu.memory_space<vmem_shared>>
      tpu.wait_indirect_dma semaphore(%arg33 : memref<!tpu.dma_semaphore, #tpu.memory_space<semaphore_mem>>) src(%arg30 : memref<128xf32, #tpu.memory_space<vmem>>) dst(%dma_wait3A_249 : memref<10016xf32, #tpu.memory_space<vmem_shared>>)
      %add3A_250 = arith.constant 2 : i32
      %add3A_251 = arith.addi %add3A_222, %add3A_250 : i32
      %lt3A_252 = arith.constant 40 : i32
      %lt3A_253 = arith.cmpi slt, %add3A_251, %lt3A_252 : i32
      %convert_element_type3A_254 = arith.extui %lt3A_253 : i1 to i32
      %cond3A_255 = arith.constant 0 : i32
      %cond3A_256 = arith.cmpi ne, %convert_element_type3A_254, %cond3A_255 : i32
      scf.if %cond3A_256 {
        %add3A_296 = arith.constant 2 : i32
        %add3A_297 = arith.addi %add3A_222, %add3A_296 : i32
        %add3A_298 = arith.addi %multiple_of3A_61, %add3A_297 : i32
        %mul3A_299 = arith.constant 128 : i32
        %mul3A_300 = arith.muli %add3A_298, %mul3A_299 : i32
        %multiple_of3A_301 = tpu.assume_multiple %mul3A_300, 128 : i32
        %dma_start3A_302 = arith.constant 0 : i32
        %dma_start3A_303 = tpu.memref_slice %arg7[%multiple_of3A_301, %dma_start3A_302] : memref<163840x16xf32, #tpu.memory_space<hbm>> -> memref<128x16xf32, #tpu.memory_space<hbm>>
        %dma_start3A_304 = arith.constant 0 : i32
        %dma_start3A_305 = tpu.memref_slice %arg7[%multiple_of3A_301, %dma_start3A_304] : memref<163840x16xf32, #tpu.memory_space<hbm>> -> memref<128x16xf32, #tpu.memory_space<hbm>>
        tpu.enqueue_dma source(%dma_start3A_305 : memref<128x16xf32, #tpu.memory_space<hbm>>) target(%arg28 : memref<128x16xf32, #tpu.memory_space<vmem>>) target_semaphore(%arg32 : memref<!tpu.dma_semaphore, #tpu.memory_space<semaphore_mem>>)
      } else {
      }
      %mul3A_257 = arith.constant 2 : i32
      %mul3A_258 = arith.muli %scan3A_218, %mul3A_257 : i32
      %add3A_259 = arith.constant 1 : i32
      %add3A_260 = arith.addi %mul3A_258, %add3A_259 : i32
      %dma_wait3A_261 = arith.constant 0 : i32
      %dma_wait3A_262 = arith.constant 0 : i32
      %dma_wait3A_263 = tpu.memref_slice %arg7[%dma_wait3A_261, %dma_wait3A_262] : memref<163840x16xf32, #tpu.memory_space<hbm>> -> memref<128x16xf32, #tpu.memory_space<hbm>>
      %dma_wait3A_264 = arith.constant 0 : i32
      %dma_wait3A_265 = arith.constant 0 : i32
      %dma_wait3A_266 = tpu.memref_slice %arg7[%dma_wait3A_264, %dma_wait3A_265] : memref<163840x16xf32, #tpu.memory_space<hbm>> -> memref<128x16xf32, #tpu.memory_space<hbm>>
      tpu.wait_dma2 semaphore(%arg32 : memref<!tpu.dma_semaphore, #tpu.memory_space<semaphore_mem>>) src(%dma_wait3A_266 : memref<128x16xf32, #tpu.memory_space<hbm>>) dst(%arg29 : memref<128x16xf32, #tpu.memory_space<vmem>>)
      %dma_start3A_267 = arith.constant 0 : i32
      %dma_start3A_268 = tpu.memref_slice %arg25[%add3A_260, %dma_start3A_267] : memref<40x128xi32, #tpu.memory_space<vmem>> -> memref<1x128xi32, #tpu.memory_space<vmem>>
      %dma_start3A_269 = tpu.memref_squeeze %dma_start3A_268 : memref<1x128xi32, #tpu.memory_space<vmem>> -> memref<128xi32, #tpu.memory_space<vmem>>
      %dma_start3A_270 = arith.constant 0 : i32
      %dma_start3A_271 = arith.constant 0 : i32
      %dma_start3A_272 = tpu.memref_slice %arg18[%dma_start3A_270, %dma_start3A_271] : memref<10016x16xf32, #tpu.memory_space<vmem_shared>> -> memref<10016x16xf32, #tpu.memory_space<vmem_shared>>
      tpu.enqueue_indirect_dma source(%arg29 : memref<128x16xf32, #tpu.memory_space<vmem>>) target(%dma_start3A_272 : memref<10016x16xf32, #tpu.memory_space<vmem_shared>>) offsets(%dma_start3A_269 : memref<128xi32, #tpu.memory_space<vmem>>) semaphore(%arg33 : memref<!tpu.dma_semaphore, #tpu.memory_space<semaphore_mem>>) {add = true}
      %dma_start3A_273 = arith.constant 0 : i32
      %dma_start3A_274 = tpu.memref_slice %arg25[%add3A_260, %dma_start3A_273] : memref<40x128xi32, #tpu.memory_space<vmem>> -> memref<1x128xi32, #tpu.memory_space<vmem>>
      %dma_start3A_275 = tpu.memref_squeeze %dma_start3A_274 : memref<1x128xi32, #tpu.memory_space<vmem>> -> memref<128xi32, #tpu.memory_space<vmem>>
      %dma_start3A_276 = arith.constant 0 : i32
      %dma_start3A_277 = tpu.memref_slice %arg21[%dma_start3A_276] : memref<10016xf32, #tpu.memory_space<vmem_shared>> -> memref<10016xf32, #tpu.memory_space<vmem_shared>>
      tpu.enqueue_indirect_dma source(%arg30 : memref<128xf32, #tpu.memory_space<vmem>>) target(%dma_start3A_277 : memref<10016xf32, #tpu.memory_space<vmem_shared>>) offsets(%dma_start3A_275 : memref<128xi32, #tpu.memory_space<vmem>>) semaphore(%arg33 : memref<!tpu.dma_semaphore, #tpu.memory_space<semaphore_mem>>) {add = true}
      %dma_wait3A_278 = arith.constant 0 : i32
      %dma_wait3A_279 = tpu.memref_slice %arg25[%add3A_260, %dma_wait3A_278] : memref<40x128xi32, #tpu.memory_space<vmem>> -> memref<1x128xi32, #tpu.memory_space<vmem>>
      %dma_wait3A_280 = tpu.memref_squeeze %dma_wait3A_279 : memref<1x128xi32, #tpu.memory_space<vmem>> -> memref<128xi32, #tpu.memory_space<vmem>>
      %dma_wait3A_281 = arith.constant 0 : i32
      %dma_wait3A_282 = arith.constant 0 : i32
      %dma_wait3A_283 = tpu.memref_slice %arg18[%dma_wait3A_281, %dma_wait3A_282] : memref<10016x16xf32, #tpu.memory_space<vmem_shared>> -> memref<10016x16xf32, #tpu.memory_space<vmem_shared>>
      tpu.wait_indirect_dma semaphore(%arg33 : memref<!tpu.dma_semaphore, #tpu.memory_space<semaphore_mem>>) src(%arg29 : memref<128x16xf32, #tpu.memory_space<vmem>>) dst(%dma_wait3A_283 : memref<10016x16xf32, #tpu.memory_space<vmem_shared>>)
      %dma_wait3A_284 = arith.constant 0 : i32
      %dma_wait3A_285 = tpu.memref_slice %arg25[%add3A_260, %dma_wait3A_284] : memref<40x128xi32, #tpu.memory_space<vmem>> -> memref<1x128xi32, #tpu.memory_space<vmem>>
      %dma_wait3A_286 = tpu.memref_squeeze %dma_wait3A_285 : memref<1x128xi32, #tpu.memory_space<vmem>> -> memref<128xi32, #tpu.memory_space<vmem>>
      %dma_wait3A_287 = arith.constant 0 : i32
      %dma_wait3A_288 = tpu.memref_slice %arg21[%dma_wait3A_287] : memref<10016xf32, #tpu.memory_space<vmem_shared>> -> memref<10016xf32, #tpu.memory_space<vmem_shared>>
      tpu.wait_indirect_dma semaphore(%arg33 : memref<!tpu.dma_semaphore, #tpu.memory_space<semaphore_mem>>) src(%arg30 : memref<128xf32, #tpu.memory_space<vmem>>) dst(%dma_wait3A_288 : memref<10016xf32, #tpu.memory_space<vmem_shared>>)
      %add3A_289 = arith.constant 2 : i32
      %add3A_290 = arith.addi %add3A_260, %add3A_289 : i32
      %lt3A_291 = arith.constant 40 : i32
      %lt3A_292 = arith.cmpi slt, %add3A_290, %lt3A_291 : i32
      %convert_element_type3A_293 = arith.extui %lt3A_292 : i1 to i32
      %cond3A_294 = arith.constant 0 : i32
      %cond3A_295 = arith.cmpi ne, %convert_element_type3A_293, %cond3A_294 : i32
      scf.if %cond3A_295 {
        %add3A_296 = arith.constant 2 : i32
        %add3A_297 = arith.addi %add3A_260, %add3A_296 : i32
        %add3A_298 = arith.addi %multiple_of3A_61, %add3A_297 : i32
        %mul3A_299 = arith.constant 128 : i32
        %mul3A_300 = arith.muli %add3A_298, %mul3A_299 : i32
        %multiple_of3A_301 = tpu.assume_multiple %mul3A_300, 128 : i32
        %dma_start3A_302 = arith.constant 0 : i32
        %dma_start3A_303 = tpu.memref_slice %arg7[%multiple_of3A_301, %dma_start3A_302] : memref<163840x16xf32, #tpu.memory_space<hbm>> -> memref<128x16xf32, #tpu.memory_space<hbm>>
        %dma_start3A_304 = arith.constant 0 : i32
        %dma_start3A_305 = tpu.memref_slice %arg7[%multiple_of3A_301, %dma_start3A_304] : memref<163840x16xf32, #tpu.memory_space<hbm>> -> memref<128x16xf32, #tpu.memory_space<hbm>>
        tpu.enqueue_dma source(%dma_start3A_305 : memref<128x16xf32, #tpu.memory_space<hbm>>) target(%arg29 : memref<128x16xf32, #tpu.memory_space<vmem>>) target_semaphore(%arg32 : memref<!tpu.dma_semaphore, #tpu.memory_space<semaphore_mem>>)
      } else {
      }
    }
    %scan3A_115 = arith.constant 20 : i32
    %barrier3A_116 = arith.constant 0 : index
    tpu.barrier barrier_id(%barrier3A_116)
    %eq3A = arith.constant 0 : i32
    %eq3A_117 = arith.cmpi eq, %arg0, %eq3A : i32
    %convert_element_type3A_118 = arith.extui %eq3A_117 : i1 to i32
    %cond3A_119 = arith.constant 0 : i32
    %cond3A_120 = arith.cmpi ne, %convert_element_type3A_118, %cond3A_119 : i32
    scf.if %cond3A_120 {
      %mul3A_218 = arith.constant 624 : i32
      %mul3A_219 = arith.muli %arg1, %mul3A_218 : i32
      %multiple_of3A_220 = tpu.assume_multiple %mul3A_219, 8 : i32
      "tpu.region"() ({
        %run_scoped3A = tpu.sem_alloc : memref<!tpu.dma_semaphore, #tpu.memory_space<semaphore_mem>>
        %dma_start3A_226 = arith.constant 0 : i32
        %dma_start3A_227 = tpu.memref_slice %arg10[%multiple_of3A_220, %dma_start3A_226] : memref<10000x16xf32, #tpu.memory_space<hbm>> -> memref<624x16xf32, #tpu.memory_space<hbm>>
        %dma_start3A_228 = arith.constant 0 : i32
        %dma_start3A_229 = tpu.memref_slice %arg18[%multiple_of3A_220, %dma_start3A_228] : memref<10016x16xf32, #tpu.memory_space<vmem_shared>> -> memref<624x16xf32, #tpu.memory_space<vmem_shared>>
        tpu.enqueue_dma source(%dma_start3A_229 : memref<624x16xf32, #tpu.memory_space<vmem_shared>>) target(%dma_start3A_227 : memref<624x16xf32, #tpu.memory_space<hbm>>) target_semaphore(%run_scoped3A : memref<!tpu.dma_semaphore, #tpu.memory_space<semaphore_mem>>)
        %dma_wait3A = arith.constant 0 : i32
        %dma_wait3A_230 = tpu.memref_slice %arg10[%multiple_of3A_220, %dma_wait3A] : memref<10000x16xf32, #tpu.memory_space<hbm>> -> memref<624x16xf32, #tpu.memory_space<hbm>>
        %dma_wait3A_231 = arith.constant 0 : i32
        %dma_wait3A_232 = tpu.memref_slice %arg18[%multiple_of3A_220, %dma_wait3A_231] : memref<10016x16xf32, #tpu.memory_space<vmem_shared>> -> memref<624x16xf32, #tpu.memory_space<vmem_shared>>
        tpu.wait_dma2 semaphore(%run_scoped3A : memref<!tpu.dma_semaphore, #tpu.memory_space<semaphore_mem>>) src(%dma_wait3A_232 : memref<624x16xf32, #tpu.memory_space<vmem_shared>>) dst(%dma_wait3A_230 : memref<624x16xf32, #tpu.memory_space<hbm>>)
        tpu.yield
      }) : () -> ()
      %lt3A_221 = arith.constant 2 : i32
      %lt3A_222 = arith.cmpi slt, %arg1, %lt3A_221 : i32
      %convert_element_type3A_223 = arith.extui %lt3A_222 : i1 to i32
      %cond3A_224 = arith.constant 0 : i32
      %cond3A_225 = arith.cmpi ne, %convert_element_type3A_223, %cond3A_224 : i32
      scf.if %cond3A_225 {
        %mul3A_226 = arith.constant 8 : i32
        %mul3A_227 = arith.muli %arg1, %mul3A_226 : i32
        %add3A_228 = arith.constant 9984 : i32
        %add3A_229 = arith.addi %add3A_228, %mul3A_227 : i32
        %multiple_of3A_230 = tpu.assume_multiple %add3A_229, 8 : i32
        "tpu.region"() ({
          %run_scoped3A = tpu.sem_alloc : memref<!tpu.dma_semaphore, #tpu.memory_space<semaphore_mem>>
          %dma_start3A_231 = arith.constant 0 : i32
          %dma_start3A_232 = tpu.memref_slice %arg10[%multiple_of3A_230, %dma_start3A_231] : memref<10000x16xf32, #tpu.memory_space<hbm>> -> memref<8x16xf32, #tpu.memory_space<hbm>>
          %dma_start3A_233 = arith.constant 0 : i32
          %dma_start3A_234 = tpu.memref_slice %arg18[%multiple_of3A_230, %dma_start3A_233] : memref<10016x16xf32, #tpu.memory_space<vmem_shared>> -> memref<8x16xf32, #tpu.memory_space<vmem_shared>>
          tpu.enqueue_dma source(%dma_start3A_234 : memref<8x16xf32, #tpu.memory_space<vmem_shared>>) target(%dma_start3A_232 : memref<8x16xf32, #tpu.memory_space<hbm>>) target_semaphore(%run_scoped3A : memref<!tpu.dma_semaphore, #tpu.memory_space<semaphore_mem>>)
          %dma_wait3A = arith.constant 0 : i32
          %dma_wait3A_235 = tpu.memref_slice %arg10[%multiple_of3A_230, %dma_wait3A] : memref<10000x16xf32, #tpu.memory_space<hbm>> -> memref<8x16xf32, #tpu.memory_space<hbm>>
          %dma_wait3A_236 = arith.constant 0 : i32
          %dma_wait3A_237 = tpu.memref_slice %arg18[%multiple_of3A_230, %dma_wait3A_236] : memref<10016x16xf32, #tpu.memory_space<vmem_shared>> -> memref<8x16xf32, #tpu.memory_space<vmem_shared>>
          tpu.wait_dma2 semaphore(%run_scoped3A : memref<!tpu.dma_semaphore, #tpu.memory_space<semaphore_mem>>) src(%dma_wait3A_237 : memref<8x16xf32, #tpu.memory_space<vmem_shared>>) dst(%dma_wait3A_235 : memref<8x16xf32, #tpu.memory_space<hbm>>)
          tpu.yield
        }) : () -> ()
      } else {
      }
    } else {
    }
    %eq3A_121 = arith.constant 1 : i32
    %eq3A_122 = arith.cmpi eq, %arg0, %eq3A_121 : i32
    %convert_element_type3A_123 = arith.extui %eq3A_122 : i1 to i32
    %cond3A_124 = arith.constant 0 : i32
    %cond3A_125 = arith.cmpi ne, %convert_element_type3A_123, %cond3A_124 : i32
    scf.if %cond3A_125 {
      %mul3A_218 = arith.constant 624 : i32
      %mul3A_219 = arith.muli %arg1, %mul3A_218 : i32
      %multiple_of3A_220 = tpu.assume_multiple %mul3A_219, 8 : i32
      "tpu.region"() ({
        %run_scoped3A = tpu.sem_alloc : memref<!tpu.dma_semaphore, #tpu.memory_space<semaphore_mem>>
        %dma_start3A_226 = arith.constant 0 : i32
        %dma_start3A_227 = tpu.memref_slice %arg11[%multiple_of3A_220, %dma_start3A_226] : memref<10000x16xf32, #tpu.memory_space<hbm>> -> memref<624x16xf32, #tpu.memory_space<hbm>>
        %dma_start3A_228 = arith.constant 0 : i32
        %dma_start3A_229 = tpu.memref_slice %arg18[%multiple_of3A_220, %dma_start3A_228] : memref<10016x16xf32, #tpu.memory_space<vmem_shared>> -> memref<624x16xf32, #tpu.memory_space<vmem_shared>>
        tpu.enqueue_dma source(%dma_start3A_229 : memref<624x16xf32, #tpu.memory_space<vmem_shared>>) target(%dma_start3A_227 : memref<624x16xf32, #tpu.memory_space<hbm>>) target_semaphore(%run_scoped3A : memref<!tpu.dma_semaphore, #tpu.memory_space<semaphore_mem>>)
        %dma_wait3A = arith.constant 0 : i32
        %dma_wait3A_230 = tpu.memref_slice %arg11[%multiple_of3A_220, %dma_wait3A] : memref<10000x16xf32, #tpu.memory_space<hbm>> -> memref<624x16xf32, #tpu.memory_space<hbm>>
        %dma_wait3A_231 = arith.constant 0 : i32
        %dma_wait3A_232 = tpu.memref_slice %arg18[%multiple_of3A_220, %dma_wait3A_231] : memref<10016x16xf32, #tpu.memory_space<vmem_shared>> -> memref<624x16xf32, #tpu.memory_space<vmem_shared>>
        tpu.wait_dma2 semaphore(%run_scoped3A : memref<!tpu.dma_semaphore, #tpu.memory_space<semaphore_mem>>) src(%dma_wait3A_232 : memref<624x16xf32, #tpu.memory_space<vmem_shared>>) dst(%dma_wait3A_230 : memref<624x16xf32, #tpu.memory_space<hbm>>)
        tpu.yield
      }) : () -> ()
      %lt3A_221 = arith.constant 2 : i32
      %lt3A_222 = arith.cmpi slt, %arg1, %lt3A_221 : i32
      %convert_element_type3A_223 = arith.extui %lt3A_222 : i1 to i32
      %cond3A_224 = arith.constant 0 : i32
      %cond3A_225 = arith.cmpi ne, %convert_element_type3A_223, %cond3A_224 : i32
      scf.if %cond3A_225 {
        %mul3A_226 = arith.constant 8 : i32
        %mul3A_227 = arith.muli %arg1, %mul3A_226 : i32
        %add3A_228 = arith.constant 9984 : i32
        %add3A_229 = arith.addi %add3A_228, %mul3A_227 : i32
        %multiple_of3A_230 = tpu.assume_multiple %add3A_229, 8 : i32
        "tpu.region"() ({
          %run_scoped3A = tpu.sem_alloc : memref<!tpu.dma_semaphore, #tpu.memory_space<semaphore_mem>>
          %dma_start3A_231 = arith.constant 0 : i32
          %dma_start3A_232 = tpu.memref_slice %arg11[%multiple_of3A_230, %dma_start3A_231] : memref<10000x16xf32, #tpu.memory_space<hbm>> -> memref<8x16xf32, #tpu.memory_space<hbm>>
          %dma_start3A_233 = arith.constant 0 : i32
          %dma_start3A_234 = tpu.memref_slice %arg18[%multiple_of3A_230, %dma_start3A_233] : memref<10016x16xf32, #tpu.memory_space<vmem_shared>> -> memref<8x16xf32, #tpu.memory_space<vmem_shared>>
          tpu.enqueue_dma source(%dma_start3A_234 : memref<8x16xf32, #tpu.memory_space<vmem_shared>>) target(%dma_start3A_232 : memref<8x16xf32, #tpu.memory_space<hbm>>) target_semaphore(%run_scoped3A : memref<!tpu.dma_semaphore, #tpu.memory_space<semaphore_mem>>)
          %dma_wait3A = arith.constant 0 : i32
          %dma_wait3A_235 = tpu.memref_slice %arg11[%multiple_of3A_230, %dma_wait3A] : memref<10000x16xf32, #tpu.memory_space<hbm>> -> memref<8x16xf32, #tpu.memory_space<hbm>>
          %dma_wait3A_236 = arith.constant 0 : i32
          %dma_wait3A_237 = tpu.memref_slice %arg18[%multiple_of3A_230, %dma_wait3A_236] : memref<10016x16xf32, #tpu.memory_space<vmem_shared>> -> memref<8x16xf32, #tpu.memory_space<vmem_shared>>
          tpu.wait_dma2 semaphore(%run_scoped3A : memref<!tpu.dma_semaphore, #tpu.memory_space<semaphore_mem>>) src(%dma_wait3A_237 : memref<8x16xf32, #tpu.memory_space<vmem_shared>>) dst(%dma_wait3A_235 : memref<8x16xf32, #tpu.memory_space<hbm>>)
          tpu.yield
        }) : () -> ()
      } else {
      }
    } else {
    }
    "tpu.region"() ({
      %run_scoped3A = tpu.sem_alloc : memref<!tpu.dma_semaphore, #tpu.memory_space<semaphore_mem>>
      %dma_start3A_218 = arith.constant 0 : i32
      %dma_start3A_219 = tpu.memref_slice %arg31[%dma_start3A_218] : memref<632xf32, #tpu.memory_space<vmem>> -> memref<624xf32, #tpu.memory_space<vmem>>
      %dma_start3A_220 = tpu.memref_slice %arg19[%multiple_of3A_7] : memref<10016xf32, #tpu.memory_space<vmem_shared>> -> memref<624xf32, #tpu.memory_space<vmem_shared>>
      %dma_start3A_221 = arith.constant 0 : i32
      %dma_start3A_222 = tpu.memref_slice %arg31[%dma_start3A_221] : memref<632xf32, #tpu.memory_space<vmem>> -> memref<624xf32, #tpu.memory_space<vmem>>
      %dma_start3A_223 = tpu.memref_slice %arg19[%multiple_of3A_7] : memref<10016xf32, #tpu.memory_space<vmem_shared>> -> memref<624xf32, #tpu.memory_space<vmem_shared>>
      tpu.enqueue_dma source(%dma_start3A_223 : memref<624xf32, #tpu.memory_space<vmem_shared>>) target(%dma_start3A_222 : memref<624xf32, #tpu.memory_space<vmem>>) target_semaphore(%run_scoped3A : memref<!tpu.dma_semaphore, #tpu.memory_space<semaphore_mem>>)
      %dma_wait3A = arith.constant 0 : i32
      %dma_wait3A_224 = tpu.memref_slice %arg31[%dma_wait3A] : memref<632xf32, #tpu.memory_space<vmem>> -> memref<624xf32, #tpu.memory_space<vmem>>
      %dma_wait3A_225 = tpu.memref_slice %arg19[%multiple_of3A_7] : memref<10016xf32, #tpu.memory_space<vmem_shared>> -> memref<624xf32, #tpu.memory_space<vmem_shared>>
      %dma_wait3A_226 = arith.constant 0 : i32
      %dma_wait3A_227 = tpu.memref_slice %arg31[%dma_wait3A_226] : memref<632xf32, #tpu.memory_space<vmem>> -> memref<624xf32, #tpu.memory_space<vmem>>
      %dma_wait3A_228 = tpu.memref_slice %arg19[%multiple_of3A_7] : memref<10016xf32, #tpu.memory_space<vmem_shared>> -> memref<624xf32, #tpu.memory_space<vmem_shared>>
      tpu.wait_dma2 semaphore(%run_scoped3A : memref<!tpu.dma_semaphore, #tpu.memory_space<semaphore_mem>>) src(%dma_wait3A_228 : memref<624xf32, #tpu.memory_space<vmem_shared>>) dst(%dma_wait3A_227 : memref<624xf32, #tpu.memory_space<vmem>>)
      tpu.yield
    }) : () -> ()
    %lt3A_126 = arith.constant 2 : i32
    %lt3A_127 = arith.cmpi slt, %arg1, %lt3A_126 : i32
    %convert_element_type3A_128 = arith.extui %lt3A_127 : i1 to i32
    %cond3A_129 = arith.constant 0 : i32
    %cond3A_130 = arith.cmpi ne, %convert_element_type3A_128, %cond3A_129 : i32
    scf.if %cond3A_130 {
      %mul3A_218 = arith.constant 8 : i32
      %mul3A_219 = arith.muli %arg1, %mul3A_218 : i32
      %add3A_220 = arith.constant 9984 : i32
      %add3A_221 = arith.addi %add3A_220, %mul3A_219 : i32
      %multiple_of3A_222 = tpu.assume_multiple %add3A_221, 8 : i32
      "tpu.region"() ({
        %run_scoped3A = tpu.sem_alloc : memref<!tpu.dma_semaphore, #tpu.memory_space<semaphore_mem>>
        %dma_start3A_223 = arith.constant 624 : i32
        %dma_start3A_224 = tpu.memref_slice %arg31[%dma_start3A_223] : memref<632xf32, #tpu.memory_space<vmem>> -> memref<8xf32, #tpu.memory_space<vmem>>
        %dma_start3A_225 = tpu.memref_slice %arg19[%multiple_of3A_222] : memref<10016xf32, #tpu.memory_space<vmem_shared>> -> memref<8xf32, #tpu.memory_space<vmem_shared>>
        %dma_start3A_226 = arith.constant 624 : i32
        %dma_start3A_227 = tpu.memref_slice %arg31[%dma_start3A_226] : memref<632xf32, #tpu.memory_space<vmem>> -> memref<8xf32, #tpu.memory_space<vmem>>
        %dma_start3A_228 = tpu.memref_slice %arg19[%multiple_of3A_222] : memref<10016xf32, #tpu.memory_space<vmem_shared>> -> memref<8xf32, #tpu.memory_space<vmem_shared>>
        tpu.enqueue_dma source(%dma_start3A_228 : memref<8xf32, #tpu.memory_space<vmem_shared>>) target(%dma_start3A_227 : memref<8xf32, #tpu.memory_space<vmem>>) target_semaphore(%run_scoped3A : memref<!tpu.dma_semaphore, #tpu.memory_space<semaphore_mem>>)
        %dma_wait3A = arith.constant 624 : i32
        %dma_wait3A_229 = tpu.memref_slice %arg31[%dma_wait3A] : memref<632xf32, #tpu.memory_space<vmem>> -> memref<8xf32, #tpu.memory_space<vmem>>
        %dma_wait3A_230 = tpu.memref_slice %arg19[%multiple_of3A_222] : memref<10016xf32, #tpu.memory_space<vmem_shared>> -> memref<8xf32, #tpu.memory_space<vmem_shared>>
        %dma_wait3A_231 = arith.constant 624 : i32
        %dma_wait3A_232 = tpu.memref_slice %arg31[%dma_wait3A_231] : memref<632xf32, #tpu.memory_space<vmem>> -> memref<8xf32, #tpu.memory_space<vmem>>
        %dma_wait3A_233 = tpu.memref_slice %arg19[%multiple_of3A_222] : memref<10016xf32, #tpu.memory_space<vmem_shared>> -> memref<8xf32, #tpu.memory_space<vmem_shared>>
        tpu.wait_dma2 semaphore(%run_scoped3A : memref<!tpu.dma_semaphore, #tpu.memory_space<semaphore_mem>>) src(%dma_wait3A_233 : memref<8xf32, #tpu.memory_space<vmem_shared>>) dst(%dma_wait3A_232 : memref<8xf32, #tpu.memory_space<vmem>>)
        tpu.yield
      }) : () -> ()
    } else {
    }
    %eq3A_131 = arith.constant 0 : i32
    %eq3A_132 = arith.cmpi eq, %arg0, %eq3A_131 : i32
    %convert_element_type3A_133 = arith.extui %eq3A_132 : i1 to i32
    %cond3A_134 = arith.constant 0 : i32
    %cond3A_135 = arith.cmpi ne, %convert_element_type3A_133, %cond3A_134 : i32
    scf.if %cond3A_135 {
      "tpu.region"() ({
        %run_scoped3A = tpu.sem_alloc : memref<!tpu.dma_semaphore, #tpu.memory_space<semaphore_mem>>
        %dma_start3A_218 = arith.constant 0 : i32
        %dma_start3A_219 = tpu.memref_slice %arg31[%dma_start3A_218] : memref<632xf32, #tpu.memory_space<vmem>> -> memref<624xf32, #tpu.memory_space<vmem>>
        %dma_start3A_220 = tpu.memref_slice %arg12[%multiple_of3A_7] : memref<10000xf32, #tpu.memory_space<hbm>> -> memref<624xf32, #tpu.memory_space<hbm>>
        %dma_start3A_221 = tpu.memref_slice %arg12[%multiple_of3A_7] : memref<10000xf32, #tpu.memory_space<hbm>> -> memref<624xf32, #tpu.memory_space<hbm>>
        %dma_start3A_222 = arith.constant 0 : i32
        %dma_start3A_223 = tpu.memref_slice %arg31[%dma_start3A_222] : memref<632xf32, #tpu.memory_space<vmem>> -> memref<624xf32, #tpu.memory_space<vmem>>
        tpu.enqueue_dma source(%dma_start3A_223 : memref<624xf32, #tpu.memory_space<vmem>>) target(%dma_start3A_221 : memref<624xf32, #tpu.memory_space<hbm>>) target_semaphore(%run_scoped3A : memref<!tpu.dma_semaphore, #tpu.memory_space<semaphore_mem>>)
        %dma_wait3A = arith.constant 0 : i32
        %dma_wait3A_224 = tpu.memref_slice %arg31[%dma_wait3A] : memref<632xf32, #tpu.memory_space<vmem>> -> memref<624xf32, #tpu.memory_space<vmem>>
        %dma_wait3A_225 = tpu.memref_slice %arg12[%multiple_of3A_7] : memref<10000xf32, #tpu.memory_space<hbm>> -> memref<624xf32, #tpu.memory_space<hbm>>
        %dma_wait3A_226 = tpu.memref_slice %arg12[%multiple_of3A_7] : memref<10000xf32, #tpu.memory_space<hbm>> -> memref<624xf32, #tpu.memory_space<hbm>>
        %dma_wait3A_227 = arith.constant 0 : i32
        %dma_wait3A_228 = tpu.memref_slice %arg31[%dma_wait3A_227] : memref<632xf32, #tpu.memory_space<vmem>> -> memref<624xf32, #tpu.memory_space<vmem>>
        tpu.wait_dma2 semaphore(%run_scoped3A : memref<!tpu.dma_semaphore, #tpu.memory_space<semaphore_mem>>) src(%dma_wait3A_228 : memref<624xf32, #tpu.memory_space<vmem>>) dst(%dma_wait3A_226 : memref<624xf32, #tpu.memory_space<hbm>>)
        tpu.yield
      }) : () -> ()
    } else {
    }
    %eq3A_136 = arith.constant 1 : i32
    %eq3A_137 = arith.cmpi eq, %arg0, %eq3A_136 : i32
    %convert_element_type3A_138 = arith.extui %eq3A_137 : i1 to i32
    %cond3A_139 = arith.constant 0 : i32
    %cond3A_140 = arith.cmpi ne, %convert_element_type3A_138, %cond3A_139 : i32
    scf.if %cond3A_140 {
      "tpu.region"() ({
        %run_scoped3A = tpu.sem_alloc : memref<!tpu.dma_semaphore, #tpu.memory_space<semaphore_mem>>
        %dma_start3A_218 = arith.constant 0 : i32
        %dma_start3A_219 = tpu.memref_slice %arg31[%dma_start3A_218] : memref<632xf32, #tpu.memory_space<vmem>> -> memref<624xf32, #tpu.memory_space<vmem>>
        %dma_start3A_220 = tpu.memref_slice %arg13[%multiple_of3A_7] : memref<10000xf32, #tpu.memory_space<hbm>> -> memref<624xf32, #tpu.memory_space<hbm>>
        %dma_start3A_221 = tpu.memref_slice %arg13[%multiple_of3A_7] : memref<10000xf32, #tpu.memory_space<hbm>> -> memref<624xf32, #tpu.memory_space<hbm>>
        %dma_start3A_222 = arith.constant 0 : i32
        %dma_start3A_223 = tpu.memref_slice %arg31[%dma_start3A_222] : memref<632xf32, #tpu.memory_space<vmem>> -> memref<624xf32, #tpu.memory_space<vmem>>
        tpu.enqueue_dma source(%dma_start3A_223 : memref<624xf32, #tpu.memory_space<vmem>>) target(%dma_start3A_221 : memref<624xf32, #tpu.memory_space<hbm>>) target_semaphore(%run_scoped3A : memref<!tpu.dma_semaphore, #tpu.memory_space<semaphore_mem>>)
        %dma_wait3A = arith.constant 0 : i32
        %dma_wait3A_224 = tpu.memref_slice %arg31[%dma_wait3A] : memref<632xf32, #tpu.memory_space<vmem>> -> memref<624xf32, #tpu.memory_space<vmem>>
        %dma_wait3A_225 = tpu.memref_slice %arg13[%multiple_of3A_7] : memref<10000xf32, #tpu.memory_space<hbm>> -> memref<624xf32, #tpu.memory_space<hbm>>
        %dma_wait3A_226 = tpu.memref_slice %arg13[%multiple_of3A_7] : memref<10000xf32, #tpu.memory_space<hbm>> -> memref<624xf32, #tpu.memory_space<hbm>>
        %dma_wait3A_227 = arith.constant 0 : i32
        %dma_wait3A_228 = tpu.memref_slice %arg31[%dma_wait3A_227] : memref<632xf32, #tpu.memory_space<vmem>> -> memref<624xf32, #tpu.memory_space<vmem>>
        tpu.wait_dma2 semaphore(%run_scoped3A : memref<!tpu.dma_semaphore, #tpu.memory_space<semaphore_mem>>) src(%dma_wait3A_228 : memref<624xf32, #tpu.memory_space<vmem>>) dst(%dma_wait3A_226 : memref<624xf32, #tpu.memory_space<hbm>>)
        tpu.yield
      }) : () -> ()
    } else {
    }
    %lt3A_141 = arith.constant 2 : i32
    %lt3A_142 = arith.cmpi slt, %arg1, %lt3A_141 : i32
    %eq3A_143 = arith.constant 0 : i32
    %eq3A_144 = arith.cmpi eq, %arg0, %eq3A_143 : i32
    %and3A = arith.andi %lt3A_142, %eq3A_144 : i1
    %convert_element_type3A_145 = arith.extui %and3A : i1 to i32
    %cond3A_146 = arith.constant 0 : i32
    %cond3A_147 = arith.cmpi ne, %convert_element_type3A_145, %cond3A_146 : i32
    scf.if %cond3A_147 {
      %mul3A_218 = arith.constant 8 : i32
      %mul3A_219 = arith.muli %arg1, %mul3A_218 : i32
      %add3A_220 = arith.constant 9984 : i32
      %add3A_221 = arith.addi %add3A_220, %mul3A_219 : i32
      %multiple_of3A_222 = tpu.assume_multiple %add3A_221, 8 : i32
      "tpu.region"() ({
        %run_scoped3A = tpu.sem_alloc : memref<!tpu.dma_semaphore, #tpu.memory_space<semaphore_mem>>
        %dma_start3A_223 = arith.constant 624 : i32
        %dma_start3A_224 = tpu.memref_slice %arg31[%dma_start3A_223] : memref<632xf32, #tpu.memory_space<vmem>> -> memref<8xf32, #tpu.memory_space<vmem>>
        %dma_start3A_225 = tpu.memref_slice %arg12[%multiple_of3A_222] : memref<10000xf32, #tpu.memory_space<hbm>> -> memref<8xf32, #tpu.memory_space<hbm>>
        %dma_start3A_226 = tpu.memref_slice %arg12[%multiple_of3A_222] : memref<10000xf32, #tpu.memory_space<hbm>> -> memref<8xf32, #tpu.memory_space<hbm>>
        %dma_start3A_227 = arith.constant 624 : i32
        %dma_start3A_228 = tpu.memref_slice %arg31[%dma_start3A_227] : memref<632xf32, #tpu.memory_space<vmem>> -> memref<8xf32, #tpu.memory_space<vmem>>
        tpu.enqueue_dma source(%dma_start3A_228 : memref<8xf32, #tpu.memory_space<vmem>>) target(%dma_start3A_226 : memref<8xf32, #tpu.memory_space<hbm>>) target_semaphore(%run_scoped3A : memref<!tpu.dma_semaphore, #tpu.memory_space<semaphore_mem>>)
        %dma_wait3A = arith.constant 624 : i32
        %dma_wait3A_229 = tpu.memref_slice %arg31[%dma_wait3A] : memref<632xf32, #tpu.memory_space<vmem>> -> memref<8xf32, #tpu.memory_space<vmem>>
        %dma_wait3A_230 = tpu.memref_slice %arg12[%multiple_of3A_222] : memref<10000xf32, #tpu.memory_space<hbm>> -> memref<8xf32, #tpu.memory_space<hbm>>
        %dma_wait3A_231 = tpu.memref_slice %arg12[%multiple_of3A_222] : memref<10000xf32, #tpu.memory_space<hbm>> -> memref<8xf32, #tpu.memory_space<hbm>>
        %dma_wait3A_232 = arith.constant 624 : i32
        %dma_wait3A_233 = tpu.memref_slice %arg31[%dma_wait3A_232] : memref<632xf32, #tpu.memory_space<vmem>> -> memref<8xf32, #tpu.memory_space<vmem>>
        tpu.wait_dma2 semaphore(%run_scoped3A : memref<!tpu.dma_semaphore, #tpu.memory_space<semaphore_mem>>) src(%dma_wait3A_233 : memref<8xf32, #tpu.memory_space<vmem>>) dst(%dma_wait3A_231 : memref<8xf32, #tpu.memory_space<hbm>>)
        tpu.yield
      }) : () -> ()
    } else {
    }
    %lt3A_148 = arith.constant 2 : i32
    %lt3A_149 = arith.cmpi slt, %arg1, %lt3A_148 : i32
    %eq3A_150 = arith.constant 1 : i32
    %eq3A_151 = arith.cmpi eq, %arg0, %eq3A_150 : i32
    %and3A_152 = arith.andi %lt3A_149, %eq3A_151 : i1
    %convert_element_type3A_153 = arith.extui %and3A_152 : i1 to i32
    %cond3A_154 = arith.constant 0 : i32
    %cond3A_155 = arith.cmpi ne, %convert_element_type3A_153, %cond3A_154 : i32
    scf.if %cond3A_155 {
      %mul3A_218 = arith.constant 8 : i32
      %mul3A_219 = arith.muli %arg1, %mul3A_218 : i32
      %add3A_220 = arith.constant 9984 : i32
      %add3A_221 = arith.addi %add3A_220, %mul3A_219 : i32
      %multiple_of3A_222 = tpu.assume_multiple %add3A_221, 8 : i32
      "tpu.region"() ({
        %run_scoped3A = tpu.sem_alloc : memref<!tpu.dma_semaphore, #tpu.memory_space<semaphore_mem>>
        %dma_start3A_223 = arith.constant 624 : i32
        %dma_start3A_224 = tpu.memref_slice %arg31[%dma_start3A_223] : memref<632xf32, #tpu.memory_space<vmem>> -> memref<8xf32, #tpu.memory_space<vmem>>
        %dma_start3A_225 = tpu.memref_slice %arg13[%multiple_of3A_222] : memref<10000xf32, #tpu.memory_space<hbm>> -> memref<8xf32, #tpu.memory_space<hbm>>
        %dma_start3A_226 = tpu.memref_slice %arg13[%multiple_of3A_222] : memref<10000xf32, #tpu.memory_space<hbm>> -> memref<8xf32, #tpu.memory_space<hbm>>
        %dma_start3A_227 = arith.constant 624 : i32
        %dma_start3A_228 = tpu.memref_slice %arg31[%dma_start3A_227] : memref<632xf32, #tpu.memory_space<vmem>> -> memref<8xf32, #tpu.memory_space<vmem>>
        tpu.enqueue_dma source(%dma_start3A_228 : memref<8xf32, #tpu.memory_space<vmem>>) target(%dma_start3A_226 : memref<8xf32, #tpu.memory_space<hbm>>) target_semaphore(%run_scoped3A : memref<!tpu.dma_semaphore, #tpu.memory_space<semaphore_mem>>)
        %dma_wait3A = arith.constant 624 : i32
        %dma_wait3A_229 = tpu.memref_slice %arg31[%dma_wait3A] : memref<632xf32, #tpu.memory_space<vmem>> -> memref<8xf32, #tpu.memory_space<vmem>>
        %dma_wait3A_230 = tpu.memref_slice %arg13[%multiple_of3A_222] : memref<10000xf32, #tpu.memory_space<hbm>> -> memref<8xf32, #tpu.memory_space<hbm>>
        %dma_wait3A_231 = tpu.memref_slice %arg13[%multiple_of3A_222] : memref<10000xf32, #tpu.memory_space<hbm>> -> memref<8xf32, #tpu.memory_space<hbm>>
        %dma_wait3A_232 = arith.constant 624 : i32
        %dma_wait3A_233 = tpu.memref_slice %arg31[%dma_wait3A_232] : memref<632xf32, #tpu.memory_space<vmem>> -> memref<8xf32, #tpu.memory_space<vmem>>
        tpu.wait_dma2 semaphore(%run_scoped3A : memref<!tpu.dma_semaphore, #tpu.memory_space<semaphore_mem>>) src(%dma_wait3A_233 : memref<8xf32, #tpu.memory_space<vmem>>) dst(%dma_wait3A_231 : memref<8xf32, #tpu.memory_space<hbm>>)
        tpu.yield
      }) : () -> ()
    } else {
    }
    "tpu.region"() ({
      %run_scoped3A = tpu.sem_alloc : memref<!tpu.dma_semaphore, #tpu.memory_space<semaphore_mem>>
      %dma_start3A_218 = arith.constant 0 : i32
      %dma_start3A_219 = tpu.memref_slice %arg31[%dma_start3A_218] : memref<632xf32, #tpu.memory_space<vmem>> -> memref<624xf32, #tpu.memory_space<vmem>>
      %dma_start3A_220 = tpu.memref_slice %arg20[%multiple_of3A_7] : memref<10016xf32, #tpu.memory_space<vmem_shared>> -> memref<624xf32, #tpu.memory_space<vmem_shared>>
      %dma_start3A_221 = arith.constant 0 : i32
      %dma_start3A_222 = tpu.memref_slice %arg31[%dma_start3A_221] : memref<632xf32, #tpu.memory_space<vmem>> -> memref<624xf32, #tpu.memory_space<vmem>>
      %dma_start3A_223 = tpu.memref_slice %arg20[%multiple_of3A_7] : memref<10016xf32, #tpu.memory_space<vmem_shared>> -> memref<624xf32, #tpu.memory_space<vmem_shared>>
      tpu.enqueue_dma source(%dma_start3A_223 : memref<624xf32, #tpu.memory_space<vmem_shared>>) target(%dma_start3A_222 : memref<624xf32, #tpu.memory_space<vmem>>) target_semaphore(%run_scoped3A : memref<!tpu.dma_semaphore, #tpu.memory_space<semaphore_mem>>)
      %dma_wait3A = arith.constant 0 : i32
      %dma_wait3A_224 = tpu.memref_slice %arg31[%dma_wait3A] : memref<632xf32, #tpu.memory_space<vmem>> -> memref<624xf32, #tpu.memory_space<vmem>>
      %dma_wait3A_225 = tpu.memref_slice %arg20[%multiple_of3A_7] : memref<10016xf32, #tpu.memory_space<vmem_shared>> -> memref<624xf32, #tpu.memory_space<vmem_shared>>
      %dma_wait3A_226 = arith.constant 0 : i32
      %dma_wait3A_227 = tpu.memref_slice %arg31[%dma_wait3A_226] : memref<632xf32, #tpu.memory_space<vmem>> -> memref<624xf32, #tpu.memory_space<vmem>>
      %dma_wait3A_228 = tpu.memref_slice %arg20[%multiple_of3A_7] : memref<10016xf32, #tpu.memory_space<vmem_shared>> -> memref<624xf32, #tpu.memory_space<vmem_shared>>
      tpu.wait_dma2 semaphore(%run_scoped3A : memref<!tpu.dma_semaphore, #tpu.memory_space<semaphore_mem>>) src(%dma_wait3A_228 : memref<624xf32, #tpu.memory_space<vmem_shared>>) dst(%dma_wait3A_227 : memref<624xf32, #tpu.memory_space<vmem>>)
      tpu.yield
    }) : () -> ()
    %lt3A_156 = arith.constant 2 : i32
    %lt3A_157 = arith.cmpi slt, %arg1, %lt3A_156 : i32
    %convert_element_type3A_158 = arith.extui %lt3A_157 : i1 to i32
    %cond3A_159 = arith.constant 0 : i32
    %cond3A_160 = arith.cmpi ne, %convert_element_type3A_158, %cond3A_159 : i32
    scf.if %cond3A_160 {
      %mul3A_218 = arith.constant 8 : i32
      %mul3A_219 = arith.muli %arg1, %mul3A_218 : i32
      %add3A_220 = arith.constant 9984 : i32
      %add3A_221 = arith.addi %add3A_220, %mul3A_219 : i32
      %multiple_of3A_222 = tpu.assume_multiple %add3A_221, 8 : i32
      "tpu.region"() ({
        %run_scoped3A = tpu.sem_alloc : memref<!tpu.dma_semaphore, #tpu.memory_space<semaphore_mem>>
        %dma_start3A_223 = arith.constant 624 : i32
        %dma_start3A_224 = tpu.memref_slice %arg31[%dma_start3A_223] : memref<632xf32, #tpu.memory_space<vmem>> -> memref<8xf32, #tpu.memory_space<vmem>>
        %dma_start3A_225 = tpu.memref_slice %arg20[%multiple_of3A_222] : memref<10016xf32, #tpu.memory_space<vmem_shared>> -> memref<8xf32, #tpu.memory_space<vmem_shared>>
        %dma_start3A_226 = arith.constant 624 : i32
        %dma_start3A_227 = tpu.memref_slice %arg31[%dma_start3A_226] : memref<632xf32, #tpu.memory_space<vmem>> -> memref<8xf32, #tpu.memory_space<vmem>>
        %dma_start3A_228 = tpu.memref_slice %arg20[%multiple_of3A_222] : memref<10016xf32, #tpu.memory_space<vmem_shared>> -> memref<8xf32, #tpu.memory_space<vmem_shared>>
        tpu.enqueue_dma source(%dma_start3A_228 : memref<8xf32, #tpu.memory_space<vmem_shared>>) target(%dma_start3A_227 : memref<8xf32, #tpu.memory_space<vmem>>) target_semaphore(%run_scoped3A : memref<!tpu.dma_semaphore, #tpu.memory_space<semaphore_mem>>)
        %dma_wait3A = arith.constant 624 : i32
        %dma_wait3A_229 = tpu.memref_slice %arg31[%dma_wait3A] : memref<632xf32, #tpu.memory_space<vmem>> -> memref<8xf32, #tpu.memory_space<vmem>>
        %dma_wait3A_230 = tpu.memref_slice %arg20[%multiple_of3A_222] : memref<10016xf32, #tpu.memory_space<vmem_shared>> -> memref<8xf32, #tpu.memory_space<vmem_shared>>
        %dma_wait3A_231 = arith.constant 624 : i32
        %dma_wait3A_232 = tpu.memref_slice %arg31[%dma_wait3A_231] : memref<632xf32, #tpu.memory_space<vmem>> -> memref<8xf32, #tpu.memory_space<vmem>>
        %dma_wait3A_233 = tpu.memref_slice %arg20[%multiple_of3A_222] : memref<10016xf32, #tpu.memory_space<vmem_shared>> -> memref<8xf32, #tpu.memory_space<vmem_shared>>
        tpu.wait_dma2 semaphore(%run_scoped3A : memref<!tpu.dma_semaphore, #tpu.memory_space<semaphore_mem>>) src(%dma_wait3A_233 : memref<8xf32, #tpu.memory_space<vmem_shared>>) dst(%dma_wait3A_232 : memref<8xf32, #tpu.memory_space<vmem>>)
        tpu.yield
      }) : () -> ()
    } else {
    }
    %eq3A_161 = arith.constant 0 : i32
    %eq3A_162 = arith.cmpi eq, %arg0, %eq3A_161 : i32
    %convert_element_type3A_163 = arith.extui %eq3A_162 : i1 to i32
    %cond3A_164 = arith.constant 0 : i32
    %cond3A_165 = arith.cmpi ne, %convert_element_type3A_163, %cond3A_164 : i32
    scf.if %cond3A_165 {
      "tpu.region"() ({
        %run_scoped3A = tpu.sem_alloc : memref<!tpu.dma_semaphore, #tpu.memory_space<semaphore_mem>>
        %dma_start3A_218 = arith.constant 0 : i32
        %dma_start3A_219 = tpu.memref_slice %arg31[%dma_start3A_218] : memref<632xf32, #tpu.memory_space<vmem>> -> memref<624xf32, #tpu.memory_space<vmem>>
        %dma_start3A_220 = tpu.memref_slice %arg14[%multiple_of3A_7] : memref<10000xf32, #tpu.memory_space<hbm>> -> memref<624xf32, #tpu.memory_space<hbm>>
        %dma_start3A_221 = tpu.memref_slice %arg14[%multiple_of3A_7] : memref<10000xf32, #tpu.memory_space<hbm>> -> memref<624xf32, #tpu.memory_space<hbm>>
        %dma_start3A_222 = arith.constant 0 : i32
        %dma_start3A_223 = tpu.memref_slice %arg31[%dma_start3A_222] : memref<632xf32, #tpu.memory_space<vmem>> -> memref<624xf32, #tpu.memory_space<vmem>>
        tpu.enqueue_dma source(%dma_start3A_223 : memref<624xf32, #tpu.memory_space<vmem>>) target(%dma_start3A_221 : memref<624xf32, #tpu.memory_space<hbm>>) target_semaphore(%run_scoped3A : memref<!tpu.dma_semaphore, #tpu.memory_space<semaphore_mem>>)
        %dma_wait3A = arith.constant 0 : i32
        %dma_wait3A_224 = tpu.memref_slice %arg31[%dma_wait3A] : memref<632xf32, #tpu.memory_space<vmem>> -> memref<624xf32, #tpu.memory_space<vmem>>
        %dma_wait3A_225 = tpu.memref_slice %arg14[%multiple_of3A_7] : memref<10000xf32, #tpu.memory_space<hbm>> -> memref<624xf32, #tpu.memory_space<hbm>>
        %dma_wait3A_226 = tpu.memref_slice %arg14[%multiple_of3A_7] : memref<10000xf32, #tpu.memory_space<hbm>> -> memref<624xf32, #tpu.memory_space<hbm>>
        %dma_wait3A_227 = arith.constant 0 : i32
        %dma_wait3A_228 = tpu.memref_slice %arg31[%dma_wait3A_227] : memref<632xf32, #tpu.memory_space<vmem>> -> memref<624xf32, #tpu.memory_space<vmem>>
        tpu.wait_dma2 semaphore(%run_scoped3A : memref<!tpu.dma_semaphore, #tpu.memory_space<semaphore_mem>>) src(%dma_wait3A_228 : memref<624xf32, #tpu.memory_space<vmem>>) dst(%dma_wait3A_226 : memref<624xf32, #tpu.memory_space<hbm>>)
        tpu.yield
      }) : () -> ()
    } else {
    }
    %eq3A_166 = arith.constant 1 : i32
    %eq3A_167 = arith.cmpi eq, %arg0, %eq3A_166 : i32
    %convert_element_type3A_168 = arith.extui %eq3A_167 : i1 to i32
    %cond3A_169 = arith.constant 0 : i32
    %cond3A_170 = arith.cmpi ne, %convert_element_type3A_168, %cond3A_169 : i32
    scf.if %cond3A_170 {
      "tpu.region"() ({
        %run_scoped3A = tpu.sem_alloc : memref<!tpu.dma_semaphore, #tpu.memory_space<semaphore_mem>>
        %dma_start3A_218 = arith.constant 0 : i32
        %dma_start3A_219 = tpu.memref_slice %arg31[%dma_start3A_218] : memref<632xf32, #tpu.memory_space<vmem>> -> memref<624xf32, #tpu.memory_space<vmem>>
        %dma_start3A_220 = tpu.memref_slice %arg15[%multiple_of3A_7] : memref<10000xf32, #tpu.memory_space<hbm>> -> memref<624xf32, #tpu.memory_space<hbm>>
        %dma_start3A_221 = tpu.memref_slice %arg15[%multiple_of3A_7] : memref<10000xf32, #tpu.memory_space<hbm>> -> memref<624xf32, #tpu.memory_space<hbm>>
        %dma_start3A_222 = arith.constant 0 : i32
        %dma_start3A_223 = tpu.memref_slice %arg31[%dma_start3A_222] : memref<632xf32, #tpu.memory_space<vmem>> -> memref<624xf32, #tpu.memory_space<vmem>>
        tpu.enqueue_dma source(%dma_start3A_223 : memref<624xf32, #tpu.memory_space<vmem>>) target(%dma_start3A_221 : memref<624xf32, #tpu.memory_space<hbm>>) target_semaphore(%run_scoped3A : memref<!tpu.dma_semaphore, #tpu.memory_space<semaphore_mem>>)
        %dma_wait3A = arith.constant 0 : i32
        %dma_wait3A_224 = tpu.memref_slice %arg31[%dma_wait3A] : memref<632xf32, #tpu.memory_space<vmem>> -> memref<624xf32, #tpu.memory_space<vmem>>
        %dma_wait3A_225 = tpu.memref_slice %arg15[%multiple_of3A_7] : memref<10000xf32, #tpu.memory_space<hbm>> -> memref<624xf32, #tpu.memory_space<hbm>>
        %dma_wait3A_226 = tpu.memref_slice %arg15[%multiple_of3A_7] : memref<10000xf32, #tpu.memory_space<hbm>> -> memref<624xf32, #tpu.memory_space<hbm>>
        %dma_wait3A_227 = arith.constant 0 : i32
        %dma_wait3A_228 = tpu.memref_slice %arg31[%dma_wait3A_227] : memref<632xf32, #tpu.memory_space<vmem>> -> memref<624xf32, #tpu.memory_space<vmem>>
        tpu.wait_dma2 semaphore(%run_scoped3A : memref<!tpu.dma_semaphore, #tpu.memory_space<semaphore_mem>>) src(%dma_wait3A_228 : memref<624xf32, #tpu.memory_space<vmem>>) dst(%dma_wait3A_226 : memref<624xf32, #tpu.memory_space<hbm>>)
        tpu.yield
      }) : () -> ()
    } else {
    }
    %lt3A_171 = arith.constant 2 : i32
    %lt3A_172 = arith.cmpi slt, %arg1, %lt3A_171 : i32
    %eq3A_173 = arith.constant 0 : i32
    %eq3A_174 = arith.cmpi eq, %arg0, %eq3A_173 : i32
    %and3A_175 = arith.andi %lt3A_172, %eq3A_174 : i1
    %convert_element_type3A_176 = arith.extui %and3A_175 : i1 to i32
    %cond3A_177 = arith.constant 0 : i32
    %cond3A_178 = arith.cmpi ne, %convert_element_type3A_176, %cond3A_177 : i32
    scf.if %cond3A_178 {
      %mul3A_218 = arith.constant 8 : i32
      %mul3A_219 = arith.muli %arg1, %mul3A_218 : i32
      %add3A_220 = arith.constant 9984 : i32
      %add3A_221 = arith.addi %add3A_220, %mul3A_219 : i32
      %multiple_of3A_222 = tpu.assume_multiple %add3A_221, 8 : i32
      "tpu.region"() ({
        %run_scoped3A = tpu.sem_alloc : memref<!tpu.dma_semaphore, #tpu.memory_space<semaphore_mem>>
        %dma_start3A_223 = arith.constant 624 : i32
        %dma_start3A_224 = tpu.memref_slice %arg31[%dma_start3A_223] : memref<632xf32, #tpu.memory_space<vmem>> -> memref<8xf32, #tpu.memory_space<vmem>>
        %dma_start3A_225 = tpu.memref_slice %arg14[%multiple_of3A_222] : memref<10000xf32, #tpu.memory_space<hbm>> -> memref<8xf32, #tpu.memory_space<hbm>>
        %dma_start3A_226 = tpu.memref_slice %arg14[%multiple_of3A_222] : memref<10000xf32, #tpu.memory_space<hbm>> -> memref<8xf32, #tpu.memory_space<hbm>>
        %dma_start3A_227 = arith.constant 624 : i32
        %dma_start3A_228 = tpu.memref_slice %arg31[%dma_start3A_227] : memref<632xf32, #tpu.memory_space<vmem>> -> memref<8xf32, #tpu.memory_space<vmem>>
        tpu.enqueue_dma source(%dma_start3A_228 : memref<8xf32, #tpu.memory_space<vmem>>) target(%dma_start3A_226 : memref<8xf32, #tpu.memory_space<hbm>>) target_semaphore(%run_scoped3A : memref<!tpu.dma_semaphore, #tpu.memory_space<semaphore_mem>>)
        %dma_wait3A = arith.constant 624 : i32
        %dma_wait3A_229 = tpu.memref_slice %arg31[%dma_wait3A] : memref<632xf32, #tpu.memory_space<vmem>> -> memref<8xf32, #tpu.memory_space<vmem>>
        %dma_wait3A_230 = tpu.memref_slice %arg14[%multiple_of3A_222] : memref<10000xf32, #tpu.memory_space<hbm>> -> memref<8xf32, #tpu.memory_space<hbm>>
        %dma_wait3A_231 = tpu.memref_slice %arg14[%multiple_of3A_222] : memref<10000xf32, #tpu.memory_space<hbm>> -> memref<8xf32, #tpu.memory_space<hbm>>
        %dma_wait3A_232 = arith.constant 624 : i32
        %dma_wait3A_233 = tpu.memref_slice %arg31[%dma_wait3A_232] : memref<632xf32, #tpu.memory_space<vmem>> -> memref<8xf32, #tpu.memory_space<vmem>>
        tpu.wait_dma2 semaphore(%run_scoped3A : memref<!tpu.dma_semaphore, #tpu.memory_space<semaphore_mem>>) src(%dma_wait3A_233 : memref<8xf32, #tpu.memory_space<vmem>>) dst(%dma_wait3A_231 : memref<8xf32, #tpu.memory_space<hbm>>)
        tpu.yield
      }) : () -> ()
    } else {
    }
    %lt3A_179 = arith.constant 2 : i32
    %lt3A_180 = arith.cmpi slt, %arg1, %lt3A_179 : i32
    %eq3A_181 = arith.constant 1 : i32
    %eq3A_182 = arith.cmpi eq, %arg0, %eq3A_181 : i32
    %and3A_183 = arith.andi %lt3A_180, %eq3A_182 : i1
    %convert_element_type3A_184 = arith.extui %and3A_183 : i1 to i32
    %cond3A_185 = arith.constant 0 : i32
    %cond3A_186 = arith.cmpi ne, %convert_element_type3A_184, %cond3A_185 : i32
    scf.if %cond3A_186 {
      %mul3A_218 = arith.constant 8 : i32
      %mul3A_219 = arith.muli %arg1, %mul3A_218 : i32
      %add3A_220 = arith.constant 9984 : i32
      %add3A_221 = arith.addi %add3A_220, %mul3A_219 : i32
      %multiple_of3A_222 = tpu.assume_multiple %add3A_221, 8 : i32
      "tpu.region"() ({
        %run_scoped3A = tpu.sem_alloc : memref<!tpu.dma_semaphore, #tpu.memory_space<semaphore_mem>>
        %dma_start3A_223 = arith.constant 624 : i32
        %dma_start3A_224 = tpu.memref_slice %arg31[%dma_start3A_223] : memref<632xf32, #tpu.memory_space<vmem>> -> memref<8xf32, #tpu.memory_space<vmem>>
        %dma_start3A_225 = tpu.memref_slice %arg15[%multiple_of3A_222] : memref<10000xf32, #tpu.memory_space<hbm>> -> memref<8xf32, #tpu.memory_space<hbm>>
        %dma_start3A_226 = tpu.memref_slice %arg15[%multiple_of3A_222] : memref<10000xf32, #tpu.memory_space<hbm>> -> memref<8xf32, #tpu.memory_space<hbm>>
        %dma_start3A_227 = arith.constant 624 : i32
        %dma_start3A_228 = tpu.memref_slice %arg31[%dma_start3A_227] : memref<632xf32, #tpu.memory_space<vmem>> -> memref<8xf32, #tpu.memory_space<vmem>>
        tpu.enqueue_dma source(%dma_start3A_228 : memref<8xf32, #tpu.memory_space<vmem>>) target(%dma_start3A_226 : memref<8xf32, #tpu.memory_space<hbm>>) target_semaphore(%run_scoped3A : memref<!tpu.dma_semaphore, #tpu.memory_space<semaphore_mem>>)
        %dma_wait3A = arith.constant 624 : i32
        %dma_wait3A_229 = tpu.memref_slice %arg31[%dma_wait3A] : memref<632xf32, #tpu.memory_space<vmem>> -> memref<8xf32, #tpu.memory_space<vmem>>
        %dma_wait3A_230 = tpu.memref_slice %arg15[%multiple_of3A_222] : memref<10000xf32, #tpu.memory_space<hbm>> -> memref<8xf32, #tpu.memory_space<hbm>>
        %dma_wait3A_231 = tpu.memref_slice %arg15[%multiple_of3A_222] : memref<10000xf32, #tpu.memory_space<hbm>> -> memref<8xf32, #tpu.memory_space<hbm>>
        %dma_wait3A_232 = arith.constant 624 : i32
        %dma_wait3A_233 = tpu.memref_slice %arg31[%dma_wait3A_232] : memref<632xf32, #tpu.memory_space<vmem>> -> memref<8xf32, #tpu.memory_space<vmem>>
        tpu.wait_dma2 semaphore(%run_scoped3A : memref<!tpu.dma_semaphore, #tpu.memory_space<semaphore_mem>>) src(%dma_wait3A_233 : memref<8xf32, #tpu.memory_space<vmem>>) dst(%dma_wait3A_231 : memref<8xf32, #tpu.memory_space<hbm>>)
        tpu.yield
      }) : () -> ()
    } else {
    }
    "tpu.region"() ({
      %run_scoped3A = tpu.sem_alloc : memref<!tpu.dma_semaphore, #tpu.memory_space<semaphore_mem>>
      %dma_start3A_218 = arith.constant 0 : i32
      %dma_start3A_219 = tpu.memref_slice %arg31[%dma_start3A_218] : memref<632xf32, #tpu.memory_space<vmem>> -> memref<624xf32, #tpu.memory_space<vmem>>
      %dma_start3A_220 = tpu.memref_slice %arg21[%multiple_of3A_7] : memref<10016xf32, #tpu.memory_space<vmem_shared>> -> memref<624xf32, #tpu.memory_space<vmem_shared>>
      %dma_start3A_221 = arith.constant 0 : i32
      %dma_start3A_222 = tpu.memref_slice %arg31[%dma_start3A_221] : memref<632xf32, #tpu.memory_space<vmem>> -> memref<624xf32, #tpu.memory_space<vmem>>
      %dma_start3A_223 = tpu.memref_slice %arg21[%multiple_of3A_7] : memref<10016xf32, #tpu.memory_space<vmem_shared>> -> memref<624xf32, #tpu.memory_space<vmem_shared>>
      tpu.enqueue_dma source(%dma_start3A_223 : memref<624xf32, #tpu.memory_space<vmem_shared>>) target(%dma_start3A_222 : memref<624xf32, #tpu.memory_space<vmem>>) target_semaphore(%run_scoped3A : memref<!tpu.dma_semaphore, #tpu.memory_space<semaphore_mem>>)
      %dma_wait3A = arith.constant 0 : i32
      %dma_wait3A_224 = tpu.memref_slice %arg31[%dma_wait3A] : memref<632xf32, #tpu.memory_space<vmem>> -> memref<624xf32, #tpu.memory_space<vmem>>
      %dma_wait3A_225 = tpu.memref_slice %arg21[%multiple_of3A_7] : memref<10016xf32, #tpu.memory_space<vmem_shared>> -> memref<624xf32, #tpu.memory_space<vmem_shared>>
      %dma_wait3A_226 = arith.constant 0 : i32
      %dma_wait3A_227 = tpu.memref_slice %arg31[%dma_wait3A_226] : memref<632xf32, #tpu.memory_space<vmem>> -> memref<624xf32, #tpu.memory_space<vmem>>
      %dma_wait3A_228 = tpu.memref_slice %arg21[%multiple_of3A_7] : memref<10016xf32, #tpu.memory_space<vmem_shared>> -> memref<624xf32, #tpu.memory_space<vmem_shared>>
      tpu.wait_dma2 semaphore(%run_scoped3A : memref<!tpu.dma_semaphore, #tpu.memory_space<semaphore_mem>>) src(%dma_wait3A_228 : memref<624xf32, #tpu.memory_space<vmem_shared>>) dst(%dma_wait3A_227 : memref<624xf32, #tpu.memory_space<vmem>>)
      tpu.yield
    }) : () -> ()
    %lt3A_187 = arith.constant 2 : i32
    %lt3A_188 = arith.cmpi slt, %arg1, %lt3A_187 : i32
    %convert_element_type3A_189 = arith.extui %lt3A_188 : i1 to i32
    %cond3A_190 = arith.constant 0 : i32
    %cond3A_191 = arith.cmpi ne, %convert_element_type3A_189, %cond3A_190 : i32
    scf.if %cond3A_191 {
      %mul3A_218 = arith.constant 8 : i32
      %mul3A_219 = arith.muli %arg1, %mul3A_218 : i32
      %add3A_220 = arith.constant 9984 : i32
      %add3A_221 = arith.addi %add3A_220, %mul3A_219 : i32
      %multiple_of3A_222 = tpu.assume_multiple %add3A_221, 8 : i32
      "tpu.region"() ({
        %run_scoped3A = tpu.sem_alloc : memref<!tpu.dma_semaphore, #tpu.memory_space<semaphore_mem>>
        %dma_start3A_223 = arith.constant 624 : i32
        %dma_start3A_224 = tpu.memref_slice %arg31[%dma_start3A_223] : memref<632xf32, #tpu.memory_space<vmem>> -> memref<8xf32, #tpu.memory_space<vmem>>
        %dma_start3A_225 = tpu.memref_slice %arg21[%multiple_of3A_222] : memref<10016xf32, #tpu.memory_space<vmem_shared>> -> memref<8xf32, #tpu.memory_space<vmem_shared>>
        %dma_start3A_226 = arith.constant 624 : i32
        %dma_start3A_227 = tpu.memref_slice %arg31[%dma_start3A_226] : memref<632xf32, #tpu.memory_space<vmem>> -> memref<8xf32, #tpu.memory_space<vmem>>
        %dma_start3A_228 = tpu.memref_slice %arg21[%multiple_of3A_222] : memref<10016xf32, #tpu.memory_space<vmem_shared>> -> memref<8xf32, #tpu.memory_space<vmem_shared>>
        tpu.enqueue_dma source(%dma_start3A_228 : memref<8xf32, #tpu.memory_space<vmem_shared>>) target(%dma_start3A_227 : memref<8xf32, #tpu.memory_space<vmem>>) target_semaphore(%run_scoped3A : memref<!tpu.dma_semaphore, #tpu.memory_space<semaphore_mem>>)
        %dma_wait3A = arith.constant 624 : i32
        %dma_wait3A_229 = tpu.memref_slice %arg31[%dma_wait3A] : memref<632xf32, #tpu.memory_space<vmem>> -> memref<8xf32, #tpu.memory_space<vmem>>
        %dma_wait3A_230 = tpu.memref_slice %arg21[%multiple_of3A_222] : memref<10016xf32, #tpu.memory_space<vmem_shared>> -> memref<8xf32, #tpu.memory_space<vmem_shared>>
        %dma_wait3A_231 = arith.constant 624 : i32
        %dma_wait3A_232 = tpu.memref_slice %arg31[%dma_wait3A_231] : memref<632xf32, #tpu.memory_space<vmem>> -> memref<8xf32, #tpu.memory_space<vmem>>
        %dma_wait3A_233 = tpu.memref_slice %arg21[%multiple_of3A_222] : memref<10016xf32, #tpu.memory_space<vmem_shared>> -> memref<8xf32, #tpu.memory_space<vmem_shared>>
        tpu.wait_dma2 semaphore(%run_scoped3A : memref<!tpu.dma_semaphore, #tpu.memory_space<semaphore_mem>>) src(%dma_wait3A_233 : memref<8xf32, #tpu.memory_space<vmem_shared>>) dst(%dma_wait3A_232 : memref<8xf32, #tpu.memory_space<vmem>>)
        tpu.yield
      }) : () -> ()
    } else {
    }
    %eq3A_192 = arith.constant 0 : i32
    %eq3A_193 = arith.cmpi eq, %arg0, %eq3A_192 : i32
    %convert_element_type3A_194 = arith.extui %eq3A_193 : i1 to i32
    %cond3A_195 = arith.constant 0 : i32
    %cond3A_196 = arith.cmpi ne, %convert_element_type3A_194, %cond3A_195 : i32
    scf.if %cond3A_196 {
      "tpu.region"() ({
        %run_scoped3A = tpu.sem_alloc : memref<!tpu.dma_semaphore, #tpu.memory_space<semaphore_mem>>
        %dma_start3A_218 = arith.constant 0 : i32
        %dma_start3A_219 = tpu.memref_slice %arg31[%dma_start3A_218] : memref<632xf32, #tpu.memory_space<vmem>> -> memref<624xf32, #tpu.memory_space<vmem>>
        %dma_start3A_220 = tpu.memref_slice %arg16[%multiple_of3A_7] : memref<10000xf32, #tpu.memory_space<hbm>> -> memref<624xf32, #tpu.memory_space<hbm>>
        %dma_start3A_221 = tpu.memref_slice %arg16[%multiple_of3A_7] : memref<10000xf32, #tpu.memory_space<hbm>> -> memref<624xf32, #tpu.memory_space<hbm>>
        %dma_start3A_222 = arith.constant 0 : i32
        %dma_start3A_223 = tpu.memref_slice %arg31[%dma_start3A_222] : memref<632xf32, #tpu.memory_space<vmem>> -> memref<624xf32, #tpu.memory_space<vmem>>
        tpu.enqueue_dma source(%dma_start3A_223 : memref<624xf32, #tpu.memory_space<vmem>>) target(%dma_start3A_221 : memref<624xf32, #tpu.memory_space<hbm>>) target_semaphore(%run_scoped3A : memref<!tpu.dma_semaphore, #tpu.memory_space<semaphore_mem>>)
        %dma_wait3A = arith.constant 0 : i32
        %dma_wait3A_224 = tpu.memref_slice %arg31[%dma_wait3A] : memref<632xf32, #tpu.memory_space<vmem>> -> memref<624xf32, #tpu.memory_space<vmem>>
        %dma_wait3A_225 = tpu.memref_slice %arg16[%multiple_of3A_7] : memref<10000xf32, #tpu.memory_space<hbm>> -> memref<624xf32, #tpu.memory_space<hbm>>
        %dma_wait3A_226 = tpu.memref_slice %arg16[%multiple_of3A_7] : memref<10000xf32, #tpu.memory_space<hbm>> -> memref<624xf32, #tpu.memory_space<hbm>>
        %dma_wait3A_227 = arith.constant 0 : i32
        %dma_wait3A_228 = tpu.memref_slice %arg31[%dma_wait3A_227] : memref<632xf32, #tpu.memory_space<vmem>> -> memref<624xf32, #tpu.memory_space<vmem>>
        tpu.wait_dma2 semaphore(%run_scoped3A : memref<!tpu.dma_semaphore, #tpu.memory_space<semaphore_mem>>) src(%dma_wait3A_228 : memref<624xf32, #tpu.memory_space<vmem>>) dst(%dma_wait3A_226 : memref<624xf32, #tpu.memory_space<hbm>>)
        tpu.yield
      }) : () -> ()
    } else {
    }
    %eq3A_197 = arith.constant 1 : i32
    %eq3A_198 = arith.cmpi eq, %arg0, %eq3A_197 : i32
    %convert_element_type3A_199 = arith.extui %eq3A_198 : i1 to i32
    %cond3A_200 = arith.constant 0 : i32
    %cond3A_201 = arith.cmpi ne, %convert_element_type3A_199, %cond3A_200 : i32
    scf.if %cond3A_201 {
      "tpu.region"() ({
        %run_scoped3A = tpu.sem_alloc : memref<!tpu.dma_semaphore, #tpu.memory_space<semaphore_mem>>
        %dma_start3A_218 = arith.constant 0 : i32
        %dma_start3A_219 = tpu.memref_slice %arg31[%dma_start3A_218] : memref<632xf32, #tpu.memory_space<vmem>> -> memref<624xf32, #tpu.memory_space<vmem>>
        %dma_start3A_220 = tpu.memref_slice %arg17[%multiple_of3A_7] : memref<10000xf32, #tpu.memory_space<hbm>> -> memref<624xf32, #tpu.memory_space<hbm>>
        %dma_start3A_221 = tpu.memref_slice %arg17[%multiple_of3A_7] : memref<10000xf32, #tpu.memory_space<hbm>> -> memref<624xf32, #tpu.memory_space<hbm>>
        %dma_start3A_222 = arith.constant 0 : i32
        %dma_start3A_223 = tpu.memref_slice %arg31[%dma_start3A_222] : memref<632xf32, #tpu.memory_space<vmem>> -> memref<624xf32, #tpu.memory_space<vmem>>
        tpu.enqueue_dma source(%dma_start3A_223 : memref<624xf32, #tpu.memory_space<vmem>>) target(%dma_start3A_221 : memref<624xf32, #tpu.memory_space<hbm>>) target_semaphore(%run_scoped3A : memref<!tpu.dma_semaphore, #tpu.memory_space<semaphore_mem>>)
        %dma_wait3A = arith.constant 0 : i32
        %dma_wait3A_224 = tpu.memref_slice %arg31[%dma_wait3A] : memref<632xf32, #tpu.memory_space<vmem>> -> memref<624xf32, #tpu.memory_space<vmem>>
        %dma_wait3A_225 = tpu.memref_slice %arg17[%multiple_of3A_7] : memref<10000xf32, #tpu.memory_space<hbm>> -> memref<624xf32, #tpu.memory_space<hbm>>
        %dma_wait3A_226 = tpu.memref_slice %arg17[%multiple_of3A_7] : memref<10000xf32, #tpu.memory_space<hbm>> -> memref<624xf32, #tpu.memory_space<hbm>>
        %dma_wait3A_227 = arith.constant 0 : i32
        %dma_wait3A_228 = tpu.memref_slice %arg31[%dma_wait3A_227] : memref<632xf32, #tpu.memory_space<vmem>> -> memref<624xf32, #tpu.memory_space<vmem>>
        tpu.wait_dma2 semaphore(%run_scoped3A : memref<!tpu.dma_semaphore, #tpu.memory_space<semaphore_mem>>) src(%dma_wait3A_228 : memref<624xf32, #tpu.memory_space<vmem>>) dst(%dma_wait3A_226 : memref<624xf32, #tpu.memory_space<hbm>>)
        tpu.yield
      }) : () -> ()
    } else {
    }
    %lt3A_202 = arith.constant 2 : i32
    %lt3A_203 = arith.cmpi slt, %arg1, %lt3A_202 : i32
    %eq3A_204 = arith.constant 0 : i32
    %eq3A_205 = arith.cmpi eq, %arg0, %eq3A_204 : i32
    %and3A_206 = arith.andi %lt3A_203, %eq3A_205 : i1
    %convert_element_type3A_207 = arith.extui %and3A_206 : i1 to i32
    %cond3A_208 = arith.constant 0 : i32
    %cond3A_209 = arith.cmpi ne, %convert_element_type3A_207, %cond3A_208 : i32
    scf.if %cond3A_209 {
      %mul3A_218 = arith.constant 8 : i32
      %mul3A_219 = arith.muli %arg1, %mul3A_218 : i32
      %add3A_220 = arith.constant 9984 : i32
      %add3A_221 = arith.addi %add3A_220, %mul3A_219 : i32
      %multiple_of3A_222 = tpu.assume_multiple %add3A_221, 8 : i32
      "tpu.region"() ({
        %run_scoped3A = tpu.sem_alloc : memref<!tpu.dma_semaphore, #tpu.memory_space<semaphore_mem>>
        %dma_start3A_223 = arith.constant 624 : i32
        %dma_start3A_224 = tpu.memref_slice %arg31[%dma_start3A_223] : memref<632xf32, #tpu.memory_space<vmem>> -> memref<8xf32, #tpu.memory_space<vmem>>
        %dma_start3A_225 = tpu.memref_slice %arg16[%multiple_of3A_222] : memref<10000xf32, #tpu.memory_space<hbm>> -> memref<8xf32, #tpu.memory_space<hbm>>
        %dma_start3A_226 = tpu.memref_slice %arg16[%multiple_of3A_222] : memref<10000xf32, #tpu.memory_space<hbm>> -> memref<8xf32, #tpu.memory_space<hbm>>
        %dma_start3A_227 = arith.constant 624 : i32
        %dma_start3A_228 = tpu.memref_slice %arg31[%dma_start3A_227] : memref<632xf32, #tpu.memory_space<vmem>> -> memref<8xf32, #tpu.memory_space<vmem>>
        tpu.enqueue_dma source(%dma_start3A_228 : memref<8xf32, #tpu.memory_space<vmem>>) target(%dma_start3A_226 : memref<8xf32, #tpu.memory_space<hbm>>) target_semaphore(%run_scoped3A : memref<!tpu.dma_semaphore, #tpu.memory_space<semaphore_mem>>)
        %dma_wait3A = arith.constant 624 : i32
        %dma_wait3A_229 = tpu.memref_slice %arg31[%dma_wait3A] : memref<632xf32, #tpu.memory_space<vmem>> -> memref<8xf32, #tpu.memory_space<vmem>>
        %dma_wait3A_230 = tpu.memref_slice %arg16[%multiple_of3A_222] : memref<10000xf32, #tpu.memory_space<hbm>> -> memref<8xf32, #tpu.memory_space<hbm>>
        %dma_wait3A_231 = tpu.memref_slice %arg16[%multiple_of3A_222] : memref<10000xf32, #tpu.memory_space<hbm>> -> memref<8xf32, #tpu.memory_space<hbm>>
        %dma_wait3A_232 = arith.constant 624 : i32
        %dma_wait3A_233 = tpu.memref_slice %arg31[%dma_wait3A_232] : memref<632xf32, #tpu.memory_space<vmem>> -> memref<8xf32, #tpu.memory_space<vmem>>
        tpu.wait_dma2 semaphore(%run_scoped3A : memref<!tpu.dma_semaphore, #tpu.memory_space<semaphore_mem>>) src(%dma_wait3A_233 : memref<8xf32, #tpu.memory_space<vmem>>) dst(%dma_wait3A_231 : memref<8xf32, #tpu.memory_space<hbm>>)
        tpu.yield
      }) : () -> ()
    } else {
    }
    %lt3A_210 = arith.constant 2 : i32
    %lt3A_211 = arith.cmpi slt, %arg1, %lt3A_210 : i32
    %eq3A_212 = arith.constant 1 : i32
    %eq3A_213 = arith.cmpi eq, %arg0, %eq3A_212 : i32
    %and3A_214 = arith.andi %lt3A_211, %eq3A_213 : i1
    %convert_element_type3A_215 = arith.extui %and3A_214 : i1 to i32
    %cond3A_216 = arith.constant 0 : i32
    %cond3A_217 = arith.cmpi ne, %convert_element_type3A_215, %cond3A_216 : i32
    scf.if %cond3A_217 {
      %mul3A_218 = arith.constant 8 : i32
      %mul3A_219 = arith.muli %arg1, %mul3A_218 : i32
      %add3A_220 = arith.constant 9984 : i32
      %add3A_221 = arith.addi %add3A_220, %mul3A_219 : i32
      %multiple_of3A_222 = tpu.assume_multiple %add3A_221, 8 : i32
      "tpu.region"() ({
        %run_scoped3A = tpu.sem_alloc : memref<!tpu.dma_semaphore, #tpu.memory_space<semaphore_mem>>
        %dma_start3A_223 = arith.constant 624 : i32
        %dma_start3A_224 = tpu.memref_slice %arg31[%dma_start3A_223] : memref<632xf32, #tpu.memory_space<vmem>> -> memref<8xf32, #tpu.memory_space<vmem>>
        %dma_start3A_225 = tpu.memref_slice %arg17[%multiple_of3A_222] : memref<10000xf32, #tpu.memory_space<hbm>> -> memref<8xf32, #tpu.memory_space<hbm>>
        %dma_start3A_226 = tpu.memref_slice %arg17[%multiple_of3A_222] : memref<10000xf32, #tpu.memory_space<hbm>> -> memref<8xf32, #tpu.memory_space<hbm>>
        %dma_start3A_227 = arith.constant 624 : i32
        %dma_start3A_228 = tpu.memref_slice %arg31[%dma_start3A_227] : memref<632xf32, #tpu.memory_space<vmem>> -> memref<8xf32, #tpu.memory_space<vmem>>
        tpu.enqueue_dma source(%dma_start3A_228 : memref<8xf32, #tpu.memory_space<vmem>>) target(%dma_start3A_226 : memref<8xf32, #tpu.memory_space<hbm>>) target_semaphore(%run_scoped3A : memref<!tpu.dma_semaphore, #tpu.memory_space<semaphore_mem>>)
        %dma_wait3A = arith.constant 624 : i32
        %dma_wait3A_229 = tpu.memref_slice %arg31[%dma_wait3A] : memref<632xf32, #tpu.memory_space<vmem>> -> memref<8xf32, #tpu.memory_space<vmem>>
        %dma_wait3A_230 = tpu.memref_slice %arg17[%multiple_of3A_222] : memref<10000xf32, #tpu.memory_space<hbm>> -> memref<8xf32, #tpu.memory_space<hbm>>
        %dma_wait3A_231 = tpu.memref_slice %arg17[%multiple_of3A_222] : memref<10000xf32, #tpu.memory_space<hbm>> -> memref<8xf32, #tpu.memory_space<hbm>>
        %dma_wait3A_232 = arith.constant 624 : i32
        %dma_wait3A_233 = tpu.memref_slice %arg31[%dma_wait3A_232] : memref<632xf32, #tpu.memory_space<vmem>> -> memref<8xf32, #tpu.memory_space<vmem>>
        tpu.wait_dma2 semaphore(%run_scoped3A : memref<!tpu.dma_semaphore, #tpu.memory_space<semaphore_mem>>) src(%dma_wait3A_233 : memref<8xf32, #tpu.memory_space<vmem>>) dst(%dma_wait3A_231 : memref<8xf32, #tpu.memory_space<hbm>>)
        tpu.yield
      }) : () -> ()
    } else {
    }
    return
  }
}

#map = affine_map<(d0, d1) -> (0, 0)>
module attributes {stable_mosaic.version = 14 : i64} {
  func.func @k(%arg0: i32, %arg1: i32, %arg2: memref<10000x128xf32, #tpu.memory_space<hbm>>, %arg3: memref<1280x128xi32, #tpu.memory_space<hbm>>, %arg4: memref<1280x128xi32, #tpu.memory_space<hbm>>, %arg5: memref<625x128xf32, #tpu.memory_space<hbm>>, %arg6: memref<10000x128xf32, #tpu.memory_space<hbm>>, %arg7: memref<10000x128xf32, #tpu.memory_space<hbm>>, %arg8: memref<10016x128xf32, #tpu.memory_space<vmem_shared>>, %arg9: memref<40x128xi32, #tpu.memory_space<vmem>>, %arg10: memref<40x128xi32, #tpu.memory_space<vmem>>, %arg11: memref<128x128xf32, #tpu.memory_space<vmem>>, %arg12: memref<128x128xf32, #tpu.memory_space<vmem>>, %arg13: memref<!tpu.dma_semaphore, #tpu.memory_space<semaphore_mem>>, %arg14: memref<!tpu.dma_semaphore, #tpu.memory_space<semaphore_mem>>, %arg15: memref<!tpu.dma_semaphore, #tpu.memory_space<semaphore_mem>>, %arg16: memref<!tpu.dma_semaphore, #tpu.memory_space<semaphore_mem>>) attributes {dimension_semantics = [#tpu.dimension_semantics<core_parallel>, #tpu.dimension_semantics<subcore_parallel>], iteration_bounds = array<i64: 2, 16>, scalar_prefetch = 0 : i64, scratch_operands = 9 : i64, tpu.core_type = #tpu.core_type<sc_vector_subcore>, window_params = [{transform_indices = #map}, {transform_indices = #map}, {transform_indices = #map}, {transform_indices = #map}, {transform_indices = #map}, {transform_indices = #map}]} {
    %mul3A = arith.constant 2 : i32
    %mul3A_0 = arith.muli %arg1, %mul3A : i32
    %add3A = arith.addi %mul3A_0, %arg0 : i32
    %mul3A_1 = arith.constant 624 : i32
    %mul3A_2 = arith.muli %arg1, %mul3A_1 : i32
    %multiple_of3A = tpu.assume_multiple %mul3A_2, 8 : i32
    "tpu.region"() ({
      %run_scoped3A = tpu.sem_alloc : memref<!tpu.dma_semaphore, #tpu.memory_space<semaphore_mem>>
      %dma_start3A_36 = arith.constant 0 : i32
      %dma_start3A_37 = tpu.memref_slice %arg8[%multiple_of3A, %dma_start3A_36] : memref<10016x128xf32, #tpu.memory_space<vmem_shared>> -> memref<624x128xf32, #tpu.memory_space<vmem_shared>>
      %dma_start3A_38 = arith.constant 0 : i32
      %dma_start3A_39 = arith.constant 0 : i32
      %dma_start3A_40 = tpu.memref_slice %arg5[%dma_start3A_38, %dma_start3A_39] : memref<625x128xf32, #tpu.memory_space<hbm>> -> memref<624x128xf32, #tpu.memory_space<hbm>>
      tpu.enqueue_dma source(%dma_start3A_40 : memref<624x128xf32, #tpu.memory_space<hbm>>) target(%dma_start3A_37 : memref<624x128xf32, #tpu.memory_space<vmem_shared>>) target_semaphore(%run_scoped3A : memref<!tpu.dma_semaphore, #tpu.memory_space<semaphore_mem>>)
      %dma_wait3A = arith.constant 0 : i32
      %dma_wait3A_41 = tpu.memref_slice %arg8[%multiple_of3A, %dma_wait3A] : memref<10016x128xf32, #tpu.memory_space<vmem_shared>> -> memref<624x128xf32, #tpu.memory_space<vmem_shared>>
      %dma_wait3A_42 = arith.constant 0 : i32
      %dma_wait3A_43 = arith.constant 0 : i32
      %dma_wait3A_44 = tpu.memref_slice %arg5[%dma_wait3A_42, %dma_wait3A_43] : memref<625x128xf32, #tpu.memory_space<hbm>> -> memref<624x128xf32, #tpu.memory_space<hbm>>
      tpu.wait_dma2 semaphore(%run_scoped3A : memref<!tpu.dma_semaphore, #tpu.memory_space<semaphore_mem>>) src(%dma_wait3A_44 : memref<624x128xf32, #tpu.memory_space<hbm>>) dst(%dma_wait3A_41 : memref<624x128xf32, #tpu.memory_space<vmem_shared>>)
      tpu.yield
    }) : () -> ()
    %lt3A = arith.constant 2 : i32
    %lt3A_3 = arith.cmpi slt, %arg1, %lt3A : i32
    %convert_element_type3A = arith.extui %lt3A_3 : i1 to i32
    %cond3A = arith.constant 0 : i32
    %cond3A_4 = arith.cmpi ne, %convert_element_type3A, %cond3A : i32
    scf.if %cond3A_4 {
      %mul3A_36 = arith.constant 8 : i32
      %mul3A_37 = arith.muli %arg1, %mul3A_36 : i32
      %add3A_38 = arith.constant 9984 : i32
      %add3A_39 = arith.addi %add3A_38, %mul3A_37 : i32
      %multiple_of3A_40 = tpu.assume_multiple %add3A_39, 8 : i32
      "tpu.region"() ({
        %run_scoped3A = tpu.sem_alloc : memref<!tpu.dma_semaphore, #tpu.memory_space<semaphore_mem>>
        %dma_start3A_41 = arith.constant 0 : i32
        %dma_start3A_42 = tpu.memref_slice %arg8[%multiple_of3A_40, %dma_start3A_41] : memref<10016x128xf32, #tpu.memory_space<vmem_shared>> -> memref<8x128xf32, #tpu.memory_space<vmem_shared>>
        %dma_start3A_43 = arith.constant 0 : i32
        %dma_start3A_44 = arith.constant 0 : i32
        %dma_start3A_45 = tpu.memref_slice %arg5[%dma_start3A_43, %dma_start3A_44] : memref<625x128xf32, #tpu.memory_space<hbm>> -> memref<8x128xf32, #tpu.memory_space<hbm>>
        tpu.enqueue_dma source(%dma_start3A_45 : memref<8x128xf32, #tpu.memory_space<hbm>>) target(%dma_start3A_42 : memref<8x128xf32, #tpu.memory_space<vmem_shared>>) target_semaphore(%run_scoped3A : memref<!tpu.dma_semaphore, #tpu.memory_space<semaphore_mem>>)
        %dma_wait3A = arith.constant 0 : i32
        %dma_wait3A_46 = tpu.memref_slice %arg8[%multiple_of3A_40, %dma_wait3A] : memref<10016x128xf32, #tpu.memory_space<vmem_shared>> -> memref<8x128xf32, #tpu.memory_space<vmem_shared>>
        %dma_wait3A_47 = arith.constant 0 : i32
        %dma_wait3A_48 = arith.constant 0 : i32
        %dma_wait3A_49 = tpu.memref_slice %arg5[%dma_wait3A_47, %dma_wait3A_48] : memref<625x128xf32, #tpu.memory_space<hbm>> -> memref<8x128xf32, #tpu.memory_space<hbm>>
        tpu.wait_dma2 semaphore(%run_scoped3A : memref<!tpu.dma_semaphore, #tpu.memory_space<semaphore_mem>>) src(%dma_wait3A_49 : memref<8x128xf32, #tpu.memory_space<hbm>>) dst(%dma_wait3A_46 : memref<8x128xf32, #tpu.memory_space<vmem_shared>>)
        tpu.yield
      }) : () -> ()
    } else {
    }
    %mul3A_5 = arith.constant 40 : i32
    %mul3A_6 = arith.muli %add3A, %mul3A_5 : i32
    %multiple_of3A_7 = tpu.assume_multiple %mul3A_6, 8 : i32
    "tpu.region"() ({
      %run_scoped3A = tpu.sem_alloc : memref<!tpu.dma_semaphore, #tpu.memory_space<semaphore_mem>>
      %dma_start3A_36 = arith.constant 0 : i32
      %dma_start3A_37 = tpu.memref_slice %arg3[%multiple_of3A_7, %dma_start3A_36] : memref<1280x128xi32, #tpu.memory_space<hbm>> -> memref<40x128xi32, #tpu.memory_space<hbm>>
      %dma_start3A_38 = arith.constant 0 : i32
      %dma_start3A_39 = tpu.memref_slice %arg3[%multiple_of3A_7, %dma_start3A_38] : memref<1280x128xi32, #tpu.memory_space<hbm>> -> memref<40x128xi32, #tpu.memory_space<hbm>>
      tpu.enqueue_dma source(%dma_start3A_39 : memref<40x128xi32, #tpu.memory_space<hbm>>) target(%arg9 : memref<40x128xi32, #tpu.memory_space<vmem>>) target_semaphore(%run_scoped3A : memref<!tpu.dma_semaphore, #tpu.memory_space<semaphore_mem>>)
      %dma_wait3A = arith.constant 0 : i32
      %dma_wait3A_40 = tpu.memref_slice %arg3[%multiple_of3A_7, %dma_wait3A] : memref<1280x128xi32, #tpu.memory_space<hbm>> -> memref<40x128xi32, #tpu.memory_space<hbm>>
      %dma_wait3A_41 = arith.constant 0 : i32
      %dma_wait3A_42 = tpu.memref_slice %arg3[%multiple_of3A_7, %dma_wait3A_41] : memref<1280x128xi32, #tpu.memory_space<hbm>> -> memref<40x128xi32, #tpu.memory_space<hbm>>
      tpu.wait_dma2 semaphore(%run_scoped3A : memref<!tpu.dma_semaphore, #tpu.memory_space<semaphore_mem>>) src(%dma_wait3A_42 : memref<40x128xi32, #tpu.memory_space<hbm>>) dst(%arg9 : memref<40x128xi32, #tpu.memory_space<vmem>>)
      tpu.yield
    }) : () -> ()
    "tpu.region"() ({
      %run_scoped3A = tpu.sem_alloc : memref<!tpu.dma_semaphore, #tpu.memory_space<semaphore_mem>>
      %dma_start3A_36 = arith.constant 0 : i32
      %dma_start3A_37 = tpu.memref_slice %arg4[%multiple_of3A_7, %dma_start3A_36] : memref<1280x128xi32, #tpu.memory_space<hbm>> -> memref<40x128xi32, #tpu.memory_space<hbm>>
      %dma_start3A_38 = arith.constant 0 : i32
      %dma_start3A_39 = tpu.memref_slice %arg4[%multiple_of3A_7, %dma_start3A_38] : memref<1280x128xi32, #tpu.memory_space<hbm>> -> memref<40x128xi32, #tpu.memory_space<hbm>>
      tpu.enqueue_dma source(%dma_start3A_39 : memref<40x128xi32, #tpu.memory_space<hbm>>) target(%arg10 : memref<40x128xi32, #tpu.memory_space<vmem>>) target_semaphore(%run_scoped3A : memref<!tpu.dma_semaphore, #tpu.memory_space<semaphore_mem>>)
      %dma_wait3A = arith.constant 0 : i32
      %dma_wait3A_40 = tpu.memref_slice %arg4[%multiple_of3A_7, %dma_wait3A] : memref<1280x128xi32, #tpu.memory_space<hbm>> -> memref<40x128xi32, #tpu.memory_space<hbm>>
      %dma_wait3A_41 = arith.constant 0 : i32
      %dma_wait3A_42 = tpu.memref_slice %arg4[%multiple_of3A_7, %dma_wait3A_41] : memref<1280x128xi32, #tpu.memory_space<hbm>> -> memref<40x128xi32, #tpu.memory_space<hbm>>
      tpu.wait_dma2 semaphore(%run_scoped3A : memref<!tpu.dma_semaphore, #tpu.memory_space<semaphore_mem>>) src(%dma_wait3A_42 : memref<40x128xi32, #tpu.memory_space<hbm>>) dst(%arg10 : memref<40x128xi32, #tpu.memory_space<vmem>>)
      tpu.yield
    }) : () -> ()
    %barrier3A = arith.constant 0 : index
    tpu.barrier barrier_id(%barrier3A)
    %dma_start3A = arith.constant 0 : i32
    %dma_start3A_8 = arith.constant 0 : i32
    %dma_start3A_9 = tpu.memref_slice %arg9[%dma_start3A, %dma_start3A_8] : memref<40x128xi32, #tpu.memory_space<vmem>> -> memref<1x128xi32, #tpu.memory_space<vmem>>
    %dma_start3A_10 = tpu.memref_squeeze %dma_start3A_9 : memref<1x128xi32, #tpu.memory_space<vmem>> -> memref<128xi32, #tpu.memory_space<vmem>>
    %dma_start3A_11 = arith.constant 0 : i32
    %dma_start3A_12 = arith.constant 0 : i32
    %dma_start3A_13 = tpu.memref_slice %arg2[%dma_start3A_11, %dma_start3A_12] : memref<10000x128xf32, #tpu.memory_space<hbm>> -> memref<10000x128xf32, #tpu.memory_space<hbm>>
    tpu.enqueue_indirect_dma source(%dma_start3A_13 : memref<10000x128xf32, #tpu.memory_space<hbm>>) target(%arg11 : memref<128x128xf32, #tpu.memory_space<vmem>>) offsets(%dma_start3A_10 : memref<128xi32, #tpu.memory_space<vmem>>) semaphore(%arg13 : memref<!tpu.dma_semaphore, #tpu.memory_space<semaphore_mem>>)
    %dma_start3A_14 = arith.constant 1 : i32
    %dma_start3A_15 = arith.constant 0 : i32
    %dma_start3A_16 = tpu.memref_slice %arg9[%dma_start3A_14, %dma_start3A_15] : memref<40x128xi32, #tpu.memory_space<vmem>> -> memref<1x128xi32, #tpu.memory_space<vmem>>
    %dma_start3A_17 = tpu.memref_squeeze %dma_start3A_16 : memref<1x128xi32, #tpu.memory_space<vmem>> -> memref<128xi32, #tpu.memory_space<vmem>>
    %dma_start3A_18 = arith.constant 0 : i32
    %dma_start3A_19 = arith.constant 0 : i32
    %dma_start3A_20 = tpu.memref_slice %arg2[%dma_start3A_18, %dma_start3A_19] : memref<10000x128xf32, #tpu.memory_space<hbm>> -> memref<10000x128xf32, #tpu.memory_space<hbm>>
    tpu.enqueue_indirect_dma source(%dma_start3A_20 : memref<10000x128xf32, #tpu.memory_space<hbm>>) target(%arg12 : memref<128x128xf32, #tpu.memory_space<vmem>>) offsets(%dma_start3A_17 : memref<128xi32, #tpu.memory_space<vmem>>) semaphore(%arg14 : memref<!tpu.dma_semaphore, #tpu.memory_space<semaphore_mem>>)
    %scan3A = arith.constant 0 : i32
    %scan3A_21 = arith.constant 0 : i32
    %scan3A_22 = arith.constant 20 : i32
    %scan3A_23 = arith.addi %scan3A_21, %scan3A_22 : i32
    %scan3A_24 = arith.constant 1 : i32
    scf.for %scan3A_36 = %scan3A_21 to %scan3A_23 step %scan3A_24  : i32 {
      %mul3A_37 = arith.constant 2 : i32
      %mul3A_38 = arith.muli %scan3A_36, %mul3A_37 : i32
      %add3A_39 = arith.constant 0 : i32
      %add3A_40 = arith.addi %mul3A_38, %add3A_39 : i32
      %dma_wait3A = arith.constant 0 : i32
      %dma_wait3A_41 = arith.constant 0 : i32
      %dma_wait3A_42 = tpu.memref_slice %arg9[%dma_wait3A, %dma_wait3A_41] : memref<40x128xi32, #tpu.memory_space<vmem>> -> memref<1x128xi32, #tpu.memory_space<vmem>>
      %dma_wait3A_43 = tpu.memref_squeeze %dma_wait3A_42 : memref<1x128xi32, #tpu.memory_space<vmem>> -> memref<128xi32, #tpu.memory_space<vmem>>
      %dma_wait3A_44 = arith.constant 0 : i32
      %dma_wait3A_45 = arith.constant 0 : i32
      %dma_wait3A_46 = tpu.memref_slice %arg2[%dma_wait3A_44, %dma_wait3A_45] : memref<10000x128xf32, #tpu.memory_space<hbm>> -> memref<10000x128xf32, #tpu.memory_space<hbm>>
      tpu.wait_indirect_dma semaphore(%arg13 : memref<!tpu.dma_semaphore, #tpu.memory_space<semaphore_mem>>) src(%dma_wait3A_46 : memref<10000x128xf32, #tpu.memory_space<hbm>>) dst(%arg11 : memref<128x128xf32, #tpu.memory_space<vmem>>)
      %dma_start3A_47 = arith.constant 0 : i32
      %dma_start3A_48 = tpu.memref_slice %arg10[%add3A_40, %dma_start3A_47] : memref<40x128xi32, #tpu.memory_space<vmem>> -> memref<1x128xi32, #tpu.memory_space<vmem>>
      %dma_start3A_49 = tpu.memref_squeeze %dma_start3A_48 : memref<1x128xi32, #tpu.memory_space<vmem>> -> memref<128xi32, #tpu.memory_space<vmem>>
      %dma_start3A_50 = arith.constant 0 : i32
      %dma_start3A_51 = arith.constant 0 : i32
      %dma_start3A_52 = tpu.memref_slice %arg8[%dma_start3A_50, %dma_start3A_51] : memref<10016x128xf32, #tpu.memory_space<vmem_shared>> -> memref<10016x128xf32, #tpu.memory_space<vmem_shared>>
      tpu.enqueue_indirect_dma source(%arg11 : memref<128x128xf32, #tpu.memory_space<vmem>>) target(%dma_start3A_52 : memref<10016x128xf32, #tpu.memory_space<vmem_shared>>) offsets(%dma_start3A_49 : memref<128xi32, #tpu.memory_space<vmem>>) semaphore(%arg15 : memref<!tpu.dma_semaphore, #tpu.memory_space<semaphore_mem>>) {add = true}
      %dma_wait3A_53 = arith.constant 0 : i32
      %dma_wait3A_54 = arith.constant 0 : i32
      %dma_wait3A_55 = tpu.memref_slice %arg10[%dma_wait3A_53, %dma_wait3A_54] : memref<40x128xi32, #tpu.memory_space<vmem>> -> memref<1x128xi32, #tpu.memory_space<vmem>>
      %dma_wait3A_56 = tpu.memref_squeeze %dma_wait3A_55 : memref<1x128xi32, #tpu.memory_space<vmem>> -> memref<128xi32, #tpu.memory_space<vmem>>
      %dma_wait3A_57 = arith.constant 0 : i32
      %dma_wait3A_58 = arith.constant 0 : i32
      %dma_wait3A_59 = tpu.memref_slice %arg8[%dma_wait3A_57, %dma_wait3A_58] : memref<10016x128xf32, #tpu.memory_space<vmem_shared>> -> memref<10016x128xf32, #tpu.memory_space<vmem_shared>>
      tpu.wait_indirect_dma semaphore(%arg15 : memref<!tpu.dma_semaphore, #tpu.memory_space<semaphore_mem>>) src(%arg11 : memref<128x128xf32, #tpu.memory_space<vmem>>) dst(%dma_wait3A_59 : memref<10016x128xf32, #tpu.memory_space<vmem_shared>>)
      %add3A_60 = arith.constant 2 : i32
      %add3A_61 = arith.addi %add3A_40, %add3A_60 : i32
      %lt3A_62 = arith.constant 40 : i32
      %lt3A_63 = arith.cmpi slt, %add3A_61, %lt3A_62 : i32
      %convert_element_type3A_64 = arith.extui %lt3A_63 : i1 to i32
      %cond3A_65 = arith.constant 0 : i32
      %cond3A_66 = arith.cmpi ne, %convert_element_type3A_64, %cond3A_65 : i32
      scf.if %cond3A_66 {
        %add3A_98 = arith.constant 2 : i32
        %add3A_99 = arith.addi %add3A_40, %add3A_98 : i32
        %dma_start3A_100 = arith.constant 0 : i32
        %dma_start3A_101 = tpu.memref_slice %arg9[%add3A_99, %dma_start3A_100] : memref<40x128xi32, #tpu.memory_space<vmem>> -> memref<1x128xi32, #tpu.memory_space<vmem>>
        %dma_start3A_102 = tpu.memref_squeeze %dma_start3A_101 : memref<1x128xi32, #tpu.memory_space<vmem>> -> memref<128xi32, #tpu.memory_space<vmem>>
        %dma_start3A_103 = arith.constant 0 : i32
        %dma_start3A_104 = arith.constant 0 : i32
        %dma_start3A_105 = tpu.memref_slice %arg2[%dma_start3A_103, %dma_start3A_104] : memref<10000x128xf32, #tpu.memory_space<hbm>> -> memref<10000x128xf32, #tpu.memory_space<hbm>>
        tpu.enqueue_indirect_dma source(%dma_start3A_105 : memref<10000x128xf32, #tpu.memory_space<hbm>>) target(%arg11 : memref<128x128xf32, #tpu.memory_space<vmem>>) offsets(%dma_start3A_102 : memref<128xi32, #tpu.memory_space<vmem>>) semaphore(%arg13 : memref<!tpu.dma_semaphore, #tpu.memory_space<semaphore_mem>>)
      } else {
      }
      %mul3A_67 = arith.constant 2 : i32
      %mul3A_68 = arith.muli %scan3A_36, %mul3A_67 : i32
      %add3A_69 = arith.constant 1 : i32
      %add3A_70 = arith.addi %mul3A_68, %add3A_69 : i32
      %dma_wait3A_71 = arith.constant 0 : i32
      %dma_wait3A_72 = arith.constant 0 : i32
      %dma_wait3A_73 = tpu.memref_slice %arg9[%dma_wait3A_71, %dma_wait3A_72] : memref<40x128xi32, #tpu.memory_space<vmem>> -> memref<1x128xi32, #tpu.memory_space<vmem>>
      %dma_wait3A_74 = tpu.memref_squeeze %dma_wait3A_73 : memref<1x128xi32, #tpu.memory_space<vmem>> -> memref<128xi32, #tpu.memory_space<vmem>>
      %dma_wait3A_75 = arith.constant 0 : i32
      %dma_wait3A_76 = arith.constant 0 : i32
      %dma_wait3A_77 = tpu.memref_slice %arg2[%dma_wait3A_75, %dma_wait3A_76] : memref<10000x128xf32, #tpu.memory_space<hbm>> -> memref<10000x128xf32, #tpu.memory_space<hbm>>
      tpu.wait_indirect_dma semaphore(%arg14 : memref<!tpu.dma_semaphore, #tpu.memory_space<semaphore_mem>>) src(%dma_wait3A_77 : memref<10000x128xf32, #tpu.memory_space<hbm>>) dst(%arg12 : memref<128x128xf32, #tpu.memory_space<vmem>>)
      %dma_start3A_78 = arith.constant 0 : i32
      %dma_start3A_79 = tpu.memref_slice %arg10[%add3A_70, %dma_start3A_78] : memref<40x128xi32, #tpu.memory_space<vmem>> -> memref<1x128xi32, #tpu.memory_space<vmem>>
      %dma_start3A_80 = tpu.memref_squeeze %dma_start3A_79 : memref<1x128xi32, #tpu.memory_space<vmem>> -> memref<128xi32, #tpu.memory_space<vmem>>
      %dma_start3A_81 = arith.constant 0 : i32
      %dma_start3A_82 = arith.constant 0 : i32
      %dma_start3A_83 = tpu.memref_slice %arg8[%dma_start3A_81, %dma_start3A_82] : memref<10016x128xf32, #tpu.memory_space<vmem_shared>> -> memref<10016x128xf32, #tpu.memory_space<vmem_shared>>
      tpu.enqueue_indirect_dma source(%arg12 : memref<128x128xf32, #tpu.memory_space<vmem>>) target(%dma_start3A_83 : memref<10016x128xf32, #tpu.memory_space<vmem_shared>>) offsets(%dma_start3A_80 : memref<128xi32, #tpu.memory_space<vmem>>) semaphore(%arg16 : memref<!tpu.dma_semaphore, #tpu.memory_space<semaphore_mem>>) {add = true}
      %dma_wait3A_84 = arith.constant 0 : i32
      %dma_wait3A_85 = arith.constant 0 : i32
      %dma_wait3A_86 = tpu.memref_slice %arg10[%dma_wait3A_84, %dma_wait3A_85] : memref<40x128xi32, #tpu.memory_space<vmem>> -> memref<1x128xi32, #tpu.memory_space<vmem>>
      %dma_wait3A_87 = tpu.memref_squeeze %dma_wait3A_86 : memref<1x128xi32, #tpu.memory_space<vmem>> -> memref<128xi32, #tpu.memory_space<vmem>>
      %dma_wait3A_88 = arith.constant 0 : i32
      %dma_wait3A_89 = arith.constant 0 : i32
      %dma_wait3A_90 = tpu.memref_slice %arg8[%dma_wait3A_88, %dma_wait3A_89] : memref<10016x128xf32, #tpu.memory_space<vmem_shared>> -> memref<10016x128xf32, #tpu.memory_space<vmem_shared>>
      tpu.wait_indirect_dma semaphore(%arg16 : memref<!tpu.dma_semaphore, #tpu.memory_space<semaphore_mem>>) src(%arg12 : memref<128x128xf32, #tpu.memory_space<vmem>>) dst(%dma_wait3A_90 : memref<10016x128xf32, #tpu.memory_space<vmem_shared>>)
      %add3A_91 = arith.constant 2 : i32
      %add3A_92 = arith.addi %add3A_70, %add3A_91 : i32
      %lt3A_93 = arith.constant 40 : i32
      %lt3A_94 = arith.cmpi slt, %add3A_92, %lt3A_93 : i32
      %convert_element_type3A_95 = arith.extui %lt3A_94 : i1 to i32
      %cond3A_96 = arith.constant 0 : i32
      %cond3A_97 = arith.cmpi ne, %convert_element_type3A_95, %cond3A_96 : i32
      scf.if %cond3A_97 {
        %add3A_98 = arith.constant 2 : i32
        %add3A_99 = arith.addi %add3A_70, %add3A_98 : i32
        %dma_start3A_100 = arith.constant 0 : i32
        %dma_start3A_101 = tpu.memref_slice %arg9[%add3A_99, %dma_start3A_100] : memref<40x128xi32, #tpu.memory_space<vmem>> -> memref<1x128xi32, #tpu.memory_space<vmem>>
        %dma_start3A_102 = tpu.memref_squeeze %dma_start3A_101 : memref<1x128xi32, #tpu.memory_space<vmem>> -> memref<128xi32, #tpu.memory_space<vmem>>
        %dma_start3A_103 = arith.constant 0 : i32
        %dma_start3A_104 = arith.constant 0 : i32
        %dma_start3A_105 = tpu.memref_slice %arg2[%dma_start3A_103, %dma_start3A_104] : memref<10000x128xf32, #tpu.memory_space<hbm>> -> memref<10000x128xf32, #tpu.memory_space<hbm>>
        tpu.enqueue_indirect_dma source(%dma_start3A_105 : memref<10000x128xf32, #tpu.memory_space<hbm>>) target(%arg12 : memref<128x128xf32, #tpu.memory_space<vmem>>) offsets(%dma_start3A_102 : memref<128xi32, #tpu.memory_space<vmem>>) semaphore(%arg14 : memref<!tpu.dma_semaphore, #tpu.memory_space<semaphore_mem>>)
      } else {
      }
    }
    %scan3A_25 = arith.constant 20 : i32
    %barrier3A_26 = arith.constant 0 : index
    tpu.barrier barrier_id(%barrier3A_26)
    %eq3A = arith.constant 0 : i32
    %eq3A_27 = arith.cmpi eq, %arg0, %eq3A : i32
    %convert_element_type3A_28 = arith.extui %eq3A_27 : i1 to i32
    %cond3A_29 = arith.constant 0 : i32
    %cond3A_30 = arith.cmpi ne, %convert_element_type3A_28, %cond3A_29 : i32
    scf.if %cond3A_30 {
      %mul3A_36 = arith.constant 624 : i32
      %mul3A_37 = arith.muli %arg1, %mul3A_36 : i32
      %multiple_of3A_38 = tpu.assume_multiple %mul3A_37, 8 : i32
      "tpu.region"() ({
        %run_scoped3A = tpu.sem_alloc : memref<!tpu.dma_semaphore, #tpu.memory_space<semaphore_mem>>
        %dma_start3A_44 = arith.constant 0 : i32
        %dma_start3A_45 = tpu.memref_slice %arg6[%multiple_of3A_38, %dma_start3A_44] : memref<10000x128xf32, #tpu.memory_space<hbm>> -> memref<624x128xf32, #tpu.memory_space<hbm>>
        %dma_start3A_46 = arith.constant 0 : i32
        %dma_start3A_47 = tpu.memref_slice %arg8[%multiple_of3A_38, %dma_start3A_46] : memref<10016x128xf32, #tpu.memory_space<vmem_shared>> -> memref<624x128xf32, #tpu.memory_space<vmem_shared>>
        tpu.enqueue_dma source(%dma_start3A_47 : memref<624x128xf32, #tpu.memory_space<vmem_shared>>) target(%dma_start3A_45 : memref<624x128xf32, #tpu.memory_space<hbm>>) target_semaphore(%run_scoped3A : memref<!tpu.dma_semaphore, #tpu.memory_space<semaphore_mem>>)
        %dma_wait3A = arith.constant 0 : i32
        %dma_wait3A_48 = tpu.memref_slice %arg6[%multiple_of3A_38, %dma_wait3A] : memref<10000x128xf32, #tpu.memory_space<hbm>> -> memref<624x128xf32, #tpu.memory_space<hbm>>
        %dma_wait3A_49 = arith.constant 0 : i32
        %dma_wait3A_50 = tpu.memref_slice %arg8[%multiple_of3A_38, %dma_wait3A_49] : memref<10016x128xf32, #tpu.memory_space<vmem_shared>> -> memref<624x128xf32, #tpu.memory_space<vmem_shared>>
        tpu.wait_dma2 semaphore(%run_scoped3A : memref<!tpu.dma_semaphore, #tpu.memory_space<semaphore_mem>>) src(%dma_wait3A_50 : memref<624x128xf32, #tpu.memory_space<vmem_shared>>) dst(%dma_wait3A_48 : memref<624x128xf32, #tpu.memory_space<hbm>>)
        tpu.yield
      }) : () -> ()
      %lt3A_39 = arith.constant 2 : i32
      %lt3A_40 = arith.cmpi slt, %arg1, %lt3A_39 : i32
      %convert_element_type3A_41 = arith.extui %lt3A_40 : i1 to i32
      %cond3A_42 = arith.constant 0 : i32
      %cond3A_43 = arith.cmpi ne, %convert_element_type3A_41, %cond3A_42 : i32
      scf.if %cond3A_43 {
        %mul3A_44 = arith.constant 8 : i32
        %mul3A_45 = arith.muli %arg1, %mul3A_44 : i32
        %add3A_46 = arith.constant 9984 : i32
        %add3A_47 = arith.addi %add3A_46, %mul3A_45 : i32
        %multiple_of3A_48 = tpu.assume_multiple %add3A_47, 8 : i32
        "tpu.region"() ({
          %run_scoped3A = tpu.sem_alloc : memref<!tpu.dma_semaphore, #tpu.memory_space<semaphore_mem>>
          %dma_start3A_49 = arith.constant 0 : i32
          %dma_start3A_50 = tpu.memref_slice %arg6[%multiple_of3A_48, %dma_start3A_49] : memref<10000x128xf32, #tpu.memory_space<hbm>> -> memref<8x128xf32, #tpu.memory_space<hbm>>
          %dma_start3A_51 = arith.constant 0 : i32
          %dma_start3A_52 = tpu.memref_slice %arg8[%multiple_of3A_48, %dma_start3A_51] : memref<10016x128xf32, #tpu.memory_space<vmem_shared>> -> memref<8x128xf32, #tpu.memory_space<vmem_shared>>
          tpu.enqueue_dma source(%dma_start3A_52 : memref<8x128xf32, #tpu.memory_space<vmem_shared>>) target(%dma_start3A_50 : memref<8x128xf32, #tpu.memory_space<hbm>>) target_semaphore(%run_scoped3A : memref<!tpu.dma_semaphore, #tpu.memory_space<semaphore_mem>>)
          %dma_wait3A = arith.constant 0 : i32
          %dma_wait3A_53 = tpu.memref_slice %arg6[%multiple_of3A_48, %dma_wait3A] : memref<10000x128xf32, #tpu.memory_space<hbm>> -> memref<8x128xf32, #tpu.memory_space<hbm>>
          %dma_wait3A_54 = arith.constant 0 : i32
          %dma_wait3A_55 = tpu.memref_slice %arg8[%multiple_of3A_48, %dma_wait3A_54] : memref<10016x128xf32, #tpu.memory_space<vmem_shared>> -> memref<8x128xf32, #tpu.memory_space<vmem_shared>>
          tpu.wait_dma2 semaphore(%run_scoped3A : memref<!tpu.dma_semaphore, #tpu.memory_space<semaphore_mem>>) src(%dma_wait3A_55 : memref<8x128xf32, #tpu.memory_space<vmem_shared>>) dst(%dma_wait3A_53 : memref<8x128xf32, #tpu.memory_space<hbm>>)
          tpu.yield
        }) : () -> ()
      } else {
      }
    } else {
    }
    %eq3A_31 = arith.constant 1 : i32
    %eq3A_32 = arith.cmpi eq, %arg0, %eq3A_31 : i32
    %convert_element_type3A_33 = arith.extui %eq3A_32 : i1 to i32
    %cond3A_34 = arith.constant 0 : i32
    %cond3A_35 = arith.cmpi ne, %convert_element_type3A_33, %cond3A_34 : i32
    scf.if %cond3A_35 {
      %mul3A_36 = arith.constant 624 : i32
      %mul3A_37 = arith.muli %arg1, %mul3A_36 : i32
      %multiple_of3A_38 = tpu.assume_multiple %mul3A_37, 8 : i32
      "tpu.region"() ({
        %run_scoped3A = tpu.sem_alloc : memref<!tpu.dma_semaphore, #tpu.memory_space<semaphore_mem>>
        %dma_start3A_44 = arith.constant 0 : i32
        %dma_start3A_45 = tpu.memref_slice %arg7[%multiple_of3A_38, %dma_start3A_44] : memref<10000x128xf32, #tpu.memory_space<hbm>> -> memref<624x128xf32, #tpu.memory_space<hbm>>
        %dma_start3A_46 = arith.constant 0 : i32
        %dma_start3A_47 = tpu.memref_slice %arg8[%multiple_of3A_38, %dma_start3A_46] : memref<10016x128xf32, #tpu.memory_space<vmem_shared>> -> memref<624x128xf32, #tpu.memory_space<vmem_shared>>
        tpu.enqueue_dma source(%dma_start3A_47 : memref<624x128xf32, #tpu.memory_space<vmem_shared>>) target(%dma_start3A_45 : memref<624x128xf32, #tpu.memory_space<hbm>>) target_semaphore(%run_scoped3A : memref<!tpu.dma_semaphore, #tpu.memory_space<semaphore_mem>>)
        %dma_wait3A = arith.constant 0 : i32
        %dma_wait3A_48 = tpu.memref_slice %arg7[%multiple_of3A_38, %dma_wait3A] : memref<10000x128xf32, #tpu.memory_space<hbm>> -> memref<624x128xf32, #tpu.memory_space<hbm>>
        %dma_wait3A_49 = arith.constant 0 : i32
        %dma_wait3A_50 = tpu.memref_slice %arg8[%multiple_of3A_38, %dma_wait3A_49] : memref<10016x128xf32, #tpu.memory_space<vmem_shared>> -> memref<624x128xf32, #tpu.memory_space<vmem_shared>>
        tpu.wait_dma2 semaphore(%run_scoped3A : memref<!tpu.dma_semaphore, #tpu.memory_space<semaphore_mem>>) src(%dma_wait3A_50 : memref<624x128xf32, #tpu.memory_space<vmem_shared>>) dst(%dma_wait3A_48 : memref<624x128xf32, #tpu.memory_space<hbm>>)
        tpu.yield
      }) : () -> ()
      %lt3A_39 = arith.constant 2 : i32
      %lt3A_40 = arith.cmpi slt, %arg1, %lt3A_39 : i32
      %convert_element_type3A_41 = arith.extui %lt3A_40 : i1 to i32
      %cond3A_42 = arith.constant 0 : i32
      %cond3A_43 = arith.cmpi ne, %convert_element_type3A_41, %cond3A_42 : i32
      scf.if %cond3A_43 {
        %mul3A_44 = arith.constant 8 : i32
        %mul3A_45 = arith.muli %arg1, %mul3A_44 : i32
        %add3A_46 = arith.constant 9984 : i32
        %add3A_47 = arith.addi %add3A_46, %mul3A_45 : i32
        %multiple_of3A_48 = tpu.assume_multiple %add3A_47, 8 : i32
        "tpu.region"() ({
          %run_scoped3A = tpu.sem_alloc : memref<!tpu.dma_semaphore, #tpu.memory_space<semaphore_mem>>
          %dma_start3A_49 = arith.constant 0 : i32
          %dma_start3A_50 = tpu.memref_slice %arg7[%multiple_of3A_48, %dma_start3A_49] : memref<10000x128xf32, #tpu.memory_space<hbm>> -> memref<8x128xf32, #tpu.memory_space<hbm>>
          %dma_start3A_51 = arith.constant 0 : i32
          %dma_start3A_52 = tpu.memref_slice %arg8[%multiple_of3A_48, %dma_start3A_51] : memref<10016x128xf32, #tpu.memory_space<vmem_shared>> -> memref<8x128xf32, #tpu.memory_space<vmem_shared>>
          tpu.enqueue_dma source(%dma_start3A_52 : memref<8x128xf32, #tpu.memory_space<vmem_shared>>) target(%dma_start3A_50 : memref<8x128xf32, #tpu.memory_space<hbm>>) target_semaphore(%run_scoped3A : memref<!tpu.dma_semaphore, #tpu.memory_space<semaphore_mem>>)
          %dma_wait3A = arith.constant 0 : i32
          %dma_wait3A_53 = tpu.memref_slice %arg7[%multiple_of3A_48, %dma_wait3A] : memref<10000x128xf32, #tpu.memory_space<hbm>> -> memref<8x128xf32, #tpu.memory_space<hbm>>
          %dma_wait3A_54 = arith.constant 0 : i32
          %dma_wait3A_55 = tpu.memref_slice %arg8[%multiple_of3A_48, %dma_wait3A_54] : memref<10016x128xf32, #tpu.memory_space<vmem_shared>> -> memref<8x128xf32, #tpu.memory_space<vmem_shared>>
          tpu.wait_dma2 semaphore(%run_scoped3A : memref<!tpu.dma_semaphore, #tpu.memory_space<semaphore_mem>>) src(%dma_wait3A_55 : memref<8x128xf32, #tpu.memory_space<vmem_shared>>) dst(%dma_wait3A_53 : memref<8x128xf32, #tpu.memory_space<hbm>>)
          tpu.yield
        }) : () -> ()
      } else {
      }
    } else {
    }
    return
  }
}

#map = affine_map<(d0, d1) -> (0, 0)>
module attributes {stable_mosaic.version = 14 : i64} {
  func.func @k(%arg0: i32, %arg1: i32, %arg2: memref<10000x128xf32, #tpu.memory_space<hbm>>, %arg3: memref<1280x128xi32, #tpu.memory_space<hbm>>, %arg4: memref<1280x128xi32, #tpu.memory_space<hbm>>, %arg5: memref<625x128xf32, #tpu.memory_space<hbm>>, %arg6: memref<10000x128xf32, #tpu.memory_space<hbm>>, %arg7: memref<10000x128xf32, #tpu.memory_space<hbm>>, %arg8: memref<10016x128xf32, #tpu.memory_space<vmem_shared>>, %arg9: memref<40x128xi32, #tpu.memory_space<vmem>>, %arg10: memref<40x128xi32, #tpu.memory_space<vmem>>, %arg11: memref<128x128xf32, #tpu.memory_space<vmem>>, %arg12: memref<128x128xf32, #tpu.memory_space<vmem>>, %arg13: memref<!tpu.dma_semaphore, #tpu.memory_space<semaphore_mem>>, %arg14: memref<!tpu.dma_semaphore, #tpu.memory_space<semaphore_mem>>, %arg15: memref<!tpu.dma_semaphore, #tpu.memory_space<semaphore_mem>>, %arg16: memref<!tpu.dma_semaphore, #tpu.memory_space<semaphore_mem>>) attributes {dimension_semantics = [#tpu.dimension_semantics<core_parallel>, #tpu.dimension_semantics<subcore_parallel>], iteration_bounds = array<i64: 2, 16>, scalar_prefetch = 0 : i64, scratch_operands = 9 : i64, tpu.core_type = #tpu.core_type<sc_vector_subcore>, window_params = [{transform_indices = #map}, {transform_indices = #map}, {transform_indices = #map}, {transform_indices = #map}, {transform_indices = #map}, {transform_indices = #map}]} {
    %mul3A = arith.constant 2 : i32
    %mul3A_0 = arith.muli %arg1, %mul3A : i32
    %add3A = arith.addi %mul3A_0, %arg0 : i32
    %mul3A_1 = arith.constant 624 : i32
    %mul3A_2 = arith.muli %arg1, %mul3A_1 : i32
    %multiple_of3A = tpu.assume_multiple %mul3A_2, 8 : i32
    "tpu.region"() ({
      %run_scoped3A = tpu.sem_alloc : memref<!tpu.dma_semaphore, #tpu.memory_space<semaphore_mem>>
      %dma_start3A_36 = arith.constant 0 : i32
      %dma_start3A_37 = tpu.memref_slice %arg8[%multiple_of3A, %dma_start3A_36] : memref<10016x128xf32, #tpu.memory_space<vmem_shared>> -> memref<624x128xf32, #tpu.memory_space<vmem_shared>>
      %dma_start3A_38 = arith.constant 0 : i32
      %dma_start3A_39 = arith.constant 0 : i32
      %dma_start3A_40 = tpu.memref_slice %arg5[%dma_start3A_38, %dma_start3A_39] : memref<625x128xf32, #tpu.memory_space<hbm>> -> memref<624x128xf32, #tpu.memory_space<hbm>>
      tpu.enqueue_dma source(%dma_start3A_40 : memref<624x128xf32, #tpu.memory_space<hbm>>) target(%dma_start3A_37 : memref<624x128xf32, #tpu.memory_space<vmem_shared>>) target_semaphore(%run_scoped3A : memref<!tpu.dma_semaphore, #tpu.memory_space<semaphore_mem>>)
      %dma_wait3A = arith.constant 0 : i32
      %dma_wait3A_41 = tpu.memref_slice %arg8[%multiple_of3A, %dma_wait3A] : memref<10016x128xf32, #tpu.memory_space<vmem_shared>> -> memref<624x128xf32, #tpu.memory_space<vmem_shared>>
      %dma_wait3A_42 = arith.constant 0 : i32
      %dma_wait3A_43 = arith.constant 0 : i32
      %dma_wait3A_44 = tpu.memref_slice %arg5[%dma_wait3A_42, %dma_wait3A_43] : memref<625x128xf32, #tpu.memory_space<hbm>> -> memref<624x128xf32, #tpu.memory_space<hbm>>
      tpu.wait_dma2 semaphore(%run_scoped3A : memref<!tpu.dma_semaphore, #tpu.memory_space<semaphore_mem>>) src(%dma_wait3A_44 : memref<624x128xf32, #tpu.memory_space<hbm>>) dst(%dma_wait3A_41 : memref<624x128xf32, #tpu.memory_space<vmem_shared>>)
      tpu.yield
    }) : () -> ()
    %lt3A = arith.constant 2 : i32
    %lt3A_3 = arith.cmpi slt, %arg1, %lt3A : i32
    %convert_element_type3A = arith.extui %lt3A_3 : i1 to i32
    %cond3A = arith.constant 0 : i32
    %cond3A_4 = arith.cmpi ne, %convert_element_type3A, %cond3A : i32
    scf.if %cond3A_4 {
      %mul3A_36 = arith.constant 8 : i32
      %mul3A_37 = arith.muli %arg1, %mul3A_36 : i32
      %add3A_38 = arith.constant 9984 : i32
      %add3A_39 = arith.addi %add3A_38, %mul3A_37 : i32
      %multiple_of3A_40 = tpu.assume_multiple %add3A_39, 8 : i32
      "tpu.region"() ({
        %run_scoped3A = tpu.sem_alloc : memref<!tpu.dma_semaphore, #tpu.memory_space<semaphore_mem>>
        %dma_start3A_41 = arith.constant 0 : i32
        %dma_start3A_42 = tpu.memref_slice %arg8[%multiple_of3A_40, %dma_start3A_41] : memref<10016x128xf32, #tpu.memory_space<vmem_shared>> -> memref<8x128xf32, #tpu.memory_space<vmem_shared>>
        %dma_start3A_43 = arith.constant 0 : i32
        %dma_start3A_44 = arith.constant 0 : i32
        %dma_start3A_45 = tpu.memref_slice %arg5[%dma_start3A_43, %dma_start3A_44] : memref<625x128xf32, #tpu.memory_space<hbm>> -> memref<8x128xf32, #tpu.memory_space<hbm>>
        tpu.enqueue_dma source(%dma_start3A_45 : memref<8x128xf32, #tpu.memory_space<hbm>>) target(%dma_start3A_42 : memref<8x128xf32, #tpu.memory_space<vmem_shared>>) target_semaphore(%run_scoped3A : memref<!tpu.dma_semaphore, #tpu.memory_space<semaphore_mem>>)
        %dma_wait3A = arith.constant 0 : i32
        %dma_wait3A_46 = tpu.memref_slice %arg8[%multiple_of3A_40, %dma_wait3A] : memref<10016x128xf32, #tpu.memory_space<vmem_shared>> -> memref<8x128xf32, #tpu.memory_space<vmem_shared>>
        %dma_wait3A_47 = arith.constant 0 : i32
        %dma_wait3A_48 = arith.constant 0 : i32
        %dma_wait3A_49 = tpu.memref_slice %arg5[%dma_wait3A_47, %dma_wait3A_48] : memref<625x128xf32, #tpu.memory_space<hbm>> -> memref<8x128xf32, #tpu.memory_space<hbm>>
        tpu.wait_dma2 semaphore(%run_scoped3A : memref<!tpu.dma_semaphore, #tpu.memory_space<semaphore_mem>>) src(%dma_wait3A_49 : memref<8x128xf32, #tpu.memory_space<hbm>>) dst(%dma_wait3A_46 : memref<8x128xf32, #tpu.memory_space<vmem_shared>>)
        tpu.yield
      }) : () -> ()
    } else {
    }
    %mul3A_5 = arith.constant 40 : i32
    %mul3A_6 = arith.muli %add3A, %mul3A_5 : i32
    %multiple_of3A_7 = tpu.assume_multiple %mul3A_6, 8 : i32
    "tpu.region"() ({
      %run_scoped3A = tpu.sem_alloc : memref<!tpu.dma_semaphore, #tpu.memory_space<semaphore_mem>>
      %dma_start3A_36 = arith.constant 0 : i32
      %dma_start3A_37 = tpu.memref_slice %arg3[%multiple_of3A_7, %dma_start3A_36] : memref<1280x128xi32, #tpu.memory_space<hbm>> -> memref<40x128xi32, #tpu.memory_space<hbm>>
      %dma_start3A_38 = arith.constant 0 : i32
      %dma_start3A_39 = tpu.memref_slice %arg3[%multiple_of3A_7, %dma_start3A_38] : memref<1280x128xi32, #tpu.memory_space<hbm>> -> memref<40x128xi32, #tpu.memory_space<hbm>>
      tpu.enqueue_dma source(%dma_start3A_39 : memref<40x128xi32, #tpu.memory_space<hbm>>) target(%arg9 : memref<40x128xi32, #tpu.memory_space<vmem>>) target_semaphore(%run_scoped3A : memref<!tpu.dma_semaphore, #tpu.memory_space<semaphore_mem>>)
      %dma_wait3A = arith.constant 0 : i32
      %dma_wait3A_40 = tpu.memref_slice %arg3[%multiple_of3A_7, %dma_wait3A] : memref<1280x128xi32, #tpu.memory_space<hbm>> -> memref<40x128xi32, #tpu.memory_space<hbm>>
      %dma_wait3A_41 = arith.constant 0 : i32
      %dma_wait3A_42 = tpu.memref_slice %arg3[%multiple_of3A_7, %dma_wait3A_41] : memref<1280x128xi32, #tpu.memory_space<hbm>> -> memref<40x128xi32, #tpu.memory_space<hbm>>
      tpu.wait_dma2 semaphore(%run_scoped3A : memref<!tpu.dma_semaphore, #tpu.memory_space<semaphore_mem>>) src(%dma_wait3A_42 : memref<40x128xi32, #tpu.memory_space<hbm>>) dst(%arg9 : memref<40x128xi32, #tpu.memory_space<vmem>>)
      tpu.yield
    }) : () -> ()
    "tpu.region"() ({
      %run_scoped3A = tpu.sem_alloc : memref<!tpu.dma_semaphore, #tpu.memory_space<semaphore_mem>>
      %dma_start3A_36 = arith.constant 0 : i32
      %dma_start3A_37 = tpu.memref_slice %arg4[%multiple_of3A_7, %dma_start3A_36] : memref<1280x128xi32, #tpu.memory_space<hbm>> -> memref<40x128xi32, #tpu.memory_space<hbm>>
      %dma_start3A_38 = arith.constant 0 : i32
      %dma_start3A_39 = tpu.memref_slice %arg4[%multiple_of3A_7, %dma_start3A_38] : memref<1280x128xi32, #tpu.memory_space<hbm>> -> memref<40x128xi32, #tpu.memory_space<hbm>>
      tpu.enqueue_dma source(%dma_start3A_39 : memref<40x128xi32, #tpu.memory_space<hbm>>) target(%arg10 : memref<40x128xi32, #tpu.memory_space<vmem>>) target_semaphore(%run_scoped3A : memref<!tpu.dma_semaphore, #tpu.memory_space<semaphore_mem>>)
      %dma_wait3A = arith.constant 0 : i32
      %dma_wait3A_40 = tpu.memref_slice %arg4[%multiple_of3A_7, %dma_wait3A] : memref<1280x128xi32, #tpu.memory_space<hbm>> -> memref<40x128xi32, #tpu.memory_space<hbm>>
      %dma_wait3A_41 = arith.constant 0 : i32
      %dma_wait3A_42 = tpu.memref_slice %arg4[%multiple_of3A_7, %dma_wait3A_41] : memref<1280x128xi32, #tpu.memory_space<hbm>> -> memref<40x128xi32, #tpu.memory_space<hbm>>
      tpu.wait_dma2 semaphore(%run_scoped3A : memref<!tpu.dma_semaphore, #tpu.memory_space<semaphore_mem>>) src(%dma_wait3A_42 : memref<40x128xi32, #tpu.memory_space<hbm>>) dst(%arg10 : memref<40x128xi32, #tpu.memory_space<vmem>>)
      tpu.yield
    }) : () -> ()
    %barrier3A = arith.constant 0 : index
    tpu.barrier barrier_id(%barrier3A)
    %dma_start3A = arith.constant 0 : i32
    %dma_start3A_8 = arith.constant 0 : i32
    %dma_start3A_9 = tpu.memref_slice %arg9[%dma_start3A, %dma_start3A_8] : memref<40x128xi32, #tpu.memory_space<vmem>> -> memref<1x128xi32, #tpu.memory_space<vmem>>
    %dma_start3A_10 = tpu.memref_squeeze %dma_start3A_9 : memref<1x128xi32, #tpu.memory_space<vmem>> -> memref<128xi32, #tpu.memory_space<vmem>>
    %dma_start3A_11 = arith.constant 0 : i32
    %dma_start3A_12 = arith.constant 0 : i32
    %dma_start3A_13 = tpu.memref_slice %arg2[%dma_start3A_11, %dma_start3A_12] : memref<10000x128xf32, #tpu.memory_space<hbm>> -> memref<10000x128xf32, #tpu.memory_space<hbm>>
    tpu.enqueue_indirect_dma source(%dma_start3A_13 : memref<10000x128xf32, #tpu.memory_space<hbm>>) target(%arg11 : memref<128x128xf32, #tpu.memory_space<vmem>>) offsets(%dma_start3A_10 : memref<128xi32, #tpu.memory_space<vmem>>) semaphore(%arg13 : memref<!tpu.dma_semaphore, #tpu.memory_space<semaphore_mem>>)
    %dma_start3A_14 = arith.constant 1 : i32
    %dma_start3A_15 = arith.constant 0 : i32
    %dma_start3A_16 = tpu.memref_slice %arg9[%dma_start3A_14, %dma_start3A_15] : memref<40x128xi32, #tpu.memory_space<vmem>> -> memref<1x128xi32, #tpu.memory_space<vmem>>
    %dma_start3A_17 = tpu.memref_squeeze %dma_start3A_16 : memref<1x128xi32, #tpu.memory_space<vmem>> -> memref<128xi32, #tpu.memory_space<vmem>>
    %dma_start3A_18 = arith.constant 0 : i32
    %dma_start3A_19 = arith.constant 0 : i32
    %dma_start3A_20 = tpu.memref_slice %arg2[%dma_start3A_18, %dma_start3A_19] : memref<10000x128xf32, #tpu.memory_space<hbm>> -> memref<10000x128xf32, #tpu.memory_space<hbm>>
    tpu.enqueue_indirect_dma source(%dma_start3A_20 : memref<10000x128xf32, #tpu.memory_space<hbm>>) target(%arg12 : memref<128x128xf32, #tpu.memory_space<vmem>>) offsets(%dma_start3A_17 : memref<128xi32, #tpu.memory_space<vmem>>) semaphore(%arg14 : memref<!tpu.dma_semaphore, #tpu.memory_space<semaphore_mem>>)
    %scan3A = arith.constant 0 : i32
    %scan3A_21 = arith.constant 0 : i32
    %scan3A_22 = arith.constant 20 : i32
    %scan3A_23 = arith.addi %scan3A_21, %scan3A_22 : i32
    %scan3A_24 = arith.constant 1 : i32
    scf.for %scan3A_36 = %scan3A_21 to %scan3A_23 step %scan3A_24  : i32 {
      %mul3A_37 = arith.constant 2 : i32
      %mul3A_38 = arith.muli %scan3A_36, %mul3A_37 : i32
      %add3A_39 = arith.constant 0 : i32
      %add3A_40 = arith.addi %mul3A_38, %add3A_39 : i32
      %dma_wait3A = arith.constant 0 : i32
      %dma_wait3A_41 = arith.constant 0 : i32
      %dma_wait3A_42 = tpu.memref_slice %arg9[%dma_wait3A, %dma_wait3A_41] : memref<40x128xi32, #tpu.memory_space<vmem>> -> memref<1x128xi32, #tpu.memory_space<vmem>>
      %dma_wait3A_43 = tpu.memref_squeeze %dma_wait3A_42 : memref<1x128xi32, #tpu.memory_space<vmem>> -> memref<128xi32, #tpu.memory_space<vmem>>
      %dma_wait3A_44 = arith.constant 0 : i32
      %dma_wait3A_45 = arith.constant 0 : i32
      %dma_wait3A_46 = tpu.memref_slice %arg2[%dma_wait3A_44, %dma_wait3A_45] : memref<10000x128xf32, #tpu.memory_space<hbm>> -> memref<10000x128xf32, #tpu.memory_space<hbm>>
      tpu.wait_indirect_dma semaphore(%arg13 : memref<!tpu.dma_semaphore, #tpu.memory_space<semaphore_mem>>) src(%dma_wait3A_46 : memref<10000x128xf32, #tpu.memory_space<hbm>>) dst(%arg11 : memref<128x128xf32, #tpu.memory_space<vmem>>)
      %dma_start3A_47 = arith.constant 0 : i32
      %dma_start3A_48 = tpu.memref_slice %arg10[%add3A_40, %dma_start3A_47] : memref<40x128xi32, #tpu.memory_space<vmem>> -> memref<1x128xi32, #tpu.memory_space<vmem>>
      %dma_start3A_49 = tpu.memref_squeeze %dma_start3A_48 : memref<1x128xi32, #tpu.memory_space<vmem>> -> memref<128xi32, #tpu.memory_space<vmem>>
      %dma_start3A_50 = arith.constant 0 : i32
      %dma_start3A_51 = arith.constant 0 : i32
      %dma_start3A_52 = tpu.memref_slice %arg8[%dma_start3A_50, %dma_start3A_51] : memref<10016x128xf32, #tpu.memory_space<vmem_shared>> -> memref<10016x128xf32, #tpu.memory_space<vmem_shared>>
      tpu.enqueue_indirect_dma source(%arg11 : memref<128x128xf32, #tpu.memory_space<vmem>>) target(%dma_start3A_52 : memref<10016x128xf32, #tpu.memory_space<vmem_shared>>) offsets(%dma_start3A_49 : memref<128xi32, #tpu.memory_space<vmem>>) semaphore(%arg15 : memref<!tpu.dma_semaphore, #tpu.memory_space<semaphore_mem>>) {add = true}
      %dma_wait3A_53 = arith.constant 0 : i32
      %dma_wait3A_54 = arith.constant 0 : i32
      %dma_wait3A_55 = tpu.memref_slice %arg10[%dma_wait3A_53, %dma_wait3A_54] : memref<40x128xi32, #tpu.memory_space<vmem>> -> memref<1x128xi32, #tpu.memory_space<vmem>>
      %dma_wait3A_56 = tpu.memref_squeeze %dma_wait3A_55 : memref<1x128xi32, #tpu.memory_space<vmem>> -> memref<128xi32, #tpu.memory_space<vmem>>
      %dma_wait3A_57 = arith.constant 0 : i32
      %dma_wait3A_58 = arith.constant 0 : i32
      %dma_wait3A_59 = tpu.memref_slice %arg8[%dma_wait3A_57, %dma_wait3A_58] : memref<10016x128xf32, #tpu.memory_space<vmem_shared>> -> memref<10016x128xf32, #tpu.memory_space<vmem_shared>>
      tpu.wait_indirect_dma semaphore(%arg15 : memref<!tpu.dma_semaphore, #tpu.memory_space<semaphore_mem>>) src(%arg11 : memref<128x128xf32, #tpu.memory_space<vmem>>) dst(%dma_wait3A_59 : memref<10016x128xf32, #tpu.memory_space<vmem_shared>>)
      %add3A_60 = arith.constant 2 : i32
      %add3A_61 = arith.addi %add3A_40, %add3A_60 : i32
      %lt3A_62 = arith.constant 40 : i32
      %lt3A_63 = arith.cmpi slt, %add3A_61, %lt3A_62 : i32
      %convert_element_type3A_64 = arith.extui %lt3A_63 : i1 to i32
      %cond3A_65 = arith.constant 0 : i32
      %cond3A_66 = arith.cmpi ne, %convert_element_type3A_64, %cond3A_65 : i32
      scf.if %cond3A_66 {
        %add3A_98 = arith.constant 2 : i32
        %add3A_99 = arith.addi %add3A_40, %add3A_98 : i32
        %dma_start3A_100 = arith.constant 0 : i32
        %dma_start3A_101 = tpu.memref_slice %arg9[%add3A_99, %dma_start3A_100] : memref<40x128xi32, #tpu.memory_space<vmem>> -> memref<1x128xi32, #tpu.memory_space<vmem>>
        %dma_start3A_102 = tpu.memref_squeeze %dma_start3A_101 : memref<1x128xi32, #tpu.memory_space<vmem>> -> memref<128xi32, #tpu.memory_space<vmem>>
        %dma_start3A_103 = arith.constant 0 : i32
        %dma_start3A_104 = arith.constant 0 : i32
        %dma_start3A_105 = tpu.memref_slice %arg2[%dma_start3A_103, %dma_start3A_104] : memref<10000x128xf32, #tpu.memory_space<hbm>> -> memref<10000x128xf32, #tpu.memory_space<hbm>>
        tpu.enqueue_indirect_dma source(%dma_start3A_105 : memref<10000x128xf32, #tpu.memory_space<hbm>>) target(%arg11 : memref<128x128xf32, #tpu.memory_space<vmem>>) offsets(%dma_start3A_102 : memref<128xi32, #tpu.memory_space<vmem>>) semaphore(%arg13 : memref<!tpu.dma_semaphore, #tpu.memory_space<semaphore_mem>>)
      } else {
      }
      %mul3A_67 = arith.constant 2 : i32
      %mul3A_68 = arith.muli %scan3A_36, %mul3A_67 : i32
      %add3A_69 = arith.constant 1 : i32
      %add3A_70 = arith.addi %mul3A_68, %add3A_69 : i32
      %dma_wait3A_71 = arith.constant 0 : i32
      %dma_wait3A_72 = arith.constant 0 : i32
      %dma_wait3A_73 = tpu.memref_slice %arg9[%dma_wait3A_71, %dma_wait3A_72] : memref<40x128xi32, #tpu.memory_space<vmem>> -> memref<1x128xi32, #tpu.memory_space<vmem>>
      %dma_wait3A_74 = tpu.memref_squeeze %dma_wait3A_73 : memref<1x128xi32, #tpu.memory_space<vmem>> -> memref<128xi32, #tpu.memory_space<vmem>>
      %dma_wait3A_75 = arith.constant 0 : i32
      %dma_wait3A_76 = arith.constant 0 : i32
      %dma_wait3A_77 = tpu.memref_slice %arg2[%dma_wait3A_75, %dma_wait3A_76] : memref<10000x128xf32, #tpu.memory_space<hbm>> -> memref<10000x128xf32, #tpu.memory_space<hbm>>
      tpu.wait_indirect_dma semaphore(%arg14 : memref<!tpu.dma_semaphore, #tpu.memory_space<semaphore_mem>>) src(%dma_wait3A_77 : memref<10000x128xf32, #tpu.memory_space<hbm>>) dst(%arg12 : memref<128x128xf32, #tpu.memory_space<vmem>>)
      %dma_start3A_78 = arith.constant 0 : i32
      %dma_start3A_79 = tpu.memref_slice %arg10[%add3A_70, %dma_start3A_78] : memref<40x128xi32, #tpu.memory_space<vmem>> -> memref<1x128xi32, #tpu.memory_space<vmem>>
      %dma_start3A_80 = tpu.memref_squeeze %dma_start3A_79 : memref<1x128xi32, #tpu.memory_space<vmem>> -> memref<128xi32, #tpu.memory_space<vmem>>
      %dma_start3A_81 = arith.constant 0 : i32
      %dma_start3A_82 = arith.constant 0 : i32
      %dma_start3A_83 = tpu.memref_slice %arg8[%dma_start3A_81, %dma_start3A_82] : memref<10016x128xf32, #tpu.memory_space<vmem_shared>> -> memref<10016x128xf32, #tpu.memory_space<vmem_shared>>
      tpu.enqueue_indirect_dma source(%arg12 : memref<128x128xf32, #tpu.memory_space<vmem>>) target(%dma_start3A_83 : memref<10016x128xf32, #tpu.memory_space<vmem_shared>>) offsets(%dma_start3A_80 : memref<128xi32, #tpu.memory_space<vmem>>) semaphore(%arg16 : memref<!tpu.dma_semaphore, #tpu.memory_space<semaphore_mem>>) {add = true}
      %dma_wait3A_84 = arith.constant 0 : i32
      %dma_wait3A_85 = arith.constant 0 : i32
      %dma_wait3A_86 = tpu.memref_slice %arg10[%dma_wait3A_84, %dma_wait3A_85] : memref<40x128xi32, #tpu.memory_space<vmem>> -> memref<1x128xi32, #tpu.memory_space<vmem>>
      %dma_wait3A_87 = tpu.memref_squeeze %dma_wait3A_86 : memref<1x128xi32, #tpu.memory_space<vmem>> -> memref<128xi32, #tpu.memory_space<vmem>>
      %dma_wait3A_88 = arith.constant 0 : i32
      %dma_wait3A_89 = arith.constant 0 : i32
      %dma_wait3A_90 = tpu.memref_slice %arg8[%dma_wait3A_88, %dma_wait3A_89] : memref<10016x128xf32, #tpu.memory_space<vmem_shared>> -> memref<10016x128xf32, #tpu.memory_space<vmem_shared>>
      tpu.wait_indirect_dma semaphore(%arg16 : memref<!tpu.dma_semaphore, #tpu.memory_space<semaphore_mem>>) src(%arg12 : memref<128x128xf32, #tpu.memory_space<vmem>>) dst(%dma_wait3A_90 : memref<10016x128xf32, #tpu.memory_space<vmem_shared>>)
      %add3A_91 = arith.constant 2 : i32
      %add3A_92 = arith.addi %add3A_70, %add3A_91 : i32
      %lt3A_93 = arith.constant 40 : i32
      %lt3A_94 = arith.cmpi slt, %add3A_92, %lt3A_93 : i32
      %convert_element_type3A_95 = arith.extui %lt3A_94 : i1 to i32
      %cond3A_96 = arith.constant 0 : i32
      %cond3A_97 = arith.cmpi ne, %convert_element_type3A_95, %cond3A_96 : i32
      scf.if %cond3A_97 {
        %add3A_98 = arith.constant 2 : i32
        %add3A_99 = arith.addi %add3A_70, %add3A_98 : i32
        %dma_start3A_100 = arith.constant 0 : i32
        %dma_start3A_101 = tpu.memref_slice %arg9[%add3A_99, %dma_start3A_100] : memref<40x128xi32, #tpu.memory_space<vmem>> -> memref<1x128xi32, #tpu.memory_space<vmem>>
        %dma_start3A_102 = tpu.memref_squeeze %dma_start3A_101 : memref<1x128xi32, #tpu.memory_space<vmem>> -> memref<128xi32, #tpu.memory_space<vmem>>
        %dma_start3A_103 = arith.constant 0 : i32
        %dma_start3A_104 = arith.constant 0 : i32
        %dma_start3A_105 = tpu.memref_slice %arg2[%dma_start3A_103, %dma_start3A_104] : memref<10000x128xf32, #tpu.memory_space<hbm>> -> memref<10000x128xf32, #tpu.memory_space<hbm>>
        tpu.enqueue_indirect_dma source(%dma_start3A_105 : memref<10000x128xf32, #tpu.memory_space<hbm>>) target(%arg12 : memref<128x128xf32, #tpu.memory_space<vmem>>) offsets(%dma_start3A_102 : memref<128xi32, #tpu.memory_space<vmem>>) semaphore(%arg14 : memref<!tpu.dma_semaphore, #tpu.memory_space<semaphore_mem>>)
      } else {
      }
    }
    %scan3A_25 = arith.constant 20 : i32
    %barrier3A_26 = arith.constant 0 : index
    tpu.barrier barrier_id(%barrier3A_26)
    %eq3A = arith.constant 0 : i32
    %eq3A_27 = arith.cmpi eq, %arg0, %eq3A : i32
    %convert_element_type3A_28 = arith.extui %eq3A_27 : i1 to i32
    %cond3A_29 = arith.constant 0 : i32
    %cond3A_30 = arith.cmpi ne, %convert_element_type3A_28, %cond3A_29 : i32
    scf.if %cond3A_30 {
      %mul3A_36 = arith.constant 624 : i32
      %mul3A_37 = arith.muli %arg1, %mul3A_36 : i32
      %multiple_of3A_38 = tpu.assume_multiple %mul3A_37, 8 : i32
      "tpu.region"() ({
        %run_scoped3A = tpu.sem_alloc : memref<!tpu.dma_semaphore, #tpu.memory_space<semaphore_mem>>
        %dma_start3A_44 = arith.constant 0 : i32
        %dma_start3A_45 = tpu.memref_slice %arg6[%multiple_of3A_38, %dma_start3A_44] : memref<10000x128xf32, #tpu.memory_space<hbm>> -> memref<624x128xf32, #tpu.memory_space<hbm>>
        %dma_start3A_46 = arith.constant 0 : i32
        %dma_start3A_47 = tpu.memref_slice %arg8[%multiple_of3A_38, %dma_start3A_46] : memref<10016x128xf32, #tpu.memory_space<vmem_shared>> -> memref<624x128xf32, #tpu.memory_space<vmem_shared>>
        tpu.enqueue_dma source(%dma_start3A_47 : memref<624x128xf32, #tpu.memory_space<vmem_shared>>) target(%dma_start3A_45 : memref<624x128xf32, #tpu.memory_space<hbm>>) target_semaphore(%run_scoped3A : memref<!tpu.dma_semaphore, #tpu.memory_space<semaphore_mem>>)
        %dma_wait3A = arith.constant 0 : i32
        %dma_wait3A_48 = tpu.memref_slice %arg6[%multiple_of3A_38, %dma_wait3A] : memref<10000x128xf32, #tpu.memory_space<hbm>> -> memref<624x128xf32, #tpu.memory_space<hbm>>
        %dma_wait3A_49 = arith.constant 0 : i32
        %dma_wait3A_50 = tpu.memref_slice %arg8[%multiple_of3A_38, %dma_wait3A_49] : memref<10016x128xf32, #tpu.memory_space<vmem_shared>> -> memref<624x128xf32, #tpu.memory_space<vmem_shared>>
        tpu.wait_dma2 semaphore(%run_scoped3A : memref<!tpu.dma_semaphore, #tpu.memory_space<semaphore_mem>>) src(%dma_wait3A_50 : memref<624x128xf32, #tpu.memory_space<vmem_shared>>) dst(%dma_wait3A_48 : memref<624x128xf32, #tpu.memory_space<hbm>>)
        tpu.yield
      }) : () -> ()
      %lt3A_39 = arith.constant 2 : i32
      %lt3A_40 = arith.cmpi slt, %arg1, %lt3A_39 : i32
      %convert_element_type3A_41 = arith.extui %lt3A_40 : i1 to i32
      %cond3A_42 = arith.constant 0 : i32
      %cond3A_43 = arith.cmpi ne, %convert_element_type3A_41, %cond3A_42 : i32
      scf.if %cond3A_43 {
        %mul3A_44 = arith.constant 8 : i32
        %mul3A_45 = arith.muli %arg1, %mul3A_44 : i32
        %add3A_46 = arith.constant 9984 : i32
        %add3A_47 = arith.addi %add3A_46, %mul3A_45 : i32
        %multiple_of3A_48 = tpu.assume_multiple %add3A_47, 8 : i32
        "tpu.region"() ({
          %run_scoped3A = tpu.sem_alloc : memref<!tpu.dma_semaphore, #tpu.memory_space<semaphore_mem>>
          %dma_start3A_49 = arith.constant 0 : i32
          %dma_start3A_50 = tpu.memref_slice %arg6[%multiple_of3A_48, %dma_start3A_49] : memref<10000x128xf32, #tpu.memory_space<hbm>> -> memref<8x128xf32, #tpu.memory_space<hbm>>
          %dma_start3A_51 = arith.constant 0 : i32
          %dma_start3A_52 = tpu.memref_slice %arg8[%multiple_of3A_48, %dma_start3A_51] : memref<10016x128xf32, #tpu.memory_space<vmem_shared>> -> memref<8x128xf32, #tpu.memory_space<vmem_shared>>
          tpu.enqueue_dma source(%dma_start3A_52 : memref<8x128xf32, #tpu.memory_space<vmem_shared>>) target(%dma_start3A_50 : memref<8x128xf32, #tpu.memory_space<hbm>>) target_semaphore(%run_scoped3A : memref<!tpu.dma_semaphore, #tpu.memory_space<semaphore_mem>>)
          %dma_wait3A = arith.constant 0 : i32
          %dma_wait3A_53 = tpu.memref_slice %arg6[%multiple_of3A_48, %dma_wait3A] : memref<10000x128xf32, #tpu.memory_space<hbm>> -> memref<8x128xf32, #tpu.memory_space<hbm>>
          %dma_wait3A_54 = arith.constant 0 : i32
          %dma_wait3A_55 = tpu.memref_slice %arg8[%multiple_of3A_48, %dma_wait3A_54] : memref<10016x128xf32, #tpu.memory_space<vmem_shared>> -> memref<8x128xf32, #tpu.memory_space<vmem_shared>>
          tpu.wait_dma2 semaphore(%run_scoped3A : memref<!tpu.dma_semaphore, #tpu.memory_space<semaphore_mem>>) src(%dma_wait3A_55 : memref<8x128xf32, #tpu.memory_space<vmem_shared>>) dst(%dma_wait3A_53 : memref<8x128xf32, #tpu.memory_space<hbm>>)
          tpu.yield
        }) : () -> ()
      } else {
      }
    } else {
    }
    %eq3A_31 = arith.constant 1 : i32
    %eq3A_32 = arith.cmpi eq, %arg0, %eq3A_31 : i32
    %convert_element_type3A_33 = arith.extui %eq3A_32 : i1 to i32
    %cond3A_34 = arith.constant 0 : i32
    %cond3A_35 = arith.cmpi ne, %convert_element_type3A_33, %cond3A_34 : i32
    scf.if %cond3A_35 {
      %mul3A_36 = arith.constant 624 : i32
      %mul3A_37 = arith.muli %arg1, %mul3A_36 : i32
      %multiple_of3A_38 = tpu.assume_multiple %mul3A_37, 8 : i32
      "tpu.region"() ({
        %run_scoped3A = tpu.sem_alloc : memref<!tpu.dma_semaphore, #tpu.memory_space<semaphore_mem>>
        %dma_start3A_44 = arith.constant 0 : i32
        %dma_start3A_45 = tpu.memref_slice %arg7[%multiple_of3A_38, %dma_start3A_44] : memref<10000x128xf32, #tpu.memory_space<hbm>> -> memref<624x128xf32, #tpu.memory_space<hbm>>
        %dma_start3A_46 = arith.constant 0 : i32
        %dma_start3A_47 = tpu.memref_slice %arg8[%multiple_of3A_38, %dma_start3A_46] : memref<10016x128xf32, #tpu.memory_space<vmem_shared>> -> memref<624x128xf32, #tpu.memory_space<vmem_shared>>
        tpu.enqueue_dma source(%dma_start3A_47 : memref<624x128xf32, #tpu.memory_space<vmem_shared>>) target(%dma_start3A_45 : memref<624x128xf32, #tpu.memory_space<hbm>>) target_semaphore(%run_scoped3A : memref<!tpu.dma_semaphore, #tpu.memory_space<semaphore_mem>>)
        %dma_wait3A = arith.constant 0 : i32
        %dma_wait3A_48 = tpu.memref_slice %arg7[%multiple_of3A_38, %dma_wait3A] : memref<10000x128xf32, #tpu.memory_space<hbm>> -> memref<624x128xf32, #tpu.memory_space<hbm>>
        %dma_wait3A_49 = arith.constant 0 : i32
        %dma_wait3A_50 = tpu.memref_slice %arg8[%multiple_of3A_38, %dma_wait3A_49] : memref<10016x128xf32, #tpu.memory_space<vmem_shared>> -> memref<624x128xf32, #tpu.memory_space<vmem_shared>>
        tpu.wait_dma2 semaphore(%run_scoped3A : memref<!tpu.dma_semaphore, #tpu.memory_space<semaphore_mem>>) src(%dma_wait3A_50 : memref<624x128xf32, #tpu.memory_space<vmem_shared>>) dst(%dma_wait3A_48 : memref<624x128xf32, #tpu.memory_space<hbm>>)
        tpu.yield
      }) : () -> ()
      %lt3A_39 = arith.constant 2 : i32
      %lt3A_40 = arith.cmpi slt, %arg1, %lt3A_39 : i32
      %convert_element_type3A_41 = arith.extui %lt3A_40 : i1 to i32
      %cond3A_42 = arith.constant 0 : i32
      %cond3A_43 = arith.cmpi ne, %convert_element_type3A_41, %cond3A_42 : i32
      scf.if %cond3A_43 {
        %mul3A_44 = arith.constant 8 : i32
        %mul3A_45 = arith.muli %arg1, %mul3A_44 : i32
        %add3A_46 = arith.constant 9984 : i32
        %add3A_47 = arith.addi %add3A_46, %mul3A_45 : i32
        %multiple_of3A_48 = tpu.assume_multiple %add3A_47, 8 : i32
        "tpu.region"() ({
          %run_scoped3A = tpu.sem_alloc : memref<!tpu.dma_semaphore, #tpu.memory_space<semaphore_mem>>
          %dma_start3A_49 = arith.constant 0 : i32
          %dma_start3A_50 = tpu.memref_slice %arg7[%multiple_of3A_48, %dma_start3A_49] : memref<10000x128xf32, #tpu.memory_space<hbm>> -> memref<8x128xf32, #tpu.memory_space<hbm>>
          %dma_start3A_51 = arith.constant 0 : i32
          %dma_start3A_52 = tpu.memref_slice %arg8[%multiple_of3A_48, %dma_start3A_51] : memref<10016x128xf32, #tpu.memory_space<vmem_shared>> -> memref<8x128xf32, #tpu.memory_space<vmem_shared>>
          tpu.enqueue_dma source(%dma_start3A_52 : memref<8x128xf32, #tpu.memory_space<vmem_shared>>) target(%dma_start3A_50 : memref<8x128xf32, #tpu.memory_space<hbm>>) target_semaphore(%run_scoped3A : memref<!tpu.dma_semaphore, #tpu.memory_space<semaphore_mem>>)
          %dma_wait3A = arith.constant 0 : i32
          %dma_wait3A_53 = tpu.memref_slice %arg7[%multiple_of3A_48, %dma_wait3A] : memref<10000x128xf32, #tpu.memory_space<hbm>> -> memref<8x128xf32, #tpu.memory_space<hbm>>
          %dma_wait3A_54 = arith.constant 0 : i32
          %dma_wait3A_55 = tpu.memref_slice %arg8[%multiple_of3A_48, %dma_wait3A_54] : memref<10016x128xf32, #tpu.memory_space<vmem_shared>> -> memref<8x128xf32, #tpu.memory_space<vmem_shared>>
          tpu.wait_dma2 semaphore(%run_scoped3A : memref<!tpu.dma_semaphore, #tpu.memory_space<semaphore_mem>>) src(%dma_wait3A_55 : memref<8x128xf32, #tpu.memory_space<vmem_shared>>) dst(%dma_wait3A_53 : memref<8x128xf32, #tpu.memory_space<hbm>>)
          tpu.yield
        }) : () -> ()
      } else {
      }
    } else {
    }
    return
  }
}

#map = affine_map<(d0, d1) -> (0, 0)>
module attributes {stable_mosaic.version = 14 : i64} {
  func.func @k(%arg0: i32, %arg1: i32, %arg2: memref<10000x128xf32, #tpu.memory_space<hbm>>, %arg3: memref<1280x128xi32, #tpu.memory_space<hbm>>, %arg4: memref<1280x128xi32, #tpu.memory_space<hbm>>, %arg5: memref<625x128xf32, #tpu.memory_space<hbm>>, %arg6: memref<10000x128xf32, #tpu.memory_space<hbm>>, %arg7: memref<10000x128xf32, #tpu.memory_space<hbm>>, %arg8: memref<10016x128xf32, #tpu.memory_space<vmem_shared>>, %arg9: memref<40x128xi32, #tpu.memory_space<vmem>>, %arg10: memref<40x128xi32, #tpu.memory_space<vmem>>, %arg11: memref<128x128xf32, #tpu.memory_space<vmem>>, %arg12: memref<128x128xf32, #tpu.memory_space<vmem>>, %arg13: memref<!tpu.dma_semaphore, #tpu.memory_space<semaphore_mem>>, %arg14: memref<!tpu.dma_semaphore, #tpu.memory_space<semaphore_mem>>, %arg15: memref<!tpu.dma_semaphore, #tpu.memory_space<semaphore_mem>>, %arg16: memref<!tpu.dma_semaphore, #tpu.memory_space<semaphore_mem>>) attributes {dimension_semantics = [#tpu.dimension_semantics<core_parallel>, #tpu.dimension_semantics<subcore_parallel>], iteration_bounds = array<i64: 2, 16>, scalar_prefetch = 0 : i64, scratch_operands = 9 : i64, tpu.core_type = #tpu.core_type<sc_vector_subcore>, window_params = [{transform_indices = #map}, {transform_indices = #map}, {transform_indices = #map}, {transform_indices = #map}, {transform_indices = #map}, {transform_indices = #map}]} {
    %mul3A = arith.constant 2 : i32
    %mul3A_0 = arith.muli %arg1, %mul3A : i32
    %add3A = arith.addi %mul3A_0, %arg0 : i32
    %mul3A_1 = arith.constant 624 : i32
    %mul3A_2 = arith.muli %arg1, %mul3A_1 : i32
    %multiple_of3A = tpu.assume_multiple %mul3A_2, 8 : i32
    "tpu.region"() ({
      %run_scoped3A = tpu.sem_alloc : memref<!tpu.dma_semaphore, #tpu.memory_space<semaphore_mem>>
      %dma_start3A_36 = arith.constant 0 : i32
      %dma_start3A_37 = tpu.memref_slice %arg8[%multiple_of3A, %dma_start3A_36] : memref<10016x128xf32, #tpu.memory_space<vmem_shared>> -> memref<624x128xf32, #tpu.memory_space<vmem_shared>>
      %dma_start3A_38 = arith.constant 0 : i32
      %dma_start3A_39 = arith.constant 0 : i32
      %dma_start3A_40 = tpu.memref_slice %arg5[%dma_start3A_38, %dma_start3A_39] : memref<625x128xf32, #tpu.memory_space<hbm>> -> memref<624x128xf32, #tpu.memory_space<hbm>>
      tpu.enqueue_dma source(%dma_start3A_40 : memref<624x128xf32, #tpu.memory_space<hbm>>) target(%dma_start3A_37 : memref<624x128xf32, #tpu.memory_space<vmem_shared>>) target_semaphore(%run_scoped3A : memref<!tpu.dma_semaphore, #tpu.memory_space<semaphore_mem>>)
      %dma_wait3A = arith.constant 0 : i32
      %dma_wait3A_41 = tpu.memref_slice %arg8[%multiple_of3A, %dma_wait3A] : memref<10016x128xf32, #tpu.memory_space<vmem_shared>> -> memref<624x128xf32, #tpu.memory_space<vmem_shared>>
      %dma_wait3A_42 = arith.constant 0 : i32
      %dma_wait3A_43 = arith.constant 0 : i32
      %dma_wait3A_44 = tpu.memref_slice %arg5[%dma_wait3A_42, %dma_wait3A_43] : memref<625x128xf32, #tpu.memory_space<hbm>> -> memref<624x128xf32, #tpu.memory_space<hbm>>
      tpu.wait_dma2 semaphore(%run_scoped3A : memref<!tpu.dma_semaphore, #tpu.memory_space<semaphore_mem>>) src(%dma_wait3A_44 : memref<624x128xf32, #tpu.memory_space<hbm>>) dst(%dma_wait3A_41 : memref<624x128xf32, #tpu.memory_space<vmem_shared>>)
      tpu.yield
    }) : () -> ()
    %lt3A = arith.constant 2 : i32
    %lt3A_3 = arith.cmpi slt, %arg1, %lt3A : i32
    %convert_element_type3A = arith.extui %lt3A_3 : i1 to i32
    %cond3A = arith.constant 0 : i32
    %cond3A_4 = arith.cmpi ne, %convert_element_type3A, %cond3A : i32
    scf.if %cond3A_4 {
      %mul3A_36 = arith.constant 8 : i32
      %mul3A_37 = arith.muli %arg1, %mul3A_36 : i32
      %add3A_38 = arith.constant 9984 : i32
      %add3A_39 = arith.addi %add3A_38, %mul3A_37 : i32
      %multiple_of3A_40 = tpu.assume_multiple %add3A_39, 8 : i32
      "tpu.region"() ({
        %run_scoped3A = tpu.sem_alloc : memref<!tpu.dma_semaphore, #tpu.memory_space<semaphore_mem>>
        %dma_start3A_41 = arith.constant 0 : i32
        %dma_start3A_42 = tpu.memref_slice %arg8[%multiple_of3A_40, %dma_start3A_41] : memref<10016x128xf32, #tpu.memory_space<vmem_shared>> -> memref<8x128xf32, #tpu.memory_space<vmem_shared>>
        %dma_start3A_43 = arith.constant 0 : i32
        %dma_start3A_44 = arith.constant 0 : i32
        %dma_start3A_45 = tpu.memref_slice %arg5[%dma_start3A_43, %dma_start3A_44] : memref<625x128xf32, #tpu.memory_space<hbm>> -> memref<8x128xf32, #tpu.memory_space<hbm>>
        tpu.enqueue_dma source(%dma_start3A_45 : memref<8x128xf32, #tpu.memory_space<hbm>>) target(%dma_start3A_42 : memref<8x128xf32, #tpu.memory_space<vmem_shared>>) target_semaphore(%run_scoped3A : memref<!tpu.dma_semaphore, #tpu.memory_space<semaphore_mem>>)
        %dma_wait3A = arith.constant 0 : i32
        %dma_wait3A_46 = tpu.memref_slice %arg8[%multiple_of3A_40, %dma_wait3A] : memref<10016x128xf32, #tpu.memory_space<vmem_shared>> -> memref<8x128xf32, #tpu.memory_space<vmem_shared>>
        %dma_wait3A_47 = arith.constant 0 : i32
        %dma_wait3A_48 = arith.constant 0 : i32
        %dma_wait3A_49 = tpu.memref_slice %arg5[%dma_wait3A_47, %dma_wait3A_48] : memref<625x128xf32, #tpu.memory_space<hbm>> -> memref<8x128xf32, #tpu.memory_space<hbm>>
        tpu.wait_dma2 semaphore(%run_scoped3A : memref<!tpu.dma_semaphore, #tpu.memory_space<semaphore_mem>>) src(%dma_wait3A_49 : memref<8x128xf32, #tpu.memory_space<hbm>>) dst(%dma_wait3A_46 : memref<8x128xf32, #tpu.memory_space<vmem_shared>>)
        tpu.yield
      }) : () -> ()
    } else {
    }
    %mul3A_5 = arith.constant 40 : i32
    %mul3A_6 = arith.muli %add3A, %mul3A_5 : i32
    %multiple_of3A_7 = tpu.assume_multiple %mul3A_6, 8 : i32
    "tpu.region"() ({
      %run_scoped3A = tpu.sem_alloc : memref<!tpu.dma_semaphore, #tpu.memory_space<semaphore_mem>>
      %dma_start3A_36 = arith.constant 0 : i32
      %dma_start3A_37 = tpu.memref_slice %arg3[%multiple_of3A_7, %dma_start3A_36] : memref<1280x128xi32, #tpu.memory_space<hbm>> -> memref<40x128xi32, #tpu.memory_space<hbm>>
      %dma_start3A_38 = arith.constant 0 : i32
      %dma_start3A_39 = tpu.memref_slice %arg3[%multiple_of3A_7, %dma_start3A_38] : memref<1280x128xi32, #tpu.memory_space<hbm>> -> memref<40x128xi32, #tpu.memory_space<hbm>>
      tpu.enqueue_dma source(%dma_start3A_39 : memref<40x128xi32, #tpu.memory_space<hbm>>) target(%arg9 : memref<40x128xi32, #tpu.memory_space<vmem>>) target_semaphore(%run_scoped3A : memref<!tpu.dma_semaphore, #tpu.memory_space<semaphore_mem>>)
      %dma_wait3A = arith.constant 0 : i32
      %dma_wait3A_40 = tpu.memref_slice %arg3[%multiple_of3A_7, %dma_wait3A] : memref<1280x128xi32, #tpu.memory_space<hbm>> -> memref<40x128xi32, #tpu.memory_space<hbm>>
      %dma_wait3A_41 = arith.constant 0 : i32
      %dma_wait3A_42 = tpu.memref_slice %arg3[%multiple_of3A_7, %dma_wait3A_41] : memref<1280x128xi32, #tpu.memory_space<hbm>> -> memref<40x128xi32, #tpu.memory_space<hbm>>
      tpu.wait_dma2 semaphore(%run_scoped3A : memref<!tpu.dma_semaphore, #tpu.memory_space<semaphore_mem>>) src(%dma_wait3A_42 : memref<40x128xi32, #tpu.memory_space<hbm>>) dst(%arg9 : memref<40x128xi32, #tpu.memory_space<vmem>>)
      tpu.yield
    }) : () -> ()
    "tpu.region"() ({
      %run_scoped3A = tpu.sem_alloc : memref<!tpu.dma_semaphore, #tpu.memory_space<semaphore_mem>>
      %dma_start3A_36 = arith.constant 0 : i32
      %dma_start3A_37 = tpu.memref_slice %arg4[%multiple_of3A_7, %dma_start3A_36] : memref<1280x128xi32, #tpu.memory_space<hbm>> -> memref<40x128xi32, #tpu.memory_space<hbm>>
      %dma_start3A_38 = arith.constant 0 : i32
      %dma_start3A_39 = tpu.memref_slice %arg4[%multiple_of3A_7, %dma_start3A_38] : memref<1280x128xi32, #tpu.memory_space<hbm>> -> memref<40x128xi32, #tpu.memory_space<hbm>>
      tpu.enqueue_dma source(%dma_start3A_39 : memref<40x128xi32, #tpu.memory_space<hbm>>) target(%arg10 : memref<40x128xi32, #tpu.memory_space<vmem>>) target_semaphore(%run_scoped3A : memref<!tpu.dma_semaphore, #tpu.memory_space<semaphore_mem>>)
      %dma_wait3A = arith.constant 0 : i32
      %dma_wait3A_40 = tpu.memref_slice %arg4[%multiple_of3A_7, %dma_wait3A] : memref<1280x128xi32, #tpu.memory_space<hbm>> -> memref<40x128xi32, #tpu.memory_space<hbm>>
      %dma_wait3A_41 = arith.constant 0 : i32
      %dma_wait3A_42 = tpu.memref_slice %arg4[%multiple_of3A_7, %dma_wait3A_41] : memref<1280x128xi32, #tpu.memory_space<hbm>> -> memref<40x128xi32, #tpu.memory_space<hbm>>
      tpu.wait_dma2 semaphore(%run_scoped3A : memref<!tpu.dma_semaphore, #tpu.memory_space<semaphore_mem>>) src(%dma_wait3A_42 : memref<40x128xi32, #tpu.memory_space<hbm>>) dst(%arg10 : memref<40x128xi32, #tpu.memory_space<vmem>>)
      tpu.yield
    }) : () -> ()
    %barrier3A = arith.constant 0 : index
    tpu.barrier barrier_id(%barrier3A)
    %dma_start3A = arith.constant 0 : i32
    %dma_start3A_8 = arith.constant 0 : i32
    %dma_start3A_9 = tpu.memref_slice %arg9[%dma_start3A, %dma_start3A_8] : memref<40x128xi32, #tpu.memory_space<vmem>> -> memref<1x128xi32, #tpu.memory_space<vmem>>
    %dma_start3A_10 = tpu.memref_squeeze %dma_start3A_9 : memref<1x128xi32, #tpu.memory_space<vmem>> -> memref<128xi32, #tpu.memory_space<vmem>>
    %dma_start3A_11 = arith.constant 0 : i32
    %dma_start3A_12 = arith.constant 0 : i32
    %dma_start3A_13 = tpu.memref_slice %arg2[%dma_start3A_11, %dma_start3A_12] : memref<10000x128xf32, #tpu.memory_space<hbm>> -> memref<10000x128xf32, #tpu.memory_space<hbm>>
    tpu.enqueue_indirect_dma source(%dma_start3A_13 : memref<10000x128xf32, #tpu.memory_space<hbm>>) target(%arg11 : memref<128x128xf32, #tpu.memory_space<vmem>>) offsets(%dma_start3A_10 : memref<128xi32, #tpu.memory_space<vmem>>) semaphore(%arg13 : memref<!tpu.dma_semaphore, #tpu.memory_space<semaphore_mem>>)
    %dma_start3A_14 = arith.constant 1 : i32
    %dma_start3A_15 = arith.constant 0 : i32
    %dma_start3A_16 = tpu.memref_slice %arg9[%dma_start3A_14, %dma_start3A_15] : memref<40x128xi32, #tpu.memory_space<vmem>> -> memref<1x128xi32, #tpu.memory_space<vmem>>
    %dma_start3A_17 = tpu.memref_squeeze %dma_start3A_16 : memref<1x128xi32, #tpu.memory_space<vmem>> -> memref<128xi32, #tpu.memory_space<vmem>>
    %dma_start3A_18 = arith.constant 0 : i32
    %dma_start3A_19 = arith.constant 0 : i32
    %dma_start3A_20 = tpu.memref_slice %arg2[%dma_start3A_18, %dma_start3A_19] : memref<10000x128xf32, #tpu.memory_space<hbm>> -> memref<10000x128xf32, #tpu.memory_space<hbm>>
    tpu.enqueue_indirect_dma source(%dma_start3A_20 : memref<10000x128xf32, #tpu.memory_space<hbm>>) target(%arg12 : memref<128x128xf32, #tpu.memory_space<vmem>>) offsets(%dma_start3A_17 : memref<128xi32, #tpu.memory_space<vmem>>) semaphore(%arg14 : memref<!tpu.dma_semaphore, #tpu.memory_space<semaphore_mem>>)
    %scan3A = arith.constant 0 : i32
    %scan3A_21 = arith.constant 0 : i32
    %scan3A_22 = arith.constant 20 : i32
    %scan3A_23 = arith.addi %scan3A_21, %scan3A_22 : i32
    %scan3A_24 = arith.constant 1 : i32
    scf.for %scan3A_36 = %scan3A_21 to %scan3A_23 step %scan3A_24  : i32 {
      %mul3A_37 = arith.constant 2 : i32
      %mul3A_38 = arith.muli %scan3A_36, %mul3A_37 : i32
      %add3A_39 = arith.constant 0 : i32
      %add3A_40 = arith.addi %mul3A_38, %add3A_39 : i32
      %dma_wait3A = arith.constant 0 : i32
      %dma_wait3A_41 = arith.constant 0 : i32
      %dma_wait3A_42 = tpu.memref_slice %arg9[%dma_wait3A, %dma_wait3A_41] : memref<40x128xi32, #tpu.memory_space<vmem>> -> memref<1x128xi32, #tpu.memory_space<vmem>>
      %dma_wait3A_43 = tpu.memref_squeeze %dma_wait3A_42 : memref<1x128xi32, #tpu.memory_space<vmem>> -> memref<128xi32, #tpu.memory_space<vmem>>
      %dma_wait3A_44 = arith.constant 0 : i32
      %dma_wait3A_45 = arith.constant 0 : i32
      %dma_wait3A_46 = tpu.memref_slice %arg2[%dma_wait3A_44, %dma_wait3A_45] : memref<10000x128xf32, #tpu.memory_space<hbm>> -> memref<10000x128xf32, #tpu.memory_space<hbm>>
      tpu.wait_indirect_dma semaphore(%arg13 : memref<!tpu.dma_semaphore, #tpu.memory_space<semaphore_mem>>) src(%dma_wait3A_46 : memref<10000x128xf32, #tpu.memory_space<hbm>>) dst(%arg11 : memref<128x128xf32, #tpu.memory_space<vmem>>)
      %dma_start3A_47 = arith.constant 0 : i32
      %dma_start3A_48 = tpu.memref_slice %arg10[%add3A_40, %dma_start3A_47] : memref<40x128xi32, #tpu.memory_space<vmem>> -> memref<1x128xi32, #tpu.memory_space<vmem>>
      %dma_start3A_49 = tpu.memref_squeeze %dma_start3A_48 : memref<1x128xi32, #tpu.memory_space<vmem>> -> memref<128xi32, #tpu.memory_space<vmem>>
      %dma_start3A_50 = arith.constant 0 : i32
      %dma_start3A_51 = arith.constant 0 : i32
      %dma_start3A_52 = tpu.memref_slice %arg8[%dma_start3A_50, %dma_start3A_51] : memref<10016x128xf32, #tpu.memory_space<vmem_shared>> -> memref<10016x128xf32, #tpu.memory_space<vmem_shared>>
      tpu.enqueue_indirect_dma source(%arg11 : memref<128x128xf32, #tpu.memory_space<vmem>>) target(%dma_start3A_52 : memref<10016x128xf32, #tpu.memory_space<vmem_shared>>) offsets(%dma_start3A_49 : memref<128xi32, #tpu.memory_space<vmem>>) semaphore(%arg15 : memref<!tpu.dma_semaphore, #tpu.memory_space<semaphore_mem>>) {add = true}
      %dma_wait3A_53 = arith.constant 0 : i32
      %dma_wait3A_54 = arith.constant 0 : i32
      %dma_wait3A_55 = tpu.memref_slice %arg10[%dma_wait3A_53, %dma_wait3A_54] : memref<40x128xi32, #tpu.memory_space<vmem>> -> memref<1x128xi32, #tpu.memory_space<vmem>>
      %dma_wait3A_56 = tpu.memref_squeeze %dma_wait3A_55 : memref<1x128xi32, #tpu.memory_space<vmem>> -> memref<128xi32, #tpu.memory_space<vmem>>
      %dma_wait3A_57 = arith.constant 0 : i32
      %dma_wait3A_58 = arith.constant 0 : i32
      %dma_wait3A_59 = tpu.memref_slice %arg8[%dma_wait3A_57, %dma_wait3A_58] : memref<10016x128xf32, #tpu.memory_space<vmem_shared>> -> memref<10016x128xf32, #tpu.memory_space<vmem_shared>>
      tpu.wait_indirect_dma semaphore(%arg15 : memref<!tpu.dma_semaphore, #tpu.memory_space<semaphore_mem>>) src(%arg11 : memref<128x128xf32, #tpu.memory_space<vmem>>) dst(%dma_wait3A_59 : memref<10016x128xf32, #tpu.memory_space<vmem_shared>>)
      %add3A_60 = arith.constant 2 : i32
      %add3A_61 = arith.addi %add3A_40, %add3A_60 : i32
      %lt3A_62 = arith.constant 40 : i32
      %lt3A_63 = arith.cmpi slt, %add3A_61, %lt3A_62 : i32
      %convert_element_type3A_64 = arith.extui %lt3A_63 : i1 to i32
      %cond3A_65 = arith.constant 0 : i32
      %cond3A_66 = arith.cmpi ne, %convert_element_type3A_64, %cond3A_65 : i32
      scf.if %cond3A_66 {
        %add3A_98 = arith.constant 2 : i32
        %add3A_99 = arith.addi %add3A_40, %add3A_98 : i32
        %dma_start3A_100 = arith.constant 0 : i32
        %dma_start3A_101 = tpu.memref_slice %arg9[%add3A_99, %dma_start3A_100] : memref<40x128xi32, #tpu.memory_space<vmem>> -> memref<1x128xi32, #tpu.memory_space<vmem>>
        %dma_start3A_102 = tpu.memref_squeeze %dma_start3A_101 : memref<1x128xi32, #tpu.memory_space<vmem>> -> memref<128xi32, #tpu.memory_space<vmem>>
        %dma_start3A_103 = arith.constant 0 : i32
        %dma_start3A_104 = arith.constant 0 : i32
        %dma_start3A_105 = tpu.memref_slice %arg2[%dma_start3A_103, %dma_start3A_104] : memref<10000x128xf32, #tpu.memory_space<hbm>> -> memref<10000x128xf32, #tpu.memory_space<hbm>>
        tpu.enqueue_indirect_dma source(%dma_start3A_105 : memref<10000x128xf32, #tpu.memory_space<hbm>>) target(%arg11 : memref<128x128xf32, #tpu.memory_space<vmem>>) offsets(%dma_start3A_102 : memref<128xi32, #tpu.memory_space<vmem>>) semaphore(%arg13 : memref<!tpu.dma_semaphore, #tpu.memory_space<semaphore_mem>>)
      } else {
      }
      %mul3A_67 = arith.constant 2 : i32
      %mul3A_68 = arith.muli %scan3A_36, %mul3A_67 : i32
      %add3A_69 = arith.constant 1 : i32
      %add3A_70 = arith.addi %mul3A_68, %add3A_69 : i32
      %dma_wait3A_71 = arith.constant 0 : i32
      %dma_wait3A_72 = arith.constant 0 : i32
      %dma_wait3A_73 = tpu.memref_slice %arg9[%dma_wait3A_71, %dma_wait3A_72] : memref<40x128xi32, #tpu.memory_space<vmem>> -> memref<1x128xi32, #tpu.memory_space<vmem>>
      %dma_wait3A_74 = tpu.memref_squeeze %dma_wait3A_73 : memref<1x128xi32, #tpu.memory_space<vmem>> -> memref<128xi32, #tpu.memory_space<vmem>>
      %dma_wait3A_75 = arith.constant 0 : i32
      %dma_wait3A_76 = arith.constant 0 : i32
      %dma_wait3A_77 = tpu.memref_slice %arg2[%dma_wait3A_75, %dma_wait3A_76] : memref<10000x128xf32, #tpu.memory_space<hbm>> -> memref<10000x128xf32, #tpu.memory_space<hbm>>
      tpu.wait_indirect_dma semaphore(%arg14 : memref<!tpu.dma_semaphore, #tpu.memory_space<semaphore_mem>>) src(%dma_wait3A_77 : memref<10000x128xf32, #tpu.memory_space<hbm>>) dst(%arg12 : memref<128x128xf32, #tpu.memory_space<vmem>>)
      %dma_start3A_78 = arith.constant 0 : i32
      %dma_start3A_79 = tpu.memref_slice %arg10[%add3A_70, %dma_start3A_78] : memref<40x128xi32, #tpu.memory_space<vmem>> -> memref<1x128xi32, #tpu.memory_space<vmem>>
      %dma_start3A_80 = tpu.memref_squeeze %dma_start3A_79 : memref<1x128xi32, #tpu.memory_space<vmem>> -> memref<128xi32, #tpu.memory_space<vmem>>
      %dma_start3A_81 = arith.constant 0 : i32
      %dma_start3A_82 = arith.constant 0 : i32
      %dma_start3A_83 = tpu.memref_slice %arg8[%dma_start3A_81, %dma_start3A_82] : memref<10016x128xf32, #tpu.memory_space<vmem_shared>> -> memref<10016x128xf32, #tpu.memory_space<vmem_shared>>
      tpu.enqueue_indirect_dma source(%arg12 : memref<128x128xf32, #tpu.memory_space<vmem>>) target(%dma_start3A_83 : memref<10016x128xf32, #tpu.memory_space<vmem_shared>>) offsets(%dma_start3A_80 : memref<128xi32, #tpu.memory_space<vmem>>) semaphore(%arg16 : memref<!tpu.dma_semaphore, #tpu.memory_space<semaphore_mem>>) {add = true}
      %dma_wait3A_84 = arith.constant 0 : i32
      %dma_wait3A_85 = arith.constant 0 : i32
      %dma_wait3A_86 = tpu.memref_slice %arg10[%dma_wait3A_84, %dma_wait3A_85] : memref<40x128xi32, #tpu.memory_space<vmem>> -> memref<1x128xi32, #tpu.memory_space<vmem>>
      %dma_wait3A_87 = tpu.memref_squeeze %dma_wait3A_86 : memref<1x128xi32, #tpu.memory_space<vmem>> -> memref<128xi32, #tpu.memory_space<vmem>>
      %dma_wait3A_88 = arith.constant 0 : i32
      %dma_wait3A_89 = arith.constant 0 : i32
      %dma_wait3A_90 = tpu.memref_slice %arg8[%dma_wait3A_88, %dma_wait3A_89] : memref<10016x128xf32, #tpu.memory_space<vmem_shared>> -> memref<10016x128xf32, #tpu.memory_space<vmem_shared>>
      tpu.wait_indirect_dma semaphore(%arg16 : memref<!tpu.dma_semaphore, #tpu.memory_space<semaphore_mem>>) src(%arg12 : memref<128x128xf32, #tpu.memory_space<vmem>>) dst(%dma_wait3A_90 : memref<10016x128xf32, #tpu.memory_space<vmem_shared>>)
      %add3A_91 = arith.constant 2 : i32
      %add3A_92 = arith.addi %add3A_70, %add3A_91 : i32
      %lt3A_93 = arith.constant 40 : i32
      %lt3A_94 = arith.cmpi slt, %add3A_92, %lt3A_93 : i32
      %convert_element_type3A_95 = arith.extui %lt3A_94 : i1 to i32
      %cond3A_96 = arith.constant 0 : i32
      %cond3A_97 = arith.cmpi ne, %convert_element_type3A_95, %cond3A_96 : i32
      scf.if %cond3A_97 {
        %add3A_98 = arith.constant 2 : i32
        %add3A_99 = arith.addi %add3A_70, %add3A_98 : i32
        %dma_start3A_100 = arith.constant 0 : i32
        %dma_start3A_101 = tpu.memref_slice %arg9[%add3A_99, %dma_start3A_100] : memref<40x128xi32, #tpu.memory_space<vmem>> -> memref<1x128xi32, #tpu.memory_space<vmem>>
        %dma_start3A_102 = tpu.memref_squeeze %dma_start3A_101 : memref<1x128xi32, #tpu.memory_space<vmem>> -> memref<128xi32, #tpu.memory_space<vmem>>
        %dma_start3A_103 = arith.constant 0 : i32
        %dma_start3A_104 = arith.constant 0 : i32
        %dma_start3A_105 = tpu.memref_slice %arg2[%dma_start3A_103, %dma_start3A_104] : memref<10000x128xf32, #tpu.memory_space<hbm>> -> memref<10000x128xf32, #tpu.memory_space<hbm>>
        tpu.enqueue_indirect_dma source(%dma_start3A_105 : memref<10000x128xf32, #tpu.memory_space<hbm>>) target(%arg12 : memref<128x128xf32, #tpu.memory_space<vmem>>) offsets(%dma_start3A_102 : memref<128xi32, #tpu.memory_space<vmem>>) semaphore(%arg14 : memref<!tpu.dma_semaphore, #tpu.memory_space<semaphore_mem>>)
      } else {
      }
    }
    %scan3A_25 = arith.constant 20 : i32
    %barrier3A_26 = arith.constant 0 : index
    tpu.barrier barrier_id(%barrier3A_26)
    %eq3A = arith.constant 0 : i32
    %eq3A_27 = arith.cmpi eq, %arg0, %eq3A : i32
    %convert_element_type3A_28 = arith.extui %eq3A_27 : i1 to i32
    %cond3A_29 = arith.constant 0 : i32
    %cond3A_30 = arith.cmpi ne, %convert_element_type3A_28, %cond3A_29 : i32
    scf.if %cond3A_30 {
      %mul3A_36 = arith.constant 624 : i32
      %mul3A_37 = arith.muli %arg1, %mul3A_36 : i32
      %multiple_of3A_38 = tpu.assume_multiple %mul3A_37, 8 : i32
      "tpu.region"() ({
        %run_scoped3A = tpu.sem_alloc : memref<!tpu.dma_semaphore, #tpu.memory_space<semaphore_mem>>
        %dma_start3A_44 = arith.constant 0 : i32
        %dma_start3A_45 = tpu.memref_slice %arg6[%multiple_of3A_38, %dma_start3A_44] : memref<10000x128xf32, #tpu.memory_space<hbm>> -> memref<624x128xf32, #tpu.memory_space<hbm>>
        %dma_start3A_46 = arith.constant 0 : i32
        %dma_start3A_47 = tpu.memref_slice %arg8[%multiple_of3A_38, %dma_start3A_46] : memref<10016x128xf32, #tpu.memory_space<vmem_shared>> -> memref<624x128xf32, #tpu.memory_space<vmem_shared>>
        tpu.enqueue_dma source(%dma_start3A_47 : memref<624x128xf32, #tpu.memory_space<vmem_shared>>) target(%dma_start3A_45 : memref<624x128xf32, #tpu.memory_space<hbm>>) target_semaphore(%run_scoped3A : memref<!tpu.dma_semaphore, #tpu.memory_space<semaphore_mem>>)
        %dma_wait3A = arith.constant 0 : i32
        %dma_wait3A_48 = tpu.memref_slice %arg6[%multiple_of3A_38, %dma_wait3A] : memref<10000x128xf32, #tpu.memory_space<hbm>> -> memref<624x128xf32, #tpu.memory_space<hbm>>
        %dma_wait3A_49 = arith.constant 0 : i32
        %dma_wait3A_50 = tpu.memref_slice %arg8[%multiple_of3A_38, %dma_wait3A_49] : memref<10016x128xf32, #tpu.memory_space<vmem_shared>> -> memref<624x128xf32, #tpu.memory_space<vmem_shared>>
        tpu.wait_dma2 semaphore(%run_scoped3A : memref<!tpu.dma_semaphore, #tpu.memory_space<semaphore_mem>>) src(%dma_wait3A_50 : memref<624x128xf32, #tpu.memory_space<vmem_shared>>) dst(%dma_wait3A_48 : memref<624x128xf32, #tpu.memory_space<hbm>>)
        tpu.yield
      }) : () -> ()
      %lt3A_39 = arith.constant 2 : i32
      %lt3A_40 = arith.cmpi slt, %arg1, %lt3A_39 : i32
      %convert_element_type3A_41 = arith.extui %lt3A_40 : i1 to i32
      %cond3A_42 = arith.constant 0 : i32
      %cond3A_43 = arith.cmpi ne, %convert_element_type3A_41, %cond3A_42 : i32
      scf.if %cond3A_43 {
        %mul3A_44 = arith.constant 8 : i32
        %mul3A_45 = arith.muli %arg1, %mul3A_44 : i32
        %add3A_46 = arith.constant 9984 : i32
        %add3A_47 = arith.addi %add3A_46, %mul3A_45 : i32
        %multiple_of3A_48 = tpu.assume_multiple %add3A_47, 8 : i32
        "tpu.region"() ({
          %run_scoped3A = tpu.sem_alloc : memref<!tpu.dma_semaphore, #tpu.memory_space<semaphore_mem>>
          %dma_start3A_49 = arith.constant 0 : i32
          %dma_start3A_50 = tpu.memref_slice %arg6[%multiple_of3A_48, %dma_start3A_49] : memref<10000x128xf32, #tpu.memory_space<hbm>> -> memref<8x128xf32, #tpu.memory_space<hbm>>
          %dma_start3A_51 = arith.constant 0 : i32
          %dma_start3A_52 = tpu.memref_slice %arg8[%multiple_of3A_48, %dma_start3A_51] : memref<10016x128xf32, #tpu.memory_space<vmem_shared>> -> memref<8x128xf32, #tpu.memory_space<vmem_shared>>
          tpu.enqueue_dma source(%dma_start3A_52 : memref<8x128xf32, #tpu.memory_space<vmem_shared>>) target(%dma_start3A_50 : memref<8x128xf32, #tpu.memory_space<hbm>>) target_semaphore(%run_scoped3A : memref<!tpu.dma_semaphore, #tpu.memory_space<semaphore_mem>>)
          %dma_wait3A = arith.constant 0 : i32
          %dma_wait3A_53 = tpu.memref_slice %arg6[%multiple_of3A_48, %dma_wait3A] : memref<10000x128xf32, #tpu.memory_space<hbm>> -> memref<8x128xf32, #tpu.memory_space<hbm>>
          %dma_wait3A_54 = arith.constant 0 : i32
          %dma_wait3A_55 = tpu.memref_slice %arg8[%multiple_of3A_48, %dma_wait3A_54] : memref<10016x128xf32, #tpu.memory_space<vmem_shared>> -> memref<8x128xf32, #tpu.memory_space<vmem_shared>>
          tpu.wait_dma2 semaphore(%run_scoped3A : memref<!tpu.dma_semaphore, #tpu.memory_space<semaphore_mem>>) src(%dma_wait3A_55 : memref<8x128xf32, #tpu.memory_space<vmem_shared>>) dst(%dma_wait3A_53 : memref<8x128xf32, #tpu.memory_space<hbm>>)
          tpu.yield
        }) : () -> ()
      } else {
      }
    } else {
    }
    %eq3A_31 = arith.constant 1 : i32
    %eq3A_32 = arith.cmpi eq, %arg0, %eq3A_31 : i32
    %convert_element_type3A_33 = arith.extui %eq3A_32 : i1 to i32
    %cond3A_34 = arith.constant 0 : i32
    %cond3A_35 = arith.cmpi ne, %convert_element_type3A_33, %cond3A_34 : i32
    scf.if %cond3A_35 {
      %mul3A_36 = arith.constant 624 : i32
      %mul3A_37 = arith.muli %arg1, %mul3A_36 : i32
      %multiple_of3A_38 = tpu.assume_multiple %mul3A_37, 8 : i32
      "tpu.region"() ({
        %run_scoped3A = tpu.sem_alloc : memref<!tpu.dma_semaphore, #tpu.memory_space<semaphore_mem>>
        %dma_start3A_44 = arith.constant 0 : i32
        %dma_start3A_45 = tpu.memref_slice %arg7[%multiple_of3A_38, %dma_start3A_44] : memref<10000x128xf32, #tpu.memory_space<hbm>> -> memref<624x128xf32, #tpu.memory_space<hbm>>
        %dma_start3A_46 = arith.constant 0 : i32
        %dma_start3A_47 = tpu.memref_slice %arg8[%multiple_of3A_38, %dma_start3A_46] : memref<10016x128xf32, #tpu.memory_space<vmem_shared>> -> memref<624x128xf32, #tpu.memory_space<vmem_shared>>
        tpu.enqueue_dma source(%dma_start3A_47 : memref<624x128xf32, #tpu.memory_space<vmem_shared>>) target(%dma_start3A_45 : memref<624x128xf32, #tpu.memory_space<hbm>>) target_semaphore(%run_scoped3A : memref<!tpu.dma_semaphore, #tpu.memory_space<semaphore_mem>>)
        %dma_wait3A = arith.constant 0 : i32
        %dma_wait3A_48 = tpu.memref_slice %arg7[%multiple_of3A_38, %dma_wait3A] : memref<10000x128xf32, #tpu.memory_space<hbm>> -> memref<624x128xf32, #tpu.memory_space<hbm>>
        %dma_wait3A_49 = arith.constant 0 : i32
        %dma_wait3A_50 = tpu.memref_slice %arg8[%multiple_of3A_38, %dma_wait3A_49] : memref<10016x128xf32, #tpu.memory_space<vmem_shared>> -> memref<624x128xf32, #tpu.memory_space<vmem_shared>>
        tpu.wait_dma2 semaphore(%run_scoped3A : memref<!tpu.dma_semaphore, #tpu.memory_space<semaphore_mem>>) src(%dma_wait3A_50 : memref<624x128xf32, #tpu.memory_space<vmem_shared>>) dst(%dma_wait3A_48 : memref<624x128xf32, #tpu.memory_space<hbm>>)
        tpu.yield
      }) : () -> ()
      %lt3A_39 = arith.constant 2 : i32
      %lt3A_40 = arith.cmpi slt, %arg1, %lt3A_39 : i32
      %convert_element_type3A_41 = arith.extui %lt3A_40 : i1 to i32
      %cond3A_42 = arith.constant 0 : i32
      %cond3A_43 = arith.cmpi ne, %convert_element_type3A_41, %cond3A_42 : i32
      scf.if %cond3A_43 {
        %mul3A_44 = arith.constant 8 : i32
        %mul3A_45 = arith.muli %arg1, %mul3A_44 : i32
        %add3A_46 = arith.constant 9984 : i32
        %add3A_47 = arith.addi %add3A_46, %mul3A_45 : i32
        %multiple_of3A_48 = tpu.assume_multiple %add3A_47, 8 : i32
        "tpu.region"() ({
          %run_scoped3A = tpu.sem_alloc : memref<!tpu.dma_semaphore, #tpu.memory_space<semaphore_mem>>
          %dma_start3A_49 = arith.constant 0 : i32
          %dma_start3A_50 = tpu.memref_slice %arg7[%multiple_of3A_48, %dma_start3A_49] : memref<10000x128xf32, #tpu.memory_space<hbm>> -> memref<8x128xf32, #tpu.memory_space<hbm>>
          %dma_start3A_51 = arith.constant 0 : i32
          %dma_start3A_52 = tpu.memref_slice %arg8[%multiple_of3A_48, %dma_start3A_51] : memref<10016x128xf32, #tpu.memory_space<vmem_shared>> -> memref<8x128xf32, #tpu.memory_space<vmem_shared>>
          tpu.enqueue_dma source(%dma_start3A_52 : memref<8x128xf32, #tpu.memory_space<vmem_shared>>) target(%dma_start3A_50 : memref<8x128xf32, #tpu.memory_space<hbm>>) target_semaphore(%run_scoped3A : memref<!tpu.dma_semaphore, #tpu.memory_space<semaphore_mem>>)
          %dma_wait3A = arith.constant 0 : i32
          %dma_wait3A_53 = tpu.memref_slice %arg7[%multiple_of3A_48, %dma_wait3A] : memref<10000x128xf32, #tpu.memory_space<hbm>> -> memref<8x128xf32, #tpu.memory_space<hbm>>
          %dma_wait3A_54 = arith.constant 0 : i32
          %dma_wait3A_55 = tpu.memref_slice %arg8[%multiple_of3A_48, %dma_wait3A_54] : memref<10016x128xf32, #tpu.memory_space<vmem_shared>> -> memref<8x128xf32, #tpu.memory_space<vmem_shared>>
          tpu.wait_dma2 semaphore(%run_scoped3A : memref<!tpu.dma_semaphore, #tpu.memory_space<semaphore_mem>>) src(%dma_wait3A_55 : memref<8x128xf32, #tpu.memory_space<vmem_shared>>) dst(%dma_wait3A_53 : memref<8x128xf32, #tpu.memory_space<hbm>>)
          tpu.yield
        }) : () -> ()
      } else {
      }
    } else {
    }
    return
  }
}

#map = affine_map<(d0, d1) -> (0, 0)>
#map1 = affine_map<(d0, d1) -> (0)>
module attributes {stable_mosaic.version = 14 : i64} {
  func.func @k(%arg0: i32, %arg1: i32, %arg2: memref<10000x128xf32, #tpu.memory_space<hbm>>, %arg3: memref<10000xi32, #tpu.memory_space<hbm>>, %arg4: memref<10000xi32, #tpu.memory_space<hbm>>, %arg5: memref<4000xi32, #tpu.memory_space<hbm>>, %arg6: memref<4000xi32, #tpu.memory_space<hbm>>, %arg7: memref<128x128xf32, #tpu.memory_space<hbm>>, %arg8: memref<2000x128xf32, #tpu.memory_space<hbm>>, %arg9: memref<2000x128xf32, #tpu.memory_space<hbm>>, %arg10: memref<256x128xf32, #tpu.memory_space<hbm>>, %arg11: memref<256x128xf32, #tpu.memory_space<hbm>>, %arg12: memref<2000x128xf32, #tpu.memory_space<vmem_shared>>, %arg13: memref<2000x128xf32, #tpu.memory_space<vmem_shared>>, %arg14: memref<256x128xf32, #tpu.memory_space<vmem_shared>>, %arg15: memref<80xi32, #tpu.memory_space<vmem>>, %arg16: memref<80xi32, #tpu.memory_space<vmem>>, %arg17: memref<80x128xf32, #tpu.memory_space<vmem>>, %arg18: memref<40xi32, #tpu.memory_space<vmem>>, %arg19: memref<40xi32, #tpu.memory_space<vmem>>, %arg20: memref<40x128xf32, #tpu.memory_space<vmem>>, %arg21: memref<!tpu.dma_semaphore, #tpu.memory_space<semaphore_mem>>) attributes {dimension_semantics = [#tpu.dimension_semantics<core_parallel>, #tpu.dimension_semantics<subcore_parallel>], iteration_bounds = array<i64: 2, 16>, scalar_prefetch = 0 : i64, scratch_operands = 10 : i64, tpu.core_type = #tpu.core_type<sc_vector_subcore>, window_params = [{transform_indices = #map}, {transform_indices = #map1}, {transform_indices = #map1}, {transform_indices = #map1}, {transform_indices = #map1}, {transform_indices = #map}, {transform_indices = #map}, {transform_indices = #map}, {transform_indices = #map}, {transform_indices = #map}]} {
    %mul3A = arith.constant 2 : i32
    %mul3A_0 = arith.muli %arg1, %mul3A : i32
    %add3A = arith.addi %mul3A_0, %arg0 : i32
    %mul3A_1 = arith.constant 120 : i32
    %mul3A_2 = arith.muli %arg1, %mul3A_1 : i32
    %multiple_of3A = tpu.assume_multiple %mul3A_2, 8 : i32
    "tpu.region"() ({
      %run_scoped3A = tpu.sem_alloc : memref<!tpu.dma_semaphore, #tpu.memory_space<semaphore_mem>>
      %dma_start3A = arith.constant 0 : i32
      %dma_start3A_48 = tpu.memref_slice %arg12[%multiple_of3A, %dma_start3A] : memref<2000x128xf32, #tpu.memory_space<vmem_shared>> -> memref<120x128xf32, #tpu.memory_space<vmem_shared>>
      %dma_start3A_49 = arith.constant 0 : i32
      %dma_start3A_50 = arith.constant 0 : i32
      %dma_start3A_51 = tpu.memref_slice %arg7[%dma_start3A_49, %dma_start3A_50] : memref<128x128xf32, #tpu.memory_space<hbm>> -> memref<120x128xf32, #tpu.memory_space<hbm>>
      tpu.enqueue_dma source(%dma_start3A_51 : memref<120x128xf32, #tpu.memory_space<hbm>>) target(%dma_start3A_48 : memref<120x128xf32, #tpu.memory_space<vmem_shared>>) target_semaphore(%run_scoped3A : memref<!tpu.dma_semaphore, #tpu.memory_space<semaphore_mem>>)
      %dma_wait3A = arith.constant 0 : i32
      %dma_wait3A_52 = tpu.memref_slice %arg12[%multiple_of3A, %dma_wait3A] : memref<2000x128xf32, #tpu.memory_space<vmem_shared>> -> memref<120x128xf32, #tpu.memory_space<vmem_shared>>
      %dma_wait3A_53 = arith.constant 0 : i32
      %dma_wait3A_54 = arith.constant 0 : i32
      %dma_wait3A_55 = tpu.memref_slice %arg7[%dma_wait3A_53, %dma_wait3A_54] : memref<128x128xf32, #tpu.memory_space<hbm>> -> memref<120x128xf32, #tpu.memory_space<hbm>>
      tpu.wait_dma2 semaphore(%run_scoped3A : memref<!tpu.dma_semaphore, #tpu.memory_space<semaphore_mem>>) src(%dma_wait3A_55 : memref<120x128xf32, #tpu.memory_space<hbm>>) dst(%dma_wait3A_52 : memref<120x128xf32, #tpu.memory_space<vmem_shared>>)
      tpu.yield
    }) : () -> ()
    %lt3A = arith.constant 10 : i32
    %lt3A_3 = arith.cmpi slt, %arg1, %lt3A : i32
    %convert_element_type3A = arith.extui %lt3A_3 : i1 to i32
    %cond3A = arith.constant 0 : i32
    %cond3A_4 = arith.cmpi ne, %convert_element_type3A, %cond3A : i32
    scf.if %cond3A_4 {
      %mul3A_48 = arith.constant 8 : i32
      %mul3A_49 = arith.muli %arg1, %mul3A_48 : i32
      %add3A_50 = arith.constant 1920 : i32
      %add3A_51 = arith.addi %add3A_50, %mul3A_49 : i32
      %multiple_of3A_52 = tpu.assume_multiple %add3A_51, 8 : i32
      "tpu.region"() ({
        %run_scoped3A = tpu.sem_alloc : memref<!tpu.dma_semaphore, #tpu.memory_space<semaphore_mem>>
        %dma_start3A = arith.constant 0 : i32
        %dma_start3A_53 = tpu.memref_slice %arg12[%multiple_of3A_52, %dma_start3A] : memref<2000x128xf32, #tpu.memory_space<vmem_shared>> -> memref<8x128xf32, #tpu.memory_space<vmem_shared>>
        %dma_start3A_54 = arith.constant 0 : i32
        %dma_start3A_55 = arith.constant 0 : i32
        %dma_start3A_56 = tpu.memref_slice %arg7[%dma_start3A_54, %dma_start3A_55] : memref<128x128xf32, #tpu.memory_space<hbm>> -> memref<8x128xf32, #tpu.memory_space<hbm>>
        tpu.enqueue_dma source(%dma_start3A_56 : memref<8x128xf32, #tpu.memory_space<hbm>>) target(%dma_start3A_53 : memref<8x128xf32, #tpu.memory_space<vmem_shared>>) target_semaphore(%run_scoped3A : memref<!tpu.dma_semaphore, #tpu.memory_space<semaphore_mem>>)
        %dma_wait3A = arith.constant 0 : i32
        %dma_wait3A_57 = tpu.memref_slice %arg12[%multiple_of3A_52, %dma_wait3A] : memref<2000x128xf32, #tpu.memory_space<vmem_shared>> -> memref<8x128xf32, #tpu.memory_space<vmem_shared>>
        %dma_wait3A_58 = arith.constant 0 : i32
        %dma_wait3A_59 = arith.constant 0 : i32
        %dma_wait3A_60 = tpu.memref_slice %arg7[%dma_wait3A_58, %dma_wait3A_59] : memref<128x128xf32, #tpu.memory_space<hbm>> -> memref<8x128xf32, #tpu.memory_space<hbm>>
        tpu.wait_dma2 semaphore(%run_scoped3A : memref<!tpu.dma_semaphore, #tpu.memory_space<semaphore_mem>>) src(%dma_wait3A_60 : memref<8x128xf32, #tpu.memory_space<hbm>>) dst(%dma_wait3A_57 : memref<8x128xf32, #tpu.memory_space<vmem_shared>>)
        tpu.yield
      }) : () -> ()
    } else {
    }
    %mul3A_5 = arith.constant 120 : i32
    %mul3A_6 = arith.muli %arg1, %mul3A_5 : i32
    %multiple_of3A_7 = tpu.assume_multiple %mul3A_6, 8 : i32
    "tpu.region"() ({
      %run_scoped3A = tpu.sem_alloc : memref<!tpu.dma_semaphore, #tpu.memory_space<semaphore_mem>>
      %dma_start3A = arith.constant 0 : i32
      %dma_start3A_48 = tpu.memref_slice %arg13[%multiple_of3A_7, %dma_start3A] : memref<2000x128xf32, #tpu.memory_space<vmem_shared>> -> memref<120x128xf32, #tpu.memory_space<vmem_shared>>
      %dma_start3A_49 = arith.constant 0 : i32
      %dma_start3A_50 = arith.constant 0 : i32
      %dma_start3A_51 = tpu.memref_slice %arg7[%dma_start3A_49, %dma_start3A_50] : memref<128x128xf32, #tpu.memory_space<hbm>> -> memref<120x128xf32, #tpu.memory_space<hbm>>
      tpu.enqueue_dma source(%dma_start3A_51 : memref<120x128xf32, #tpu.memory_space<hbm>>) target(%dma_start3A_48 : memref<120x128xf32, #tpu.memory_space<vmem_shared>>) target_semaphore(%run_scoped3A : memref<!tpu.dma_semaphore, #tpu.memory_space<semaphore_mem>>)
      %dma_wait3A = arith.constant 0 : i32
      %dma_wait3A_52 = tpu.memref_slice %arg13[%multiple_of3A_7, %dma_wait3A] : memref<2000x128xf32, #tpu.memory_space<vmem_shared>> -> memref<120x128xf32, #tpu.memory_space<vmem_shared>>
      %dma_wait3A_53 = arith.constant 0 : i32
      %dma_wait3A_54 = arith.constant 0 : i32
      %dma_wait3A_55 = tpu.memref_slice %arg7[%dma_wait3A_53, %dma_wait3A_54] : memref<128x128xf32, #tpu.memory_space<hbm>> -> memref<120x128xf32, #tpu.memory_space<hbm>>
      tpu.wait_dma2 semaphore(%run_scoped3A : memref<!tpu.dma_semaphore, #tpu.memory_space<semaphore_mem>>) src(%dma_wait3A_55 : memref<120x128xf32, #tpu.memory_space<hbm>>) dst(%dma_wait3A_52 : memref<120x128xf32, #tpu.memory_space<vmem_shared>>)
      tpu.yield
    }) : () -> ()
    %lt3A_8 = arith.constant 10 : i32
    %lt3A_9 = arith.cmpi slt, %arg1, %lt3A_8 : i32
    %convert_element_type3A_10 = arith.extui %lt3A_9 : i1 to i32
    %cond3A_11 = arith.constant 0 : i32
    %cond3A_12 = arith.cmpi ne, %convert_element_type3A_10, %cond3A_11 : i32
    scf.if %cond3A_12 {
      %mul3A_48 = arith.constant 8 : i32
      %mul3A_49 = arith.muli %arg1, %mul3A_48 : i32
      %add3A_50 = arith.constant 1920 : i32
      %add3A_51 = arith.addi %add3A_50, %mul3A_49 : i32
      %multiple_of3A_52 = tpu.assume_multiple %add3A_51, 8 : i32
      "tpu.region"() ({
        %run_scoped3A = tpu.sem_alloc : memref<!tpu.dma_semaphore, #tpu.memory_space<semaphore_mem>>
        %dma_start3A = arith.constant 0 : i32
        %dma_start3A_53 = tpu.memref_slice %arg13[%multiple_of3A_52, %dma_start3A] : memref<2000x128xf32, #tpu.memory_space<vmem_shared>> -> memref<8x128xf32, #tpu.memory_space<vmem_shared>>
        %dma_start3A_54 = arith.constant 0 : i32
        %dma_start3A_55 = arith.constant 0 : i32
        %dma_start3A_56 = tpu.memref_slice %arg7[%dma_start3A_54, %dma_start3A_55] : memref<128x128xf32, #tpu.memory_space<hbm>> -> memref<8x128xf32, #tpu.memory_space<hbm>>
        tpu.enqueue_dma source(%dma_start3A_56 : memref<8x128xf32, #tpu.memory_space<hbm>>) target(%dma_start3A_53 : memref<8x128xf32, #tpu.memory_space<vmem_shared>>) target_semaphore(%run_scoped3A : memref<!tpu.dma_semaphore, #tpu.memory_space<semaphore_mem>>)
        %dma_wait3A = arith.constant 0 : i32
        %dma_wait3A_57 = tpu.memref_slice %arg13[%multiple_of3A_52, %dma_wait3A] : memref<2000x128xf32, #tpu.memory_space<vmem_shared>> -> memref<8x128xf32, #tpu.memory_space<vmem_shared>>
        %dma_wait3A_58 = arith.constant 0 : i32
        %dma_wait3A_59 = arith.constant 0 : i32
        %dma_wait3A_60 = tpu.memref_slice %arg7[%dma_wait3A_58, %dma_wait3A_59] : memref<128x128xf32, #tpu.memory_space<hbm>> -> memref<8x128xf32, #tpu.memory_space<hbm>>
        tpu.wait_dma2 semaphore(%run_scoped3A : memref<!tpu.dma_semaphore, #tpu.memory_space<semaphore_mem>>) src(%dma_wait3A_60 : memref<8x128xf32, #tpu.memory_space<hbm>>) dst(%dma_wait3A_57 : memref<8x128xf32, #tpu.memory_space<vmem_shared>>)
        tpu.yield
      }) : () -> ()
    } else {
    }
    %mul3A_13 = arith.constant 16 : i32
    %mul3A_14 = arith.muli %arg1, %mul3A_13 : i32
    %multiple_of3A_15 = tpu.assume_multiple %mul3A_14, 8 : i32
    "tpu.region"() ({
      %run_scoped3A = tpu.sem_alloc : memref<!tpu.dma_semaphore, #tpu.memory_space<semaphore_mem>>
      %dma_start3A = arith.constant 0 : i32
      %dma_start3A_48 = tpu.memref_slice %arg14[%multiple_of3A_15, %dma_start3A] : memref<256x128xf32, #tpu.memory_space<vmem_shared>> -> memref<16x128xf32, #tpu.memory_space<vmem_shared>>
      %dma_start3A_49 = arith.constant 0 : i32
      %dma_start3A_50 = arith.constant 0 : i32
      %dma_start3A_51 = tpu.memref_slice %arg7[%dma_start3A_49, %dma_start3A_50] : memref<128x128xf32, #tpu.memory_space<hbm>> -> memref<16x128xf32, #tpu.memory_space<hbm>>
      tpu.enqueue_dma source(%dma_start3A_51 : memref<16x128xf32, #tpu.memory_space<hbm>>) target(%dma_start3A_48 : memref<16x128xf32, #tpu.memory_space<vmem_shared>>) target_semaphore(%run_scoped3A : memref<!tpu.dma_semaphore, #tpu.memory_space<semaphore_mem>>)
      %dma_wait3A = arith.constant 0 : i32
      %dma_wait3A_52 = tpu.memref_slice %arg14[%multiple_of3A_15, %dma_wait3A] : memref<256x128xf32, #tpu.memory_space<vmem_shared>> -> memref<16x128xf32, #tpu.memory_space<vmem_shared>>
      %dma_wait3A_53 = arith.constant 0 : i32
      %dma_wait3A_54 = arith.constant 0 : i32
      %dma_wait3A_55 = tpu.memref_slice %arg7[%dma_wait3A_53, %dma_wait3A_54] : memref<128x128xf32, #tpu.memory_space<hbm>> -> memref<16x128xf32, #tpu.memory_space<hbm>>
      tpu.wait_dma2 semaphore(%run_scoped3A : memref<!tpu.dma_semaphore, #tpu.memory_space<semaphore_mem>>) src(%dma_wait3A_55 : memref<16x128xf32, #tpu.memory_space<hbm>>) dst(%dma_wait3A_52 : memref<16x128xf32, #tpu.memory_space<vmem_shared>>)
      tpu.yield
    }) : () -> ()
    %barrier3A = arith.constant 0 : index
    tpu.barrier barrier_id(%barrier3A)
    %scan3A = arith.constant 0 : i32
    %scan3A_16 = arith.constant 0 : i32
    %scan3A_17 = arith.constant 8 : i32
    %scan3A_18 = arith.addi %scan3A_16, %scan3A_17 : i32
    %scan3A_19 = arith.constant 1 : i32
    scf.for %scan3A_48 = %scan3A_16 to %scan3A_18 step %scan3A_19  : i32 {
      %mul3A_49 = arith.constant 16 : i32
      %mul3A_50 = arith.muli %scan3A_48, %mul3A_49 : i32
      %add3A_51 = arith.addi %arg1, %mul3A_50 : i32
      %lt3A_52 = arith.constant 125 : i32
      %lt3A_53 = arith.cmpi slt, %add3A_51, %lt3A_52 : i32
      %convert_element_type3A_54 = arith.extui %lt3A_53 : i1 to i32
      %cond3A_55 = arith.constant 0 : i32
      %cond3A_56 = arith.cmpi ne, %convert_element_type3A_54, %cond3A_55 : i32
      scf.if %cond3A_56 {
        %mul3A_57 = arith.constant 80 : i32
        %mul3A_58 = arith.muli %add3A_51, %mul3A_57 : i32
        %multiple_of3A_59 = tpu.assume_multiple %mul3A_58, 8 : i32
        "tpu.region"() ({
          %run_scoped3A = tpu.sem_alloc : memref<!tpu.dma_semaphore, #tpu.memory_space<semaphore_mem>>
          %dma_start3A = arith.constant 0 : i32
          %dma_start3A_75 = tpu.memref_slice %arg2[%multiple_of3A_59, %dma_start3A] : memref<10000x128xf32, #tpu.memory_space<hbm>> -> memref<80x128xf32, #tpu.memory_space<hbm>>
          %dma_start3A_76 = arith.constant 0 : i32
          %dma_start3A_77 = tpu.memref_slice %arg2[%multiple_of3A_59, %dma_start3A_76] : memref<10000x128xf32, #tpu.memory_space<hbm>> -> memref<80x128xf32, #tpu.memory_space<hbm>>
          tpu.enqueue_dma source(%dma_start3A_77 : memref<80x128xf32, #tpu.memory_space<hbm>>) target(%arg17 : memref<80x128xf32, #tpu.memory_space<vmem>>) target_semaphore(%run_scoped3A : memref<!tpu.dma_semaphore, #tpu.memory_space<semaphore_mem>>)
          %dma_wait3A = arith.constant 0 : i32
          %dma_wait3A_78 = tpu.memref_slice %arg2[%multiple_of3A_59, %dma_wait3A] : memref<10000x128xf32, #tpu.memory_space<hbm>> -> memref<80x128xf32, #tpu.memory_space<hbm>>
          %dma_wait3A_79 = arith.constant 0 : i32
          %dma_wait3A_80 = tpu.memref_slice %arg2[%multiple_of3A_59, %dma_wait3A_79] : memref<10000x128xf32, #tpu.memory_space<hbm>> -> memref<80x128xf32, #tpu.memory_space<hbm>>
          tpu.wait_dma2 semaphore(%run_scoped3A : memref<!tpu.dma_semaphore, #tpu.memory_space<semaphore_mem>>) src(%dma_wait3A_80 : memref<80x128xf32, #tpu.memory_space<hbm>>) dst(%arg17 : memref<80x128xf32, #tpu.memory_space<vmem>>)
          tpu.yield
        }) : () -> ()
        "tpu.region"() ({
          %run_scoped3A = tpu.sem_alloc : memref<!tpu.dma_semaphore, #tpu.memory_space<semaphore_mem>>
          %dma_start3A = tpu.memref_slice %arg3[%multiple_of3A_59] : memref<10000xi32, #tpu.memory_space<hbm>> -> memref<80xi32, #tpu.memory_space<hbm>>
          %dma_start3A_75 = tpu.memref_slice %arg3[%multiple_of3A_59] : memref<10000xi32, #tpu.memory_space<hbm>> -> memref<80xi32, #tpu.memory_space<hbm>>
          tpu.enqueue_dma source(%dma_start3A_75 : memref<80xi32, #tpu.memory_space<hbm>>) target(%arg15 : memref<80xi32, #tpu.memory_space<vmem>>) target_semaphore(%run_scoped3A : memref<!tpu.dma_semaphore, #tpu.memory_space<semaphore_mem>>)
          %dma_wait3A = tpu.memref_slice %arg3[%multiple_of3A_59] : memref<10000xi32, #tpu.memory_space<hbm>> -> memref<80xi32, #tpu.memory_space<hbm>>
          %dma_wait3A_76 = tpu.memref_slice %arg3[%multiple_of3A_59] : memref<10000xi32, #tpu.memory_space<hbm>> -> memref<80xi32, #tpu.memory_space<hbm>>
          tpu.wait_dma2 semaphore(%run_scoped3A : memref<!tpu.dma_semaphore, #tpu.memory_space<semaphore_mem>>) src(%dma_wait3A_76 : memref<80xi32, #tpu.memory_space<hbm>>) dst(%arg15 : memref<80xi32, #tpu.memory_space<vmem>>)
          tpu.yield
        }) : () -> ()
        "tpu.region"() ({
          %run_scoped3A = tpu.sem_alloc : memref<!tpu.dma_semaphore, #tpu.memory_space<semaphore_mem>>
          %dma_start3A = arith.constant 0 : i32
          %dma_start3A_75 = arith.constant 0 : i32
          %dma_start3A_76 = tpu.memref_slice %arg12[%dma_start3A, %dma_start3A_75] : memref<2000x128xf32, #tpu.memory_space<vmem_shared>> -> memref<2000x128xf32, #tpu.memory_space<vmem_shared>>
          tpu.enqueue_indirect_dma source(%arg17 : memref<80x128xf32, #tpu.memory_space<vmem>>) target(%dma_start3A_76 : memref<2000x128xf32, #tpu.memory_space<vmem_shared>>) offsets(%arg15 : memref<80xi32, #tpu.memory_space<vmem>>) semaphore(%run_scoped3A : memref<!tpu.dma_semaphore, #tpu.memory_space<semaphore_mem>>) {add = true}
          %dma_wait3A = arith.constant 0 : i32
          %dma_wait3A_77 = arith.constant 0 : i32
          %dma_wait3A_78 = tpu.memref_slice %arg12[%dma_wait3A, %dma_wait3A_77] : memref<2000x128xf32, #tpu.memory_space<vmem_shared>> -> memref<2000x128xf32, #tpu.memory_space<vmem_shared>>
          tpu.wait_indirect_dma semaphore(%run_scoped3A : memref<!tpu.dma_semaphore, #tpu.memory_space<semaphore_mem>>) src(%arg17 : memref<80x128xf32, #tpu.memory_space<vmem>>) dst(%dma_wait3A_78 : memref<2000x128xf32, #tpu.memory_space<vmem_shared>>)
          tpu.yield
        }) : () -> ()
        %jit3A = arith.constant 2 : i32
        %eq3A_60 = arith.constant 0 : i32
        %eq3A_61 = arith.cmpi eq, %jit3A, %eq3A_60 : i32
        %jit3A_62 = arith.constant 1 : i32
        %select_n3A = arith.select %eq3A_61, %jit3A_62, %jit3A : i32
        %rem3A = arith.remsi %add3A_51, %select_n3A : i32
        %ne3A = arith.constant 0 : i32
        %ne3A_63 = arith.cmpi ne, %rem3A, %ne3A : i32
        %lt3A_64 = arith.constant 0 : i32
        %lt3A_65 = arith.cmpi slt, %rem3A, %lt3A_64 : i32
        %lt3A_66 = arith.constant 0 : i32
        %lt3A_67 = arith.cmpi slt, %select_n3A, %lt3A_66 : i32
        %ne3A_68 = arith.xori %lt3A_65, %lt3A_67 : i1
        %and3A = arith.andi %ne3A_68, %ne3A_63 : i1
        %add3A_69 = arith.addi %rem3A, %select_n3A : i32
        %select_n3A_70 = arith.select %and3A, %add3A_69, %rem3A : i32
        %eq3A_71 = arith.cmpi eq, %select_n3A_70, %arg0 : i32
        %convert_element_type3A_72 = arith.extui %eq3A_71 : i1 to i32
        %cond3A_73 = arith.constant 0 : i32
        %cond3A_74 = arith.cmpi ne, %convert_element_type3A_72, %cond3A_73 : i32
        scf.if %cond3A_74 {
          %scan3A_75 = arith.constant 0 : i32
          %scan3A_76 = arith.constant 0 : i32
          %scan3A_77 = arith.constant 80 : i32
          %scan3A_78 = arith.addi %scan3A_76, %scan3A_77 : i32
          %scan3A_79 = arith.constant 1 : i32
          scf.for %scan3A_81 = %scan3A_76 to %scan3A_78 step %scan3A_79  : i32 {
            %get3A = arith.index_cast %scan3A_81 : i32 to index
            %get3A_82 = arith.constant 0 : index
            %get3A_83 = tpu.vector_load %arg17[%get3A, %get3A_82] {strides = array<i32>} : memref<80x128xf32, #tpu.memory_space<vmem>>, vector<1x16xf32>,
            %get3A_84 = vector.shape_cast %get3A_83 : vector<1x16xf32> to vector<16xf32>
            %max3A = arith.constant 0.000000e+00 : f32
            %max3A_85 = vector.broadcast %max3A : f32 to vector<16xf32>
            %max3A_86 = arith.maximumf %get3A_84, %max3A_85 : vector<16xf32>
            %swap3A = arith.index_cast %scan3A_81 : i32 to index
            %swap3A_87 = arith.constant 0 : index
            %swap3A_88 = tpu.vector_load %arg17[%swap3A, %swap3A_87] {strides = array<i32>} : memref<80x128xf32, #tpu.memory_space<vmem>>, vector<1x16xf32>,
            %swap3A_89 = vector.shape_cast %swap3A_88 : vector<1x16xf32> to vector<16xf32>
            %swap3A_90 = vector.shape_cast %max3A_86 : vector<16xf32> to vector<1x16xf32>
            tpu.vector_store %arg17[%swap3A, %swap3A_87], %swap3A_90 {strides = array<i32>} : memref<80x128xf32, #tpu.memory_space<vmem>>, vector<1x16xf32>,
            %get3A_91 = arith.index_cast %scan3A_81 : i32 to index
            %get3A_92 = arith.constant 16 : index
            %get3A_93 = tpu.vector_load %arg17[%get3A_91, %get3A_92] {strides = array<i32>} : memref<80x128xf32, #tpu.memory_space<vmem>>, vector<1x16xf32>,
            %get3A_94 = vector.shape_cast %get3A_93 : vector<1x16xf32> to vector<16xf32>
            %max3A_95 = arith.constant 0.000000e+00 : f32
            %max3A_96 = vector.broadcast %max3A_95 : f32 to vector<16xf32>
            %max3A_97 = arith.maximumf %get3A_94, %max3A_96 : vector<16xf32>
            %swap3A_98 = arith.index_cast %scan3A_81 : i32 to index
            %swap3A_99 = arith.constant 16 : index
            %swap3A_100 = tpu.vector_load %arg17[%swap3A_98, %swap3A_99] {strides = array<i32>} : memref<80x128xf32, #tpu.memory_space<vmem>>, vector<1x16xf32>,
            %swap3A_101 = vector.shape_cast %swap3A_100 : vector<1x16xf32> to vector<16xf32>
            %swap3A_102 = vector.shape_cast %max3A_97 : vector<16xf32> to vector<1x16xf32>
            tpu.vector_store %arg17[%swap3A_98, %swap3A_99], %swap3A_102 {strides = array<i32>} : memref<80x128xf32, #tpu.memory_space<vmem>>, vector<1x16xf32>,
            %get3A_103 = arith.index_cast %scan3A_81 : i32 to index
            %get3A_104 = arith.constant 32 : index
            %get3A_105 = tpu.vector_load %arg17[%get3A_103, %get3A_104] {strides = array<i32>} : memref<80x128xf32, #tpu.memory_space<vmem>>, vector<1x16xf32>,
            %get3A_106 = vector.shape_cast %get3A_105 : vector<1x16xf32> to vector<16xf32>
            %max3A_107 = arith.constant 0.000000e+00 : f32
            %max3A_108 = vector.broadcast %max3A_107 : f32 to vector<16xf32>
            %max3A_109 = arith.maximumf %get3A_106, %max3A_108 : vector<16xf32>
            %swap3A_110 = arith.index_cast %scan3A_81 : i32 to index
            %swap3A_111 = arith.constant 32 : index
            %swap3A_112 = tpu.vector_load %arg17[%swap3A_110, %swap3A_111] {strides = array<i32>} : memref<80x128xf32, #tpu.memory_space<vmem>>, vector<1x16xf32>,
            %swap3A_113 = vector.shape_cast %swap3A_112 : vector<1x16xf32> to vector<16xf32>
            %swap3A_114 = vector.shape_cast %max3A_109 : vector<16xf32> to vector<1x16xf32>
            tpu.vector_store %arg17[%swap3A_110, %swap3A_111], %swap3A_114 {strides = array<i32>} : memref<80x128xf32, #tpu.memory_space<vmem>>, vector<1x16xf32>,
            %get3A_115 = arith.index_cast %scan3A_81 : i32 to index
            %get3A_116 = arith.constant 48 : index
            %get3A_117 = tpu.vector_load %arg17[%get3A_115, %get3A_116] {strides = array<i32>} : memref<80x128xf32, #tpu.memory_space<vmem>>, vector<1x16xf32>,
            %get3A_118 = vector.shape_cast %get3A_117 : vector<1x16xf32> to vector<16xf32>
            %max3A_119 = arith.constant 0.000000e+00 : f32
            %max3A_120 = vector.broadcast %max3A_119 : f32 to vector<16xf32>
            %max3A_121 = arith.maximumf %get3A_118, %max3A_120 : vector<16xf32>
            %swap3A_122 = arith.index_cast %scan3A_81 : i32 to index
            %swap3A_123 = arith.constant 48 : index
            %swap3A_124 = tpu.vector_load %arg17[%swap3A_122, %swap3A_123] {strides = array<i32>} : memref<80x128xf32, #tpu.memory_space<vmem>>, vector<1x16xf32>,
            %swap3A_125 = vector.shape_cast %swap3A_124 : vector<1x16xf32> to vector<16xf32>
            %swap3A_126 = vector.shape_cast %max3A_121 : vector<16xf32> to vector<1x16xf32>
            tpu.vector_store %arg17[%swap3A_122, %swap3A_123], %swap3A_126 {strides = array<i32>} : memref<80x128xf32, #tpu.memory_space<vmem>>, vector<1x16xf32>,
            %get3A_127 = arith.index_cast %scan3A_81 : i32 to index
            %get3A_128 = arith.constant 64 : index
            %get3A_129 = tpu.vector_load %arg17[%get3A_127, %get3A_128] {strides = array<i32>} : memref<80x128xf32, #tpu.memory_space<vmem>>, vector<1x16xf32>,
            %get3A_130 = vector.shape_cast %get3A_129 : vector<1x16xf32> to vector<16xf32>
            %max3A_131 = arith.constant 0.000000e+00 : f32
            %max3A_132 = vector.broadcast %max3A_131 : f32 to vector<16xf32>
            %max3A_133 = arith.maximumf %get3A_130, %max3A_132 : vector<16xf32>
            %swap3A_134 = arith.index_cast %scan3A_81 : i32 to index
            %swap3A_135 = arith.constant 64 : index
            %swap3A_136 = tpu.vector_load %arg17[%swap3A_134, %swap3A_135] {strides = array<i32>} : memref<80x128xf32, #tpu.memory_space<vmem>>, vector<1x16xf32>,
            %swap3A_137 = vector.shape_cast %swap3A_136 : vector<1x16xf32> to vector<16xf32>
            %swap3A_138 = vector.shape_cast %max3A_133 : vector<16xf32> to vector<1x16xf32>
            tpu.vector_store %arg17[%swap3A_134, %swap3A_135], %swap3A_138 {strides = array<i32>} : memref<80x128xf32, #tpu.memory_space<vmem>>, vector<1x16xf32>,
            %get3A_139 = arith.index_cast %scan3A_81 : i32 to index
            %get3A_140 = arith.constant 80 : index
            %get3A_141 = tpu.vector_load %arg17[%get3A_139, %get3A_140] {strides = array<i32>} : memref<80x128xf32, #tpu.memory_space<vmem>>, vector<1x16xf32>,
            %get3A_142 = vector.shape_cast %get3A_141 : vector<1x16xf32> to vector<16xf32>
            %max3A_143 = arith.constant 0.000000e+00 : f32
            %max3A_144 = vector.broadcast %max3A_143 : f32 to vector<16xf32>
            %max3A_145 = arith.maximumf %get3A_142, %max3A_144 : vector<16xf32>
            %swap3A_146 = arith.index_cast %scan3A_81 : i32 to index
            %swap3A_147 = arith.constant 80 : index
            %swap3A_148 = tpu.vector_load %arg17[%swap3A_146, %swap3A_147] {strides = array<i32>} : memref<80x128xf32, #tpu.memory_space<vmem>>, vector<1x16xf32>,
            %swap3A_149 = vector.shape_cast %swap3A_148 : vector<1x16xf32> to vector<16xf32>
            %swap3A_150 = vector.shape_cast %max3A_145 : vector<16xf32> to vector<1x16xf32>
            tpu.vector_store %arg17[%swap3A_146, %swap3A_147], %swap3A_150 {strides = array<i32>} : memref<80x128xf32, #tpu.memory_space<vmem>>, vector<1x16xf32>,
            %get3A_151 = arith.index_cast %scan3A_81 : i32 to index
            %get3A_152 = arith.constant 96 : index
            %get3A_153 = tpu.vector_load %arg17[%get3A_151, %get3A_152] {strides = array<i32>} : memref<80x128xf32, #tpu.memory_space<vmem>>, vector<1x16xf32>,
            %get3A_154 = vector.shape_cast %get3A_153 : vector<1x16xf32> to vector<16xf32>
            %max3A_155 = arith.constant 0.000000e+00 : f32
            %max3A_156 = vector.broadcast %max3A_155 : f32 to vector<16xf32>
            %max3A_157 = arith.maximumf %get3A_154, %max3A_156 : vector<16xf32>
            %swap3A_158 = arith.index_cast %scan3A_81 : i32 to index
            %swap3A_159 = arith.constant 96 : index
            %swap3A_160 = tpu.vector_load %arg17[%swap3A_158, %swap3A_159] {strides = array<i32>} : memref<80x128xf32, #tpu.memory_space<vmem>>, vector<1x16xf32>,
            %swap3A_161 = vector.shape_cast %swap3A_160 : vector<1x16xf32> to vector<16xf32>
            %swap3A_162 = vector.shape_cast %max3A_157 : vector<16xf32> to vector<1x16xf32>
            tpu.vector_store %arg17[%swap3A_158, %swap3A_159], %swap3A_162 {strides = array<i32>} : memref<80x128xf32, #tpu.memory_space<vmem>>, vector<1x16xf32>,
            %get3A_163 = arith.index_cast %scan3A_81 : i32 to index
            %get3A_164 = arith.constant 112 : index
            %get3A_165 = tpu.vector_load %arg17[%get3A_163, %get3A_164] {strides = array<i32>} : memref<80x128xf32, #tpu.memory_space<vmem>>, vector<1x16xf32>,
            %get3A_166 = vector.shape_cast %get3A_165 : vector<1x16xf32> to vector<16xf32>
            %max3A_167 = arith.constant 0.000000e+00 : f32
            %max3A_168 = vector.broadcast %max3A_167 : f32 to vector<16xf32>
            %max3A_169 = arith.maximumf %get3A_166, %max3A_168 : vector<16xf32>
            %swap3A_170 = arith.index_cast %scan3A_81 : i32 to index
            %swap3A_171 = arith.constant 112 : index
            %swap3A_172 = tpu.vector_load %arg17[%swap3A_170, %swap3A_171] {strides = array<i32>} : memref<80x128xf32, #tpu.memory_space<vmem>>, vector<1x16xf32>,
            %swap3A_173 = vector.shape_cast %swap3A_172 : vector<1x16xf32> to vector<16xf32>
            %swap3A_174 = vector.shape_cast %max3A_169 : vector<16xf32> to vector<1x16xf32>
            tpu.vector_store %arg17[%swap3A_170, %swap3A_171], %swap3A_174 {strides = array<i32>} : memref<80x128xf32, #tpu.memory_space<vmem>>, vector<1x16xf32>,
          }
          %scan3A_80 = arith.constant 80 : i32
          "tpu.region"() ({
            %run_scoped3A = tpu.sem_alloc : memref<!tpu.dma_semaphore, #tpu.memory_space<semaphore_mem>>
            %dma_start3A = tpu.memref_slice %arg4[%multiple_of3A_59] : memref<10000xi32, #tpu.memory_space<hbm>> -> memref<80xi32, #tpu.memory_space<hbm>>
            %dma_start3A_81 = tpu.memref_slice %arg4[%multiple_of3A_59] : memref<10000xi32, #tpu.memory_space<hbm>> -> memref<80xi32, #tpu.memory_space<hbm>>
            tpu.enqueue_dma source(%dma_start3A_81 : memref<80xi32, #tpu.memory_space<hbm>>) target(%arg16 : memref<80xi32, #tpu.memory_space<vmem>>) target_semaphore(%run_scoped3A : memref<!tpu.dma_semaphore, #tpu.memory_space<semaphore_mem>>)
            %dma_wait3A = tpu.memref_slice %arg4[%multiple_of3A_59] : memref<10000xi32, #tpu.memory_space<hbm>> -> memref<80xi32, #tpu.memory_space<hbm>>
            %dma_wait3A_82 = tpu.memref_slice %arg4[%multiple_of3A_59] : memref<10000xi32, #tpu.memory_space<hbm>> -> memref<80xi32, #tpu.memory_space<hbm>>
            tpu.wait_dma2 semaphore(%run_scoped3A : memref<!tpu.dma_semaphore, #tpu.memory_space<semaphore_mem>>) src(%dma_wait3A_82 : memref<80xi32, #tpu.memory_space<hbm>>) dst(%arg16 : memref<80xi32, #tpu.memory_space<vmem>>)
            tpu.yield
          }) : () -> ()
          "tpu.region"() ({
            %run_scoped3A = tpu.sem_alloc : memref<!tpu.dma_semaphore, #tpu.memory_space<semaphore_mem>>
            %dma_start3A = arith.constant 0 : i32
            %dma_start3A_81 = arith.constant 0 : i32
            %dma_start3A_82 = tpu.memref_slice %arg14[%dma_start3A, %dma_start3A_81] : memref<256x128xf32, #tpu.memory_space<vmem_shared>> -> memref<256x128xf32, #tpu.memory_space<vmem_shared>>
            tpu.enqueue_indirect_dma source(%arg17 : memref<80x128xf32, #tpu.memory_space<vmem>>) target(%dma_start3A_82 : memref<256x128xf32, #tpu.memory_space<vmem_shared>>) offsets(%arg16 : memref<80xi32, #tpu.memory_space<vmem>>) semaphore(%run_scoped3A : memref<!tpu.dma_semaphore, #tpu.memory_space<semaphore_mem>>) {add = true}
            %dma_wait3A = arith.constant 0 : i32
            %dma_wait3A_83 = arith.constant 0 : i32
            %dma_wait3A_84 = tpu.memref_slice %arg14[%dma_wait3A, %dma_wait3A_83] : memref<256x128xf32, #tpu.memory_space<vmem_shared>> -> memref<256x128xf32, #tpu.memory_space<vmem_shared>>
            tpu.wait_indirect_dma semaphore(%run_scoped3A : memref<!tpu.dma_semaphore, #tpu.memory_space<semaphore_mem>>) src(%arg17 : memref<80x128xf32, #tpu.memory_space<vmem>>) dst(%dma_wait3A_84 : memref<256x128xf32, #tpu.memory_space<vmem_shared>>)
            tpu.yield
          }) : () -> ()
        } else {
        }
      } else {
      }
    }
    %scan3A_20 = arith.constant 8 : i32
    %barrier3A_21 = arith.constant 0 : index
    tpu.barrier barrier_id(%barrier3A_21)
    %scan3A_22 = arith.constant 0 : i32
    %scan3A_23 = arith.constant 0 : i32
    %scan3A_24 = arith.constant 4 : i32
    %scan3A_25 = arith.addi %scan3A_23, %scan3A_24 : i32
    %scan3A_26 = arith.constant 1 : i32
    scf.for %scan3A_48 = %scan3A_23 to %scan3A_25 step %scan3A_26  : i32 {
      %mul3A_49 = arith.constant 2 : i32
      %mul3A_50 = arith.muli %arg1, %mul3A_49 : i32
      %add3A_51 = arith.addi %mul3A_50, %arg0 : i32
      %mul3A_52 = arith.constant 32 : i32
      %mul3A_53 = arith.muli %scan3A_48, %mul3A_52 : i32
      %add3A_54 = arith.addi %add3A_51, %mul3A_53 : i32
      %lt3A_55 = arith.constant 100 : i32
      %lt3A_56 = arith.cmpi slt, %add3A_54, %lt3A_55 : i32
      %convert_element_type3A_57 = arith.extui %lt3A_56 : i1 to i32
      %cond3A_58 = arith.constant 0 : i32
      %cond3A_59 = arith.cmpi ne, %convert_element_type3A_57, %cond3A_58 : i32
      scf.if %cond3A_59 {
        %mul3A_60 = arith.constant 40 : i32
        %mul3A_61 = arith.muli %add3A_54, %mul3A_60 : i32
        %multiple_of3A_62 = tpu.assume_multiple %mul3A_61, 8 : i32
        "tpu.region"() ({
          %run_scoped3A = tpu.sem_alloc : memref<!tpu.dma_semaphore, #tpu.memory_space<semaphore_mem>>
          %dma_start3A_67 = tpu.memref_slice %arg5[%multiple_of3A_62] : memref<4000xi32, #tpu.memory_space<hbm>> -> memref<40xi32, #tpu.memory_space<hbm>>
          %dma_start3A_68 = tpu.memref_slice %arg5[%multiple_of3A_62] : memref<4000xi32, #tpu.memory_space<hbm>> -> memref<40xi32, #tpu.memory_space<hbm>>
          tpu.enqueue_dma source(%dma_start3A_68 : memref<40xi32, #tpu.memory_space<hbm>>) target(%arg18 : memref<40xi32, #tpu.memory_space<vmem>>) target_semaphore(%run_scoped3A : memref<!tpu.dma_semaphore, #tpu.memory_space<semaphore_mem>>)
          %dma_wait3A_69 = tpu.memref_slice %arg5[%multiple_of3A_62] : memref<4000xi32, #tpu.memory_space<hbm>> -> memref<40xi32, #tpu.memory_space<hbm>>
          %dma_wait3A_70 = tpu.memref_slice %arg5[%multiple_of3A_62] : memref<4000xi32, #tpu.memory_space<hbm>> -> memref<40xi32, #tpu.memory_space<hbm>>
          tpu.wait_dma2 semaphore(%run_scoped3A : memref<!tpu.dma_semaphore, #tpu.memory_space<semaphore_mem>>) src(%dma_wait3A_70 : memref<40xi32, #tpu.memory_space<hbm>>) dst(%arg18 : memref<40xi32, #tpu.memory_space<vmem>>)
          tpu.yield
        }) : () -> ()
        %dma_start3A = arith.constant 0 : i32
        %dma_start3A_63 = arith.constant 0 : i32
        %dma_start3A_64 = tpu.memref_slice %arg12[%dma_start3A, %dma_start3A_63] : memref<2000x128xf32, #tpu.memory_space<vmem_shared>> -> memref<2000x128xf32, #tpu.memory_space<vmem_shared>>
        tpu.enqueue_indirect_dma source(%dma_start3A_64 : memref<2000x128xf32, #tpu.memory_space<vmem_shared>>) target(%arg20 : memref<40x128xf32, #tpu.memory_space<vmem>>) offsets(%arg18 : memref<40xi32, #tpu.memory_space<vmem>>) semaphore(%arg21 : memref<!tpu.dma_semaphore, #tpu.memory_space<semaphore_mem>>)
        %dma_wait3A = arith.constant 0 : i32
        %dma_wait3A_65 = arith.constant 0 : i32
        %dma_wait3A_66 = tpu.memref_slice %arg12[%dma_wait3A, %dma_wait3A_65] : memref<2000x128xf32, #tpu.memory_space<vmem_shared>> -> memref<2000x128xf32, #tpu.memory_space<vmem_shared>>
        tpu.wait_indirect_dma semaphore(%arg21 : memref<!tpu.dma_semaphore, #tpu.memory_space<semaphore_mem>>) src(%dma_wait3A_66 : memref<2000x128xf32, #tpu.memory_space<vmem_shared>>) dst(%arg20 : memref<40x128xf32, #tpu.memory_space<vmem>>)
        "tpu.region"() ({
          %run_scoped3A = tpu.sem_alloc : memref<!tpu.dma_semaphore, #tpu.memory_space<semaphore_mem>>
          %dma_start3A_67 = tpu.memref_slice %arg6[%multiple_of3A_62] : memref<4000xi32, #tpu.memory_space<hbm>> -> memref<40xi32, #tpu.memory_space<hbm>>
          %dma_start3A_68 = tpu.memref_slice %arg6[%multiple_of3A_62] : memref<4000xi32, #tpu.memory_space<hbm>> -> memref<40xi32, #tpu.memory_space<hbm>>
          tpu.enqueue_dma source(%dma_start3A_68 : memref<40xi32, #tpu.memory_space<hbm>>) target(%arg19 : memref<40xi32, #tpu.memory_space<vmem>>) target_semaphore(%run_scoped3A : memref<!tpu.dma_semaphore, #tpu.memory_space<semaphore_mem>>)
          %dma_wait3A_69 = tpu.memref_slice %arg6[%multiple_of3A_62] : memref<4000xi32, #tpu.memory_space<hbm>> -> memref<40xi32, #tpu.memory_space<hbm>>
          %dma_wait3A_70 = tpu.memref_slice %arg6[%multiple_of3A_62] : memref<4000xi32, #tpu.memory_space<hbm>> -> memref<40xi32, #tpu.memory_space<hbm>>
          tpu.wait_dma2 semaphore(%run_scoped3A : memref<!tpu.dma_semaphore, #tpu.memory_space<semaphore_mem>>) src(%dma_wait3A_70 : memref<40xi32, #tpu.memory_space<hbm>>) dst(%arg19 : memref<40xi32, #tpu.memory_space<vmem>>)
          tpu.yield
        }) : () -> ()
        "tpu.region"() ({
          %run_scoped3A = tpu.sem_alloc : memref<!tpu.dma_semaphore, #tpu.memory_space<semaphore_mem>>
          %dma_start3A_67 = arith.constant 0 : i32
          %dma_start3A_68 = arith.constant 0 : i32
          %dma_start3A_69 = tpu.memref_slice %arg13[%dma_start3A_67, %dma_start3A_68] : memref<2000x128xf32, #tpu.memory_space<vmem_shared>> -> memref<2000x128xf32, #tpu.memory_space<vmem_shared>>
          tpu.enqueue_indirect_dma source(%arg20 : memref<40x128xf32, #tpu.memory_space<vmem>>) target(%dma_start3A_69 : memref<2000x128xf32, #tpu.memory_space<vmem_shared>>) offsets(%arg19 : memref<40xi32, #tpu.memory_space<vmem>>) semaphore(%run_scoped3A : memref<!tpu.dma_semaphore, #tpu.memory_space<semaphore_mem>>) {add = true}
          %dma_wait3A_70 = arith.constant 0 : i32
          %dma_wait3A_71 = arith.constant 0 : i32
          %dma_wait3A_72 = tpu.memref_slice %arg13[%dma_wait3A_70, %dma_wait3A_71] : memref<2000x128xf32, #tpu.memory_space<vmem_shared>> -> memref<2000x128xf32, #tpu.memory_space<vmem_shared>>
          tpu.wait_indirect_dma semaphore(%run_scoped3A : memref<!tpu.dma_semaphore, #tpu.memory_space<semaphore_mem>>) src(%arg20 : memref<40x128xf32, #tpu.memory_space<vmem>>) dst(%dma_wait3A_72 : memref<2000x128xf32, #tpu.memory_space<vmem_shared>>)
          tpu.yield
        }) : () -> ()
      } else {
      }
    }
    %scan3A_27 = arith.constant 4 : i32
    %barrier3A_28 = arith.constant 0 : index
    tpu.barrier barrier_id(%barrier3A_28)
    %eq3A = arith.constant 0 : i32
    %eq3A_29 = arith.cmpi eq, %arg0, %eq3A : i32
    %convert_element_type3A_30 = arith.extui %eq3A_29 : i1 to i32
    %cond3A_31 = arith.constant 0 : i32
    %cond3A_32 = arith.cmpi ne, %convert_element_type3A_30, %cond3A_31 : i32
    scf.if %cond3A_32 {
      %mul3A_48 = arith.constant 120 : i32
      %mul3A_49 = arith.muli %arg1, %mul3A_48 : i32
      %multiple_of3A_50 = tpu.assume_multiple %mul3A_49, 8 : i32
      "tpu.region"() ({
        %run_scoped3A = tpu.sem_alloc : memref<!tpu.dma_semaphore, #tpu.memory_space<semaphore_mem>>
        %dma_start3A = arith.constant 0 : i32
        %dma_start3A_56 = tpu.memref_slice %arg8[%multiple_of3A_50, %dma_start3A] : memref<2000x128xf32, #tpu.memory_space<hbm>> -> memref<120x128xf32, #tpu.memory_space<hbm>>
        %dma_start3A_57 = arith.constant 0 : i32
        %dma_start3A_58 = tpu.memref_slice %arg13[%multiple_of3A_50, %dma_start3A_57] : memref<2000x128xf32, #tpu.memory_space<vmem_shared>> -> memref<120x128xf32, #tpu.memory_space<vmem_shared>>
        tpu.enqueue_dma source(%dma_start3A_58 : memref<120x128xf32, #tpu.memory_space<vmem_shared>>) target(%dma_start3A_56 : memref<120x128xf32, #tpu.memory_space<hbm>>) target_semaphore(%run_scoped3A : memref<!tpu.dma_semaphore, #tpu.memory_space<semaphore_mem>>)
        %dma_wait3A = arith.constant 0 : i32
        %dma_wait3A_59 = tpu.memref_slice %arg8[%multiple_of3A_50, %dma_wait3A] : memref<2000x128xf32, #tpu.memory_space<hbm>> -> memref<120x128xf32, #tpu.memory_space<hbm>>
        %dma_wait3A_60 = arith.constant 0 : i32
        %dma_wait3A_61 = tpu.memref_slice %arg13[%multiple_of3A_50, %dma_wait3A_60] : memref<2000x128xf32, #tpu.memory_space<vmem_shared>> -> memref<120x128xf32, #tpu.memory_space<vmem_shared>>
        tpu.wait_dma2 semaphore(%run_scoped3A : memref<!tpu.dma_semaphore, #tpu.memory_space<semaphore_mem>>) src(%dma_wait3A_61 : memref<120x128xf32, #tpu.memory_space<vmem_shared>>) dst(%dma_wait3A_59 : memref<120x128xf32, #tpu.memory_space<hbm>>)
        tpu.yield
      }) : () -> ()
      %lt3A_51 = arith.constant 10 : i32
      %lt3A_52 = arith.cmpi slt, %arg1, %lt3A_51 : i32
      %convert_element_type3A_53 = arith.extui %lt3A_52 : i1 to i32
      %cond3A_54 = arith.constant 0 : i32
      %cond3A_55 = arith.cmpi ne, %convert_element_type3A_53, %cond3A_54 : i32
      scf.if %cond3A_55 {
        %mul3A_56 = arith.constant 8 : i32
        %mul3A_57 = arith.muli %arg1, %mul3A_56 : i32
        %add3A_58 = arith.constant 1920 : i32
        %add3A_59 = arith.addi %add3A_58, %mul3A_57 : i32
        %multiple_of3A_60 = tpu.assume_multiple %add3A_59, 8 : i32
        "tpu.region"() ({
          %run_scoped3A = tpu.sem_alloc : memref<!tpu.dma_semaphore, #tpu.memory_space<semaphore_mem>>
          %dma_start3A = arith.constant 0 : i32
          %dma_start3A_61 = tpu.memref_slice %arg8[%multiple_of3A_60, %dma_start3A] : memref<2000x128xf32, #tpu.memory_space<hbm>> -> memref<8x128xf32, #tpu.memory_space<hbm>>
          %dma_start3A_62 = arith.constant 0 : i32
          %dma_start3A_63 = tpu.memref_slice %arg13[%multiple_of3A_60, %dma_start3A_62] : memref<2000x128xf32, #tpu.memory_space<vmem_shared>> -> memref<8x128xf32, #tpu.memory_space<vmem_shared>>
          tpu.enqueue_dma source(%dma_start3A_63 : memref<8x128xf32, #tpu.memory_space<vmem_shared>>) target(%dma_start3A_61 : memref<8x128xf32, #tpu.memory_space<hbm>>) target_semaphore(%run_scoped3A : memref<!tpu.dma_semaphore, #tpu.memory_space<semaphore_mem>>)
          %dma_wait3A = arith.constant 0 : i32
          %dma_wait3A_64 = tpu.memref_slice %arg8[%multiple_of3A_60, %dma_wait3A] : memref<2000x128xf32, #tpu.memory_space<hbm>> -> memref<8x128xf32, #tpu.memory_space<hbm>>
          %dma_wait3A_65 = arith.constant 0 : i32
          %dma_wait3A_66 = tpu.memref_slice %arg13[%multiple_of3A_60, %dma_wait3A_65] : memref<2000x128xf32, #tpu.memory_space<vmem_shared>> -> memref<8x128xf32, #tpu.memory_space<vmem_shared>>
          tpu.wait_dma2 semaphore(%run_scoped3A : memref<!tpu.dma_semaphore, #tpu.memory_space<semaphore_mem>>) src(%dma_wait3A_66 : memref<8x128xf32, #tpu.memory_space<vmem_shared>>) dst(%dma_wait3A_64 : memref<8x128xf32, #tpu.memory_space<hbm>>)
          tpu.yield
        }) : () -> ()
      } else {
      }
    } else {
    }
    %eq3A_33 = arith.constant 1 : i32
    %eq3A_34 = arith.cmpi eq, %arg0, %eq3A_33 : i32
    %convert_element_type3A_35 = arith.extui %eq3A_34 : i1 to i32
    %cond3A_36 = arith.constant 0 : i32
    %cond3A_37 = arith.cmpi ne, %convert_element_type3A_35, %cond3A_36 : i32
    scf.if %cond3A_37 {
      %mul3A_48 = arith.constant 120 : i32
      %mul3A_49 = arith.muli %arg1, %mul3A_48 : i32
      %multiple_of3A_50 = tpu.assume_multiple %mul3A_49, 8 : i32
      "tpu.region"() ({
        %run_scoped3A = tpu.sem_alloc : memref<!tpu.dma_semaphore, #tpu.memory_space<semaphore_mem>>
        %dma_start3A = arith.constant 0 : i32
        %dma_start3A_56 = tpu.memref_slice %arg9[%multiple_of3A_50, %dma_start3A] : memref<2000x128xf32, #tpu.memory_space<hbm>> -> memref<120x128xf32, #tpu.memory_space<hbm>>
        %dma_start3A_57 = arith.constant 0 : i32
        %dma_start3A_58 = tpu.memref_slice %arg13[%multiple_of3A_50, %dma_start3A_57] : memref<2000x128xf32, #tpu.memory_space<vmem_shared>> -> memref<120x128xf32, #tpu.memory_space<vmem_shared>>
        tpu.enqueue_dma source(%dma_start3A_58 : memref<120x128xf32, #tpu.memory_space<vmem_shared>>) target(%dma_start3A_56 : memref<120x128xf32, #tpu.memory_space<hbm>>) target_semaphore(%run_scoped3A : memref<!tpu.dma_semaphore, #tpu.memory_space<semaphore_mem>>)
        %dma_wait3A = arith.constant 0 : i32
        %dma_wait3A_59 = tpu.memref_slice %arg9[%multiple_of3A_50, %dma_wait3A] : memref<2000x128xf32, #tpu.memory_space<hbm>> -> memref<120x128xf32, #tpu.memory_space<hbm>>
        %dma_wait3A_60 = arith.constant 0 : i32
        %dma_wait3A_61 = tpu.memref_slice %arg13[%multiple_of3A_50, %dma_wait3A_60] : memref<2000x128xf32, #tpu.memory_space<vmem_shared>> -> memref<120x128xf32, #tpu.memory_space<vmem_shared>>
        tpu.wait_dma2 semaphore(%run_scoped3A : memref<!tpu.dma_semaphore, #tpu.memory_space<semaphore_mem>>) src(%dma_wait3A_61 : memref<120x128xf32, #tpu.memory_space<vmem_shared>>) dst(%dma_wait3A_59 : memref<120x128xf32, #tpu.memory_space<hbm>>)
        tpu.yield
      }) : () -> ()
      %lt3A_51 = arith.constant 10 : i32
      %lt3A_52 = arith.cmpi slt, %arg1, %lt3A_51 : i32
      %convert_element_type3A_53 = arith.extui %lt3A_52 : i1 to i32
      %cond3A_54 = arith.constant 0 : i32
      %cond3A_55 = arith.cmpi ne, %convert_element_type3A_53, %cond3A_54 : i32
      scf.if %cond3A_55 {
        %mul3A_56 = arith.constant 8 : i32
        %mul3A_57 = arith.muli %arg1, %mul3A_56 : i32
        %add3A_58 = arith.constant 1920 : i32
        %add3A_59 = arith.addi %add3A_58, %mul3A_57 : i32
        %multiple_of3A_60 = tpu.assume_multiple %add3A_59, 8 : i32
        "tpu.region"() ({
          %run_scoped3A = tpu.sem_alloc : memref<!tpu.dma_semaphore, #tpu.memory_space<semaphore_mem>>
          %dma_start3A = arith.constant 0 : i32
          %dma_start3A_61 = tpu.memref_slice %arg9[%multiple_of3A_60, %dma_start3A] : memref<2000x128xf32, #tpu.memory_space<hbm>> -> memref<8x128xf32, #tpu.memory_space<hbm>>
          %dma_start3A_62 = arith.constant 0 : i32
          %dma_start3A_63 = tpu.memref_slice %arg13[%multiple_of3A_60, %dma_start3A_62] : memref<2000x128xf32, #tpu.memory_space<vmem_shared>> -> memref<8x128xf32, #tpu.memory_space<vmem_shared>>
          tpu.enqueue_dma source(%dma_start3A_63 : memref<8x128xf32, #tpu.memory_space<vmem_shared>>) target(%dma_start3A_61 : memref<8x128xf32, #tpu.memory_space<hbm>>) target_semaphore(%run_scoped3A : memref<!tpu.dma_semaphore, #tpu.memory_space<semaphore_mem>>)
          %dma_wait3A = arith.constant 0 : i32
          %dma_wait3A_64 = tpu.memref_slice %arg9[%multiple_of3A_60, %dma_wait3A] : memref<2000x128xf32, #tpu.memory_space<hbm>> -> memref<8x128xf32, #tpu.memory_space<hbm>>
          %dma_wait3A_65 = arith.constant 0 : i32
          %dma_wait3A_66 = tpu.memref_slice %arg13[%multiple_of3A_60, %dma_wait3A_65] : memref<2000x128xf32, #tpu.memory_space<vmem_shared>> -> memref<8x128xf32, #tpu.memory_space<vmem_shared>>
          tpu.wait_dma2 semaphore(%run_scoped3A : memref<!tpu.dma_semaphore, #tpu.memory_space<semaphore_mem>>) src(%dma_wait3A_66 : memref<8x128xf32, #tpu.memory_space<vmem_shared>>) dst(%dma_wait3A_64 : memref<8x128xf32, #tpu.memory_space<hbm>>)
          tpu.yield
        }) : () -> ()
      } else {
      }
    } else {
    }
    %eq3A_38 = arith.constant 0 : i32
    %eq3A_39 = arith.cmpi eq, %arg0, %eq3A_38 : i32
    %convert_element_type3A_40 = arith.extui %eq3A_39 : i1 to i32
    %cond3A_41 = arith.constant 0 : i32
    %cond3A_42 = arith.cmpi ne, %convert_element_type3A_40, %cond3A_41 : i32
    scf.if %cond3A_42 {
      %mul3A_48 = arith.constant 16 : i32
      %mul3A_49 = arith.muli %arg1, %mul3A_48 : i32
      %multiple_of3A_50 = tpu.assume_multiple %mul3A_49, 8 : i32
      "tpu.region"() ({
        %run_scoped3A = tpu.sem_alloc : memref<!tpu.dma_semaphore, #tpu.memory_space<semaphore_mem>>
        %dma_start3A = arith.constant 0 : i32
        %dma_start3A_51 = tpu.memref_slice %arg10[%multiple_of3A_50, %dma_start3A] : memref<256x128xf32, #tpu.memory_space<hbm>> -> memref<16x128xf32, #tpu.memory_space<hbm>>
        %dma_start3A_52 = arith.constant 0 : i32
        %dma_start3A_53 = tpu.memref_slice %arg14[%multiple_of3A_50, %dma_start3A_52] : memref<256x128xf32, #tpu.memory_space<vmem_shared>> -> memref<16x128xf32, #tpu.memory_space<vmem_shared>>
        tpu.enqueue_dma source(%dma_start3A_53 : memref<16x128xf32, #tpu.memory_space<vmem_shared>>) target(%dma_start3A_51 : memref<16x128xf32, #tpu.memory_space<hbm>>) target_semaphore(%run_scoped3A : memref<!tpu.dma_semaphore, #tpu.memory_space<semaphore_mem>>)
        %dma_wait3A = arith.constant 0 : i32
        %dma_wait3A_54 = tpu.memref_slice %arg10[%multiple_of3A_50, %dma_wait3A] : memref<256x128xf32, #tpu.memory_space<hbm>> -> memref<16x128xf32, #tpu.memory_space<hbm>>
        %dma_wait3A_55 = arith.constant 0 : i32
        %dma_wait3A_56 = tpu.memref_slice %arg14[%multiple_of3A_50, %dma_wait3A_55] : memref<256x128xf32, #tpu.memory_space<vmem_shared>> -> memref<16x128xf32, #tpu.memory_space<vmem_shared>>
        tpu.wait_dma2 semaphore(%run_scoped3A : memref<!tpu.dma_semaphore, #tpu.memory_space<semaphore_mem>>) src(%dma_wait3A_56 : memref<16x128xf32, #tpu.memory_space<vmem_shared>>) dst(%dma_wait3A_54 : memref<16x128xf32, #tpu.memory_space<hbm>>)
        tpu.yield
      }) : () -> ()
    } else {
    }
    %eq3A_43 = arith.constant 1 : i32
    %eq3A_44 = arith.cmpi eq, %arg0, %eq3A_43 : i32
    %convert_element_type3A_45 = arith.extui %eq3A_44 : i1 to i32
    %cond3A_46 = arith.constant 0 : i32
    %cond3A_47 = arith.cmpi ne, %convert_element_type3A_45, %cond3A_46 : i32
    scf.if %cond3A_47 {
      %mul3A_48 = arith.constant 16 : i32
      %mul3A_49 = arith.muli %arg1, %mul3A_48 : i32
      %multiple_of3A_50 = tpu.assume_multiple %mul3A_49, 8 : i32
      "tpu.region"() ({
        %run_scoped3A = tpu.sem_alloc : memref<!tpu.dma_semaphore, #tpu.memory_space<semaphore_mem>>
        %dma_start3A = arith.constant 0 : i32
        %dma_start3A_51 = tpu.memref_slice %arg11[%multiple_of3A_50, %dma_start3A] : memref<256x128xf32, #tpu.memory_space<hbm>> -> memref<16x128xf32, #tpu.memory_space<hbm>>
        %dma_start3A_52 = arith.constant 0 : i32
        %dma_start3A_53 = tpu.memref_slice %arg14[%multiple_of3A_50, %dma_start3A_52] : memref<256x128xf32, #tpu.memory_space<vmem_shared>> -> memref<16x128xf32, #tpu.memory_space<vmem_shared>>
        tpu.enqueue_dma source(%dma_start3A_53 : memref<16x128xf32, #tpu.memory_space<vmem_shared>>) target(%dma_start3A_51 : memref<16x128xf32, #tpu.memory_space<hbm>>) target_semaphore(%run_scoped3A : memref<!tpu.dma_semaphore, #tpu.memory_space<semaphore_mem>>)
        %dma_wait3A = arith.constant 0 : i32
        %dma_wait3A_54 = tpu.memref_slice %arg11[%multiple_of3A_50, %dma_wait3A] : memref<256x128xf32, #tpu.memory_space<hbm>> -> memref<16x128xf32, #tpu.memory_space<hbm>>
        %dma_wait3A_55 = arith.constant 0 : i32
        %dma_wait3A_56 = tpu.memref_slice %arg14[%multiple_of3A_50, %dma_wait3A_55] : memref<256x128xf32, #tpu.memory_space<vmem_shared>> -> memref<16x128xf32, #tpu.memory_space<vmem_shared>>
        tpu.wait_dma2 semaphore(%run_scoped3A : memref<!tpu.dma_semaphore, #tpu.memory_space<semaphore_mem>>) src(%dma_wait3A_56 : memref<16x128xf32, #tpu.memory_space<vmem_shared>>) dst(%dma_wait3A_54 : memref<16x128xf32, #tpu.memory_space<hbm>>)
        tpu.yield
      }) : () -> ()
    } else {
    }
    return
  }
}

module attributes {stable_mosaic.version = 14 : i64} {
  func.func @body(%arg0: i32, %arg1: memref<2000x128xf32, #tpu.memory_space<vmem>>, %arg2: memref<2000x128xf32, #tpu.memory_space<vmem>>, %arg3: memref<2000x128xf32, #tpu.memory_space<vmem>>, %arg4: memref<2000x16xf32, #tpu.memory_space<vmem>>, %arg5: memref<2000x16xf32, #tpu.memory_space<vmem>>, %arg6: memref<2000x3xf32, #tpu.memory_space<vmem>>, %arg7: memref<2000x3xf32, #tpu.memory_space<vmem>>, %arg8: memref<128x128xf32, #tpu.memory_space<vmem>>, %arg9: memref<16x128xf32, #tpu.memory_space<vmem>>, %arg10: memref<3x128xf32, #tpu.memory_space<vmem>>, %arg11: memref<8x128xf32, #tpu.memory_space<vmem>>, %arg12: memref<2000x128xf32, #tpu.memory_space<vmem>>) attributes {dimension_semantics = [#tpu.dimension_semantics<arbitrary>], iteration_bounds = array<i64: 5>, scalar_prefetch = 0 : i64, scratch_operands = 0 : i64, tpu.core_type = #tpu.core_type<tc>, window_params = [{transform_indices = @transform_0, window_bounds = array<i64: 2000, 128>}, {transform_indices = @transform_1, window_bounds = array<i64: 2000, 128>}, {transform_indices = @transform_2, window_bounds = array<i64: 2000, 128>}, {transform_indices = @transform_3, window_bounds = array<i64: 2000, 16>}, {transform_indices = @transform_4, window_bounds = array<i64: 2000, 16>}, {transform_indices = @transform_5, window_bounds = array<i64: 2000, 3>}, {transform_indices = @transform_6, window_bounds = array<i64: 2000, 3>}, {pipeline_mode = #tpu.pipeline_mode<synchronous>, transform_indices = @transform_7, window_bounds = array<i64: 128, 128>}, {pipeline_mode = #tpu.pipeline_mode<synchronous>, transform_indices = @transform_8, window_bounds = array<i64: 16, 128>}, {pipeline_mode = #tpu.pipeline_mode<synchronous>, transform_indices = @transform_9, window_bounds = array<i64: 3, 128>}, {pipeline_mode = #tpu.pipeline_mode<synchronous>, transform_indices = @transform_10, window_bounds = array<i64: 8, 128>}, {transform_indices = @transform_11, window_bounds = array<i64: 2000, 128>}]} {
    %get3A = arith.constant 0 : index
    %get3A_0 = arith.constant 0 : index
    %get3A_1 = vector.load %arg1[%get3A, %get3A_0] : memref<2000x128xf32, #tpu.memory_space<vmem>>, vector<2000x128xf32>
    %get3A_2 = arith.constant 0 : index
    %get3A_3 = arith.constant 0 : index
    %get3A_4 = vector.load %arg2[%get3A_2, %get3A_3] : memref<2000x128xf32, #tpu.memory_space<vmem>>, vector<2000x128xf32>
    %add3A = arith.addf %get3A_1, %get3A_4 : vector<2000x128xf32>
    %get3A_5 = arith.constant 0 : index
    %get3A_6 = arith.constant 0 : index
    %get3A_7 = vector.load %arg3[%get3A_5, %get3A_6] : memref<2000x128xf32, #tpu.memory_space<vmem>>, vector<2000x128xf32>
    %add3A_8 = arith.addf %add3A, %get3A_7 : vector<2000x128xf32>
    %get3A_9 = arith.constant 0 : index
    %get3A_10 = arith.constant 0 : index
    %get3A_11 = vector.load %arg8[%get3A_9, %get3A_10] : memref<128x128xf32, #tpu.memory_space<vmem>>, vector<128x128xf32>
    %dot_general3A = arith.constant dense<0.000000e+00> : vector<2000x128xf32>
    %dot_general3A_12 = tpu.matmul %add3A_8, %get3A_11, %dot_general3A {dimension_numbers = #tpu.dot_dimension_numbers<[1], [0], [0], [1], [0, 0, 1, 1], [], []>, precision = #tpu.contract_precision<fp32>, transpose_lhs_hint = false} : vector<2000x128xf32>, vector<128x128xf32>, vector<2000x128xf32> -> vector<2000x128xf32>
    %get3A_13 = arith.constant 0 : index
    %get3A_14 = arith.constant 0 : index
    %get3A_15 = vector.load %arg4[%get3A_13, %get3A_14] : memref<2000x16xf32, #tpu.memory_space<vmem>>, vector<2000x16xf32>
    %get3A_16 = arith.constant 0 : index
    %get3A_17 = arith.constant 0 : index
    %get3A_18 = vector.load %arg5[%get3A_16, %get3A_17] : memref<2000x16xf32, #tpu.memory_space<vmem>>, vector<2000x16xf32>
    %add3A_19 = arith.addf %get3A_15, %get3A_18 : vector<2000x16xf32>
    %get3A_20 = arith.constant 0 : index
    %get3A_21 = arith.constant 0 : index
    %get3A_22 = vector.load %arg9[%get3A_20, %get3A_21] : memref<16x128xf32, #tpu.memory_space<vmem>>, vector<16x128xf32>
    %dot_general3A_23 = arith.constant dense<0.000000e+00> : vector<2000x128xf32>
    %dot_general3A_24 = tpu.matmul %add3A_19, %get3A_22, %dot_general3A_23 {dimension_numbers = #tpu.dot_dimension_numbers<[1], [0], [0], [1], [0, 0, 1, 1], [], []>, precision = #tpu.contract_precision<fp32>, transpose_lhs_hint = false} : vector<2000x16xf32>, vector<16x128xf32>, vector<2000x128xf32> -> vector<2000x128xf32>
    %add3A_25 = arith.addf %dot_general3A_12, %dot_general3A_24 : vector<2000x128xf32>
    %get3A_26 = arith.constant 0 : index
    %get3A_27 = arith.constant 0 : index
    %get3A_28 = vector.load %arg6[%get3A_26, %get3A_27] : memref<2000x3xf32, #tpu.memory_space<vmem>>, vector<2000x3xf32>
    %get3A_29 = arith.constant 0 : index
    %get3A_30 = arith.constant 0 : index
    %get3A_31 = vector.load %arg7[%get3A_29, %get3A_30] : memref<2000x3xf32, #tpu.memory_space<vmem>>, vector<2000x3xf32>
    %add3A_32 = arith.addf %get3A_28, %get3A_31 : vector<2000x3xf32>
    %get3A_33 = arith.constant 0 : index
    %get3A_34 = arith.constant 0 : index
    %get3A_35 = vector.load %arg10[%get3A_33, %get3A_34] : memref<3x128xf32, #tpu.memory_space<vmem>>, vector<3x128xf32>
    %dot_general3A_36 = arith.constant dense<0.000000e+00> : vector<2000x128xf32>
    %dot_general3A_37 = tpu.matmul %add3A_32, %get3A_35, %dot_general3A_36 {dimension_numbers = #tpu.dot_dimension_numbers<[1], [0], [0], [1], [0, 0, 1, 1], [], []>, precision = #tpu.contract_precision<fp32>, transpose_lhs_hint = false} : vector<2000x3xf32>, vector<3x128xf32>, vector<2000x128xf32> -> vector<2000x128xf32>
    %add3A_38 = arith.addf %add3A_25, %dot_general3A_37 : vector<2000x128xf32>
    %get3A_39 = arith.constant 0 : index
    %get3A_40 = arith.constant 0 : index
    %get3A_41 = vector.load %arg11[%get3A_39, %get3A_40] : memref<8x128xf32, #tpu.memory_space<vmem>>, vector<1x128xf32>
    %add3A_42 = vector.broadcast %get3A_41 : vector<1x128xf32> to vector<2000x128xf32>
    %add3A_43 = arith.addf %add3A_38, %add3A_42 : vector<2000x128xf32>
    %max3A = arith.constant 0.000000e+00 : f32
    %max3A_44 = vector.broadcast %max3A : f32 to vector<2000x128xf32>
    %max3A_45 = arith.maximumf %add3A_43, %max3A_44 : vector<2000x128xf32>
    %swap3A = arith.constant 0 : index
    %swap3A_46 = arith.constant 0 : index
    %swap3A_47 = vector.load %arg12[%swap3A, %swap3A_46] : memref<2000x128xf32, #tpu.memory_space<vmem>>, vector<2000x128xf32>
    tpu.vector_store %arg12[%swap3A, %swap3A_46], %max3A_45 {strides = array<i32>} : memref<2000x128xf32, #tpu.memory_space<vmem>>, vector<2000x128xf32>,
    return
  }
  func.func @transform_0(%arg0: i32) -> (i32, i32) {
    %c0_i32 = arith.constant 0 : i32
    %c0_i32_0 = arith.constant 0 : i32
    return %arg0, %c0_i32 : i32, i32
  }
  func.func @transform_1(%arg0: i32) -> (i32, i32) {
    %c0_i32 = arith.constant 0 : i32
    %c0_i32_0 = arith.constant 0 : i32
    return %arg0, %c0_i32 : i32, i32
  }
  func.func @transform_2(%arg0: i32) -> (i32, i32) {
    %c0_i32 = arith.constant 0 : i32
    %c0_i32_0 = arith.constant 0 : i32
    return %arg0, %c0_i32 : i32, i32
  }
  func.func @transform_3(%arg0: i32) -> (i32, i32) {
    %c0_i32 = arith.constant 0 : i32
    %c0_i32_0 = arith.constant 0 : i32
    return %arg0, %c0_i32 : i32, i32
  }
  func.func @transform_4(%arg0: i32) -> (i32, i32) {
    %c0_i32 = arith.constant 0 : i32
    %c0_i32_0 = arith.constant 0 : i32
    return %arg0, %c0_i32 : i32, i32
  }
  func.func @transform_5(%arg0: i32) -> (i32, i32) {
    %c0_i32 = arith.constant 0 : i32
    %c0_i32_0 = arith.constant 0 : i32
    return %arg0, %c0_i32 : i32, i32
  }
  func.func @transform_6(%arg0: i32) -> (i32, i32) {
    %c0_i32 = arith.constant 0 : i32
    %c0_i32_0 = arith.constant 0 : i32
    return %arg0, %c0_i32 : i32, i32
  }
  func.func @transform_7(%arg0: i32) -> (i32, i32) {
    %c0_i32 = arith.constant 0 : i32
    %c0_i32_0 = arith.constant 0 : i32
    %c0_i32_1 = arith.constant 0 : i32
    return %c0_i32, %c0_i32_0 : i32, i32
  }
  func.func @transform_8(%arg0: i32) -> (i32, i32) {
    %c0_i32 = arith.constant 0 : i32
    %c0_i32_0 = arith.constant 0 : i32
    %c0_i32_1 = arith.constant 0 : i32
    return %c0_i32, %c0_i32_0 : i32, i32
  }
  func.func @transform_9(%arg0: i32) -> (i32, i32) {
    %c0_i32 = arith.constant 0 : i32
    %c0_i32_0 = arith.constant 0 : i32
    %c0_i32_1 = arith.constant 0 : i32
    return %c0_i32, %c0_i32_0 : i32, i32
  }
  func.func @transform_10(%arg0: i32) -> (i32, i32) {
    %c0_i32 = arith.constant 0 : i32
    %c0_i32_0 = arith.constant 0 : i32
    %c0_i32_1 = arith.constant 0 : i32
    return %c0_i32, %c0_i32_0 : i32, i32
  }
  func.func @transform_11(%arg0: i32) -> (i32, i32) {
    %c0_i32 = arith.constant 0 : i32
    %c0_i32_0 = arith.constant 0 : i32
    return %arg0, %c0_i32 : i32, i32
  }
}

module attributes {stable_mosaic.version = 14 : i64} {
  func.func @body(%arg0: i32, %arg1: memref<2000x128xf32, #tpu.memory_space<vmem>>, %arg2: memref<2000x128xf32, #tpu.memory_space<vmem>>, %arg3: memref<2000x128xf32, #tpu.memory_space<vmem>>, %arg4: memref<2000x16xf32, #tpu.memory_space<vmem>>, %arg5: memref<2000x16xf32, #tpu.memory_space<vmem>>, %arg6: memref<2000x3xf32, #tpu.memory_space<vmem>>, %arg7: memref<2000x3xf32, #tpu.memory_space<vmem>>, %arg8: memref<128x128xf32, #tpu.memory_space<vmem>>, %arg9: memref<16x128xf32, #tpu.memory_space<vmem>>, %arg10: memref<3x128xf32, #tpu.memory_space<vmem>>, %arg11: memref<8x128xf32, #tpu.memory_space<vmem>>, %arg12: memref<2000x128xf32, #tpu.memory_space<vmem>>) attributes {dimension_semantics = [#tpu.dimension_semantics<arbitrary>], iteration_bounds = array<i64: 5>, scalar_prefetch = 0 : i64, scratch_operands = 0 : i64, tpu.core_type = #tpu.core_type<tc>, window_params = [{transform_indices = @transform_0, window_bounds = array<i64: 2000, 128>}, {transform_indices = @transform_1, window_bounds = array<i64: 2000, 128>}, {transform_indices = @transform_2, window_bounds = array<i64: 2000, 128>}, {transform_indices = @transform_3, window_bounds = array<i64: 2000, 16>}, {transform_indices = @transform_4, window_bounds = array<i64: 2000, 16>}, {transform_indices = @transform_5, window_bounds = array<i64: 2000, 3>}, {transform_indices = @transform_6, window_bounds = array<i64: 2000, 3>}, {pipeline_mode = #tpu.pipeline_mode<synchronous>, transform_indices = @transform_7, window_bounds = array<i64: 128, 128>}, {pipeline_mode = #tpu.pipeline_mode<synchronous>, transform_indices = @transform_8, window_bounds = array<i64: 16, 128>}, {pipeline_mode = #tpu.pipeline_mode<synchronous>, transform_indices = @transform_9, window_bounds = array<i64: 3, 128>}, {pipeline_mode = #tpu.pipeline_mode<synchronous>, transform_indices = @transform_10, window_bounds = array<i64: 8, 128>}, {transform_indices = @transform_11, window_bounds = array<i64: 2000, 128>}]} {
    %get3A = arith.constant 0 : index
    %get3A_0 = arith.constant 0 : index
    %get3A_1 = vector.load %arg1[%get3A, %get3A_0] : memref<2000x128xf32, #tpu.memory_space<vmem>>, vector<2000x128xf32>
    %get3A_2 = arith.constant 0 : index
    %get3A_3 = arith.constant 0 : index
    %get3A_4 = vector.load %arg2[%get3A_2, %get3A_3] : memref<2000x128xf32, #tpu.memory_space<vmem>>, vector<2000x128xf32>
    %add3A = arith.addf %get3A_1, %get3A_4 : vector<2000x128xf32>
    %get3A_5 = arith.constant 0 : index
    %get3A_6 = arith.constant 0 : index
    %get3A_7 = vector.load %arg3[%get3A_5, %get3A_6] : memref<2000x128xf32, #tpu.memory_space<vmem>>, vector<2000x128xf32>
    %add3A_8 = arith.addf %add3A, %get3A_7 : vector<2000x128xf32>
    %get3A_9 = arith.constant 0 : index
    %get3A_10 = arith.constant 0 : index
    %get3A_11 = vector.load %arg8[%get3A_9, %get3A_10] : memref<128x128xf32, #tpu.memory_space<vmem>>, vector<128x128xf32>
    %dot_general3A = arith.constant dense<0.000000e+00> : vector<2000x128xf32>
    %dot_general3A_12 = tpu.matmul %add3A_8, %get3A_11, %dot_general3A {dimension_numbers = #tpu.dot_dimension_numbers<[1], [0], [0], [1], [0, 0, 1, 1], [], []>, precision = #tpu.contract_precision<fp32>, transpose_lhs_hint = false} : vector<2000x128xf32>, vector<128x128xf32>, vector<2000x128xf32> -> vector<2000x128xf32>
    %get3A_13 = arith.constant 0 : index
    %get3A_14 = arith.constant 0 : index
    %get3A_15 = vector.load %arg4[%get3A_13, %get3A_14] : memref<2000x16xf32, #tpu.memory_space<vmem>>, vector<2000x16xf32>
    %get3A_16 = arith.constant 0 : index
    %get3A_17 = arith.constant 0 : index
    %get3A_18 = vector.load %arg5[%get3A_16, %get3A_17] : memref<2000x16xf32, #tpu.memory_space<vmem>>, vector<2000x16xf32>
    %add3A_19 = arith.addf %get3A_15, %get3A_18 : vector<2000x16xf32>
    %get3A_20 = arith.constant 0 : index
    %get3A_21 = arith.constant 0 : index
    %get3A_22 = vector.load %arg9[%get3A_20, %get3A_21] : memref<16x128xf32, #tpu.memory_space<vmem>>, vector<16x128xf32>
    %dot_general3A_23 = arith.constant dense<0.000000e+00> : vector<2000x128xf32>
    %dot_general3A_24 = tpu.matmul %add3A_19, %get3A_22, %dot_general3A_23 {dimension_numbers = #tpu.dot_dimension_numbers<[1], [0], [0], [1], [0, 0, 1, 1], [], []>, precision = #tpu.contract_precision<fp32>, transpose_lhs_hint = false} : vector<2000x16xf32>, vector<16x128xf32>, vector<2000x128xf32> -> vector<2000x128xf32>
    %add3A_25 = arith.addf %dot_general3A_12, %dot_general3A_24 : vector<2000x128xf32>
    %get3A_26 = arith.constant 0 : index
    %get3A_27 = arith.constant 0 : index
    %get3A_28 = vector.load %arg6[%get3A_26, %get3A_27] : memref<2000x3xf32, #tpu.memory_space<vmem>>, vector<2000x3xf32>
    %get3A_29 = arith.constant 0 : index
    %get3A_30 = arith.constant 0 : index
    %get3A_31 = vector.load %arg7[%get3A_29, %get3A_30] : memref<2000x3xf32, #tpu.memory_space<vmem>>, vector<2000x3xf32>
    %add3A_32 = arith.addf %get3A_28, %get3A_31 : vector<2000x3xf32>
    %get3A_33 = arith.constant 0 : index
    %get3A_34 = arith.constant 0 : index
    %get3A_35 = vector.load %arg10[%get3A_33, %get3A_34] : memref<3x128xf32, #tpu.memory_space<vmem>>, vector<3x128xf32>
    %dot_general3A_36 = arith.constant dense<0.000000e+00> : vector<2000x128xf32>
    %dot_general3A_37 = tpu.matmul %add3A_32, %get3A_35, %dot_general3A_36 {dimension_numbers = #tpu.dot_dimension_numbers<[1], [0], [0], [1], [0, 0, 1, 1], [], []>, precision = #tpu.contract_precision<fp32>, transpose_lhs_hint = false} : vector<2000x3xf32>, vector<3x128xf32>, vector<2000x128xf32> -> vector<2000x128xf32>
    %add3A_38 = arith.addf %add3A_25, %dot_general3A_37 : vector<2000x128xf32>
    %get3A_39 = arith.constant 0 : index
    %get3A_40 = arith.constant 0 : index
    %get3A_41 = vector.load %arg11[%get3A_39, %get3A_40] : memref<8x128xf32, #tpu.memory_space<vmem>>, vector<1x128xf32>
    %add3A_42 = vector.broadcast %get3A_41 : vector<1x128xf32> to vector<2000x128xf32>
    %add3A_43 = arith.addf %add3A_38, %add3A_42 : vector<2000x128xf32>
    %swap3A = arith.constant 0 : index
    %swap3A_44 = arith.constant 0 : index
    %swap3A_45 = vector.load %arg12[%swap3A, %swap3A_44] : memref<2000x128xf32, #tpu.memory_space<vmem>>, vector<2000x128xf32>
    tpu.vector_store %arg12[%swap3A, %swap3A_44], %add3A_43 {strides = array<i32>} : memref<2000x128xf32, #tpu.memory_space<vmem>>, vector<2000x128xf32>,
    return
  }
  func.func @transform_0(%arg0: i32) -> (i32, i32) {
    %c0_i32 = arith.constant 0 : i32
    %c0_i32_0 = arith.constant 0 : i32
    return %arg0, %c0_i32 : i32, i32
  }
  func.func @transform_1(%arg0: i32) -> (i32, i32) {
    %c0_i32 = arith.constant 0 : i32
    %c0_i32_0 = arith.constant 0 : i32
    return %arg0, %c0_i32 : i32, i32
  }
  func.func @transform_2(%arg0: i32) -> (i32, i32) {
    %c0_i32 = arith.constant 0 : i32
    %c0_i32_0 = arith.constant 0 : i32
    return %arg0, %c0_i32 : i32, i32
  }
  func.func @transform_3(%arg0: i32) -> (i32, i32) {
    %c0_i32 = arith.constant 0 : i32
    %c0_i32_0 = arith.constant 0 : i32
    return %arg0, %c0_i32 : i32, i32
  }
  func.func @transform_4(%arg0: i32) -> (i32, i32) {
    %c0_i32 = arith.constant 0 : i32
    %c0_i32_0 = arith.constant 0 : i32
    return %arg0, %c0_i32 : i32, i32
  }
  func.func @transform_5(%arg0: i32) -> (i32, i32) {
    %c0_i32 = arith.constant 0 : i32
    %c0_i32_0 = arith.constant 0 : i32
    return %arg0, %c0_i32 : i32, i32
  }
  func.func @transform_6(%arg0: i32) -> (i32, i32) {
    %c0_i32 = arith.constant 0 : i32
    %c0_i32_0 = arith.constant 0 : i32
    return %arg0, %c0_i32 : i32, i32
  }
  func.func @transform_7(%arg0: i32) -> (i32, i32) {
    %c0_i32 = arith.constant 0 : i32
    %c0_i32_0 = arith.constant 0 : i32
    %c0_i32_1 = arith.constant 0 : i32
    return %c0_i32, %c0_i32_0 : i32, i32
  }
  func.func @transform_8(%arg0: i32) -> (i32, i32) {
    %c0_i32 = arith.constant 0 : i32
    %c0_i32_0 = arith.constant 0 : i32
    %c0_i32_1 = arith.constant 0 : i32
    return %c0_i32, %c0_i32_0 : i32, i32
  }
  func.func @transform_9(%arg0: i32) -> (i32, i32) {
    %c0_i32 = arith.constant 0 : i32
    %c0_i32_0 = arith.constant 0 : i32
    %c0_i32_1 = arith.constant 0 : i32
    return %c0_i32, %c0_i32_0 : i32, i32
  }
  func.func @transform_10(%arg0: i32) -> (i32, i32) {
    %c0_i32 = arith.constant 0 : i32
    %c0_i32_0 = arith.constant 0 : i32
    %c0_i32_1 = arith.constant 0 : i32
    return %c0_i32, %c0_i32_0 : i32, i32
  }
  func.func @transform_11(%arg0: i32) -> (i32, i32) {
    %c0_i32 = arith.constant 0 : i32
    %c0_i32_0 = arith.constant 0 : i32
    return %arg0, %c0_i32 : i32, i32
  }
}

module attributes {stable_mosaic.version = 14 : i64} {
  func.func @body(%arg0: memref<256x128xf32, #tpu.memory_space<vmem>>, %arg1: memref<256x128xf32, #tpu.memory_space<vmem>>, %arg2: memref<2000x128xf32, #tpu.memory_space<vmem>>, %arg3: memref<2000x128xf32, #tpu.memory_space<vmem>>, %arg4: memref<128x256xf32, #tpu.memory_space<vmem>>, %arg5: memref<8x256xf32, #tpu.memory_space<vmem>>, %arg6: memref<256x128xf32, #tpu.memory_space<vmem>>, %arg7: memref<8x128xf32, #tpu.memory_space<vmem>>, %arg8: memref<128x256xf32, #tpu.memory_space<vmem>>, %arg9: memref<128x256xf32, #tpu.memory_space<vmem>>, %arg10: memref<8x256xf32, #tpu.memory_space<vmem>>, %arg11: memref<256x128xf32, #tpu.memory_space<vmem>>, %arg12: memref<8x128xf32, #tpu.memory_space<vmem>>, %arg13: memref<2000x256xf32, #tpu.memory_space<vmem>>, %arg14: memref<256x128xf32, #tpu.memory_space<vmem>>) attributes {dimension_semantics = [], scalar_prefetch = 0 : i64, scratch_operands = 0 : i64, tpu.core_type = #tpu.core_type<tc>} {
    %get3A = arith.constant 0 : index
    %get3A_0 = arith.constant 0 : index
    %get3A_1 = vector.load %arg2[%get3A, %get3A_0] : memref<2000x128xf32, #tpu.memory_space<vmem>>, vector<2000x128xf32>
    %get3A_2 = arith.constant 0 : index
    %get3A_3 = arith.constant 0 : index
    %get3A_4 = vector.load %arg3[%get3A_2, %get3A_3] : memref<2000x128xf32, #tpu.memory_space<vmem>>, vector<2000x128xf32>
    %add3A = arith.addf %get3A_1, %get3A_4 : vector<2000x128xf32>
    %convert_element_type3A = arith.truncf %add3A : vector<2000x128xf32> to vector<2000x128xbf16>
    %convert_element_type3A_5 = arith.extf %convert_element_type3A : vector<2000x128xbf16> to vector<2000x128xf32>
    %get3A_6 = arith.constant 0 : index
    %get3A_7 = arith.constant 0 : index
    %get3A_8 = vector.load %arg4[%get3A_6, %get3A_7] : memref<128x256xf32, #tpu.memory_space<vmem>>, vector<128x256xf32>
    %dot_general3A = arith.constant dense<0.000000e+00> : vector<2000x256xf32>
    %dot_general3A_9 = tpu.matmul %convert_element_type3A_5, %get3A_8, %dot_general3A {dimension_numbers = #tpu.dot_dimension_numbers<[1], [0], [0], [1], [0, 0, 1, 1], [], []>, precision = #tpu.contract_precision<fp32>, transpose_lhs_hint = false} : vector<2000x128xf32>, vector<128x256xf32>, vector<2000x256xf32> -> vector<2000x256xf32>
    %get3A_10 = arith.constant 0 : index
    %get3A_11 = arith.constant 0 : index
    %get3A_12 = vector.load %arg5[%get3A_10, %get3A_11] : memref<8x256xf32, #tpu.memory_space<vmem>>, vector<1x256xf32>
    %add3A_13 = vector.broadcast %get3A_12 : vector<1x256xf32> to vector<2000x256xf32>
    %add3A_14 = arith.addf %dot_general3A_9, %add3A_13 : vector<2000x256xf32>
    %max3A = arith.constant 0.000000e+00 : f32
    %max3A_15 = vector.broadcast %max3A : f32 to vector<2000x256xf32>
    %max3A_16 = arith.maximumf %add3A_14, %max3A_15 : vector<2000x256xf32>
    %convert_element_type3A_17 = arith.truncf %max3A_16 : vector<2000x256xf32> to vector<2000x256xbf16>
    %convert_element_type3A_18 = arith.extf %convert_element_type3A_17 : vector<2000x256xbf16> to vector<2000x256xf32>
    %get3A_19 = arith.constant 0 : index
    %get3A_20 = arith.constant 0 : index
    %get3A_21 = vector.load %arg6[%get3A_19, %get3A_20] : memref<256x128xf32, #tpu.memory_space<vmem>>, vector<256x128xf32>
    %dot_general3A_22 = arith.constant dense<0.000000e+00> : vector<2000x128xf32>
    %dot_general3A_23 = tpu.matmul %convert_element_type3A_18, %get3A_21, %dot_general3A_22 {dimension_numbers = #tpu.dot_dimension_numbers<[1], [0], [0], [1], [0, 0, 1, 1], [], []>, precision = #tpu.contract_precision<fp32>, transpose_lhs_hint = false} : vector<2000x256xf32>, vector<256x128xf32>, vector<2000x128xf32> -> vector<2000x128xf32>
    %get3A_24 = arith.constant 0 : index
    %get3A_25 = arith.constant 0 : index
    %get3A_26 = vector.load %arg7[%get3A_24, %get3A_25] : memref<8x128xf32, #tpu.memory_space<vmem>>, vector<1x128xf32>
    %add3A_27 = vector.broadcast %get3A_26 : vector<1x128xf32> to vector<2000x128xf32>
    %add3A_28 = arith.addf %dot_general3A_23, %add3A_27 : vector<2000x128xf32>
    %max3A_29 = arith.constant 0.000000e+00 : f32
    %max3A_30 = vector.broadcast %max3A_29 : f32 to vector<2000x128xf32>
    %max3A_31 = arith.maximumf %add3A_28, %max3A_30 : vector<2000x128xf32>
    %get3A_32 = arith.constant 0 : index
    %get3A_33 = arith.constant 0 : index
    %get3A_34 = vector.load %arg13[%get3A_32, %get3A_33] : memref<2000x256xf32, #tpu.memory_space<vmem>>, vector<2000x256xf32>
    %dot_general3A_35 = arith.constant dense<0.000000e+00> : vector<256x128xf32>
    %dot_general3A_36 = tpu.matmul %get3A_34, %max3A_31, %dot_general3A_35 {dimension_numbers = #tpu.dot_dimension_numbers<[0], [0], [1], [1], [0, 1, 1, 1], [], []>, precision = #tpu.contract_precision<fp32>, transpose_lhs_hint = false} : vector<2000x256xf32>, vector<2000x128xf32>, vector<256x128xf32> -> vector<256x128xf32>
    %get3A_37 = arith.constant 0 : index
    %get3A_38 = arith.constant 0 : index
    %get3A_39 = vector.load %arg0[%get3A_37, %get3A_38] : memref<256x128xf32, #tpu.memory_space<vmem>>, vector<256x128xf32>
    %get3A_40 = arith.constant 0 : index
    %get3A_41 = arith.constant 0 : index
    %get3A_42 = vector.load %arg1[%get3A_40, %get3A_41] : memref<256x128xf32, #tpu.memory_space<vmem>>, vector<256x128xf32>
    %add3A_43 = arith.addf %get3A_39, %get3A_42 : vector<256x128xf32>
    %convert_element_type3A_44 = arith.truncf %add3A_43 : vector<256x128xf32> to vector<256x128xbf16>
    %convert_element_type3A_45 = arith.extf %convert_element_type3A_44 : vector<256x128xbf16> to vector<256x128xf32>
    %get3A_46 = arith.constant 0 : index
    %get3A_47 = arith.constant 0 : index
    %get3A_48 = vector.load %arg8[%get3A_46, %get3A_47] : memref<128x256xf32, #tpu.memory_space<vmem>>, vector<128x256xf32>
    %dot_general3A_49 = arith.constant dense<0.000000e+00> : vector<256x256xf32>
    %dot_general3A_50 = tpu.matmul %convert_element_type3A_45, %get3A_48, %dot_general3A_49 {dimension_numbers = #tpu.dot_dimension_numbers<[1], [0], [0], [1], [0, 0, 1, 1], [], []>, precision = #tpu.contract_precision<fp32>, transpose_lhs_hint = false} : vector<256x128xf32>, vector<128x256xf32>, vector<256x256xf32> -> vector<256x256xf32>
    %convert_element_type3A_51 = arith.truncf %dot_general3A_36 : vector<256x128xf32> to vector<256x128xbf16>
    %convert_element_type3A_52 = arith.extf %convert_element_type3A_51 : vector<256x128xbf16> to vector<256x128xf32>
    %get3A_53 = arith.constant 0 : index
    %get3A_54 = arith.constant 0 : index
    %get3A_55 = vector.load %arg9[%get3A_53, %get3A_54] : memref<128x256xf32, #tpu.memory_space<vmem>>, vector<128x256xf32>
    %dot_general3A_56 = arith.constant dense<0.000000e+00> : vector<256x256xf32>
    %dot_general3A_57 = tpu.matmul %convert_element_type3A_52, %get3A_55, %dot_general3A_56 {dimension_numbers = #tpu.dot_dimension_numbers<[1], [0], [0], [1], [0, 0, 1, 1], [], []>, precision = #tpu.contract_precision<fp32>, transpose_lhs_hint = false} : vector<256x128xf32>, vector<128x256xf32>, vector<256x256xf32> -> vector<256x256xf32>
    %add3A_58 = arith.addf %dot_general3A_50, %dot_general3A_57 : vector<256x256xf32>
    %get3A_59 = arith.constant 0 : index
    %get3A_60 = arith.constant 0 : index
    %get3A_61 = vector.load %arg10[%get3A_59, %get3A_60] : memref<8x256xf32, #tpu.memory_space<vmem>>, vector<1x256xf32>
    %add3A_62 = vector.broadcast %get3A_61 : vector<1x256xf32> to vector<256x256xf32>
    %add3A_63 = arith.addf %add3A_58, %add3A_62 : vector<256x256xf32>
    %max3A_64 = arith.constant 0.000000e+00 : f32
    %max3A_65 = vector.broadcast %max3A_64 : f32 to vector<256x256xf32>
    %max3A_66 = arith.maximumf %add3A_63, %max3A_65 : vector<256x256xf32>
    %convert_element_type3A_67 = arith.truncf %max3A_66 : vector<256x256xf32> to vector<256x256xbf16>
    %convert_element_type3A_68 = arith.extf %convert_element_type3A_67 : vector<256x256xbf16> to vector<256x256xf32>
    %get3A_69 = arith.constant 0 : index
    %get3A_70 = arith.constant 0 : index
    %get3A_71 = vector.load %arg11[%get3A_69, %get3A_70] : memref<256x128xf32, #tpu.memory_space<vmem>>, vector<256x128xf32>
    %dot_general3A_72 = arith.constant dense<0.000000e+00> : vector<256x128xf32>
    %dot_general3A_73 = tpu.matmul %convert_element_type3A_68, %get3A_71, %dot_general3A_72 {dimension_numbers = #tpu.dot_dimension_numbers<[1], [0], [0], [1], [0, 0, 1, 1], [], []>, precision = #tpu.contract_precision<fp32>, transpose_lhs_hint = false} : vector<256x256xf32>, vector<256x128xf32>, vector<256x128xf32> -> vector<256x128xf32>
    %get3A_74 = arith.constant 0 : index
    %get3A_75 = arith.constant 0 : index
    %get3A_76 = vector.load %arg12[%get3A_74, %get3A_75] : memref<8x128xf32, #tpu.memory_space<vmem>>, vector<1x128xf32>
    %add3A_77 = vector.broadcast %get3A_76 : vector<1x128xf32> to vector<256x128xf32>
    %add3A_78 = arith.addf %dot_general3A_73, %add3A_77 : vector<256x128xf32>
    %swap3A = arith.constant 0 : index
    %swap3A_79 = arith.constant 0 : index
    %swap3A_80 = vector.load %arg14[%swap3A, %swap3A_79] : memref<256x128xf32, #tpu.memory_space<vmem>>, vector<256x128xf32>
    tpu.vector_store %arg14[%swap3A, %swap3A_79], %add3A_78 {strides = array<i32>} : memref<256x128xf32, #tpu.memory_space<vmem>>, vector<256x128xf32>,
    return
  }
}

</mosaic_0001>

<sc_bundles>
// kernel: kernel.13.cloned.1.call-start
scs
__scs_entry_jumppad:
0x0: {  	(pc) =	sbr.rel $0x88, $3  }
0x1: {  	(tag) =	ssettag $0x0;
	lr =	simm.s32 $0x1  }
0x2: {  	[smem:$0x3F78] =	sst lr;
	_ =	strace $0xD0000000  }
0x3: {  	_ = 	snop  }
0x4: {  	_ = 	snop  }
0x5: {  	_ = 	snop  }
0x6: {  	_ = 	snop  }
0x7: {  	_ = 	snop  }
__scs_overlays_trampoline_lowered:
0x8: {  	[smem:$0x3F87] =	sst s0  }
0x9: {  	[smem:$0x3F88] =	sst s1  }
0xa: {  	[smem:$0x3F89] =	sst s2  }
0xb: {  	[smem:$0x3F8A] =	sst s3  }
0xc: {  	[smem:$0x3F8B] =	sst s4  }
0xd: {  	[smem:$0x3F8C] =	sst s5  }
0xe: {  	[smem:$0x3F8D] =	sst s6  }
0xf: {  	[smem:$0x3F8E] =	sst s7  }
0x10: {  	[smem:$0x3F8F] =	sst s8  }
0x11: {  	[smem:$0x3F90] =	sst s9;
	s0 =	simm.s32 @!p0 $0x0  }
0x12: {  	s1 =	sld [smem:$0x3F76];
	s0 =	simm.s32 @p0 $0x1  }
0x13: {  	[smem:$0x3F91] =	sst s0;
	s0 =	simm.s32 @!p1 $0x0  }
0x14: {  	s2 =	sld [smem:$0x3F75];
	s0 =	simm.s32 @p1 $0x1  }
0x15: {  	[smem:$0x3F92] =	sst s0;
	s0 =	simm.s32 @!p2 $0x0  }
0x16: {  	s3 =	sld [smem:$0x3FDB];
	s0 =	simm.s32 @p2 $0x1  }
0x17: {  	s4 =	simm.s32 $0x1BF5;
	[smem:$0x3F94] =	sst s0  }
0x18: {  	s0 =	sld [smem:$0x3F77];
	_ =	swait.ge [sflag:s4], $0x0  }
0x19: {  	s7 =	sld [smem:$0x3F78]  }
0x1a: {  	s8 =	sadd.s32 $0xFFFFE003, lr  }
0x1b: {  	s9 =	sadd.s32 $0xFFFFFEF7, lr;
	s5 =	simm.s32 $0xFFFFFFFF;
	p2 =	slt.u32 s8, $0xFFFFF086  }
0x1c: {  	p1 =	slt.u32 s9, $0xF7A;
	s5 =	simm.s32 @!p2 $0x0  }
0x1d: {  	s5 =	simm.s32 @p1 $0x1;
	p0 =	seq.s32 s7, s2  }
0x1e: {  	s7 =	smul.u32 @!p0 $0xF7A, s2;
	p2 =	seq.s32 @!p0 s5, $0x0  }
0x1f: {  	s9 =	smul.u32 $0xF7A, s1;
	s8 =	simm.s32 @!p0 $0x1BF5;
	p2 =	por !p2, p0  }
0x20: {  	[sflag:s8] =	ssyncset.s32 @!p0 $0xFFFFF086;
	s6 =	sadd.s32 @!p0 s3, s7;
	s7 =	simm.s32 @!p0 $0x108  }
0x21: {  	s3 =	sadd.s32 s3, s9;
	s6 =	sadd.s32 @!p0 $0x88, s6;
	s7 =	simm.s32 @p2 $0x1082  }
0x22: {  	[simem:s7], [sflag:s8] =	dma.local @!p0 [hbm:s6], $0xF7A  }
0x23: {  	s9 =	sor.u32 $0xD0000000, s2;
	s6 =	simm.s32 $0x108;
	_ =	swait.ge @!p0 [sflag:s8], $0x0  }
0x24: {  	s3 =	sadd.s32 $0x88, s3;
	s6 =	simm.s32 @!p1 $0x1082;
	[sflag:s4] =	ssyncset.s32 $0xFFFFF086  }
0x25: {  	[simem:s6], [sflag:s4] =	dma.local [hbm:s3], $0xF7A  }
0x26: {  	[smem:$0x3F78] =	sst s1;
	(tag) =	ssettag s2;
	_ =	strace s9  }
0x27: {  	s1 =	sld [smem:$0x3F88]  }
0x28: {  	s2 =	sld [smem:$0x3F89]  }
0x29: {  	s4 =	sld [smem:$0x3F8B]  }
0x2a: {  	p0 =	seq.s32 s5, $0x0;
	s5 =	sld [smem:$0x3F8C]  }
0x2b: {  	s6 =	sld [smem:$0x3F8D]  }
0x2c: {  	s7 =	sld [smem:$0x3F8E]  }
0x2d: {  	s3 =	simm.s32 $0x108;
	s8 =	sld [smem:$0x3F8F]  }
0x2e: {  	s3 =	simm.s32 @!p0 $0x1082;
	s9 =	sld [smem:$0x3F90]  }
0x2f: {  	lr =	sadd.s32 s0, s3;
	s0 =	sld [smem:$0x3F87]  }
0x30: {  	s3 =	sld [smem:$0x3F8A]  }
0x31: {  	[smem:$0x3F93] =	sst s10  }
0x32: {  	s10 =	sld [smem:$0x3F91];
	_ =	sdelay $0x3  }
0x33: {  	p0 =	seq.s32 s10, $0x1;
	s10 =	sld [smem:$0x3F93];
	_ =	sdelay $0x3  }
0x34: {  	[smem:$0x3F93] =	sst s10  }
0x35: {  	s10 =	sld [smem:$0x3F92];
	_ =	sdelay $0x3  }
0x36: {  	p1 =	seq.s32 s10, $0x1;
	s10 =	sld [smem:$0x3F93];
	_ =	sdelay $0x3  }
0x37: {  	[smem:$0x3F93] =	sst s10  }
0x38: {  	s10 =	sld [smem:$0x3F94]  }
0x39: {  	_ = 	snop;
	(pc) =	sbr.ind lr, $3  }
0x3a: {  	_ = 	snop  }
0x3b: {  	_ = 	snop  }
0x3c: {  	p2 =	seq.s32 s10, $0x1;
	s10 =	sld [smem:$0x3F93]  }
0x3d: {  	_ =	shalt  }
0x3e: {  	_ =	shalt  }
0x3f: {  	_ =	shalt  }
0x40: {  	_ =	shalt  }
0x41: {  	_ =	shalt  }
0x42: {  	_ =	shalt  }
0x43: {  	_ =	shalt  }
0x44: {  	_ =	shalt  }
0x45: {  	_ =	shalt  }
0x46: {  	_ =	shalt  }
0x47: {  	_ =	shalt  }
0x48: {  	_ =	shalt  }
0x49: {  	_ =	shalt  }
0x4a: {  	_ =	shalt  }
0x4b: {  	_ =	shalt  }
0x4c: {  	_ =	shalt  }
0x4d: {  	_ =	shalt  }
0x4e: {  	_ =	shalt  }
0x4f: {  	_ =	shalt  }
0x50: {  	_ =	shalt  }
0x51: {  	_ =	shalt  }
0x52: {  	_ =	shalt  }
0x53: {  	_ =	shalt  }
0x54: {  	_ =	shalt  }
0x55: {  	_ =	shalt  }
0x56: {  	_ =	shalt  }
0x57: {  	_ =	shalt  }
0x58: {  	_ =	shalt  }
0x59: {  	_ =	shalt  }
0x5a: {  	_ =	shalt  }
0x5b: {  	_ =	shalt  }
0x5c: {  	_ =	shalt  }
0x5d: {  	_ =	shalt  }
0x5e: {  	_ =	shalt  }
0x5f: {  	_ =	shalt  }
0x60: {  	_ =	shalt  }
0x61: {  	_ =	shalt  }
0x62: {  	_ =	shalt  }
0x63: {  	_ =	shalt  }
0x64: {  	_ =	shalt  }
0x65: {  	_ =	shalt  }
0x66: {  	_ =	shalt  }
0x67: {  	_ =	shalt  }
0x68: {  	_ =	shalt  }
0x69: {  	_ =	shalt  }
0x6a: {  	_ =	shalt  }
0x6b: {  	_ =	shalt  }
0x6c: {  	_ =	shalt  }
0x6d: {  	_ =	shalt  }
0x6e: {  	_ =	shalt  }
0x6f: {  	_ =	shalt  }
0x70: {  	_ =	shalt  }
0x71: {  	_ =	shalt  }
0x72: {  	_ =	shalt  }
0x73: {  	_ =	shalt  }
0x74: {  	_ =	shalt  }
0x75: {  	_ =	shalt  }
0x76: {  	_ =	shalt  }
0x77: {  	_ =	shalt  }
0x78: {  	_ =	shalt  }
0x79: {  	_ =	shalt  }
0x7a: {  	_ =	shalt  }
0x7b: {  	_ =	shalt  }
0x7c: {  	_ =	shalt  }
0x7d: {  	_ =	shalt  }
0x7e: {  	_ =	shalt  }
0x7f: {  	_ =	shalt  }
0x80: {  	_ =	shalt  }
0x81: {  	_ =	shalt  }
0x82: {  	_ =	shalt  }
0x83: {  	_ =	shalt  }
0x84: {  	_ =	shalt  }
0x85: {  	_ =	shalt  }
0x86: {  	_ =	shalt  }
0x87: {  	_ =	shalt  }
.Lfunc_end0:
.L_simem_size_0:
called_computation_lowered:
.L_overlay_start_0:
0x88: {  	s2 =	sld [smem:$0x3FD9]  }
0x89: {  	s3 =	sld [smem:$0x3FFE];
	_ =	sdelay $0x1  }
0x8a: {  	s1 =	srdreg.scid  }
0x8b: {  	s0 =	sand.u32 $0x1, s1  }
0x8c: {  	s16 =	sshll.u32 s0, $0xA;
	s2 =	sadd.s32 s3, s2  }
0x8d: {  	s2 =	sadd.s32 s2, s16  }
0x8e: {  	[smem:$0x3F9F] =	sst s2  }
0x8f: {  	_ = 	snop  }
0x90: {  	(tm) =	ssettm $0x1  }
0x91: {  	s17 =	sld [smem:$0x3FFB];
	_ =	sdelay $0x3  }
0x92: {  	_ =	strace s17  }
0x93: {  	s2 =	sld [smem:$0x3FFC];
	_ =	sdelay $0x3  }
0x94: {  	_ =	strace s2  }
0x95: {  	s2 =	sld [smem:$0x3FFD];
	_ =	sdelay $0x3  }
0x96: {  	_ =	strace s2  }
0x97: {  	_ =	strace $0x8FFFFFFF  }
0x98: {  	s18 =	sld [smem:$0x3FDB];
	_ =	sdelay $0x1  }
0x99: {  	s19 =	simm.s32 $_scs_section_size  }
0x9a: {  	s4 =	simm.s32 $_size__tile_overlayer_lowered;
	s5 =	simm.s32 $_tile_overlayer_lowered  }
0x9b: {  	s22 =	simm.s32 $0x1BFF;
	s21 =	sshll.u32 s5, $0x1;
	s2 =	sadd.s32 s19, s18  }
0x9c: {  	s6 =	simm.s32 $0x0;
	s20 =	sshll.u32 s4, $0x1;
	s4 =	sadd.s32 s21, s2  }
0x9d: {  	[timem:s6], [sflag:s22] =	dma.local [hbm:s4], s20  }
0x9e: {  	_ =	swait.ge [sflag:s22], s20  }
0x9f: {  	s3 =	ssub.s32 $0x0, s20;
	[sflag:s22] =	ssyncset.done $0x0  }
0xa0: {  	[sflag:s22] =	ssyncadd.s32 s3;
	_ =	sdelay $0x1  }
0xa1: {  	s23 =	simm.s32 $0x1B8B  }
0xa2: {  	_ =	swait.ge [sflag:s23], $0x1  }
0xa3: {  	[sflag:s23] =	ssyncset.done $0x0  }
0xa4: {  	s25 =	simm.s32 $0x1B8E;
	s24 =	sld [smem:$0x3FFE];
	[sflag:s23] =	ssyncadd.s32 $0xFFFFFFFF  }
0xa5: {  	s26 =	simm.s32 $execute0_lowered;
	[smem:$0x3FD2] =	sst s25  }
0xa6: {  	s4 =	sshll.u32 s26, $0x1;
	_ =	strace $0x80000046;
	[dreg:$0x1] =	wrdreg $0xFFFFFFFF  }
0xa7: {  	s28 =	simm.s32 $_size_execute0_lowered;
	s2 =	sadd.s32 s2, s4;
	[dreg:$0x0] =	wrdreg $0x0  }
0xa8: {  	s4 =	sshll.u32 s28, $0x1;
	[dreg:$0x2] =	wrdreg s2  }
0xa9: {  	[dreg:$0x3] =	wrdreg s4  }
0xaa: {  	[dreg:$0x4] =	wrdreg $0xC0  }
0xab: {  	_ =	task [dreg:s6], $0x5FFFF  }
0xac: {  	[dreg:$0x1] =	wrdreg $0xFFFFFFFF  }
0xad: {  	[dreg:$0x0] =	wrdreg $0x60  }
0xae: {  	[dreg:$0x2] =	wrdreg s24  }
0xaf: {  	[dreg:$0x3] =	wrdreg $0x0  }
0xb0: {  	[dreg:$0x4] =	wrdreg $0x27200  }
0xb1: {  	[dreg:$0x5] =	wrdreg $0x29980  }
0xb2: {  	[dreg:$0x6] =	wrdreg $0x2C100  }
0xb3: {  	[dreg:$0x7] =	wrdreg $0x9  }
0xb4: {  	_ =	task.clear_ibuf [dreg:s6], $0x8FFFF;
	_ =	strace $0x90000046  }
0xb5: {  	s29 =	simm.s32 $0x9;
	_ =	strace $0x80000048  }
0xb6: {  	_ =	swait.ge [sflag:s29], $0x1  }
0xb7: {  	[sflag:s29] =	ssyncadd.s32 $0xFFFFFFFF  }
0xb8: {  	_ =	strace $0x90000048  }
0xb9: {  	_ =	sfence  }
0xba: {  	s30 =	sld [smem:$0x0];
	_ =	sdelay $0x2  }
0xbb: {  	s31 =	sshll.u32 s1, $0xD;
	s1 =	sshrl.u32 s1, $0x2  }
0xbc: {  	s3 =	sand.u32 $0x4000, s31;
	s1 =	sadd.s32 s1, s30  }
0xbd: {  	s0 =	sor.u32 s3, s0;
	s1 =	sshll.u32 s1, $0x11  }
0xbe: {  	s0 =	sor.u32 s1, s0  }
0xbf: {  	s0 =	sadd.s32 $0x8F2B, s0  }
0xc0: {  	[sflag:s0] =	ssyncadd.remote.s32 $0x1  }
0xc1: {  	_ =	sfence.sel $0xFFFF  }
0xc2: {  	[dreg:$0x0] =	wrdreg $0xFFFFFFFF;
	(pc) =	sbr.abs _section_cstart, $3  }
0xc3: {  	[dreg:$0x1] =	wrdreg $0xFFFFFFFF  }
0xc4: {  	_ =	task.clear_ibuf [dreg:s6], $0x2FFFF;
	_ =	strace $0x9FFFFFFF  }
0xc5: {  	(tm) =	ssettm $0x7FFFFFFF  }
tec
execute0_lowered:
.L_overlay_start_1:
0x0: {  	(tag) =	ssettag $0x1  }
0x1: {  	s3 =	rddreg [dreg:$0x0]  }
0x2: {  	s1 =	rddreg [dreg:$0x1]  }
0x3: {  	s2 =	rddreg [dreg:$0x2];
	s0 =	srdreg.scid  }
0x4: {  	s9 =	stileid.u32;
	s4 =	rddreg [dreg:$0x3]  }
0x5: {  	s5 =	rddreg [dreg:$0x4];
	s6 =	simm.s32 $0x0;
	s10 =	sand.u32 $0x1, s0  }
0x6: {  	s24 =	sshll.u32 s9, $0x1;
	[smem:$0x7FF] =	sst s6;
	s7 =	sadd.s32 $0xEE00, s3  }
0x7: {  	s8 =	sadd.s32 $0x13E00, s3;
	s25 =	sadd.s32 $0x77E00, s3;
	s26 =	sadd.s32 $0x78400, s3  }
0x8: {  	s13 =	sadd.s32 $0x7FA00, s3;
	s14 =	sadd.s32 $0x7AA00, s3;
	s16 =	smul.u32 $0x2700, s9  }
0x9: {  	s17 =	sshll.u32 s9, $0x7;
	s30 =	smul.u32 $0x50, s9;
	p3 =	slt.u32 s9, $0x2  }
0xa: {  	p4 =	sgt.u32 s9, $0x1;
	_ =	strace $0x80000047;
	[dreg:$0x6] =	wrdreg s25  }
0xb: {  	s11 =	sor.u32 s10, s24;
	[dreg:$0x7] =	wrdreg s26;
	s29 =	ssub.s32 $0x2, s10  }
0xc: {  	s18 =	sor.u32 $0x27000, s17;
	s21 =	smul.u32 $0x28, s10;
	p2 =	seq.s32 s10, $0x0  }
0xd: {  	p0 =	seq.s32 s10, $0x1;
	p1 =	sne.s32 s10, $0x0;
	s10 =	sadd.s32 $0x7A400, s3  }
0xe: {  	s24 =	sshll.u32 s9, $0x6;
	s17 =	sadd.s32 s17, s1;
	s0 =	smul.u32 $0x280, s11  }
0xf: {  	s15 =	sshrl.u32 s29, $0x1;
	s19 =	sshrl.u32 s16, $0x3;
	s20 =	sshrl.u32 s18, $0x3  }
0x10: {  	s17 =	sadd.s32 $0x27000, s17;
	s11 =	smul.u32 $0x2800, s11;
	s22 =	sadd.s32 s13, s19  }
0x11: {  	p2 =	por !p3, !p2;
	s13 =	sadd.s32 s13, s20;
	[dreg:$0x8] =	wrdreg s22  }
0x12: {  	p3 =	por !p3, !p0;
	s23 =	sadd.s32 s14, s20;
	[dreg:$0x9] =	wrdreg s13  }
0x13: {  	s12 =	sadd.s32 s0, s3;
	s22 =	sadd.s32 s14, s19;
	[dreg:$0xb] =	wrdreg s23  }
0x14: {  	s0 =	ssub.s32 s29, s15;
	s15 =	sadd.s32 s16, s1;
	[dreg:$0xa] =	wrdreg s22  }
0x15: {  	p5 =	sgt.u32 @!p1 s9, $0x1;
	s16 =	sor.u32 $0x1C03, s24;
	[dreg:$0xc] =	wrdreg s15  }
0x16: {  	s20 =	sadd.s32 $0x78C00, s3;
	s26 =	sadd.s32 $0x6DE00, s12;
	[dreg:$0xd] =	wrdreg s16  }
0x17: {  	p2 =	por !p2, !p2;
	s29 =	sadd.s32 $0x68E00, s12;
	[dreg:$0x11] =	wrdreg s26  }
0x18: {  	s14 =	sadd.s32 s21, s30;
	s30 =	sadd.s32 $0x63E00, s12;
	[dreg:$0x12] =	wrdreg s29  }
0x19: {  	p3 =	por !p3, !p3;
	s12 =	sadd.s32 $0x9E00, s12;
	[dreg:$0x13] =	wrdreg s30  }
0x1a: {  	p5 =	por p5, p1;
	s0 =	smax.u32 s0, $0x1;
	[dreg:$0x14] =	wrdreg s12  }
0x1b: {  	s22 =	sshll.u32 s9, $0x3;
	s26 =	sadd.s32 s18, s1;
	[smem:$0x7FB] =	sst s0  }
0x1c: {  	s23 =	sor.u32 $0x2700, s22;
	s0 =	sshrl.u32 @!p4 s17, $0x3;
	[dreg:$0x16] =	wrdreg s26  }
0x1d: {  	s13 =	sadd.s32 $0x79E00, s3;
	s24 =	sadd.s32 s23, s2;
	[smem:$0x7FC] =	sst s0  }
0x1e: {  	s19 =	sadd.s32 $0x78600, s3;
	s25 =	sadd.s32 s23, s4;
	[dreg:$0xe] =	wrdreg s24  }
0x1f: {  	s30 =	sadd.s32 s9, s13;
	s23 =	sadd.s32 s23, s5;
	[dreg:$0xf] =	wrdreg s25  }
0x20: {  	s18 =	sadd.s32 s9, s19;
	s12 =	sadd.s32 $0x4E0, s30;
	[dreg:$0x10] =	wrdreg s23  }
0x21: {  	s23 =	smul.u32 $0x270, s9;
	[dreg:$0x1c] =	wrdreg s12;
	s12 =	sadd.s32 $0x4E0, s18  }
0x22: {  	s24 =	sadd.s32 s8, s11;
	s25 =	sadd.s32 s22, s2;
	[dreg:$0x1e] =	wrdreg s12  }
0x23: {  	s21 =	sadd.s32 $0x79800, s3;
	s11 =	sadd.s32 $0x2700, s25;
	[dreg:$0x15] =	wrdreg s24  }
0x24: {  	s3 =	sadd.s32 $0x79200, s3;
	[dreg:$0x17] =	wrdreg s11;
	s26 =	sadd.s32 s23, s2  }
0x25: {  	s17 =	simm.s32 $0x7F08;
	s28 =	sadd.s32 s23, s5;
	[dreg:$0x18] =	wrdreg s26  }
0x26: {  	s25 =	sadd.s32 s23, s4;
	s11 =	sshrl.u32 s23, $0x3;
	[dreg:$0x1a] =	wrdreg s28  }
0x27: {  	s23 =	sadd.s32 s9, s10;
	s29 =	sadd.s32 s13, s11;
	[dreg:$0x19] =	wrdreg s25  }
0x28: {  	s13 =	sadd.s32 s19, s11;
	s19 =	sadd.s32 s22, s4;
	[dreg:$0x1b] =	wrdreg s29  }
0x29: {  	s10 =	sadd.s32 s10, s11;
	s30 =	sadd.s32 s20, s11;
	[dreg:$0x1d] =	wrdreg s13  }
0x2a: {  	s12 =	sadd.s32 $0x2700, s19;
	[smem:$0x7F2] =	sst s10;
	s29 =	sadd.s32 $0x4E0, s23  }
0x2b: {  	[smem:$0x7F4] =	sst s30;
	s13 =	sadd.s32 s22, s5;
	s19 =	sadd.s32 s21, s11  }
0x2c: {  	s22 =	sadd.s32 s9, s21;
	s23 =	sshll.u32 s14, $0x8;
	s30 =	sadd.s32 $0x100, s24  }
0x2d: {  	s14 =	simm.s32 $0x3;
	s21 =	simm.s32 $0x2;
	[dreg:$0x1f] =	wrdreg s12  }
0x2e: {  	s24 =	simm.s32 $0x0;
	[smem:$0x7F3] =	sst s29;
	s12 =	sadd.s32 s9, s20  }
0x2f: {  	s18 =	sadd.s32 $0x2700, s13;
	[smem:$0x7F7] =	sst s19;
	s20 =	sadd.s32 s3, s11  }
0x30: {  	s3 =	sadd.s32 s9, s3;
	s29 =	sadd.s32 s23, s8;
	[smem:$0x7FD] =	sst s30  }
0x31: {  	s11 =	simm.s32 $0x7E88;
	s19 =	simm.s32 $0x1;
	[smem:$0x7F6] =	sst s18  }
.Ltmp0:
0x32: {  	s10 =	sadd.s32 $0x4E0, s12;
	[smem:$0x7F8] =	sst s20;
	(pc) =	sbr.rel .LBB2_1-.Ltmp0, $4  }
0x33: {  	s3 =	sadd.s32 $0x4E0, s3;
	s23 =	sadd.s32 $0x300, s29;
	s31 =	sadd.s32 $0x200, s29  }
0x34: {  	s12 =	simm.s32 $0x7F88;
	s18 =	simm.s32 $0x8788;
	[smem:$0x7F5] =	sst s10  }
0x35: {  	s20 =	simm.s32 $0x8F88;
	s10 =	sadd.s32 $0x4E0, s22;
	[smem:$0x7FA] =	sst s3  }
0x36: {  	v0 =	vimm.f32 $1.000000000e+00;
	s22 =	simm.s32 $0x9008;
	[smem:$0x7F9] =	sst s10;
	s10 =	simm.s32 $0x80  }
.LBB2_7:
0x37: {  	s0 =	rddreg [dreg:$0x16]  }
0x38: {  	s3 =	rddreg [dreg:$0xb];
	s0 =	sshrl.u32 s0, $0x3  }
0x39: {  	[hbm:s3], [sflag:s16] =	dma.local [spmem:s0], $0x10  }
0x3a: {  	_ =	swait.ge [sflag:s14], $0x10  }
0x3b: {  	[sflag:s14] =	ssyncset.done $0x0  }
0x3c: {  	[sflag:s14] =	ssyncadd.s32 $0xFFFFFFF0  }
.LBB2_8:
0x3d: {  	[tilespmem:s22], [sflag:$0x3] =	stream.linear.gather [spmem:s26], $0x270, $0x38;
	[tilespmem:$0x9280] =	vst v63  }
0x3e: {  	_ =	swait.ge [sflag:s14], $0x270  }
0x3f: {  	[sflag:s14] =	ssyncset.done $0x0  }
0x40: {  	s0 =	simm.s32 @!p4 $0x9278;
	s3 =	rddreg [dreg:$0x17];
	[sflag:s14] =	ssyncadd.s32 $0xFFFFFD90  }
0x41: {  	[tilespmem:s0], [sflag:$0x3] =	stream.linear.gather @!p4 [spmem:s3], $0x8, $0x38;
	[tilespmem:$0x9280] =	vst v63  }
0x42: {  	s0 =	simm.s32 @!p4 $0x3  }
0x43: {  	_ =	swait.ge @!p4 [sflag:s0], $0x8  }
0x44: {  	[sflag:s0] =	ssyncset.done @!p4 $0x0  }
0x45: {  	[sflag:s0] =	ssyncadd.s32 @!p4 $0xFFFFFFF8  }
.LBB2_10:
0x46: {  	s3 =	simm.s32 @!p1 $0x0  }
0x47: {  	s9 =	simm.s32 @!p1 $0x9008;
	s0 =	rddreg [dreg:$0x1b];
	s13 =	simm.s32 @!p1 $0x3  }
0x48: {  	[hbm4b:s0+s3] =	stream.linear.scatter @!p1 [tilespmem:s9], [sflag:$0x3], $0x270, $0x38;
	[tilespmem:$0x9280] =	vst v63  }
0x49: {  	_ =	swait.ge @!p1 [sflag:s13], $0x270  }
0x4a: {  	s3 =	simm.s32 @p0 $0x0;
	[sflag:s13] =	ssyncset.done @!p1 $0x0  }
0x4b: {  	s9 =	simm.s32 @p0 $0x9008;
	s0 =	rddreg [dreg:$0x1d];
	[sflag:s13] =	ssyncadd.s32 @!p1 $0xFFFFFD90  }
0x4c: {  	[hbm4b:s0+s3] =	stream.linear.scatter @p0 [tilespmem:s9], [sflag:$0x3], $0x270, $0x38;
	[tilespmem:$0x9280] =	vst v63  }
0x4d: {  	s9 =	simm.s32 @p0 $0x3  }
0x4e: {  	_ =	swait.ge @p0 [sflag:s9], $0x270  }
0x4f: {  	s15 =	simm.s32 @p2 $0x9278;
	s29 =	simm.s32 @p2 $0x3;
	[sflag:s9] =	ssyncset.done @p0 $0x0  }
0x50: {  	s3 =	simm.s32 @p2 $0x0;
	s0 =	rddreg [dreg:$0x1c];
	[sflag:s9] =	ssyncadd.s32 @p0 $0xFFFFFD90  }
0x51: {  	[hbm4b:s0+s3] =	stream.linear.scatter @p2 [tilespmem:s15], [sflag:$0x3], $0x8, $0x38;
	[tilespmem:$0x9280] =	vst v63  }
0x52: {  	_ =	swait.ge @p2 [sflag:s29], $0x8  }
0x53: {  	s16 =	simm.s32 @p3 $0x3;
	s3 =	simm.s32 @p3 $0x0;
	[sflag:s29] =	ssyncset.done @p2 $0x0  }
0x54: {  	s15 =	simm.s32 @p3 $0x9278;
	s0 =	rddreg [dreg:$0x1e];
	[sflag:s29] =	ssyncadd.s32 @p2 $0xFFFFFFF8  }
0x55: {  	[hbm4b:s0+s3] =	stream.linear.scatter @p3 [tilespmem:s15], [sflag:$0x3], $0x8, $0x38;
	[tilespmem:$0x9280] =	vst v63  }
0x56: {  	_ =	swait.ge @p3 [sflag:s16], $0x8  }
0x57: {  	[sflag:s16] =	ssyncset.done @p3 $0x0  }
0x58: {  	s25 =	rddreg [dreg:$0x19];
	[sflag:s16] =	ssyncadd.s32 @p3 $0xFFFFFFF8  }
0x59: {  	[tilespmem:s22], [sflag:$0x3] =	stream.linear.gather [spmem:s25], $0x270, $0x38;
	[tilespmem:$0x9280] =	vst v63  }
0x5a: {  	_ =	swait.ge [sflag:s14], $0x270  }
0x5b: {  	[sflag:s14] =	ssyncset.done $0x0  }
0x5c: {  	s3 =	simm.s32 @!p4 $0x9278;
	s0 =	rddreg [dreg:$0x1f];
	[sflag:s14] =	ssyncadd.s32 $0xFFFFFD90  }
0x5d: {  	[tilespmem:s3], [sflag:$0x3] =	stream.linear.gather @!p4 [spmem:s0], $0x8, $0x38;
	[tilespmem:$0x9280] =	vst v63  }
0x5e: {  	s0 =	simm.s32 @!p4 $0x3  }
0x5f: {  	_ =	swait.ge @!p4 [sflag:s0], $0x8  }
0x60: {  	s28 =	sld [smem:$0x7F2]  }
0x61: {  	[sflag:s0] =	ssyncset.done @!p4 $0x0  }
0x62: {  	s15 =	simm.s32 @!p1 $0x0;
	s22 =	simm.s32 @!p1 $0x9008;
	[sflag:s0] =	ssyncadd.s32 @!p4 $0xFFFFFFF8  }
0x63: {  	[hbm4b:s28+s15] =	stream.linear.scatter @!p1 [tilespmem:s22], [sflag:$0x3], $0x270, $0x38;
	[tilespmem:$0x9280] =	vst v63  }
0x64: {  	_ =	swait.ge @!p1 [sflag:s13], $0x270  }
0x65: {  	s28 =	sld [smem:$0x7F4]  }
0x66: {  	[sflag:s13] =	ssyncset.done @!p1 $0x0  }
0x67: {  	s3 =	simm.s32 @p0 $0x0;
	s15 =	simm.s32 @p0 $0x9008;
	[sflag:s13] =	ssyncadd.s32 @!p1 $0xFFFFFD90  }
0x68: {  	[hbm4b:s28+s3] =	stream.linear.scatter @p0 [tilespmem:s15], [sflag:$0x3], $0x270, $0x38;
	[tilespmem:$0x9280] =	vst v63  }
0x69: {  	_ =	swait.ge @p0 [sflag:s9], $0x270  }
0x6a: {  	s28 =	sld [smem:$0x7F3]  }
0x6b: {  	[sflag:s9] =	ssyncset.done @p0 $0x0  }
0x6c: {  	s26 =	simm.s32 @p2 $0x0;
	s15 =	simm.s32 @p2 $0x9278;
	[sflag:s9] =	ssyncadd.s32 @p0 $0xFFFFFD90  }
0x6d: {  	[hbm4b:s28+s26] =	stream.linear.scatter @p2 [tilespmem:s15], [sflag:$0x3], $0x8, $0x38;
	[tilespmem:$0x9280] =	vst v63  }
0x6e: {  	_ =	swait.ge @p2 [sflag:s29], $0x8  }
0x6f: {  	s28 =	sld [smem:$0x7F5]  }
0x70: {  	[sflag:s29] =	ssyncset.done @p2 $0x0  }
0x71: {  	s22 =	simm.s32 @p3 $0x9278;
	s15 =	simm.s32 @p3 $0x0;
	[sflag:s29] =	ssyncadd.s32 @p2 $0xFFFFFFF8  }
0x72: {  	[hbm4b:s28+s15] =	stream.linear.scatter @p3 [tilespmem:s22], [sflag:$0x3], $0x8, $0x38;
	[tilespmem:$0x9280] =	vst v63  }
0x73: {  	_ =	swait.ge @p3 [sflag:s16], $0x8  }
0x74: {  	[sflag:s16] =	ssyncset.done @p3 $0x0  }
0x75: {  	s30 =	simm.s32 $0x9008;
	s28 =	rddreg [dreg:$0x1a];
	[sflag:s16] =	ssyncadd.s32 @p3 $0xFFFFFFF8  }
0x76: {  	[tilespmem:s30], [sflag:$0x3] =	stream.linear.gather [spmem:s28], $0x270, $0x38;
	[tilespmem:$0x9280] =	vst v63  }
0x77: {  	_ =	swait.ge [sflag:s14], $0x270  }
0x78: {  	s22 =	sld [smem:$0x7F6]  }
0x79: {  	[sflag:s14] =	ssyncset.done $0x0  }
0x7a: {  	s30 =	simm.s32 @!p4 $0x9278;
	[sflag:s14] =	ssyncadd.s32 $0xFFFFFD90  }
0x7b: {  	[tilespmem:s30], [sflag:$0x3] =	stream.linear.gather @!p4 [spmem:s22], $0x8, $0x38;
	[tilespmem:$0x9280] =	vst v63  }
0x7c: {  	_ =	swait.ge @!p4 [sflag:s0], $0x8  }
0x7d: {  	[sflag:s0] =	ssyncset.done @!p4 $0x0  }
0x7e: {  	[sflag:s0] =	ssyncadd.s32 @!p4 $0xFFFFFFF8;
	s0 =	sld [smem:$0x7F7];
	_ =	sdelay $0x1  }
0x7f: {  	s3 =	simm.s32 @!p1 $0x0;
	s30 =	simm.s32 @!p1 $0x9008  }
0x80: {  	[hbm4b:s0+s3] =	stream.linear.scatter @!p1 [tilespmem:s30], [sflag:$0x3], $0x270, $0x38;
	[tilespmem:$0x9280] =	vst v63  }
0x81: {  	_ =	swait.ge @!p1 [sflag:s13], $0x270  }
0x82: {  	s0 =	sld [smem:$0x7F8]  }
0x83: {  	[sflag:s13] =	ssyncset.done @!p1 $0x0  }
0x84: {  	s3 =	simm.s32 @p0 $0x0;
	[sflag:s13] =	ssyncadd.s32 @!p1 $0xFFFFFD90;
	s13 =	simm.s32 @p0 $0x9008  }
0x85: {  	[hbm4b:s0+s3] =	stream.linear.scatter @p0 [tilespmem:s13], [sflag:$0x3], $0x270, $0x38;
	[tilespmem:$0x9280] =	vst v63  }
0x86: {  	_ =	swait.ge @p0 [sflag:s9], $0x270  }
0x87: {  	s0 =	sld [smem:$0x7F9]  }
0x88: {  	[sflag:s9] =	ssyncset.done @p0 $0x0  }
0x89: {  	s3 =	simm.s32 @p2 $0x9278;
	[sflag:s9] =	ssyncadd.s32 @p0 $0xFFFFFD90  }
0x8a: {  	[hbm4b:s0+s26] =	stream.linear.scatter @p2 [tilespmem:s3], [sflag:$0x3], $0x8, $0x38;
	[tilespmem:$0x9280] =	vst v63  }
0x8b: {  	_ =	swait.ge @p2 [sflag:s29], $0x8  }
0x8c: {  	s0 =	sld [smem:$0x7FA]  }
0x8d: {  	[sflag:s29] =	ssyncset.done @p2 $0x0  }
0x8e: {  	s3 =	simm.s32 @p3 $0x9278;
	[sflag:s29] =	ssyncadd.s32 @p2 $0xFFFFFFF8  }
0x8f: {  	[hbm4b:s0+s15] =	stream.linear.scatter @p3 [tilespmem:s3], [sflag:$0x3], $0x8, $0x38;
	[tilespmem:$0x9280] =	vst v63  }
0x90: {  	_ =	swait.ge @p3 [sflag:s16], $0x8  }
0x91: {  	s30 =	sld [smem:$0x7FB];
	_ =	sdelay $0x1  }
0x92: {  	s24 =	sadd.s32 $0x1, s24  }
0x93: {  	p6 =	sne.s32 s24, s30  }
.Ltmp1:
0x94: {  	_ = 	snop;
	(pc) =	sbr.rel @!p6 .LBB2_11-.Ltmp1, $4  }
0x95: {  	_ = 	snop  }
0x96: {  	s15 =	rddreg [dreg:$0xc]  }
0x97: {  	[sflag:s16] =	ssyncset.done @p3 $0x0;
	s26 =	rddreg [dreg:$0x18]  }
0x98: {  	s22 =	simm.s32 $0x9008;
	[sflag:s16] =	ssyncadd.s32 @p3 $0xFFFFFFF8;
	s16 =	rddreg [dreg:$0xd]  }
.LBB2_1:
0x99: {  	s3 =	sshrl.u32 s15, $0x3;
	s0 =	rddreg [dreg:$0x6]  }
0x9a: {  	[spmem:s3], [sflag:s16] =	dma.local [hbm:s0], $0x4E0  }
0x9b: {  	_ =	swait.ge [sflag:s14], $0x4E0  }
0x9c: {  	s9 =	sld [smem:$0x7FC]  }
0x9d: {  	[sflag:s14] =	ssyncset.done $0x0  }
0x9e: {  	[sflag:s14] =	ssyncadd.s32 $0xFFFFFB20  }
0x9f: {  	[spmem:s9], [sflag:s16] =	dma.local @!p4 [hbm:s0], $0x10  }
0xa0: {  	s0 =	simm.s32 @!p4 $0x3  }
0xa1: {  	_ =	swait.ge @!p4 [sflag:s0], $0x10  }
0xa2: {  	[sflag:s0] =	ssyncset.done @!p4 $0x0  }
0xa3: {  	s30 =	rddreg [dreg:$0x7];
	[sflag:s0] =	ssyncadd.s32 @!p4 $0xFFFFFFF0  }
0xa4: {  	[tilespmem:s22], [sflag:$0x3] =	stream.linear.gather [hbm4b:s30+s6], $0x270, $0x38;
	[tilespmem:$0x9280] =	vst v63  }
0xa5: {  	_ =	swait.ge [sflag:s14], $0x270  }
0xa6: {  	[sflag:s14] =	ssyncset.done $0x0  }
0xa7: {  	[sflag:s14] =	ssyncadd.s32 $0xFFFFFD90  }
0xa8: {  	[spmem:s26] =	stream.linear.scatter [tilespmem:s22], [sflag:$0x3], $0x270, $0x38;
	[tilespmem:$0x9280] =	vst v63  }
0xa9: {  	_ =	swait.ge [sflag:s14], $0x270  }
0xaa: {  	[sflag:s14] =	ssyncset.done $0x0  }
0xab: {  	[sflag:s14] =	ssyncadd.s32 $0xFFFFFD90  }
0xac: {  	[spmem:s25] =	stream.linear.scatter [tilespmem:s22], [sflag:$0x3], $0x270, $0x38;
	[tilespmem:$0x9280] =	vst v63  }
0xad: {  	_ =	swait.ge [sflag:s14], $0x270  }
0xae: {  	[sflag:s14] =	ssyncset.done $0x0  }
0xaf: {  	[sflag:s14] =	ssyncadd.s32 $0xFFFFFD90  }
0xb0: {  	[spmem:s28] =	stream.linear.scatter [tilespmem:s22], [sflag:$0x3], $0x270, $0x38;
	[tilespmem:$0x9280] =	vst v63  }
0xb1: {  	_ =	swait.ge [sflag:s14], $0x270  }
0xb2: {  	[sflag:s14] =	ssyncset.done $0x0  }
0xb3: {  	s13 =	simm.s32 @!p4 $0x9008;
	s9 =	rddreg [dreg:$0xe];
	[sflag:s14] =	ssyncadd.s32 $0xFFFFFD90  }
0xb4: {  	[spmem:s9] =	stream.linear.scatter @!p4 [tilespmem:s13], [sflag:$0x3], $0x8, $0x38;
	[tilespmem:$0x9280] =	vst v63  }
0xb5: {  	_ =	swait.ge @!p4 [sflag:s0], $0x8  }
0xb6: {  	[sflag:s0] =	ssyncset.done @!p4 $0x0  }
0xb7: {  	s9 =	rddreg [dreg:$0xf];
	[sflag:s0] =	ssyncadd.s32 @!p4 $0xFFFFFFF8  }
0xb8: {  	[spmem:s9] =	stream.linear.scatter @!p4 [tilespmem:s13], [sflag:$0x3], $0x8, $0x38;
	[tilespmem:$0x9280] =	vst v63  }
0xb9: {  	_ =	swait.ge @!p4 [sflag:s0], $0x8  }
0xba: {  	[sflag:s0] =	ssyncset.done @!p4 $0x0  }
0xbb: {  	s9 =	rddreg [dreg:$0x10];
	[sflag:s0] =	ssyncadd.s32 @!p4 $0xFFFFFFF8  }
0xbc: {  	[spmem:s9] =	stream.linear.scatter @!p4 [tilespmem:s13], [sflag:$0x3], $0x8, $0x38;
	[tilespmem:$0x9280] =	vst v63  }
0xbd: {  	_ =	swait.ge @!p4 [sflag:s0], $0x8  }
0xbe: {  	[sflag:s0] =	ssyncset.done @!p4 $0x0  }
0xbf: {  	[sflag:s0] =	ssyncadd.s32 @!p4 $0xFFFFFFF8  }
0xc0: {  	[tilespmem:$0x8F88] =	vst v0  }
0xc1: {  	[tilespmem:$0x8F98] =	vst v0  }
0xc2: {  	[tilespmem:$0x8FA8] =	vst v0  }
0xc3: {  	[tilespmem:$0x8FB8] =	vst v0  }
0xc4: {  	[tilespmem:$0x8FC8] =	vst v0  }
0xc5: {  	[tilespmem:$0x8FD8] =	vst v0  }
0xc6: {  	[tilespmem:$0x8FE8] =	vst v0  }
0xc7: {  	s9 =	simm.s32 $0x2E88;
	s13 =	rddreg [dreg:$0x11];
	[tilespmem:$0x8FF8] =	vst v0  }
0xc8: {  	[tilespmem:s9], [sflag:$0x3] =	stream.linear.gather [hbm4b:s13+s6], $0x1400, $0x38;
	[tilespmem:$0x9280] =	vst v63  }
0xc9: {  	_ =	swait.ge [sflag:s14], $0x1400  }
0xca: {  	[sflag:s14] =	ssyncset.done $0x0  }
0xcb: {  	s13 =	simm.s32 $0x4288;
	s22 =	rddreg [dreg:$0x12];
	[sflag:s14] =	ssyncadd.s32 $0xFFFFEC00  }
0xcc: {  	[tilespmem:s13], [sflag:$0x3] =	stream.linear.gather [hbm4b:s22+s6], $0x1400, $0x38;
	[tilespmem:$0x9280] =	vst v63  }
0xcd: {  	_ =	swait.ge [sflag:s14], $0x1400  }
0xce: {  	[sflag:s14] =	ssyncset.done $0x0  }
0xcf: {  	s28 =	simm.s32 $0x5688;
	s25 =	rddreg [dreg:$0x13];
	[sflag:s14] =	ssyncadd.s32 $0xFFFFEC00  }
0xd0: {  	[tilespmem:s28], [sflag:$0x3] =	stream.linear.gather [hbm4b:s25+s6], $0x1400, $0x38;
	[tilespmem:$0x9280] =	vst v63  }
0xd1: {  	_ =	swait.ge [sflag:s14], $0x1400  }
0xd2: {  	[sflag:s14] =	ssyncset.done $0x0  }
0xd3: {  	s30 =	simm.s32 $0x6A88;
	s29 =	rddreg [dreg:$0x14];
	[sflag:s14] =	ssyncadd.s32 $0xFFFFEC00  }
0xd4: {  	[tilespmem:s30], [sflag:$0x3] =	stream.linear.gather [hbm4b:s29+s6], $0x1400, $0x38;
	[tilespmem:$0x9280] =	vst v63  }
0xd5: {  	_ =	swait.ge [sflag:s14], $0x1400  }
0xd6: {  	[sflag:s14] =	ssyncset.done $0x0  }
0xd7: {  	[sflag:s14] =	ssyncadd.s32 $0xFFFFEC00  }
0xd8: {  	[bflag:$0x0] =	sbarrier.arrive $0xFFFF  }
0xd9: {  	[tilespmem:s11], [sflag:$0x1] =	stream.indirect.gather [hbm4b:s7+s10], $0x1, s9, s10, $0xb8;
	[tilespmem:$0x9280] =	vst v63  }
0xda: {  	_ = 	snop  }
0xdb: {  	[tilespmem:s12], [sflag:$0x1] =	stream.indirect.gather [hbm4b:s8+s10], $0x10, s13, s10, $0xb8;
	[tilespmem:$0x9280] =	vst v63  }
0xdc: {  	s9 =	simm.s32 $0x2F08  }
0xdd: {  	[tilespmem:s17], [sflag:$0x1] =	stream.indirect.gather [hbm4b:s7+s10], $0x1, s9, s10, $0xb8;
	[tilespmem:$0x9280] =	vst v63  }
0xde: {  	s13 =	simm.s32 $0x4308  }
0xdf: {  	[tilespmem:s18], [sflag:$0x1] =	stream.indirect.gather [hbm4b:s8+s10], $0x10, s13, s10, $0xb8;
	[tilespmem:$0x9280] =	vst v63  }
0xe0: {  	_ =	swait.ge [sflag:s19], $0x80  }
0xe1: {  	[sflag:s19] =	ssyncset.done $0x0  }
0xe2: {  	[sflag:s19] =	ssyncadd.s32 $0xFFFFFF80  }
0xe3: {  	_ =	swait.ge [sflag:s19], $0x800  }
0xe4: {  	[sflag:s19] =	ssyncset.done $0x0  }
0xe5: {  	[sflag:s19] =	ssyncadd.s32 $0xFFFFF800  }
0xe6: {  	[spmem:s1] =	stream.indirect.scatter.add.f32 [tilespmem:s12], [sflag:$0x2], $0x10, s11, s10, $0xb8;
	[tilespmem:$0x9280] =	vst v63  }
0xe7: {  	s22 =	simm.s32 $0x5688  }
0xe8: {  	[spmem:s2] =	stream.indirect.scatter.add.f32 [tilespmem:s22], [sflag:$0x2], $0x1, s11, s10, $0xb8;
	[tilespmem:$0x9280] =	vst v63  }
0xe9: {  	_ = 	snop  }
0xea: {  	[spmem:s4] =	stream.indirect.scatter.add.f32 [tilespmem:s20], [sflag:$0x2], $0x1, s11, s10, $0xb8;
	[tilespmem:$0x9280] =	vst v63  }
0xeb: {  	_ =	swait.ge [sflag:s21], $0x800  }
0xec: {  	[sflag:s21] =	ssyncset.done $0x0  }
0xed: {  	[sflag:s21] =	ssyncadd.s32 $0xFFFFF800  }
0xee: {  	_ =	swait.ge [sflag:s21], $0x80  }
0xef: {  	[sflag:s21] =	ssyncset.done $0x0  }
0xf0: {  	[sflag:s21] =	ssyncadd.s32 $0xFFFFFF80  }
0xf1: {  	_ =	swait.ge [sflag:s21], $0x80  }
0xf2: {  	[sflag:s21] =	ssyncset.done $0x0  }
0xf3: {  	s25 =	simm.s32 $0x2F88;
	[sflag:s21] =	ssyncadd.s32 $0xFFFFFF80  }
0xf4: {  	[tilespmem:s11], [sflag:$0x1] =	stream.indirect.gather [hbm4b:s7+s10], $0x1, s25, s10, $0xb8;
	[tilespmem:$0x9280] =	vst v63  }
0xf5: {  	s28 =	simm.s32 $0x4388  }
0xf6: {  	[tilespmem:s12], [sflag:$0x1] =	stream.indirect.gather [hbm4b:s8+s10], $0x10, s28, s10, $0xb8;
	[tilespmem:$0x9280] =	vst v63  }
0xf7: {  	_ =	swait.ge [sflag:s19], $0x80  }
0xf8: {  	[sflag:s19] =	ssyncset.done $0x0  }
0xf9: {  	[sflag:s19] =	ssyncadd.s32 $0xFFFFFF80  }
0xfa: {  	_ =	swait.ge [sflag:s19], $0x800  }
0xfb: {  	[sflag:s19] =	ssyncset.done $0x0  }
0xfc: {  	[sflag:s19] =	ssyncadd.s32 $0xFFFFF800  }
0xfd: {  	[spmem:s1] =	stream.indirect.scatter.add.f32 [tilespmem:s18], [sflag:$0x2], $0x10, s17, s10, $0xb8;
	[tilespmem:$0x9280] =	vst v63  }
0xfe: {  	s29 =	simm.s32 $0x5708  }
0xff: {  	[spmem:s2] =	stream.indirect.scatter.add.f32 [tilespmem:s29], [sflag:$0x2], $0x1, s17, s10, $0xb8;
	[tilespmem:$0x9280] =	vst v63  }
0x100: {  	_ = 	snop  }
0x101: {  	[spmem:s4] =	stream.indirect.scatter.add.f32 [tilespmem:s20], [sflag:$0x2], $0x1, s17, s10, $0xb8;
	[tilespmem:$0x9280] =	vst v63  }
0x102: {  	_ =	swait.ge [sflag:s21], $0x800  }
0x103: {  	[sflag:s21] =	ssyncset.done $0x0  }
0x104: {  	[sflag:s21] =	ssyncadd.s32 $0xFFFFF800  }
0x105: {  	_ =	swait.ge [sflag:s21], $0x80  }
0x106: {  	[sflag:s21] =	ssyncset.done $0x0  }
0x107: {  	[sflag:s21] =	ssyncadd.s32 $0xFFFFFF80  }
0x108: {  	_ =	swait.ge [sflag:s21], $0x80  }
0x109: {  	s0 =	simm.s32 $0x400;
	[sflag:s21] =	ssyncset.done $0x0  }
0x10a: {  	s30 =	simm.s32 $0x3008;
	s13 =	simm.s32 $0x4408;
	[sflag:s21] =	ssyncadd.s32 $0xFFFFFF80  }
0x10b: {  	[tilespmem:s17], [sflag:$0x1] =	stream.indirect.gather [hbm4b:s7+s10], $0x1, s30, s10, $0xb8;
	[tilespmem:$0x9280] =	vst v63  }
.LBB2_2:
0x10c: {  	[tilespmem:s18], [sflag:$0x1] =	stream.indirect.gather [hbm4b:s8+s10], $0x10, s13, s10, $0xb8;
	[tilespmem:$0x9280] =	vst v63  }
0x10d: {  	s13 =	smov.u32 s0  }
0x10e: {  	p6 =	sne.s32 s0, $0x4800;
	s0 =	sadd.s32 $0x400, s0;
	_ =	swait.ge [sflag:s19], $0x80  }
0x10f: {  	[sflag:s19] =	ssyncset.done $0x0  }
0x110: {  	[sflag:s19] =	ssyncadd.s32 $0xFFFFFF80  }
0x111: {  	_ =	swait.ge [sflag:s19], $0x800  }
0x112: {  	[sflag:s19] =	ssyncset.done $0x0  }
0x113: {  	s22 =	sshra.s32 s13, $0x2;
	[sflag:s19] =	ssyncadd.s32 $0xFFFFF800  }
0x114: {  	[spmem:s1] =	stream.indirect.scatter.add.f32 [tilespmem:s12], [sflag:$0x2], $0x10, s11, s10, $0xb8;
	[tilespmem:$0x9280] =	vst v63  }
0x115: {  	s13 =	sadd.s32 $0x5688, s22  }
0x116: {  	[spmem:s2] =	stream.indirect.scatter.add.f32 [tilespmem:s13], [sflag:$0x2], $0x1, s11, s10, $0xb8;
	[tilespmem:$0x9280] =	vst v63  }
0x117: {  	_ = 	snop  }
0x118: {  	[spmem:s4] =	stream.indirect.scatter.add.f32 [tilespmem:s20], [sflag:$0x2], $0x1, s11, s10, $0xb8;
	[tilespmem:$0x9280] =	vst v63  }
0x119: {  	_ =	swait.ge [sflag:s21], $0x800  }
0x11a: {  	[sflag:s21] =	ssyncset.done $0x0  }
0x11b: {  	[sflag:s21] =	ssyncadd.s32 $0xFFFFF800  }
0x11c: {  	_ =	swait.ge [sflag:s21], $0x80  }
0x11d: {  	[sflag:s21] =	ssyncset.done $0x0  }
0x11e: {  	[sflag:s21] =	ssyncadd.s32 $0xFFFFFF80  }
0x11f: {  	_ =	swait.ge [sflag:s21], $0x80  }
0x120: {  	[sflag:s21] =	ssyncset.done $0x0  }
0x121: {  	s13 =	sadd.s32 $0x2F88, s22;
	[sflag:s21] =	ssyncadd.s32 $0xFFFFFF80  }
0x122: {  	[tilespmem:s11], [sflag:$0x1] =	stream.indirect.gather [hbm4b:s7+s10], $0x1, s13, s10, $0xb8;
	[tilespmem:$0x9280] =	vst v63  }
0x123: {  	s13 =	sadd.s32 $0x4388, s22  }
0x124: {  	[tilespmem:s12], [sflag:$0x1] =	stream.indirect.gather [hbm4b:s8+s10], $0x10, s13, s10, $0xb8;
	[tilespmem:$0x9280] =	vst v63  }
0x125: {  	_ =	swait.ge [sflag:s19], $0x80  }
0x126: {  	[sflag:s19] =	ssyncset.done $0x0  }
0x127: {  	[sflag:s19] =	ssyncadd.s32 $0xFFFFFF80  }
0x128: {  	_ =	swait.ge [sflag:s19], $0x800  }
0x129: {  	[sflag:s19] =	ssyncset.done $0x0  }
0x12a: {  	[sflag:s19] =	ssyncadd.s32 $0xFFFFF800  }
0x12b: {  	[spmem:s1] =	stream.indirect.scatter.add.f32 [tilespmem:s18], [sflag:$0x2], $0x10, s17, s10, $0xb8;
	[tilespmem:$0x9280] =	vst v63  }
0x12c: {  	s13 =	sadd.s32 $0x5708, s22  }
0x12d: {  	[spmem:s2] =	stream.indirect.scatter.add.f32 [tilespmem:s13], [sflag:$0x2], $0x1, s17, s10, $0xb8;
	[tilespmem:$0x9280] =	vst v63  }
0x12e: {  	_ = 	snop  }
0x12f: {  	[spmem:s4] =	stream.indirect.scatter.add.f32 [tilespmem:s20], [sflag:$0x2], $0x1, s17, s10, $0xb8;
	[tilespmem:$0x9280] =	vst v63  }
0x130: {  	_ =	swait.ge [sflag:s21], $0x800  }
0x131: {  	[sflag:s21] =	ssyncset.done $0x0  }
0x132: {  	[sflag:s21] =	ssyncadd.s32 $0xFFFFF800  }
0x133: {  	_ =	swait.ge [sflag:s21], $0x80  }
0x134: {  	[sflag:s21] =	ssyncset.done $0x0  }
0x135: {  	[sflag:s21] =	ssyncadd.s32 $0xFFFFFF80  }
.Ltmp2:
0x136: {  	_ =	swait.ge [sflag:s21], $0x80;
	(pc) =	sbr.rel @p6 .LBB2_2-.Ltmp2, $4  }
0x137: {  	[sflag:s21] =	ssyncset.done $0x0  }
0x138: {  	s13 =	sadd.s32 $0x3008, s22;
	[sflag:s21] =	ssyncadd.s32 $0xFFFFFF80  }
0x139: {  	[tilespmem:s17], [sflag:$0x1] =	stream.indirect.gather [hbm4b:s7+s10], $0x1, s13, s10, $0xb8;
	[tilespmem:$0x9280] =	vst v63  }
0x13a: {  	s13 =	sadd.s32 $0x4408, s22  }
0x13b: {  	[tilespmem:s18], [sflag:$0x1] =	stream.indirect.gather [hbm4b:s8+s10], $0x10, s13, s10, $0xb8;
	[tilespmem:$0x9280] =	vst v63  }
0x13c: {  	_ =	swait.ge [sflag:s19], $0x80  }
0x13d: {  	[sflag:s19] =	ssyncset.done $0x0  }
0x13e: {  	[sflag:s19] =	ssyncadd.s32 $0xFFFFFF80  }
0x13f: {  	_ =	swait.ge [sflag:s19], $0x800  }
0x140: {  	[sflag:s19] =	ssyncset.done $0x0  }
0x141: {  	[sflag:s19] =	ssyncadd.s32 $0xFFFFF800  }
0x142: {  	[spmem:s1] =	stream.indirect.scatter.add.f32 [tilespmem:s12], [sflag:$0x2], $0x10, s11, s10, $0xb8;
	[tilespmem:$0x9280] =	vst v63  }
0x143: {  	s0 =	simm.s32 $0x6988  }
0x144: {  	[spmem:s2] =	stream.indirect.scatter.add.f32 [tilespmem:s0], [sflag:$0x2], $0x1, s11, s10, $0xb8;
	[tilespmem:$0x9280] =	vst v63  }
0x145: {  	_ = 	snop  }
0x146: {  	[spmem:s4] =	stream.indirect.scatter.add.f32 [tilespmem:s20], [sflag:$0x2], $0x1, s11, s10, $0xb8;
	[tilespmem:$0x9280] =	vst v63  }
0x147: {  	_ =	swait.ge [sflag:s21], $0x800  }
0x148: {  	[sflag:s21] =	ssyncset.done $0x0  }
0x149: {  	[sflag:s21] =	ssyncadd.s32 $0xFFFFF800  }
0x14a: {  	_ =	swait.ge [sflag:s21], $0x80  }
0x14b: {  	[sflag:s21] =	ssyncset.done $0x0  }
0x14c: {  	[sflag:s21] =	ssyncadd.s32 $0xFFFFFF80  }
0x14d: {  	_ =	swait.ge [sflag:s21], $0x80  }
0x14e: {  	[sflag:s21] =	ssyncset.done $0x0  }
0x14f: {  	[sflag:s21] =	ssyncadd.s32 $0xFFFFFF80  }
0x150: {  	_ =	swait.ge [sflag:s19], $0x80  }
0x151: {  	[sflag:s19] =	ssyncset.done $0x0  }
0x152: {  	[sflag:s19] =	ssyncadd.s32 $0xFFFFFF80  }
0x153: {  	_ =	swait.ge [sflag:s19], $0x800  }
0x154: {  	[sflag:s19] =	ssyncset.done $0x0  }
0x155: {  	[sflag:s19] =	ssyncadd.s32 $0xFFFFF800  }
0x156: {  	[spmem:s1] =	stream.indirect.scatter.add.f32 [tilespmem:s18], [sflag:$0x2], $0x10, s17, s10, $0xb8;
	[tilespmem:$0x9280] =	vst v63  }
0x157: {  	s13 =	simm.s32 $0x6A08  }
0x158: {  	[spmem:s2] =	stream.indirect.scatter.add.f32 [tilespmem:s13], [sflag:$0x2], $0x1, s17, s10, $0xb8;
	[tilespmem:$0x9280] =	vst v63  }
0x159: {  	_ = 	snop  }
0x15a: {  	[spmem:s4] =	stream.indirect.scatter.add.f32 [tilespmem:s20], [sflag:$0x2], $0x1, s17, s10, $0xb8;
	[tilespmem:$0x9280] =	vst v63  }
0x15b: {  	_ =	swait.ge [sflag:s21], $0x800  }
0x15c: {  	[sflag:s21] =	ssyncset.done $0x0  }
0x15d: {  	[sflag:s21] =	ssyncadd.s32 $0xFFFFF800  }
0x15e: {  	_ =	swait.ge [sflag:s21], $0x80  }
0x15f: {  	[sflag:s21] =	ssyncset.done $0x0  }
0x160: {  	[sflag:s21] =	ssyncadd.s32 $0xFFFFFF80  }
0x161: {  	_ =	swait.ge [sflag:s21], $0x80  }
0x162: {  	[sflag:s21] =	ssyncset.done $0x0;
	s9 =	rddreg [dreg:$0x15]  }
0x163: {  	s22 =	simm.s32 $0x0;
	s25 =	sld [smem:$0x7FD];
	[sflag:s21] =	ssyncadd.s32 $0xFFFFFF80  }
0x164: {  	[tilespmem:s12], [sflag:$0x1] =	stream.linear.gather [hbm4b:s9+s22], $0x800, $0x38;
	[tilespmem:$0x9280] =	vst v63  }
0x165: {  	_ = 	snop  }
0x166: {  	[tilespmem:s18], [sflag:$0x1] =	stream.linear.gather [hbm4b:s25+s22], $0x800, $0x38;
	[tilespmem:$0x9280] =	vst v63  }
0x167: {  	_ =	swait.ge [sflag:s19], $0x800  }
0x168: {  	[sflag:s19] =	ssyncset.done $0x0  }
0x169: {  	s28 =	simm.s32 $0x6A88;
	[sflag:s19] =	ssyncadd.s32 $0xFFFFF800  }
0x16a: {  	[spmem:s1] =	stream.indirect.scatter.add.f32 [tilespmem:s12], [sflag:$0x2], $0x10, s28, s10, $0xb8;
	[tilespmem:$0x9280] =	vst v63  }
0x16b: {  	_ = 	snop  }
0x16c: {  	[spmem:s5] =	stream.indirect.scatter.add.f32 [tilespmem:s20], [sflag:$0x2], $0x1, s28, s10, $0xb8;
	[tilespmem:$0x9280] =	vst v63  }
0x16d: {  	_ =	swait.ge [sflag:s21], $0x800  }
0x16e: {  	[sflag:s21] =	ssyncset.done $0x0  }
0x16f: {  	[sflag:s21] =	ssyncadd.s32 $0xFFFFF800  }
0x170: {  	_ =	swait.ge [sflag:s21], $0x80  }
0x171: {  	[sflag:s21] =	ssyncset.done $0x0  }
0x172: {  	s29 =	sadd.s32 $0x0, s31;
	[sflag:s21] =	ssyncadd.s32 $0xFFFFFF80  }
0x173: {  	[tilespmem:s12], [sflag:$0x1] =	stream.linear.gather [hbm4b:s29+s6], $0x800, $0x38;
	[tilespmem:$0x9280] =	vst v63  }
0x174: {  	_ =	swait.ge [sflag:s19], $0x800  }
0x175: {  	[sflag:s19] =	ssyncset.done $0x0  }
0x176: {  	s30 =	simm.s32 $0x6B08;
	[sflag:s19] =	ssyncadd.s32 $0xFFFFF800  }
0x177: {  	[spmem:s1] =	stream.indirect.scatter.add.f32 [tilespmem:s18], [sflag:$0x2], $0x10, s30, s10, $0xb8;
	[tilespmem:$0x9280] =	vst v63  }
0x178: {  	_ = 	snop  }
0x179: {  	[spmem:s5] =	stream.indirect.scatter.add.f32 [tilespmem:s20], [sflag:$0x2], $0x1, s30, s10, $0xb8;
	[tilespmem:$0x9280] =	vst v63  }
0x17a: {  	_ =	swait.ge [sflag:s21], $0x800  }
0x17b: {  	[sflag:s21] =	ssyncset.done $0x0  }
0x17c: {  	[sflag:s21] =	ssyncadd.s32 $0xFFFFF800  }
0x17d: {  	_ =	swait.ge [sflag:s21], $0x80  }
0x17e: {  	s0 =	simm.s32 $0x200;
	[sflag:s21] =	ssyncset.done $0x0  }
0x17f: {  	s13 =	sadd.s32 $0x0, s23;
	s22 =	simm.s32 $0x6C08;
	[sflag:s21] =	ssyncadd.s32 $0xFFFFFF80  }
.LBB2_4:
0x180: {  	[tilespmem:s18], [sflag:$0x1] =	stream.linear.gather [hbm4b:s13+s6], $0x800, $0x38;
	[tilespmem:$0x9280] =	vst v63  }
0x181: {  	s13 =	smov.u32 s0  }
0x182: {  	p6 =	sne.s32 s0, $0x2400;
	s0 =	sadd.s32 $0x200, s0;
	_ =	swait.ge [sflag:s19], $0x800  }
0x183: {  	[sflag:s19] =	ssyncset.done $0x0  }
0x184: {  	s25 =	sadd.s32 $0xFFFFFF80, s22;
	[sflag:s19] =	ssyncadd.s32 $0xFFFFF800  }
0x185: {  	[spmem:s1] =	stream.indirect.scatter.add.f32 [tilespmem:s12], [sflag:$0x2], $0x10, s25, s10, $0xb8;
	[tilespmem:$0x9280] =	vst v63  }
0x186: {  	_ = 	snop  }
0x187: {  	[spmem:s5] =	stream.indirect.scatter.add.f32 [tilespmem:s20], [sflag:$0x2], $0x1, s25, s10, $0xb8;
	[tilespmem:$0x9280] =	vst v63  }
0x188: {  	_ =	swait.ge [sflag:s21], $0x800  }
0x189: {  	[sflag:s21] =	ssyncset.done $0x0  }
0x18a: {  	[sflag:s21] =	ssyncadd.s32 $0xFFFFF800  }
0x18b: {  	_ =	swait.ge [sflag:s21], $0x80  }
0x18c: {  	[sflag:s21] =	ssyncset.done $0x0  }
0x18d: {  	s25 =	sadd.s32 s13, s31;
	[sflag:s21] =	ssyncadd.s32 $0xFFFFFF80  }
0x18e: {  	[tilespmem:s12], [sflag:$0x1] =	stream.linear.gather [hbm4b:s25+s6], $0x800, $0x38;
	[tilespmem:$0x9280] =	vst v63  }
0x18f: {  	_ =	swait.ge [sflag:s19], $0x800  }
0x190: {  	[sflag:s19] =	ssyncset.done $0x0  }
0x191: {  	[sflag:s19] =	ssyncadd.s32 $0xFFFFF800  }
0x192: {  	[spmem:s1] =	stream.indirect.scatter.add.f32 [tilespmem:s18], [sflag:$0x2], $0x10, s22, s10, $0xb8;
	[tilespmem:$0x9280] =	vst v63  }
0x193: {  	_ = 	snop  }
0x194: {  	[spmem:s5] =	stream.indirect.scatter.add.f32 [tilespmem:s20], [sflag:$0x2], $0x1, s22, s10, $0xb8;
	[tilespmem:$0x9280] =	vst v63  }
0x195: {  	_ =	swait.ge [sflag:s21], $0x800  }
.Ltmp3:
0x196: {  	[sflag:s21] =	ssyncset.done $0x0;
	(pc) =	sbr.rel @p6 .LBB2_4-.Ltmp3, $4  }
0x197: {  	[sflag:s21] =	ssyncadd.s32 $0xFFFFF800  }
0x198: {  	_ =	swait.ge [sflag:s21], $0x80  }
0x199: {  	[sflag:s21] =	ssyncset.done $0x0  }
0x19a: {  	s13 =	sadd.s32 s13, s23;
	s22 =	sadd.s32 $0x100, s22;
	[sflag:s21] =	ssyncadd.s32 $0xFFFFFF80  }
0x19b: {  	[tilespmem:s18], [sflag:$0x1] =	stream.linear.gather [hbm4b:s13+s6], $0x800, $0x38;
	[tilespmem:$0x9280] =	vst v63  }
0x19c: {  	_ =	swait.ge [sflag:s19], $0x800  }
0x19d: {  	[sflag:s19] =	ssyncset.done $0x0  }
0x19e: {  	s0 =	simm.s32 $0x7D88;
	[sflag:s19] =	ssyncadd.s32 $0xFFFFF800  }
0x19f: {  	[spmem:s1] =	stream.indirect.scatter.add.f32 [tilespmem:s12], [sflag:$0x2], $0x10, s0, s10, $0xb8;
	[tilespmem:$0x9280] =	vst v63  }
0x1a0: {  	_ = 	snop  }
0x1a1: {  	[spmem:s5] =	stream.indirect.scatter.add.f32 [tilespmem:s20], [sflag:$0x2], $0x1, s0, s10, $0xb8;
	[tilespmem:$0x9280] =	vst v63  }
0x1a2: {  	_ =	swait.ge [sflag:s21], $0x800  }
0x1a3: {  	[sflag:s21] =	ssyncset.done $0x0  }
0x1a4: {  	[sflag:s21] =	ssyncadd.s32 $0xFFFFF800  }
0x1a5: {  	_ =	swait.ge [sflag:s21], $0x80  }
0x1a6: {  	[sflag:s21] =	ssyncset.done $0x0  }
0x1a7: {  	[sflag:s21] =	ssyncadd.s32 $0xFFFFFF80  }
0x1a8: {  	_ =	swait.ge [sflag:s19], $0x800  }
0x1a9: {  	[sflag:s19] =	ssyncset.done $0x0  }
0x1aa: {  	s30 =	simm.s32 $0x7E08;
	[sflag:s19] =	ssyncadd.s32 $0xFFFFF800  }
0x1ab: {  	[spmem:s1] =	stream.indirect.scatter.add.f32 [tilespmem:s18], [sflag:$0x2], $0x10, s30, s10, $0xb8;
	[tilespmem:$0x9280] =	vst v63  }
0x1ac: {  	_ = 	snop  }
0x1ad: {  	[spmem:s5] =	stream.indirect.scatter.add.f32 [tilespmem:s20], [sflag:$0x2], $0x1, s30, s10, $0xb8;
	[tilespmem:$0x9280] =	vst v63  }
0x1ae: {  	_ =	swait.ge [sflag:s21], $0x800  }
0x1af: {  	[sflag:s21] =	ssyncset.done $0x0  }
0x1b0: {  	[sflag:s21] =	ssyncadd.s32 $0xFFFFF800  }
0x1b1: {  	_ =	swait.ge [sflag:s21], $0x80  }
0x1b2: {  	[sflag:s21] =	ssyncset.done $0x0  }
0x1b3: {  	[sflag:s21] =	ssyncadd.s32 $0xFFFFFF80  }
0x1b4: {  	[bflag:$0x0] =	sbarrier.arrive $0xFFFF  }
0x1b5: {  	s0 =	sshrl.u32 @!p1 s15, $0x3;
	s9 =	rddreg [dreg:$0x8]  }
0x1b6: {  	[hbm:s9], [sflag:s16] =	dma.local @!p1 [spmem:s0], $0x4E0  }
0x1b7: {  	s0 =	simm.s32 @!p1 $0x3  }
0x1b8: {  	_ =	swait.ge @!p1 [sflag:s0], $0x4E0  }
0x1b9: {  	[sflag:s0] =	ssyncset.done @!p1 $0x0  }
0x1ba: {  	[sflag:s0] =	ssyncadd.s32 @!p1 $0xFFFFFB20;
	s0 =	rddreg [dreg:$0x16]  }
0x1bb: {  	s9 =	rddreg [dreg:$0x9];
	s0 =	sshrl.u32 @!p5 s0, $0x3  }
0x1bc: {  	[hbm:s9], [sflag:s16] =	dma.local @!p5 [spmem:s0], $0x10  }
.Ltmp4:
0x1bd: {  	_ = 	snop;
	(pc) =	sbr.rel @!p0 .LBB2_8-.Ltmp4, $4  }
0x1be: {  	s0 =	simm.s32 @!p5 $0x3  }
0x1bf: {  	_ =	swait.ge @!p5 [sflag:s0], $0x10  }
0x1c0: {  	[sflag:s0] =	ssyncset.done @!p5 $0x0  }
0x1c1: {  	s22 =	simm.s32 $0x9008;
	[sflag:s0] =	ssyncadd.s32 @!p5 $0xFFFFFFF0  }
.Ltmp5:
0x1c2: {  	s0 =	rddreg [dreg:$0xa];
	(pc) =	sbr.rel @!p4 .LBB2_7-.Ltmp5, $4  }
0x1c3: {  	[hbm:s0], [sflag:s16] =	dma.local [spmem:s3], $0x4E0  }
0x1c4: {  	_ =	swait.ge [sflag:s14], $0x4E0  }
0x1c5: {  	[sflag:s14] =	ssyncset.done $0x0  }
0x1c6: {  	[sflag:s14] =	ssyncadd.s32 $0xFFFFFB20  }
.Ltmp6:
0x1c7: {  	(pc) =	sbr.rel .LBB2_10-.Ltmp6, $4  }
0x1c8: {  	[tilespmem:s22], [sflag:$0x3] =	stream.linear.gather [spmem:s26], $0x270, $0x38;
	[tilespmem:$0x9280] =	vst v63  }
0x1c9: {  	_ =	swait.ge [sflag:s14], $0x270  }
0x1ca: {  	[sflag:s14] =	ssyncset.done $0x0  }
0x1cb: {  	[sflag:s14] =	ssyncadd.s32 $0xFFFFFD90  }
.LBB2_11:
0x1cc: {  	_ =	sfence.sel $0x180000  }
0x1cd: {  	[bflag:$0x0] =	sbarrier.arrive $0xFFFF  }
0x1ce: {  	_ =	strace $0x90000047  }
0x1cf: {  	s0 =	stileid.u32;
	[bflag:$0x2] =	sbarrier.arrive $0xFFFF  }
0x1d0: {  	p0 =	sne.s32 s0, $0x0;
	s0 =	rddreg [dreg:$0x5]  }
0x1d1: {  	s0 =	sadd.s32 @!p0 $0x100000, s0  }
0x1d2: {  	[sflag:s0] =	ssyncadd.tile.s32 @!p0 $0x1;
	_ =	shalt  }
.Lfunc_end2:
_tile_overlayer_lowered:
.L_overlay_start_2:
0x1d3: {  	(tag) =	ssettag $0x2  }
0x1d4: {  	s0 =	rddreg [dreg:$0x0];
	s2 =	stileid.u32  }
0x1d5: {  	s1 =	rddreg [dreg:$0x1];
	p0 =	sne.s32 s2, $0x0  }
0x1d6: {  	s3 =	rddreg [dreg:$0x2];
	[bflag:$0x3] =	sbarrier.arrive $0xFFFF;
	s2 =	simm.s32 @!p0 $0x1C03  }
0x1d7: {  	[timem:s3], [sflag:s2] =	dma.local @!p0 [hbm:s0], s1  }
0x1d8: {  	s0 =	simm.s32 @!p0 $0x3  }
0x1d9: {  	_ =	swait.ge @!p0 [sflag:s0], s1  }
0x1da: {  	s1 =	ssub.s32 @!p0 $0x0, s1;
	[sflag:s0] =	ssyncset.done @!p0 $0x0  }
0x1db: {  	[sflag:s0] =	ssyncadd.s32 @!p0 s1  }
0x1dc: {  	[bflag:$0x3] =	sbarrier.arrive $0xFFFF  }
0x1dd: {  	_ =	shalt  }

// kernel: kernel.16.cloned.1.call-start
scs
__scs_entry_jumppad:
0x0: {  	(pc) =	sbr.rel $0x88, $3  }
0x1: {  	(tag) =	ssettag $0x0;
	lr =	simm.s32 $0x1  }
0x2: {  	[smem:$0x3F78] =	sst lr;
	_ =	strace $0xD0000000  }
0x3: {  	_ = 	snop  }
0x4: {  	_ = 	snop  }
0x5: {  	_ = 	snop  }
0x6: {  	_ = 	snop  }
0x7: {  	_ = 	snop  }
__scs_overlays_trampoline_lowered:
0x8: {  	[smem:$0x3F87] =	sst s0  }
0x9: {  	[smem:$0x3F88] =	sst s1  }
0xa: {  	[smem:$0x3F89] =	sst s2  }
0xb: {  	[smem:$0x3F8A] =	sst s3  }
0xc: {  	[smem:$0x3F8B] =	sst s4  }
0xd: {  	[smem:$0x3F8C] =	sst s5  }
0xe: {  	[smem:$0x3F8D] =	sst s6  }
0xf: {  	[smem:$0x3F8E] =	sst s7  }
0x10: {  	[smem:$0x3F8F] =	sst s8  }
0x11: {  	[smem:$0x3F90] =	sst s9;
	s0 =	simm.s32 @!p0 $0x0  }
0x12: {  	s1 =	sld [smem:$0x3F76];
	s0 =	simm.s32 @p0 $0x1  }
0x13: {  	[smem:$0x3F91] =	sst s0;
	s0 =	simm.s32 @!p1 $0x0  }
0x14: {  	s2 =	sld [smem:$0x3F75];
	s0 =	simm.s32 @p1 $0x1  }
0x15: {  	[smem:$0x3F92] =	sst s0;
	s0 =	simm.s32 @!p2 $0x0  }
0x16: {  	s3 =	sld [smem:$0x3FDB];
	s0 =	simm.s32 @p2 $0x1  }
0x17: {  	s4 =	simm.s32 $0x1BF5;
	[smem:$0x3F94] =	sst s0  }
0x18: {  	s0 =	sld [smem:$0x3F77];
	_ =	swait.ge [sflag:s4], $0x0  }
0x19: {  	s7 =	sld [smem:$0x3F78]  }
0x1a: {  	s8 =	sadd.s32 $0xFFFFE003, lr  }
0x1b: {  	s9 =	sadd.s32 $0xFFFFFEF7, lr;
	s5 =	simm.s32 $0xFFFFFFFF;
	p2 =	slt.u32 s8, $0xFFFFF086  }
0x1c: {  	p1 =	slt.u32 s9, $0xF7A;
	s5 =	simm.s32 @!p2 $0x0  }
0x1d: {  	s5 =	simm.s32 @p1 $0x1;
	p0 =	seq.s32 s7, s2  }
0x1e: {  	s7 =	smul.u32 @!p0 $0xF7A, s2;
	p2 =	seq.s32 @!p0 s5, $0x0  }
0x1f: {  	s9 =	smul.u32 $0xF7A, s1;
	s8 =	simm.s32 @!p0 $0x1BF5;
	p2 =	por !p2, p0  }
0x20: {  	[sflag:s8] =	ssyncset.s32 @!p0 $0xFFFFF086;
	s6 =	sadd.s32 @!p0 s3, s7;
	s7 =	simm.s32 @!p0 $0x108  }
0x21: {  	s3 =	sadd.s32 s3, s9;
	s6 =	sadd.s32 @!p0 $0x88, s6;
	s7 =	simm.s32 @p2 $0x1082  }
0x22: {  	[simem:s7], [sflag:s8] =	dma.local @!p0 [hbm:s6], $0xF7A  }
0x23: {  	s9 =	sor.u32 $0xD0000000, s2;
	s6 =	simm.s32 $0x108;
	_ =	swait.ge @!p0 [sflag:s8], $0x0  }
0x24: {  	s3 =	sadd.s32 $0x88, s3;
	s6 =	simm.s32 @!p1 $0x1082;
	[sflag:s4] =	ssyncset.s32 $0xFFFFF086  }
0x25: {  	[simem:s6], [sflag:s4] =	dma.local [hbm:s3], $0xF7A  }
0x26: {  	[smem:$0x3F78] =	sst s1;
	(tag) =	ssettag s2;
	_ =	strace s9  }
0x27: {  	s1 =	sld [smem:$0x3F88]  }
0x28: {  	s2 =	sld [smem:$0x3F89]  }
0x29: {  	s4 =	sld [smem:$0x3F8B]  }
0x2a: {  	p0 =	seq.s32 s5, $0x0;
	s5 =	sld [smem:$0x3F8C]  }
0x2b: {  	s6 =	sld [smem:$0x3F8D]  }
0x2c: {  	s7 =	sld [smem:$0x3F8E]  }
0x2d: {  	s3 =	simm.s32 $0x108;
	s8 =	sld [smem:$0x3F8F]  }
0x2e: {  	s3 =	simm.s32 @!p0 $0x1082;
	s9 =	sld [smem:$0x3F90]  }
0x2f: {  	lr =	sadd.s32 s0, s3;
	s0 =	sld [smem:$0x3F87]  }
0x30: {  	s3 =	sld [smem:$0x3F8A]  }
0x31: {  	[smem:$0x3F93] =	sst s10  }
0x32: {  	s10 =	sld [smem:$0x3F91];
	_ =	sdelay $0x3  }
0x33: {  	p0 =	seq.s32 s10, $0x1;
	s10 =	sld [smem:$0x3F93];
	_ =	sdelay $0x3  }
0x34: {  	[smem:$0x3F93] =	sst s10  }
0x35: {  	s10 =	sld [smem:$0x3F92];
	_ =	sdelay $0x3  }
0x36: {  	p1 =	seq.s32 s10, $0x1;
	s10 =	sld [smem:$0x3F93];
	_ =	sdelay $0x3  }
0x37: {  	[smem:$0x3F93] =	sst s10  }
0x38: {  	s10 =	sld [smem:$0x3F94]  }
0x39: {  	_ = 	snop;
	(pc) =	sbr.ind lr, $3  }
0x3a: {  	_ = 	snop  }
0x3b: {  	_ = 	snop  }
0x3c: {  	p2 =	seq.s32 s10, $0x1;
	s10 =	sld [smem:$0x3F93]  }
0x3d: {  	_ =	shalt  }
0x3e: {  	_ =	shalt  }
0x3f: {  	_ =	shalt  }
0x40: {  	_ =	shalt  }
0x41: {  	_ =	shalt  }
0x42: {  	_ =	shalt  }
0x43: {  	_ =	shalt  }
0x44: {  	_ =	shalt  }
0x45: {  	_ =	shalt  }
0x46: {  	_ =	shalt  }
0x47: {  	_ =	shalt  }
0x48: {  	_ =	shalt  }
0x49: {  	_ =	shalt  }
0x4a: {  	_ =	shalt  }
0x4b: {  	_ =	shalt  }
0x4c: {  	_ =	shalt  }
0x4d: {  	_ =	shalt  }
0x4e: {  	_ =	shalt  }
0x4f: {  	_ =	shalt  }
0x50: {  	_ =	shalt  }
0x51: {  	_ =	shalt  }
0x52: {  	_ =	shalt  }
0x53: {  	_ =	shalt  }
0x54: {  	_ =	shalt  }
0x55: {  	_ =	shalt  }
0x56: {  	_ =	shalt  }
0x57: {  	_ =	shalt  }
0x58: {  	_ =	shalt  }
0x59: {  	_ =	shalt  }
0x5a: {  	_ =	shalt  }
0x5b: {  	_ =	shalt  }
0x5c: {  	_ =	shalt  }
0x5d: {  	_ =	shalt  }
0x5e: {  	_ =	shalt  }
0x5f: {  	_ =	shalt  }
0x60: {  	_ =	shalt  }
0x61: {  	_ =	shalt  }
0x62: {  	_ =	shalt  }
0x63: {  	_ =	shalt  }
0x64: {  	_ =	shalt  }
0x65: {  	_ =	shalt  }
0x66: {  	_ =	shalt  }
0x67: {  	_ =	shalt  }
0x68: {  	_ =	shalt  }
0x69: {  	_ =	shalt  }
0x6a: {  	_ =	shalt  }
0x6b: {  	_ =	shalt  }
0x6c: {  	_ =	shalt  }
0x6d: {  	_ =	shalt  }
0x6e: {  	_ =	shalt  }
0x6f: {  	_ =	shalt  }
0x70: {  	_ =	shalt  }
0x71: {  	_ =	shalt  }
0x72: {  	_ =	shalt  }
0x73: {  	_ =	shalt  }
0x74: {  	_ =	shalt  }
0x75: {  	_ =	shalt  }
0x76: {  	_ =	shalt  }
0x77: {  	_ =	shalt  }
0x78: {  	_ =	shalt  }
0x79: {  	_ =	shalt  }
0x7a: {  	_ =	shalt  }
0x7b: {  	_ =	shalt  }
0x7c: {  	_ =	shalt  }
0x7d: {  	_ =	shalt  }
0x7e: {  	_ =	shalt  }
0x7f: {  	_ =	shalt  }
0x80: {  	_ =	shalt  }
0x81: {  	_ =	shalt  }
0x82: {  	_ =	shalt  }
0x83: {  	_ =	shalt  }
0x84: {  	_ =	shalt  }
0x85: {  	_ =	shalt  }
0x86: {  	_ =	shalt  }
0x87: {  	_ =	shalt  }
.Lfunc_end0:
.L_simem_size_0:
called_computation.1_lowered:
.L_overlay_start_0:
0x88: {  	s2 =	sld [smem:$0x3FD9]  }
0x89: {  	s3 =	sld [smem:$0x3FFE];
	_ =	sdelay $0x1  }
0x8a: {  	s1 =	srdreg.scid  }
0x8b: {  	s0 =	sand.u32 $0x1, s1  }
0x8c: {  	s17 =	sshll.u32 s0, $0xA;
	s2 =	sadd.s32 s3, s2  }
0x8d: {  	s2 =	sadd.s32 s2, s17  }
0x8e: {  	[smem:$0x3F9F] =	sst s2  }
0x8f: {  	_ = 	snop  }
0x90: {  	(tm) =	ssettm $0x1  }
0x91: {  	s18 =	sld [smem:$0x3FFB];
	_ =	sdelay $0x3  }
0x92: {  	_ =	strace s18  }
0x93: {  	s2 =	sld [smem:$0x3FFC];
	_ =	sdelay $0x3  }
0x94: {  	_ =	strace s2  }
0x95: {  	s2 =	sld [smem:$0x3FFD];
	_ =	sdelay $0x3  }
0x96: {  	_ =	strace s2  }
0x97: {  	_ =	strace $0x8FFFFFFF  }
0x98: {  	s19 =	sld [smem:$0x3FDB];
	_ =	sdelay $0x1  }
0x99: {  	s20 =	simm.s32 $_scs_section_size  }
0x9a: {  	s4 =	simm.s32 $_size__tile_overlayer_lowered;
	s5 =	simm.s32 $_tile_overlayer_lowered  }
0x9b: {  	s6 =	simm.s32 $0x1BFF;
	s21 =	sshll.u32 s5, $0x1;
	s3 =	sadd.s32 s20, s19  }
0x9c: {  	s22 =	simm.s32 $0x0;
	s4 =	sshll.u32 s4, $0x1;
	s5 =	sadd.s32 s21, s3  }
0x9d: {  	[timem:s22], [sflag:s6] =	dma.local [hbm:s5], s4  }
0x9e: {  	_ =	swait.ge [sflag:s6], s4  }
0x9f: {  	s4 =	ssub.s32 $0x0, s4;
	[sflag:s6] =	ssyncset.done $0x0  }
0xa0: {  	[sflag:s6] =	ssyncadd.s32 s4;
	_ =	sdelay $0x1  }
0xa1: {  	s23 =	simm.s32 $0x1B8B  }
0xa2: {  	_ =	swait.ge [sflag:s23], $0x1  }
0xa3: {  	[sflag:s23] =	ssyncset.done $0x0  }
0xa4: {  	[sflag:s23] =	ssyncadd.s32 $0xFFFFFFFF  }
0xa5: {  	s4 =	sld [smem:$0x0]  }
0xa6: {  	s5 =	sand.u32 $0xFFFFFFFE, s1  }
0xa7: {  	p0 =	sne.s32 s1, s5  }
0xa8: {  	s5 =	sshll.u32 @p0 s5, $0xE  }
0xa9: {  	s5 =	sadd.s32 @p0 $0x11B8D, s5;
	s6 =	sshll.u32 @p0 s4, $0x11  }
0xaa: {  	s5 =	sor.u32 @p0 s6, s5  }
0xab: {  	[sflag:s5] =	ssyncadd.remote.s32 @p0 $0x1;
	_ =	sdelay $0x1  }
0xac: {  	s5 =	simm.s32 @p0 $0x1B8D  }
0xad: {  	_ =	swait.eq @p0 [sflag:s5], $0x1  }
0xae: {  	[sflag:s5] =	ssyncadd.s32 @p0 $0xFFFFFFFF  }
0xaf: {  	s6 =	sshll.u32 @!p0 s1, $0xE  }
0xb0: {  	s6 =	sor.u32 @!p0 $0x4000, s6;
	s5 =	simm.s32 @!p0 $0x1B8D  }
0xb1: {  	s4 =	sshll.u32 @!p0 s4, $0x11;
	s6 =	sadd.s32 @!p0 $0x11B8D, s6;
	_ =	swait.eq @!p0 [sflag:s5], $0x1  }
0xb2: {  	s4 =	sor.u32 @!p0 s4, s6;
	[sflag:s5] =	ssyncadd.s32 @!p0 $0xFFFFFFFF  }
0xb3: {  	s25 =	simm.s32 $0x1B8E;
	s24 =	sld [smem:$0x3FFE];
	[sflag:s4] =	ssyncadd.remote.s32 @!p0 $0x1  }
0xb4: {  	s26 =	simm.s32 $execute0_lowered;
	[smem:$0x3FD2] =	sst s25  }
0xb5: {  	s5 =	sshll.u32 s26, $0x1;
	_ =	strace $0x80000049;
	[dreg:$0x1] =	wrdreg $0xFFFFFFFF  }
0xb6: {  	s28 =	simm.s32 $_size_execute0_lowered;
	s3 =	sadd.s32 s3, s5;
	[dreg:$0x0] =	wrdreg $0x0  }
0xb7: {  	s5 =	sshll.u32 s28, $0x1;
	[dreg:$0x2] =	wrdreg s3  }
0xb8: {  	[dreg:$0x3] =	wrdreg s5  }
0xb9: {  	[dreg:$0x4] =	wrdreg $0xC0  }
0xba: {  	_ =	task [dreg:s22], $0x5FFFF  }
0xbb: {  	[dreg:$0x1] =	wrdreg $0xFFFFFFFF  }
0xbc: {  	[dreg:$0x0] =	wrdreg $0x60  }
0xbd: {  	[dreg:$0x2] =	wrdreg s24  }
0xbe: {  	[dreg:$0x3] =	wrdreg $0x0  }
0xbf: {  	[dreg:$0x4] =	wrdreg $0xA  }
0xc0: {  	_ =	task.clear_ibuf [dreg:s22], $0x5FFFF;
	_ =	strace $0x90000049  }
0xc1: {  	s29 =	simm.s32 $0xA;
	_ =	strace $0x8000004B  }
0xc2: {  	_ =	swait.ge [sflag:s29], $0x1  }
0xc3: {  	[sflag:s29] =	ssyncadd.s32 $0xFFFFFFFF  }
0xc4: {  	_ =	strace $0x9000004B  }
0xc5: {  	_ =	sfence  }
0xc6: {  	s30 =	sld [smem:$0x0];
	_ =	sdelay $0x2  }
0xc7: {  	s31 =	sshll.u32 s1, $0xD;
	s1 =	sshrl.u32 s1, $0x2  }
0xc8: {  	s4 =	sand.u32 $0x4000, s31;
	s1 =	sadd.s32 s1, s30  }
0xc9: {  	s0 =	sor.u32 s4, s0;
	s1 =	sshll.u32 s1, $0x11  }
0xca: {  	s0 =	sor.u32 s1, s0  }
0xcb: {  	s0 =	sadd.s32 $0x8F2B, s0  }
0xcc: {  	[sflag:s0] =	ssyncadd.remote.s32 $0x1  }
0xcd: {  	_ =	sfence.sel $0xFFFF  }
0xce: {  	[dreg:$0x0] =	wrdreg $0xFFFFFFFF;
	(pc) =	sbr.abs _section_cstart, $3  }
0xcf: {  	[dreg:$0x1] =	wrdreg $0xFFFFFFFF  }
0xd0: {  	_ =	task.clear_ibuf [dreg:s22], $0x2FFFF;
	_ =	strace $0x9FFFFFFF  }
0xd1: {  	(tm) =	ssettm $0x7FFFFFFF  }
tec
execute0_lowered:
.L_overlay_start_1:
0x0: {  	(tag) =	ssettag $0x1  }
0x1: {  	s0 =	srdreg.scid;
	s1 =	rddreg [dreg:$0x0]  }
0x2: {  	s7 =	stileid.u32;
	s2 =	rddreg [dreg:$0x1];
	s18 =	simm.s32 $0x13900  }
0x3: {  	s19 =	simm.s32 $0x14D00;
	s20 =	simm.s32 $0x80;
	s28 =	simm.s32 $0x2  }
0x4: {  	s29 =	simm.s32 $0x4;
	s30 =	simm.s32 $0x16000;
	s31 =	simm.s32 $0x16080  }
0x5: {  	s0 =	sand.u32 $0x1, s0;
	s3 =	sshll.u32 s7, $0x1;
	s9 =	smul.u32 $0x4E000, s7  }
0x6: {  	s14 =	sadd.s32 $0xB3400, s1;
	s16 =	sadd.s32 $0xDA600, s1;
	s23 =	sshll.u32 s7, $0xA  }
0x7: {  	s24 =	sshll.u32 s7, $0x6;
	s10 =	sshll.u32 s7, $0x3;
	s13 =	smul.u32 $0x2700, s7  }
0x8: {  	p1 =	sgt.u32 s7, $0x1;
	p2 =	slt.u32 s7, $0x2;
	s4 =	sor.u32 s0, s3  }
0x9: {  	s3 =	simm.s32 $0x0;
	s8 =	ssub.s32 $0x2, s0;
	s12 =	sor.u32 $0x2700, s10  }
0xa: {  	p0 =	seq.s32 s0, $0x1;
	s11 =	smov.u32 s16;
	s5 =	smul.u32 $0x280, s4  }
0xb: {  	[smem:$0x7FF] =	sst s3;
	s4 =	sadd.s32 $0x89A00, s1;
	s21 =	sshrl.u32 s8, $0x1  }
0xc: {  	s22 =	sshrl.u32 s9, $0x2;
	s9 =	sadd.s32 s23, s2;
	s25 =	sshll.u32 s12, $0x7  }
0xd: {  	s26 =	sadd.s32 s14, s13;
	s12 =	sshll.u32 s12, $0x4;
	s13 =	sadd.s32 s16, s13  }
0xe: {  	s16 =	simm.s32 $0x5;
	s23 =	simm.s32 $0x1A100;
	_ =	strace $0x8000004A  }
0xf: {  	s15 =	sadd.s32 s22, s2;
	s17 =	sadd.s32 $0x138000, s9;
	[dreg:$0x3] =	wrdreg s14  }
0x10: {  	[dreg:$0x4] =	wrdreg s26;
	s0 =	sadd.s32 s25, s2;
	s22 =	simm.s32 $0x13980  }
.Ltmp0:
0x11: {  	s26 =	simm.s32 $0x3;
	s6 =	sadd.s32 s5, s1;
	(pc) =	sbr.rel .LBB2_1-.Ltmp0, $4  }
0x12: {  	s5 =	sadd.s32 $0xB0C00, s1;
	s1 =	ssub.s32 s8, s21;
	s8 =	sor.u32 $0x1C05, s24  }
0x13: {  	s15 =	sshrl.u32 s15, $0x3;
	s17 =	sshrl.u32 @!p1 s17, $0x3;
	s21 =	simm.s32 $0x16100  }
0x14: {  	s24 =	simm.s32 $0x1;
	s25 =	sshrl.u32 s0, $0x3;
	s9 =	sadd.s32 $0x72E00, s6  }
0x15: {  	s10 =	sadd.s32 $0x84A00, s6;
	s14 =	smax.u32 s1, $0x1;
	s1 =	simm.s32 $0x0  }
.LBB2_6:
0x16: {  	s0 =	sadd.s32 s0, s12  }
0x17: {  	[hbm:s0], [sflag:s8] =	dma.local [spmem:s25], $0x80  }
0x18: {  	_ =	swait.ge [sflag:s16], $0x80  }
0x19: {  	[sflag:s16] =	ssyncset.done $0x0  }
0x1a: {  	[sflag:s16] =	ssyncadd.s32 $0xFFFFFF80  }
.LBB2_7:
0x1b: {  	s1 =	sadd.s32 $0x1, s1  }
0x1c: {  	p3 =	sne.s32 s1, s14  }
.Ltmp1:
0x1d: {  	_ = 	snop;
	(pc) =	sbr.rel @!p3 .LBB2_8-.Ltmp1, $1  }
0x1e: {  	_ =	sdelay $0x3  }
.LBB2_1:
0x1f: {  	[spmem:s15], [sflag:s8] =	dma.local [hbm:s5], $0x2700  }
0x20: {  	_ =	swait.ge [sflag:s16], $0x2700  }
0x21: {  	[sflag:s16] =	ssyncset.done $0x0  }
0x22: {  	s0 =	simm.s32 @!p1 $0x5;
	[sflag:s16] =	ssyncadd.s32 $0xFFFFD900  }
0x23: {  	[spmem:s17], [sflag:s8] =	dma.local @!p1 [hbm:s5], $0x80  }
0x24: {  	_ =	swait.ge @!p1 [sflag:s0], $0x80  }
0x25: {  	[sflag:s0] =	ssyncset.done @!p1 $0x0  }
0x26: {  	[sflag:s0] =	ssyncadd.s32 @!p1 $0xFFFFFF80  }
0x27: {  	[tilespmem:s18], [sflag:$0x5] =	stream.linear.gather [hbm4b:s9+s3], $0x1400, $0x38;
	[tilespmem:$0x1E100] =	vst v63  }
0x28: {  	_ =	swait.ge [sflag:s16], $0x1400  }
0x29: {  	[sflag:s16] =	ssyncset.done $0x0  }
0x2a: {  	[sflag:s16] =	ssyncadd.s32 $0xFFFFEC00  }
0x2b: {  	[tilespmem:s19], [sflag:$0x5] =	stream.linear.gather [hbm4b:s10+s3], $0x1400, $0x38;
	[tilespmem:$0x1E100] =	vst v63  }
0x2c: {  	_ =	swait.ge [sflag:s16], $0x1400  }
0x2d: {  	[sflag:s16] =	ssyncset.done $0x0  }
0x2e: {  	[sflag:s16] =	ssyncadd.s32 $0xFFFFEC00  }
0x2f: {  	[bflag:$0x0] =	sbarrier.arrive $0xFFFF  }
0x30: {  	[tilespmem:s21], [sflag:$0x1] =	stream.indirect.gather [hbm4b:s4+s20], $0x80, s18, s20, $0xb8;
	[tilespmem:$0x1E100] =	vst v63  }
0x31: {  	_ = 	snop  }
0x32: {  	[tilespmem:s23], [sflag:$0x2] =	stream.indirect.gather [hbm4b:s4+s20], $0x80, s22, s20, $0xb8;
	[tilespmem:$0x1E100] =	vst v63  }
0x33: {  	_ =	swait.ge [sflag:s24], $0x4000  }
0x34: {  	[sflag:s24] =	ssyncset.done $0x0  }
0x35: {  	s7 =	simm.s32 $0x14D00;
	[sflag:s24] =	ssyncadd.s32 $0xFFFFC000  }
0x36: {  	[spmem:s2] =	stream.indirect.scatter.add.f32 [tilespmem:s21], [sflag:$0x3], $0x80, s7, s20, $0xb8;
	[tilespmem:$0x1E100] =	vst v63  }
0x37: {  	_ =	swait.ge [sflag:s26], $0x4000  }
0x38: {  	[sflag:s26] =	ssyncset.done $0x0  }
0x39: {  	s6 =	simm.s32 $0x13A00;
	[sflag:s26] =	ssyncadd.s32 $0xFFFFC000  }
0x3a: {  	[tilespmem:s21], [sflag:$0x1] =	stream.indirect.gather [hbm4b:s4+s20], $0x80, s6, s20, $0xb8;
	[tilespmem:$0x1E100] =	vst v63  }
0x3b: {  	_ =	swait.ge [sflag:s28], $0x4000  }
0x3c: {  	[sflag:s28] =	ssyncset.done $0x0  }
0x3d: {  	s7 =	simm.s32 $0x14D80;
	[sflag:s28] =	ssyncadd.s32 $0xFFFFC000  }
0x3e: {  	[spmem:s2] =	stream.indirect.scatter.add.f32 [tilespmem:s23], [sflag:$0x4], $0x80, s7, s20, $0xb8;
	[tilespmem:$0x1E100] =	vst v63  }
0x3f: {  	_ =	swait.ge [sflag:s29], $0x4000  }
0x40: {  	[sflag:s29] =	ssyncset.done $0x0  }
0x41: {  	s0 =	simm.s32 $0x400;
	s6 =	simm.s32 $0x13A80;
	[sflag:s29] =	ssyncadd.s32 $0xFFFFC000  }
.LBB2_2:
0x42: {  	[tilespmem:s23], [sflag:$0x2] =	stream.indirect.gather [hbm4b:s4+s20], $0x80, s6, s20, $0xb8;
	[tilespmem:$0x1E100] =	vst v63  }
0x43: {  	s6 =	smov.u32 s0  }
0x44: {  	p3 =	sne.s32 s0, $0x4800;
	s0 =	sadd.s32 $0x400, s0;
	_ =	swait.ge [sflag:s24], $0x4000  }
0x45: {  	s6 =	sshra.s32 s6, $0x2;
	[sflag:s24] =	ssyncset.done $0x0  }
0x46: {  	s7 =	sadd.s32 $0x14D00, s6;
	[sflag:s24] =	ssyncadd.s32 $0xFFFFC000  }
0x47: {  	[spmem:s2] =	stream.indirect.scatter.add.f32 [tilespmem:s21], [sflag:$0x3], $0x80, s7, s20, $0xb8;
	[tilespmem:$0x1E100] =	vst v63  }
0x48: {  	_ =	swait.ge [sflag:s26], $0x4000  }
0x49: {  	[sflag:s26] =	ssyncset.done $0x0  }
0x4a: {  	s7 =	sadd.s32 $0x13A00, s6;
	[sflag:s26] =	ssyncadd.s32 $0xFFFFC000  }
0x4b: {  	[tilespmem:s21], [sflag:$0x1] =	stream.indirect.gather [hbm4b:s4+s20], $0x80, s7, s20, $0xb8;
	[tilespmem:$0x1E100] =	vst v63  }
0x4c: {  	_ =	swait.ge [sflag:s28], $0x4000  }
0x4d: {  	[sflag:s28] =	ssyncset.done $0x0  }
.Ltmp2:
0x4e: {  	s7 =	sadd.s32 $0x14D80, s6;
	[sflag:s28] =	ssyncadd.s32 $0xFFFFC000;
	(pc) =	sbr.rel @p3 .LBB2_2-.Ltmp2, $4  }
0x4f: {  	[spmem:s2] =	stream.indirect.scatter.add.f32 [tilespmem:s23], [sflag:$0x4], $0x80, s7, s20, $0xb8;
	[tilespmem:$0x1E100] =	vst v63  }
0x50: {  	_ =	swait.ge [sflag:s29], $0x4000  }
0x51: {  	[sflag:s29] =	ssyncset.done $0x0  }
0x52: {  	s6 =	sadd.s32 $0x13A80, s6;
	[sflag:s29] =	ssyncadd.s32 $0xFFFFC000  }
0x53: {  	[tilespmem:s23], [sflag:$0x2] =	stream.indirect.gather [hbm4b:s4+s20], $0x80, s6, s20, $0xb8;
	[tilespmem:$0x1E100] =	vst v63  }
0x54: {  	_ =	swait.ge [sflag:s24], $0x4000  }
0x55: {  	[sflag:s24] =	ssyncset.done $0x0  }
0x56: {  	[sflag:s24] =	ssyncadd.s32 $0xFFFFC000  }
0x57: {  	[spmem:s2] =	stream.indirect.scatter.add.f32 [tilespmem:s21], [sflag:$0x3], $0x80, s30, s20, $0xb8;
	[tilespmem:$0x1E100] =	vst v63  }
0x58: {  	_ =	swait.ge [sflag:s26], $0x4000  }
0x59: {  	[sflag:s26] =	ssyncset.done $0x0  }
0x5a: {  	[sflag:s26] =	ssyncadd.s32 $0xFFFFC000  }
0x5b: {  	_ =	swait.ge [sflag:s28], $0x4000  }
0x5c: {  	[sflag:s28] =	ssyncset.done $0x0  }
0x5d: {  	[sflag:s28] =	ssyncadd.s32 $0xFFFFC000  }
0x5e: {  	[spmem:s2] =	stream.indirect.scatter.add.f32 [tilespmem:s23], [sflag:$0x4], $0x80, s31, s20, $0xb8;
	[tilespmem:$0x1E100] =	vst v63  }
.Ltmp3:
0x5f: {  	_ =	swait.ge [sflag:s29], $0x4000;
	(pc) =	sbr.rel @!p0 .LBB2_4-.Ltmp3, $3  }
0x60: {  	[sflag:s29] =	ssyncset.done $0x0  }
0x61: {  	[sflag:s29] =	ssyncadd.s32 $0xFFFFC000  }
0x62: {  	[bflag:$0x0] =	sbarrier.arrive $0xFFFF;
	_ =	sdelay $0x1  }
0x63: {  	[hbm:s13], [sflag:s8] =	dma.local [spmem:s15], $0x2700  }
.Ltmp4:
0x64: {  	_ = 	snop;
	(pc) =	sbr.rel @p1 .LBB2_7-.Ltmp4, $4  }
.Ltmp5:
0x65: {  	_ = 	snop;
	(pc) =	sbr.rel @!p1 .LBB2_6-.Ltmp5, $4  }
0x66: {  	_ =	swait.ge [sflag:s16], $0x2700  }
0x67: {  	[sflag:s16] =	ssyncset.done $0x0  }
0x68: {  	s0 =	smov.u32 s11;
	[sflag:s16] =	ssyncadd.s32 $0xFFFFD900  }
0x69: {  	_ = 	snop  }
.LBB2_4:
0x6a: {  	s0 =	rddreg [dreg:$0x4]  }
0x6b: {  	[hbm:s0], [sflag:s8] =	dma.local [spmem:s15], $0x2700  }
.Ltmp6:
0x6c: {  	_ = 	snop;
	(pc) =	sbr.rel @p2 .LBB2_6-.Ltmp6, $4  }
.Ltmp7:
0x6d: {  	_ = 	snop;
	(pc) =	sbr.rel @!p2 .LBB2_7-.Ltmp7, $4  }
0x6e: {  	_ =	swait.ge [sflag:s16], $0x2700  }
0x6f: {  	[sflag:s16] =	ssyncset.done $0x0  }
0x70: {  	s0 =	rddreg [dreg:$0x3];
	[sflag:s16] =	ssyncadd.s32 $0xFFFFD900  }
0x71: {  	_ = 	snop  }
.LBB2_8:
0x72: {  	_ =	sfence.sel $0x180000  }
0x73: {  	[bflag:$0x0] =	sbarrier.arrive $0xFFFF  }
0x74: {  	_ =	strace $0x9000004A  }
0x75: {  	s0 =	stileid.u32;
	[bflag:$0x2] =	sbarrier.arrive $0xFFFF  }
0x76: {  	p0 =	sne.s32 s0, $0x0;
	s0 =	rddreg [dreg:$0x2]  }
0x77: {  	s0 =	sadd.s32 @!p0 $0x100000, s0  }
0x78: {  	[sflag:s0] =	ssyncadd.tile.s32 @!p0 $0x1;
	_ =	shalt  }
.Lfunc_end2:
_tile_overlayer_lowered:
.L_overlay_start_2:
0x79: {  	(tag) =	ssettag $0x2  }
0x7a: {  	s0 =	rddreg [dreg:$0x0];
	s2 =	stileid.u32  }
0x7b: {  	s1 =	rddreg [dreg:$0x1];
	p0 =	sne.s32 s2, $0x0  }
0x7c: {  	s3 =	rddreg [dreg:$0x2];
	[bflag:$0x3] =	sbarrier.arrive $0xFFFF;
	s2 =	simm.s32 @!p0 $0x1C05  }
0x7d: {  	[timem:s3], [sflag:s2] =	dma.local @!p0 [hbm:s0], s1  }
0x7e: {  	s0 =	simm.s32 @!p0 $0x5  }
0x7f: {  	_ =	swait.ge @!p0 [sflag:s0], s1  }
0x80: {  	s1 =	ssub.s32 @!p0 $0x0, s1;
	[sflag:s0] =	ssyncset.done @!p0 $0x0  }
0x81: {  	[sflag:s0] =	ssyncadd.s32 @!p0 s1  }
0x82: {  	[bflag:$0x3] =	sbarrier.arrive $0xFFFF  }
0x83: {  	_ =	shalt  }

// kernel: kernel.19.cloned.1.call-start
scs
__scs_entry_jumppad:
0x0: {  	(pc) =	sbr.rel $0x88, $3  }
0x1: {  	(tag) =	ssettag $0x0;
	lr =	simm.s32 $0x1  }
0x2: {  	[smem:$0x3F78] =	sst lr;
	_ =	strace $0xD0000000  }
0x3: {  	_ = 	snop  }
0x4: {  	_ = 	snop  }
0x5: {  	_ = 	snop  }
0x6: {  	_ = 	snop  }
0x7: {  	_ = 	snop  }
__scs_overlays_trampoline_lowered:
0x8: {  	[smem:$0x3F87] =	sst s0  }
0x9: {  	[smem:$0x3F88] =	sst s1  }
0xa: {  	[smem:$0x3F89] =	sst s2  }
0xb: {  	[smem:$0x3F8A] =	sst s3  }
0xc: {  	[smem:$0x3F8B] =	sst s4  }
0xd: {  	[smem:$0x3F8C] =	sst s5  }
0xe: {  	[smem:$0x3F8D] =	sst s6  }
0xf: {  	[smem:$0x3F8E] =	sst s7  }
0x10: {  	[smem:$0x3F8F] =	sst s8  }
0x11: {  	[smem:$0x3F90] =	sst s9;
	s0 =	simm.s32 @!p0 $0x0  }
0x12: {  	s1 =	sld [smem:$0x3F76];
	s0 =	simm.s32 @p0 $0x1  }
0x13: {  	[smem:$0x3F91] =	sst s0;
	s0 =	simm.s32 @!p1 $0x0  }
0x14: {  	s2 =	sld [smem:$0x3F75];
	s0 =	simm.s32 @p1 $0x1  }
0x15: {  	[smem:$0x3F92] =	sst s0;
	s0 =	simm.s32 @!p2 $0x0  }
0x16: {  	s3 =	sld [smem:$0x3FDB];
	s0 =	simm.s32 @p2 $0x1  }
0x17: {  	s4 =	simm.s32 $0x1BF5;
	[smem:$0x3F94] =	sst s0  }
0x18: {  	s0 =	sld [smem:$0x3F77];
	_ =	swait.ge [sflag:s4], $0x0  }
0x19: {  	s7 =	sld [smem:$0x3F78]  }
0x1a: {  	s8 =	sadd.s32 $0xFFFFE003, lr  }
0x1b: {  	s9 =	sadd.s32 $0xFFFFFEF7, lr;
	s5 =	simm.s32 $0xFFFFFFFF;
	p2 =	slt.u32 s8, $0xFFFFF086  }
0x1c: {  	p1 =	slt.u32 s9, $0xF7A;
	s5 =	simm.s32 @!p2 $0x0  }
0x1d: {  	s5 =	simm.s32 @p1 $0x1;
	p0 =	seq.s32 s7, s2  }
0x1e: {  	s7 =	smul.u32 @!p0 $0xF7A, s2;
	p2 =	seq.s32 @!p0 s5, $0x0  }
0x1f: {  	s9 =	smul.u32 $0xF7A, s1;
	s8 =	simm.s32 @!p0 $0x1BF5;
	p2 =	por !p2, p0  }
0x20: {  	[sflag:s8] =	ssyncset.s32 @!p0 $0xFFFFF086;
	s6 =	sadd.s32 @!p0 s3, s7;
	s7 =	simm.s32 @!p0 $0x108  }
0x21: {  	s3 =	sadd.s32 s3, s9;
	s6 =	sadd.s32 @!p0 $0x88, s6;
	s7 =	simm.s32 @p2 $0x1082  }
0x22: {  	[simem:s7], [sflag:s8] =	dma.local @!p0 [hbm:s6], $0xF7A  }
0x23: {  	s9 =	sor.u32 $0xD0000000, s2;
	s6 =	simm.s32 $0x108;
	_ =	swait.ge @!p0 [sflag:s8], $0x0  }
0x24: {  	s3 =	sadd.s32 $0x88, s3;
	s6 =	simm.s32 @!p1 $0x1082;
	[sflag:s4] =	ssyncset.s32 $0xFFFFF086  }
0x25: {  	[simem:s6], [sflag:s4] =	dma.local [hbm:s3], $0xF7A  }
0x26: {  	[smem:$0x3F78] =	sst s1;
	(tag) =	ssettag s2;
	_ =	strace s9  }
0x27: {  	s1 =	sld [smem:$0x3F88]  }
0x28: {  	s2 =	sld [smem:$0x3F89]  }
0x29: {  	s4 =	sld [smem:$0x3F8B]  }
0x2a: {  	p0 =	seq.s32 s5, $0x0;
	s5 =	sld [smem:$0x3F8C]  }
0x2b: {  	s6 =	sld [smem:$0x3F8D]  }
0x2c: {  	s7 =	sld [smem:$0x3F8E]  }
0x2d: {  	s3 =	simm.s32 $0x108;
	s8 =	sld [smem:$0x3F8F]  }
0x2e: {  	s3 =	simm.s32 @!p0 $0x1082;
	s9 =	sld [smem:$0x3F90]  }
0x2f: {  	lr =	sadd.s32 s0, s3;
	s0 =	sld [smem:$0x3F87]  }
0x30: {  	s3 =	sld [smem:$0x3F8A]  }
0x31: {  	[smem:$0x3F93] =	sst s10  }
0x32: {  	s10 =	sld [smem:$0x3F91];
	_ =	sdelay $0x3  }
0x33: {  	p0 =	seq.s32 s10, $0x1;
	s10 =	sld [smem:$0x3F93];
	_ =	sdelay $0x3  }
0x34: {  	[smem:$0x3F93] =	sst s10  }
0x35: {  	s10 =	sld [smem:$0x3F92];
	_ =	sdelay $0x3  }
0x36: {  	p1 =	seq.s32 s10, $0x1;
	s10 =	sld [smem:$0x3F93];
	_ =	sdelay $0x3  }
0x37: {  	[smem:$0x3F93] =	sst s10  }
0x38: {  	s10 =	sld [smem:$0x3F94]  }
0x39: {  	_ = 	snop;
	(pc) =	sbr.ind lr, $3  }
0x3a: {  	_ = 	snop  }
0x3b: {  	_ = 	snop  }
0x3c: {  	p2 =	seq.s32 s10, $0x1;
	s10 =	sld [smem:$0x3F93]  }
0x3d: {  	_ =	shalt  }
0x3e: {  	_ =	shalt  }
0x3f: {  	_ =	shalt  }
0x40: {  	_ =	shalt  }
0x41: {  	_ =	shalt  }
0x42: {  	_ =	shalt  }
0x43: {  	_ =	shalt  }
0x44: {  	_ =	shalt  }
0x45: {  	_ =	shalt  }
0x46: {  	_ =	shalt  }
0x47: {  	_ =	shalt  }
0x48: {  	_ =	shalt  }
0x49: {  	_ =	shalt  }
0x4a: {  	_ =	shalt  }
0x4b: {  	_ =	shalt  }
0x4c: {  	_ =	shalt  }
0x4d: {  	_ =	shalt  }
0x4e: {  	_ =	shalt  }
0x4f: {  	_ =	shalt  }
0x50: {  	_ =	shalt  }
0x51: {  	_ =	shalt  }
0x52: {  	_ =	shalt  }
0x53: {  	_ =	shalt  }
0x54: {  	_ =	shalt  }
0x55: {  	_ =	shalt  }
0x56: {  	_ =	shalt  }
0x57: {  	_ =	shalt  }
0x58: {  	_ =	shalt  }
0x59: {  	_ =	shalt  }
0x5a: {  	_ =	shalt  }
0x5b: {  	_ =	shalt  }
0x5c: {  	_ =	shalt  }
0x5d: {  	_ =	shalt  }
0x5e: {  	_ =	shalt  }
0x5f: {  	_ =	shalt  }
0x60: {  	_ =	shalt  }
0x61: {  	_ =	shalt  }
0x62: {  	_ =	shalt  }
0x63: {  	_ =	shalt  }
0x64: {  	_ =	shalt  }
0x65: {  	_ =	shalt  }
0x66: {  	_ =	shalt  }
0x67: {  	_ =	shalt  }
0x68: {  	_ =	shalt  }
0x69: {  	_ =	shalt  }
0x6a: {  	_ =	shalt  }
0x6b: {  	_ =	shalt  }
0x6c: {  	_ =	shalt  }
0x6d: {  	_ =	shalt  }
0x6e: {  	_ =	shalt  }
0x6f: {  	_ =	shalt  }
0x70: {  	_ =	shalt  }
0x71: {  	_ =	shalt  }
0x72: {  	_ =	shalt  }
0x73: {  	_ =	shalt  }
0x74: {  	_ =	shalt  }
0x75: {  	_ =	shalt  }
0x76: {  	_ =	shalt  }
0x77: {  	_ =	shalt  }
0x78: {  	_ =	shalt  }
0x79: {  	_ =	shalt  }
0x7a: {  	_ =	shalt  }
0x7b: {  	_ =	shalt  }
0x7c: {  	_ =	shalt  }
0x7d: {  	_ =	shalt  }
0x7e: {  	_ =	shalt  }
0x7f: {  	_ =	shalt  }
0x80: {  	_ =	shalt  }
0x81: {  	_ =	shalt  }
0x82: {  	_ =	shalt  }
0x83: {  	_ =	shalt  }
0x84: {  	_ =	shalt  }
0x85: {  	_ =	shalt  }
0x86: {  	_ =	shalt  }
0x87: {  	_ =	shalt  }
.Lfunc_end0:
.L_simem_size_0:
called_computation.2_lowered:
.L_overlay_start_0:
0x88: {  	s2 =	sld [smem:$0x3FD9]  }
0x89: {  	s3 =	sld [smem:$0x3FFE];
	_ =	sdelay $0x1  }
0x8a: {  	s1 =	srdreg.scid  }
0x8b: {  	s0 =	sand.u32 $0x1, s1  }
0x8c: {  	s16 =	sshll.u32 s0, $0xA;
	s2 =	sadd.s32 s3, s2  }
0x8d: {  	s2 =	sadd.s32 s2, s16  }
0x8e: {  	[smem:$0x3F9F] =	sst s2  }
0x8f: {  	_ = 	snop  }
0x90: {  	(tm) =	ssettm $0x1  }
0x91: {  	s17 =	sld [smem:$0x3FFB];
	_ =	sdelay $0x3  }
0x92: {  	_ =	strace s17  }
0x93: {  	s2 =	sld [smem:$0x3FFC];
	_ =	sdelay $0x3  }
0x94: {  	_ =	strace s2  }
0x95: {  	s2 =	sld [smem:$0x3FFD];
	_ =	sdelay $0x3  }
0x96: {  	_ =	strace s2  }
0x97: {  	_ =	strace $0x8FFFFFFF  }
0x98: {  	s18 =	sld [smem:$0x3FDB];
	_ =	sdelay $0x1  }
0x99: {  	s19 =	simm.s32 $_scs_section_size  }
0x9a: {  	s4 =	simm.s32 $_size__tile_overlayer_lowered;
	s5 =	simm.s32 $_tile_overlayer_lowered  }
0x9b: {  	s22 =	simm.s32 $0x1BFF;
	s21 =	sshll.u32 s5, $0x1;
	s2 =	sadd.s32 s19, s18  }
0x9c: {  	s6 =	simm.s32 $0x0;
	s20 =	sshll.u32 s4, $0x1;
	s4 =	sadd.s32 s21, s2  }
0x9d: {  	[timem:s6], [sflag:s22] =	dma.local [hbm:s4], s20  }
0x9e: {  	_ =	swait.ge [sflag:s22], s20  }
0x9f: {  	s3 =	ssub.s32 $0x0, s20;
	[sflag:s22] =	ssyncset.done $0x0  }
0xa0: {  	[sflag:s22] =	ssyncadd.s32 s3;
	_ =	sdelay $0x1  }
0xa1: {  	s23 =	simm.s32 $0x1B8B  }
0xa2: {  	_ =	swait.ge [sflag:s23], $0x1  }
0xa3: {  	[sflag:s23] =	ssyncset.done $0x0  }
0xa4: {  	s25 =	simm.s32 $0x1B8E;
	s24 =	sld [smem:$0x3FFE];
	[sflag:s23] =	ssyncadd.s32 $0xFFFFFFFF  }
0xa5: {  	s26 =	simm.s32 $execute0_lowered;
	[smem:$0x3FD2] =	sst s25  }
0xa6: {  	s4 =	sshll.u32 s26, $0x1;
	_ =	strace $0x8000004C;
	[dreg:$0x1] =	wrdreg $0xFFFFFFFF  }
0xa7: {  	s28 =	simm.s32 $_size_execute0_lowered;
	s2 =	sadd.s32 s2, s4;
	[dreg:$0x0] =	wrdreg $0x0  }
0xa8: {  	s4 =	sshll.u32 s28, $0x1;
	[dreg:$0x2] =	wrdreg s2  }
0xa9: {  	[dreg:$0x3] =	wrdreg s4  }
0xaa: {  	[dreg:$0x4] =	wrdreg $0xC0  }
0xab: {  	_ =	task [dreg:s6], $0x5FFFF  }
0xac: {  	[dreg:$0x1] =	wrdreg $0xFFFFFFFF  }
0xad: {  	[dreg:$0x0] =	wrdreg $0x60  }
0xae: {  	[dreg:$0x2] =	wrdreg s24  }
0xaf: {  	[dreg:$0x3] =	wrdreg $0x0  }
0xb0: {  	[dreg:$0x4] =	wrdreg $0x9  }
0xb1: {  	_ =	task.clear_ibuf [dreg:s6], $0x5FFFF;
	_ =	strace $0x9000004C  }
0xb2: {  	s29 =	simm.s32 $0x9;
	_ =	strace $0x8000004E  }
0xb3: {  	_ =	swait.ge [sflag:s29], $0x1  }
0xb4: {  	[sflag:s29] =	ssyncadd.s32 $0xFFFFFFFF  }
0xb5: {  	_ =	strace $0x9000004E  }
0xb6: {  	_ =	sfence  }
0xb7: {  	s30 =	sld [smem:$0x0];
	_ =	sdelay $0x2  }
0xb8: {  	s31 =	sshll.u32 s1, $0xD;
	s1 =	sshrl.u32 s1, $0x2  }
0xb9: {  	s3 =	sand.u32 $0x4000, s31;
	s1 =	sadd.s32 s1, s30  }
0xba: {  	s0 =	sor.u32 s3, s0;
	s1 =	sshll.u32 s1, $0x11  }
0xbb: {  	s0 =	sor.u32 s1, s0  }
0xbc: {  	s0 =	sadd.s32 $0x8F2B, s0  }
0xbd: {  	[sflag:s0] =	ssyncadd.remote.s32 $0x1  }
0xbe: {  	_ =	sfence.sel $0xFFFF  }
0xbf: {  	[dreg:$0x0] =	wrdreg $0xFFFFFFFF;
	(pc) =	sbr.abs _section_cstart, $3  }
0xc0: {  	[dreg:$0x1] =	wrdreg $0xFFFFFFFF  }
0xc1: {  	_ =	task.clear_ibuf [dreg:s6], $0x2FFFF;
	_ =	strace $0x9FFFFFFF  }
0xc2: {  	(tm) =	ssettm $0x7FFFFFFF  }
0xc3: {  	_ =	shalt  }
tec
execute0_lowered:
.L_overlay_start_1:
0x0: {  	(tag) =	ssettag $0x1  }
0x1: {  	s0 =	srdreg.scid;
	s1 =	rddreg [dreg:$0x0]  }
0x2: {  	s7 =	stileid.u32;
	s2 =	rddreg [dreg:$0x1];
	s18 =	simm.s32 $0x13900  }
0x3: {  	s19 =	simm.s32 $0x14D00;
	s20 =	simm.s32 $0x80;
	s28 =	simm.s32 $0x2  }
0x4: {  	s29 =	simm.s32 $0x4;
	s30 =	simm.s32 $0x16000;
	s31 =	simm.s32 $0x16080  }
0x5: {  	s0 =	sand.u32 $0x1, s0;
	s3 =	sshll.u32 s7, $0x1;
	s9 =	smul.u32 $0x4E000, s7  }
0x6: {  	s14 =	sadd.s32 $0xB3400, s1;
	s16 =	sadd.s32 $0xDA600, s1;
	s23 =	sshll.u32 s7, $0xA  }
0x7: {  	s24 =	sshll.u32 s7, $0x6;
	s10 =	sshll.u32 s7, $0x3;
	s13 =	smul.u32 $0x2700, s7  }
0x8: {  	p1 =	sgt.u32 s7, $0x1;
	p2 =	slt.u32 s7, $0x2;
	s4 =	sor.u32 s0, s3  }
0x9: {  	s3 =	simm.s32 $0x0;
	s8 =	ssub.s32 $0x2, s0;
	s12 =	sor.u32 $0x2700, s10  }
0xa: {  	p0 =	seq.s32 s0, $0x1;
	s11 =	smov.u32 s16;
	s5 =	smul.u32 $0x280, s4  }
0xb: {  	[smem:$0x7FF] =	sst s3;
	s4 =	sadd.s32 $0x89A00, s1;
	s21 =	sshrl.u32 s8, $0x1  }
0xc: {  	s22 =	sshrl.u32 s9, $0x2;
	s9 =	sadd.s32 s23, s2;
	s25 =	sshll.u32 s12, $0x7  }
0xd: {  	s26 =	sadd.s32 s14, s13;
	s12 =	sshll.u32 s12, $0x4;
	s13 =	sadd.s32 s16, s13  }
0xe: {  	s16 =	simm.s32 $0x5;
	s23 =	simm.s32 $0x1A100;
	_ =	strace $0x8000004D  }
0xf: {  	s15 =	sadd.s32 s22, s2;
	s17 =	sadd.s32 $0x138000, s9;
	[dreg:$0x3] =	wrdreg s14  }
0x10: {  	[dreg:$0x4] =	wrdreg s26;
	s0 =	sadd.s32 s25, s2;
	s22 =	simm.s32 $0x13980  }
.Ltmp0:
0x11: {  	s26 =	simm.s32 $0x3;
	s6 =	sadd.s32 s5, s1;
	(pc) =	sbr.rel .LBB2_1-.Ltmp0, $4  }
0x12: {  	s5 =	sadd.s32 $0xB0C00, s1;
	s1 =	ssub.s32 s8, s21;
	s8 =	sor.u32 $0x1C05, s24  }
0x13: {  	s15 =	sshrl.u32 s15, $0x3;
	s17 =	sshrl.u32 @!p1 s17, $0x3;
	s21 =	simm.s32 $0x16100  }
0x14: {  	s24 =	simm.s32 $0x1;
	s25 =	sshrl.u32 s0, $0x3;
	s9 =	sadd.s32 $0x72E00, s6  }
0x15: {  	s10 =	sadd.s32 $0x84A00, s6;
	s14 =	smax.u32 s1, $0x1;
	s1 =	simm.s32 $0x0  }
.LBB2_6:
0x16: {  	s0 =	sadd.s32 s0, s12  }
0x17: {  	[hbm:s0], [sflag:s8] =	dma.local [spmem:s25], $0x80  }
0x18: {  	_ =	swait.ge [sflag:s16], $0x80  }
0x19: {  	[sflag:s16] =	ssyncset.done $0x0  }
0x1a: {  	[sflag:s16] =	ssyncadd.s32 $0xFFFFFF80  }
.LBB2_7:
0x1b: {  	s1 =	sadd.s32 $0x1, s1  }
0x1c: {  	p3 =	sne.s32 s1, s14  }
.Ltmp1:
0x1d: {  	_ = 	snop;
	(pc) =	sbr.rel @!p3 .LBB2_8-.Ltmp1, $1  }
0x1e: {  	_ =	sdelay $0x3  }
.LBB2_1:
0x1f: {  	[spmem:s15], [sflag:s8] =	dma.local [hbm:s5], $0x2700  }
0x20: {  	_ =	swait.ge [sflag:s16], $0x2700  }
0x21: {  	[sflag:s16] =	ssyncset.done $0x0  }
0x22: {  	s0 =	simm.s32 @!p1 $0x5;
	[sflag:s16] =	ssyncadd.s32 $0xFFFFD900  }
0x23: {  	[spmem:s17], [sflag:s8] =	dma.local @!p1 [hbm:s5], $0x80  }
0x24: {  	_ =	swait.ge @!p1 [sflag:s0], $0x80  }
0x25: {  	[sflag:s0] =	ssyncset.done @!p1 $0x0  }
0x26: {  	[sflag:s0] =	ssyncadd.s32 @!p1 $0xFFFFFF80  }
0x27: {  	[tilespmem:s18], [sflag:$0x5] =	stream.linear.gather [hbm4b:s9+s3], $0x1400, $0x38;
	[tilespmem:$0x1E100] =	vst v63  }
0x28: {  	_ =	swait.ge [sflag:s16], $0x1400  }
0x29: {  	[sflag:s16] =	ssyncset.done $0x0  }
0x2a: {  	[sflag:s16] =	ssyncadd.s32 $0xFFFFEC00  }
0x2b: {  	[tilespmem:s19], [sflag:$0x5] =	stream.linear.gather [hbm4b:s10+s3], $0x1400, $0x38;
	[tilespmem:$0x1E100] =	vst v63  }
0x2c: {  	_ =	swait.ge [sflag:s16], $0x1400  }
0x2d: {  	[sflag:s16] =	ssyncset.done $0x0  }
0x2e: {  	[sflag:s16] =	ssyncadd.s32 $0xFFFFEC00  }
0x2f: {  	[bflag:$0x0] =	sbarrier.arrive $0xFFFF  }
0x30: {  	[tilespmem:s21], [sflag:$0x1] =	stream.indirect.gather [hbm4b:s4+s20], $0x80, s18, s20, $0xb8;
	[tilespmem:$0x1E100] =	vst v63  }
0x31: {  	_ = 	snop  }
0x32: {  	[tilespmem:s23], [sflag:$0x2] =	stream.indirect.gather [hbm4b:s4+s20], $0x80, s22, s20, $0xb8;
	[tilespmem:$0x1E100] =	vst v63  }
0x33: {  	_ =	swait.ge [sflag:s24], $0x4000  }
0x34: {  	[sflag:s24] =	ssyncset.done $0x0  }
0x35: {  	s7 =	simm.s32 $0x14D00;
	[sflag:s24] =	ssyncadd.s32 $0xFFFFC000  }
0x36: {  	[spmem:s2] =	stream.indirect.scatter.add.f32 [tilespmem:s21], [sflag:$0x3], $0x80, s7, s20, $0xb8;
	[tilespmem:$0x1E100] =	vst v63  }
0x37: {  	_ =	swait.ge [sflag:s26], $0x4000  }
0x38: {  	[sflag:s26] =	ssyncset.done $0x0  }
0x39: {  	s6 =	simm.s32 $0x13A00;
	[sflag:s26] =	ssyncadd.s32 $0xFFFFC000  }
0x3a: {  	[tilespmem:s21], [sflag:$0x1] =	stream.indirect.gather [hbm4b:s4+s20], $0x80, s6, s20, $0xb8;
	[tilespmem:$0x1E100] =	vst v63  }
0x3b: {  	_ =	swait.ge [sflag:s28], $0x4000  }
0x3c: {  	[sflag:s28] =	ssyncset.done $0x0  }
0x3d: {  	s7 =	simm.s32 $0x14D80;
	[sflag:s28] =	ssyncadd.s32 $0xFFFFC000  }
0x3e: {  	[spmem:s2] =	stream.indirect.scatter.add.f32 [tilespmem:s23], [sflag:$0x4], $0x80, s7, s20, $0xb8;
	[tilespmem:$0x1E100] =	vst v63  }
0x3f: {  	_ =	swait.ge [sflag:s29], $0x4000  }
0x40: {  	[sflag:s29] =	ssyncset.done $0x0  }
0x41: {  	s0 =	simm.s32 $0x400;
	s6 =	simm.s32 $0x13A80;
	[sflag:s29] =	ssyncadd.s32 $0xFFFFC000  }
.LBB2_2:
0x42: {  	[tilespmem:s23], [sflag:$0x2] =	stream.indirect.gather [hbm4b:s4+s20], $0x80, s6, s20, $0xb8;
	[tilespmem:$0x1E100] =	vst v63  }
0x43: {  	s6 =	smov.u32 s0  }
0x44: {  	p3 =	sne.s32 s0, $0x4800;
	s0 =	sadd.s32 $0x400, s0;
	_ =	swait.ge [sflag:s24], $0x4000  }
0x45: {  	s6 =	sshra.s32 s6, $0x2;
	[sflag:s24] =	ssyncset.done $0x0  }
0x46: {  	s7 =	sadd.s32 $0x14D00, s6;
	[sflag:s24] =	ssyncadd.s32 $0xFFFFC000  }
0x47: {  	[spmem:s2] =	stream.indirect.scatter.add.f32 [tilespmem:s21], [sflag:$0x3], $0x80, s7, s20, $0xb8;
	[tilespmem:$0x1E100] =	vst v63  }
0x48: {  	_ =	swait.ge [sflag:s26], $0x4000  }
0x49: {  	[sflag:s26] =	ssyncset.done $0x0  }
0x4a: {  	s7 =	sadd.s32 $0x13A00, s6;
	[sflag:s26] =	ssyncadd.s32 $0xFFFFC000  }
0x4b: {  	[tilespmem:s21], [sflag:$0x1] =	stream.indirect.gather [hbm4b:s4+s20], $0x80, s7, s20, $0xb8;
	[tilespmem:$0x1E100] =	vst v63  }
0x4c: {  	_ =	swait.ge [sflag:s28], $0x4000  }
0x4d: {  	[sflag:s28] =	ssyncset.done $0x0  }
.Ltmp2:
0x4e: {  	s7 =	sadd.s32 $0x14D80, s6;
	[sflag:s28] =	ssyncadd.s32 $0xFFFFC000;
	(pc) =	sbr.rel @p3 .LBB2_2-.Ltmp2, $4  }
0x4f: {  	[spmem:s2] =	stream.indirect.scatter.add.f32 [tilespmem:s23], [sflag:$0x4], $0x80, s7, s20, $0xb8;
	[tilespmem:$0x1E100] =	vst v63  }
0x50: {  	_ =	swait.ge [sflag:s29], $0x4000  }
0x51: {  	[sflag:s29] =	ssyncset.done $0x0  }
0x52: {  	s6 =	sadd.s32 $0x13A80, s6;
	[sflag:s29] =	ssyncadd.s32 $0xFFFFC000  }
0x53: {  	[tilespmem:s23], [sflag:$0x2] =	stream.indirect.gather [hbm4b:s4+s20], $0x80, s6, s20, $0xb8;
	[tilespmem:$0x1E100] =	vst v63  }
0x54: {  	_ =	swait.ge [sflag:s24], $0x4000  }
0x55: {  	[sflag:s24] =	ssyncset.done $0x0  }
0x56: {  	[sflag:s24] =	ssyncadd.s32 $0xFFFFC000  }
0x57: {  	[spmem:s2] =	stream.indirect.scatter.add.f32 [tilespmem:s21], [sflag:$0x3], $0x80, s30, s20, $0xb8;
	[tilespmem:$0x1E100] =	vst v63  }
0x58: {  	_ =	swait.ge [sflag:s26], $0x4000  }
0x59: {  	[sflag:s26] =	ssyncset.done $0x0  }
0x5a: {  	[sflag:s26] =	ssyncadd.s32 $0xFFFFC000  }
0x5b: {  	_ =	swait.ge [sflag:s28], $0x4000  }
0x5c: {  	[sflag:s28] =	ssyncset.done $0x0  }
0x5d: {  	[sflag:s28] =	ssyncadd.s32 $0xFFFFC000  }
0x5e: {  	[spmem:s2] =	stream.indirect.scatter.add.f32 [tilespmem:s23], [sflag:$0x4], $0x80, s31, s20, $0xb8;
	[tilespmem:$0x1E100] =	vst v63  }
.Ltmp3:
0x5f: {  	_ =	swait.ge [sflag:s29], $0x4000;
	(pc) =	sbr.rel @!p0 .LBB2_4-.Ltmp3, $3  }
0x60: {  	[sflag:s29] =	ssyncset.done $0x0  }
0x61: {  	[sflag:s29] =	ssyncadd.s32 $0xFFFFC000  }
0x62: {  	[bflag:$0x0] =	sbarrier.arrive $0xFFFF;
	_ =	sdelay $0x1  }
0x63: {  	[hbm:s13], [sflag:s8] =	dma.local [spmem:s15], $0x2700  }
.Ltmp4:
0x64: {  	_ = 	snop;
	(pc) =	sbr.rel @p1 .LBB2_7-.Ltmp4, $4  }
.Ltmp5:
0x65: {  	_ = 	snop;
	(pc) =	sbr.rel @!p1 .LBB2_6-.Ltmp5, $4  }
0x66: {  	_ =	swait.ge [sflag:s16], $0x2700  }
0x67: {  	[sflag:s16] =	ssyncset.done $0x0  }
0x68: {  	s0 =	smov.u32 s11;
	[sflag:s16] =	ssyncadd.s32 $0xFFFFD900  }
0x69: {  	_ = 	snop  }
.LBB2_4:
0x6a: {  	s0 =	rddreg [dreg:$0x4]  }
0x6b: {  	[hbm:s0], [sflag:s8] =	dma.local [spmem:s15], $0x2700  }
.Ltmp6:
0x6c: {  	_ = 	snop;
	(pc) =	sbr.rel @p2 .LBB2_6-.Ltmp6, $4  }
.Ltmp7:
0x6d: {  	_ = 	snop;
	(pc) =	sbr.rel @!p2 .LBB2_7-.Ltmp7, $4  }
0x6e: {  	_ =	swait.ge [sflag:s16], $0x2700  }
0x6f: {  	[sflag:s16] =	ssyncset.done $0x0  }
0x70: {  	s0 =	rddreg [dreg:$0x3];
	[sflag:s16] =	ssyncadd.s32 $0xFFFFD900  }
0x71: {  	_ = 	snop  }
.LBB2_8:
0x72: {  	_ =	sfence.sel $0x180000  }
0x73: {  	[bflag:$0x0] =	sbarrier.arrive $0xFFFF  }
0x74: {  	_ =	strace $0x9000004D  }
0x75: {  	s0 =	stileid.u32;
	[bflag:$0x2] =	sbarrier.arrive $0xFFFF  }
0x76: {  	p0 =	sne.s32 s0, $0x0;
	s0 =	rddreg [dreg:$0x2]  }
0x77: {  	s0 =	sadd.s32 @!p0 $0x100000, s0  }
0x78: {  	[sflag:s0] =	ssyncadd.tile.s32 @!p0 $0x1;
	_ =	shalt  }
.Lfunc_end2:
_tile_overlayer_lowered:
.L_overlay_start_2:
0x79: {  	(tag) =	ssettag $0x2  }
0x7a: {  	s0 =	rddreg [dreg:$0x0];
	s2 =	stileid.u32  }
0x7b: {  	s1 =	rddreg [dreg:$0x1];
	p0 =	sne.s32 s2, $0x0  }
0x7c: {  	s3 =	rddreg [dreg:$0x2];
	[bflag:$0x3] =	sbarrier.arrive $0xFFFF;
	s2 =	simm.s32 @!p0 $0x1C05  }
0x7d: {  	[timem:s3], [sflag:s2] =	dma.local @!p0 [hbm:s0], s1  }
0x7e: {  	s0 =	simm.s32 @!p0 $0x5  }
0x7f: {  	_ =	swait.ge @!p0 [sflag:s0], s1  }
0x80: {  	s1 =	ssub.s32 @!p0 $0x0, s1;
	[sflag:s0] =	ssyncset.done @!p0 $0x0  }
0x81: {  	[sflag:s0] =	ssyncadd.s32 @!p0 s1  }
0x82: {  	[bflag:$0x3] =	sbarrier.arrive $0xFFFF  }
0x83: {  	_ =	shalt  }

// kernel: kernel.22.cloned.1.call-start
scs
__scs_entry_jumppad:
0x0: {  	(pc) =	sbr.rel $0x88, $3  }
0x1: {  	(tag) =	ssettag $0x0;
	lr =	simm.s32 $0x1  }
0x2: {  	[smem:$0x3F78] =	sst lr;
	_ =	strace $0xD0000000  }
0x3: {  	_ = 	snop  }
0x4: {  	_ = 	snop  }
0x5: {  	_ = 	snop  }
0x6: {  	_ = 	snop  }
0x7: {  	_ = 	snop  }
__scs_overlays_trampoline_lowered:
0x8: {  	[smem:$0x3F87] =	sst s0  }
0x9: {  	[smem:$0x3F88] =	sst s1  }
0xa: {  	[smem:$0x3F89] =	sst s2  }
0xb: {  	[smem:$0x3F8A] =	sst s3  }
0xc: {  	[smem:$0x3F8B] =	sst s4  }
0xd: {  	[smem:$0x3F8C] =	sst s5  }
0xe: {  	[smem:$0x3F8D] =	sst s6  }
0xf: {  	[smem:$0x3F8E] =	sst s7  }
0x10: {  	[smem:$0x3F8F] =	sst s8  }
0x11: {  	[smem:$0x3F90] =	sst s9;
	s0 =	simm.s32 @!p0 $0x0  }
0x12: {  	s1 =	sld [smem:$0x3F76];
	s0 =	simm.s32 @p0 $0x1  }
0x13: {  	[smem:$0x3F91] =	sst s0;
	s0 =	simm.s32 @!p1 $0x0  }
0x14: {  	s2 =	sld [smem:$0x3F75];
	s0 =	simm.s32 @p1 $0x1  }
0x15: {  	[smem:$0x3F92] =	sst s0;
	s0 =	simm.s32 @!p2 $0x0  }
0x16: {  	s3 =	sld [smem:$0x3FDB];
	s0 =	simm.s32 @p2 $0x1  }
0x17: {  	s4 =	simm.s32 $0x1BF5;
	[smem:$0x3F94] =	sst s0  }
0x18: {  	s0 =	sld [smem:$0x3F77];
	_ =	swait.ge [sflag:s4], $0x0  }
0x19: {  	s7 =	sld [smem:$0x3F78]  }
0x1a: {  	s8 =	sadd.s32 $0xFFFFE003, lr  }
0x1b: {  	s9 =	sadd.s32 $0xFFFFFEF7, lr;
	s5 =	simm.s32 $0xFFFFFFFF;
	p2 =	slt.u32 s8, $0xFFFFF086  }
0x1c: {  	p1 =	slt.u32 s9, $0xF7A;
	s5 =	simm.s32 @!p2 $0x0  }
0x1d: {  	s5 =	simm.s32 @p1 $0x1;
	p0 =	seq.s32 s7, s2  }
0x1e: {  	s7 =	smul.u32 @!p0 $0xF7A, s2;
	p2 =	seq.s32 @!p0 s5, $0x0  }
0x1f: {  	s9 =	smul.u32 $0xF7A, s1;
	s8 =	simm.s32 @!p0 $0x1BF5;
	p2 =	por !p2, p0  }
0x20: {  	[sflag:s8] =	ssyncset.s32 @!p0 $0xFFFFF086;
	s6 =	sadd.s32 @!p0 s3, s7;
	s7 =	simm.s32 @!p0 $0x108  }
0x21: {  	s3 =	sadd.s32 s3, s9;
	s6 =	sadd.s32 @!p0 $0x88, s6;
	s7 =	simm.s32 @p2 $0x1082  }
0x22: {  	[simem:s7], [sflag:s8] =	dma.local @!p0 [hbm:s6], $0xF7A  }
0x23: {  	s9 =	sor.u32 $0xD0000000, s2;
	s6 =	simm.s32 $0x108;
	_ =	swait.ge @!p0 [sflag:s8], $0x0  }
0x24: {  	s3 =	sadd.s32 $0x88, s3;
	s6 =	simm.s32 @!p1 $0x1082;
	[sflag:s4] =	ssyncset.s32 $0xFFFFF086  }
0x25: {  	[simem:s6], [sflag:s4] =	dma.local [hbm:s3], $0xF7A  }
0x26: {  	[smem:$0x3F78] =	sst s1;
	(tag) =	ssettag s2;
	_ =	strace s9  }
0x27: {  	s1 =	sld [smem:$0x3F88]  }
0x28: {  	s2 =	sld [smem:$0x3F89]  }
0x29: {  	s4 =	sld [smem:$0x3F8B]  }
0x2a: {  	p0 =	seq.s32 s5, $0x0;
	s5 =	sld [smem:$0x3F8C]  }
0x2b: {  	s6 =	sld [smem:$0x3F8D]  }
0x2c: {  	s7 =	sld [smem:$0x3F8E]  }
0x2d: {  	s3 =	simm.s32 $0x108;
	s8 =	sld [smem:$0x3F8F]  }
0x2e: {  	s3 =	simm.s32 @!p0 $0x1082;
	s9 =	sld [smem:$0x3F90]  }
0x2f: {  	lr =	sadd.s32 s0, s3;
	s0 =	sld [smem:$0x3F87]  }
0x30: {  	s3 =	sld [smem:$0x3F8A]  }
0x31: {  	[smem:$0x3F93] =	sst s10  }
0x32: {  	s10 =	sld [smem:$0x3F91];
	_ =	sdelay $0x3  }
0x33: {  	p0 =	seq.s32 s10, $0x1;
	s10 =	sld [smem:$0x3F93];
	_ =	sdelay $0x3  }
0x34: {  	[smem:$0x3F93] =	sst s10  }
0x35: {  	s10 =	sld [smem:$0x3F92];
	_ =	sdelay $0x3  }
0x36: {  	p1 =	seq.s32 s10, $0x1;
	s10 =	sld [smem:$0x3F93];
	_ =	sdelay $0x3  }
0x37: {  	[smem:$0x3F93] =	sst s10  }
0x38: {  	s10 =	sld [smem:$0x3F94]  }
0x39: {  	_ = 	snop;
	(pc) =	sbr.ind lr, $3  }
0x3a: {  	_ = 	snop  }
0x3b: {  	_ = 	snop  }
0x3c: {  	p2 =	seq.s32 s10, $0x1;
	s10 =	sld [smem:$0x3F93]  }
0x3d: {  	_ =	shalt  }
0x3e: {  	_ =	shalt  }
0x3f: {  	_ =	shalt  }
0x40: {  	_ =	shalt  }
0x41: {  	_ =	shalt  }
0x42: {  	_ =	shalt  }
0x43: {  	_ =	shalt  }
0x44: {  	_ =	shalt  }
0x45: {  	_ =	shalt  }
0x46: {  	_ =	shalt  }
0x47: {  	_ =	shalt  }
0x48: {  	_ =	shalt  }
0x49: {  	_ =	shalt  }
0x4a: {  	_ =	shalt  }
0x4b: {  	_ =	shalt  }
0x4c: {  	_ =	shalt  }
0x4d: {  	_ =	shalt  }
0x4e: {  	_ =	shalt  }
0x4f: {  	_ =	shalt  }
0x50: {  	_ =	shalt  }
0x51: {  	_ =	shalt  }
0x52: {  	_ =	shalt  }
0x53: {  	_ =	shalt  }
0x54: {  	_ =	shalt  }
0x55: {  	_ =	shalt  }
0x56: {  	_ =	shalt  }
0x57: {  	_ =	shalt  }
0x58: {  	_ =	shalt  }
0x59: {  	_ =	shalt  }
0x5a: {  	_ =	shalt  }
0x5b: {  	_ =	shalt  }
0x5c: {  	_ =	shalt  }
0x5d: {  	_ =	shalt  }
0x5e: {  	_ =	shalt  }
0x5f: {  	_ =	shalt  }
0x60: {  	_ =	shalt  }
0x61: {  	_ =	shalt  }
0x62: {  	_ =	shalt  }
0x63: {  	_ =	shalt  }
0x64: {  	_ =	shalt  }
0x65: {  	_ =	shalt  }
0x66: {  	_ =	shalt  }
0x67: {  	_ =	shalt  }
0x68: {  	_ =	shalt  }
0x69: {  	_ =	shalt  }
0x6a: {  	_ =	shalt  }
0x6b: {  	_ =	shalt  }
0x6c: {  	_ =	shalt  }
0x6d: {  	_ =	shalt  }
0x6e: {  	_ =	shalt  }
0x6f: {  	_ =	shalt  }
0x70: {  	_ =	shalt  }
0x71: {  	_ =	shalt  }
0x72: {  	_ =	shalt  }
0x73: {  	_ =	shalt  }
0x74: {  	_ =	shalt  }
0x75: {  	_ =	shalt  }
0x76: {  	_ =	shalt  }
0x77: {  	_ =	shalt  }
0x78: {  	_ =	shalt  }
0x79: {  	_ =	shalt  }
0x7a: {  	_ =	shalt  }
0x7b: {  	_ =	shalt  }
0x7c: {  	_ =	shalt  }
0x7d: {  	_ =	shalt  }
0x7e: {  	_ =	shalt  }
0x7f: {  	_ =	shalt  }
0x80: {  	_ =	shalt  }
0x81: {  	_ =	shalt  }
0x82: {  	_ =	shalt  }
0x83: {  	_ =	shalt  }
0x84: {  	_ =	shalt  }
0x85: {  	_ =	shalt  }
0x86: {  	_ =	shalt  }
0x87: {  	_ =	shalt  }
.Lfunc_end0:
.L_simem_size_0:
called_computation.3_lowered:
.L_overlay_start_0:
0x88: {  	s2 =	sld [smem:$0x3FD9]  }
0x89: {  	s3 =	sld [smem:$0x3FFE];
	_ =	sdelay $0x1  }
0x8a: {  	s1 =	srdreg.scid  }
0x8b: {  	s0 =	sand.u32 $0x1, s1  }
0x8c: {  	s16 =	sshll.u32 s0, $0xA;
	s2 =	sadd.s32 s3, s2  }
0x8d: {  	s2 =	sadd.s32 s2, s16  }
0x8e: {  	[smem:$0x3F9F] =	sst s2  }
0x8f: {  	_ = 	snop  }
0x90: {  	(tm) =	ssettm $0x1  }
0x91: {  	s17 =	sld [smem:$0x3FFB];
	_ =	sdelay $0x3  }
0x92: {  	_ =	strace s17  }
0x93: {  	s2 =	sld [smem:$0x3FFC];
	_ =	sdelay $0x3  }
0x94: {  	_ =	strace s2  }
0x95: {  	s2 =	sld [smem:$0x3FFD];
	_ =	sdelay $0x3  }
0x96: {  	_ =	strace s2  }
0x97: {  	_ =	strace $0x8FFFFFFF  }
0x98: {  	s18 =	sld [smem:$0x3FDB];
	_ =	sdelay $0x1  }
0x99: {  	s19 =	simm.s32 $_scs_section_size  }
0x9a: {  	s4 =	simm.s32 $_size__tile_overlayer_lowered;
	s5 =	simm.s32 $_tile_overlayer_lowered  }
0x9b: {  	s22 =	simm.s32 $0x1BFF;
	s21 =	sshll.u32 s5, $0x1;
	s2 =	sadd.s32 s19, s18  }
0x9c: {  	s6 =	simm.s32 $0x0;
	s20 =	sshll.u32 s4, $0x1;
	s4 =	sadd.s32 s21, s2  }
0x9d: {  	[timem:s6], [sflag:s22] =	dma.local [hbm:s4], s20  }
0x9e: {  	_ =	swait.ge [sflag:s22], s20  }
0x9f: {  	s3 =	ssub.s32 $0x0, s20;
	[sflag:s22] =	ssyncset.done $0x0  }
0xa0: {  	[sflag:s22] =	ssyncadd.s32 s3;
	_ =	sdelay $0x1  }
0xa1: {  	s23 =	simm.s32 $0x1B8B  }
0xa2: {  	_ =	swait.ge [sflag:s23], $0x1  }
0xa3: {  	[sflag:s23] =	ssyncset.done $0x0  }
0xa4: {  	s25 =	simm.s32 $0x1B8E;
	s24 =	sld [smem:$0x3FFE];
	[sflag:s23] =	ssyncadd.s32 $0xFFFFFFFF  }
0xa5: {  	s26 =	simm.s32 $execute0_lowered;
	[smem:$0x3FD2] =	sst s25  }
0xa6: {  	s4 =	sshll.u32 s26, $0x1;
	_ =	strace $0x8000004F;
	[dreg:$0x1] =	wrdreg $0xFFFFFFFF  }
0xa7: {  	s28 =	simm.s32 $_size_execute0_lowered;
	s2 =	sadd.s32 s2, s4;
	[dreg:$0x0] =	wrdreg $0x0  }
0xa8: {  	s4 =	sshll.u32 s28, $0x1;
	[dreg:$0x2] =	wrdreg s2  }
0xa9: {  	[dreg:$0x3] =	wrdreg s4  }
0xaa: {  	[dreg:$0x4] =	wrdreg $0xC0  }
0xab: {  	_ =	task [dreg:s6], $0x5FFFF  }
0xac: {  	[dreg:$0x1] =	wrdreg $0xFFFFFFFF  }
0xad: {  	[dreg:$0x0] =	wrdreg $0x60  }
0xae: {  	[dreg:$0x2] =	wrdreg s24  }
0xaf: {  	[dreg:$0x3] =	wrdreg $0x0  }
0xb0: {  	[dreg:$0x4] =	wrdreg $0x9  }
0xb1: {  	_ =	task.clear_ibuf [dreg:s6], $0x5FFFF;
	_ =	strace $0x9000004F  }
0xb2: {  	s29 =	simm.s32 $0x9;
	_ =	strace $0x80000051  }
0xb3: {  	_ =	swait.ge [sflag:s29], $0x1  }
0xb4: {  	[sflag:s29] =	ssyncadd.s32 $0xFFFFFFFF  }
0xb5: {  	_ =	strace $0x90000051  }
0xb6: {  	_ =	sfence  }
0xb7: {  	s30 =	sld [smem:$0x0];
	_ =	sdelay $0x2  }
0xb8: {  	s31 =	sshll.u32 s1, $0xD;
	s1 =	sshrl.u32 s1, $0x2  }
0xb9: {  	s3 =	sand.u32 $0x4000, s31;
	s1 =	sadd.s32 s1, s30  }
0xba: {  	s0 =	sor.u32 s3, s0;
	s1 =	sshll.u32 s1, $0x11  }
0xbb: {  	s0 =	sor.u32 s1, s0  }
0xbc: {  	s0 =	sadd.s32 $0x8F2B, s0  }
0xbd: {  	[sflag:s0] =	ssyncadd.remote.s32 $0x1  }
0xbe: {  	_ =	sfence.sel $0xFFFF  }
0xbf: {  	[dreg:$0x0] =	wrdreg $0xFFFFFFFF;
	(pc) =	sbr.abs _section_cstart, $3  }
0xc0: {  	[dreg:$0x1] =	wrdreg $0xFFFFFFFF  }
0xc1: {  	_ =	task.clear_ibuf [dreg:s6], $0x2FFFF;
	_ =	strace $0x9FFFFFFF  }
0xc2: {  	(tm) =	ssettm $0x7FFFFFFF  }
0xc3: {  	_ =	shalt  }
tec
execute0_lowered:
.L_overlay_start_1:
0x0: {  	(tag) =	ssettag $0x1  }
0x1: {  	s0 =	srdreg.scid;
	s1 =	rddreg [dreg:$0x0]  }
0x2: {  	s7 =	stileid.u32;
	s2 =	rddreg [dreg:$0x1];
	s18 =	simm.s32 $0x13900  }
0x3: {  	s19 =	simm.s32 $0x14D00;
	s20 =	simm.s32 $0x80;
	s28 =	simm.s32 $0x2  }
0x4: {  	s29 =	simm.s32 $0x4;
	s30 =	simm.s32 $0x16000;
	s31 =	simm.s32 $0x16080  }
0x5: {  	s0 =	sand.u32 $0x1, s0;
	s3 =	sshll.u32 s7, $0x1;
	s9 =	smul.u32 $0x4E000, s7  }
0x6: {  	s14 =	sadd.s32 $0xB3400, s1;
	s16 =	sadd.s32 $0xDA600, s1;
	s23 =	sshll.u32 s7, $0xA  }
0x7: {  	s24 =	sshll.u32 s7, $0x6;
	s10 =	sshll.u32 s7, $0x3;
	s13 =	smul.u32 $0x2700, s7  }
0x8: {  	p1 =	sgt.u32 s7, $0x1;
	p2 =	slt.u32 s7, $0x2;
	s4 =	sor.u32 s0, s3  }
0x9: {  	s3 =	simm.s32 $0x0;
	s8 =	ssub.s32 $0x2, s0;
	s12 =	sor.u32 $0x2700, s10  }
0xa: {  	p0 =	seq.s32 s0, $0x1;
	s11 =	smov.u32 s16;
	s5 =	smul.u32 $0x280, s4  }
0xb: {  	[smem:$0x7FF] =	sst s3;
	s4 =	sadd.s32 $0x89A00, s1;
	s21 =	sshrl.u32 s8, $0x1  }
0xc: {  	s22 =	sshrl.u32 s9, $0x2;
	s9 =	sadd.s32 s23, s2;
	s25 =	sshll.u32 s12, $0x7  }
0xd: {  	s26 =	sadd.s32 s14, s13;
	s12 =	sshll.u32 s12, $0x4;
	s13 =	sadd.s32 s16, s13  }
0xe: {  	s16 =	simm.s32 $0x5;
	s23 =	simm.s32 $0x1A100;
	_ =	strace $0x80000050  }
0xf: {  	s15 =	sadd.s32 s22, s2;
	s17 =	sadd.s32 $0x138000, s9;
	[dreg:$0x3] =	wrdreg s14  }
0x10: {  	[dreg:$0x4] =	wrdreg s26;
	s0 =	sadd.s32 s25, s2;
	s22 =	simm.s32 $0x13980  }
.Ltmp0:
0x11: {  	s26 =	simm.s32 $0x3;
	s6 =	sadd.s32 s5, s1;
	(pc) =	sbr.rel .LBB2_1-.Ltmp0, $4  }
0x12: {  	s5 =	sadd.s32 $0xB0C00, s1;
	s1 =	ssub.s32 s8, s21;
	s8 =	sor.u32 $0x1C05, s24  }
0x13: {  	s15 =	sshrl.u32 s15, $0x3;
	s17 =	sshrl.u32 @!p1 s17, $0x3;
	s21 =	simm.s32 $0x16100  }
0x14: {  	s24 =	simm.s32 $0x1;
	s25 =	sshrl.u32 s0, $0x3;
	s9 =	sadd.s32 $0x72E00, s6  }
0x15: {  	s10 =	sadd.s32 $0x84A00, s6;
	s14 =	smax.u32 s1, $0x1;
	s1 =	simm.s32 $0x0  }
.LBB2_6:
0x16: {  	s0 =	sadd.s32 s0, s12  }
0x17: {  	[hbm:s0], [sflag:s8] =	dma.local [spmem:s25], $0x80  }
0x18: {  	_ =	swait.ge [sflag:s16], $0x80  }
0x19: {  	[sflag:s16] =	ssyncset.done $0x0  }
0x1a: {  	[sflag:s16] =	ssyncadd.s32 $0xFFFFFF80  }
.LBB2_7:
0x1b: {  	s1 =	sadd.s32 $0x1, s1  }
0x1c: {  	p3 =	sne.s32 s1, s14  }
.Ltmp1:
0x1d: {  	_ = 	snop;
	(pc) =	sbr.rel @!p3 .LBB2_8-.Ltmp1, $1  }
0x1e: {  	_ =	sdelay $0x3  }
.LBB2_1:
0x1f: {  	[spmem:s15], [sflag:s8] =	dma.local [hbm:s5], $0x2700  }
0x20: {  	_ =	swait.ge [sflag:s16], $0x2700  }
0x21: {  	[sflag:s16] =	ssyncset.done $0x0  }
0x22: {  	s0 =	simm.s32 @!p1 $0x5;
	[sflag:s16] =	ssyncadd.s32 $0xFFFFD900  }
0x23: {  	[spmem:s17], [sflag:s8] =	dma.local @!p1 [hbm:s5], $0x80  }
0x24: {  	_ =	swait.ge @!p1 [sflag:s0], $0x80  }
0x25: {  	[sflag:s0] =	ssyncset.done @!p1 $0x0  }
0x26: {  	[sflag:s0] =	ssyncadd.s32 @!p1 $0xFFFFFF80  }
0x27: {  	[tilespmem:s18], [sflag:$0x5] =	stream.linear.gather [hbm4b:s9+s3], $0x1400, $0x38;
	[tilespmem:$0x1E100] =	vst v63  }
0x28: {  	_ =	swait.ge [sflag:s16], $0x1400  }
0x29: {  	[sflag:s16] =	ssyncset.done $0x0  }
0x2a: {  	[sflag:s16] =	ssyncadd.s32 $0xFFFFEC00  }
0x2b: {  	[tilespmem:s19], [sflag:$0x5] =	stream.linear.gather [hbm4b:s10+s3], $0x1400, $0x38;
	[tilespmem:$0x1E100] =	vst v63  }
0x2c: {  	_ =	swait.ge [sflag:s16], $0x1400  }
0x2d: {  	[sflag:s16] =	ssyncset.done $0x0  }
0x2e: {  	[sflag:s16] =	ssyncadd.s32 $0xFFFFEC00  }
0x2f: {  	[bflag:$0x0] =	sbarrier.arrive $0xFFFF  }
0x30: {  	[tilespmem:s21], [sflag:$0x1] =	stream.indirect.gather [hbm4b:s4+s20], $0x80, s18, s20, $0xb8;
	[tilespmem:$0x1E100] =	vst v63  }
0x31: {  	_ = 	snop  }
0x32: {  	[tilespmem:s23], [sflag:$0x2] =	stream.indirect.gather [hbm4b:s4+s20], $0x80, s22, s20, $0xb8;
	[tilespmem:$0x1E100] =	vst v63  }
0x33: {  	_ =	swait.ge [sflag:s24], $0x4000  }
0x34: {  	[sflag:s24] =	ssyncset.done $0x0  }
0x35: {  	s7 =	simm.s32 $0x14D00;
	[sflag:s24] =	ssyncadd.s32 $0xFFFFC000  }
0x36: {  	[spmem:s2] =	stream.indirect.scatter.add.f32 [tilespmem:s21], [sflag:$0x3], $0x80, s7, s20, $0xb8;
	[tilespmem:$0x1E100] =	vst v63  }
0x37: {  	_ =	swait.ge [sflag:s26], $0x4000  }
0x38: {  	[sflag:s26] =	ssyncset.done $0x0  }
0x39: {  	s6 =	simm.s32 $0x13A00;
	[sflag:s26] =	ssyncadd.s32 $0xFFFFC000  }
0x3a: {  	[tilespmem:s21], [sflag:$0x1] =	stream.indirect.gather [hbm4b:s4+s20], $0x80, s6, s20, $0xb8;
	[tilespmem:$0x1E100] =	vst v63  }
0x3b: {  	_ =	swait.ge [sflag:s28], $0x4000  }
0x3c: {  	[sflag:s28] =	ssyncset.done $0x0  }
0x3d: {  	s7 =	simm.s32 $0x14D80;
	[sflag:s28] =	ssyncadd.s32 $0xFFFFC000  }
0x3e: {  	[spmem:s2] =	stream.indirect.scatter.add.f32 [tilespmem:s23], [sflag:$0x4], $0x80, s7, s20, $0xb8;
	[tilespmem:$0x1E100] =	vst v63  }
0x3f: {  	_ =	swait.ge [sflag:s29], $0x4000  }
0x40: {  	[sflag:s29] =	ssyncset.done $0x0  }
0x41: {  	s0 =	simm.s32 $0x400;
	s6 =	simm.s32 $0x13A80;
	[sflag:s29] =	ssyncadd.s32 $0xFFFFC000  }
.LBB2_2:
0x42: {  	[tilespmem:s23], [sflag:$0x2] =	stream.indirect.gather [hbm4b:s4+s20], $0x80, s6, s20, $0xb8;
	[tilespmem:$0x1E100] =	vst v63  }
0x43: {  	s6 =	smov.u32 s0  }
0x44: {  	p3 =	sne.s32 s0, $0x4800;
	s0 =	sadd.s32 $0x400, s0;
	_ =	swait.ge [sflag:s24], $0x4000  }
0x45: {  	s6 =	sshra.s32 s6, $0x2;
	[sflag:s24] =	ssyncset.done $0x0  }
0x46: {  	s7 =	sadd.s32 $0x14D00, s6;
	[sflag:s24] =	ssyncadd.s32 $0xFFFFC000  }
0x47: {  	[spmem:s2] =	stream.indirect.scatter.add.f32 [tilespmem:s21], [sflag:$0x3], $0x80, s7, s20, $0xb8;
	[tilespmem:$0x1E100] =	vst v63  }
0x48: {  	_ =	swait.ge [sflag:s26], $0x4000  }
0x49: {  	[sflag:s26] =	ssyncset.done $0x0  }
0x4a: {  	s7 =	sadd.s32 $0x13A00, s6;
	[sflag:s26] =	ssyncadd.s32 $0xFFFFC000  }
0x4b: {  	[tilespmem:s21], [sflag:$0x1] =	stream.indirect.gather [hbm4b:s4+s20], $0x80, s7, s20, $0xb8;
	[tilespmem:$0x1E100] =	vst v63  }
0x4c: {  	_ =	swait.ge [sflag:s28], $0x4000  }
0x4d: {  	[sflag:s28] =	ssyncset.done $0x0  }
.Ltmp2:
0x4e: {  	s7 =	sadd.s32 $0x14D80, s6;
	[sflag:s28] =	ssyncadd.s32 $0xFFFFC000;
	(pc) =	sbr.rel @p3 .LBB2_2-.Ltmp2, $4  }
0x4f: {  	[spmem:s2] =	stream.indirect.scatter.add.f32 [tilespmem:s23], [sflag:$0x4], $0x80, s7, s20, $0xb8;
	[tilespmem:$0x1E100] =	vst v63  }
0x50: {  	_ =	swait.ge [sflag:s29], $0x4000  }
0x51: {  	[sflag:s29] =	ssyncset.done $0x0  }
0x52: {  	s6 =	sadd.s32 $0x13A80, s6;
	[sflag:s29] =	ssyncadd.s32 $0xFFFFC000  }
0x53: {  	[tilespmem:s23], [sflag:$0x2] =	stream.indirect.gather [hbm4b:s4+s20], $0x80, s6, s20, $0xb8;
	[tilespmem:$0x1E100] =	vst v63  }
0x54: {  	_ =	swait.ge [sflag:s24], $0x4000  }
0x55: {  	[sflag:s24] =	ssyncset.done $0x0  }
0x56: {  	[sflag:s24] =	ssyncadd.s32 $0xFFFFC000  }
0x57: {  	[spmem:s2] =	stream.indirect.scatter.add.f32 [tilespmem:s21], [sflag:$0x3], $0x80, s30, s20, $0xb8;
	[tilespmem:$0x1E100] =	vst v63  }
0x58: {  	_ =	swait.ge [sflag:s26], $0x4000  }
0x59: {  	[sflag:s26] =	ssyncset.done $0x0  }
0x5a: {  	[sflag:s26] =	ssyncadd.s32 $0xFFFFC000  }
0x5b: {  	_ =	swait.ge [sflag:s28], $0x4000  }
0x5c: {  	[sflag:s28] =	ssyncset.done $0x0  }
0x5d: {  	[sflag:s28] =	ssyncadd.s32 $0xFFFFC000  }
0x5e: {  	[spmem:s2] =	stream.indirect.scatter.add.f32 [tilespmem:s23], [sflag:$0x4], $0x80, s31, s20, $0xb8;
	[tilespmem:$0x1E100] =	vst v63  }
.Ltmp3:
0x5f: {  	_ =	swait.ge [sflag:s29], $0x4000;
	(pc) =	sbr.rel @!p0 .LBB2_4-.Ltmp3, $3  }
0x60: {  	[sflag:s29] =	ssyncset.done $0x0  }
0x61: {  	[sflag:s29] =	ssyncadd.s32 $0xFFFFC000  }
0x62: {  	[bflag:$0x0] =	sbarrier.arrive $0xFFFF;
	_ =	sdelay $0x1  }
0x63: {  	[hbm:s13], [sflag:s8] =	dma.local [spmem:s15], $0x2700  }
.Ltmp4:
0x64: {  	_ = 	snop;
	(pc) =	sbr.rel @p1 .LBB2_7-.Ltmp4, $4  }
.Ltmp5:
0x65: {  	_ = 	snop;
	(pc) =	sbr.rel @!p1 .LBB2_6-.Ltmp5, $4  }
0x66: {  	_ =	swait.ge [sflag:s16], $0x2700  }
0x67: {  	[sflag:s16] =	ssyncset.done $0x0  }
0x68: {  	s0 =	smov.u32 s11;
	[sflag:s16] =	ssyncadd.s32 $0xFFFFD900  }
0x69: {  	_ = 	snop  }
.LBB2_4:
0x6a: {  	s0 =	rddreg [dreg:$0x4]  }
0x6b: {  	[hbm:s0], [sflag:s8] =	dma.local [spmem:s15], $0x2700  }
.Ltmp6:
0x6c: {  	_ = 	snop;
	(pc) =	sbr.rel @p2 .LBB2_6-.Ltmp6, $4  }
.Ltmp7:
0x6d: {  	_ = 	snop;
	(pc) =	sbr.rel @!p2 .LBB2_7-.Ltmp7, $4  }
0x6e: {  	_ =	swait.ge [sflag:s16], $0x2700  }
0x6f: {  	[sflag:s16] =	ssyncset.done $0x0  }
0x70: {  	s0 =	rddreg [dreg:$0x3];
	[sflag:s16] =	ssyncadd.s32 $0xFFFFD900  }
0x71: {  	_ = 	snop  }
.LBB2_8:
0x72: {  	_ =	sfence.sel $0x180000  }
0x73: {  	[bflag:$0x0] =	sbarrier.arrive $0xFFFF  }
0x74: {  	_ =	strace $0x90000050  }
0x75: {  	s0 =	stileid.u32;
	[bflag:$0x2] =	sbarrier.arrive $0xFFFF  }
0x76: {  	p0 =	sne.s32 s0, $0x0;
	s0 =	rddreg [dreg:$0x2]  }
0x77: {  	s0 =	sadd.s32 @!p0 $0x100000, s0  }
0x78: {  	[sflag:s0] =	ssyncadd.tile.s32 @!p0 $0x1;
	_ =	shalt  }
.Lfunc_end2:
_tile_overlayer_lowered:
.L_overlay_start_2:
0x79: {  	(tag) =	ssettag $0x2  }
0x7a: {  	s0 =	rddreg [dreg:$0x0];
	s2 =	stileid.u32  }
0x7b: {  	s1 =	rddreg [dreg:$0x1];
	p0 =	sne.s32 s2, $0x0  }
0x7c: {  	s3 =	rddreg [dreg:$0x2];
	[bflag:$0x3] =	sbarrier.arrive $0xFFFF;
	s2 =	simm.s32 @!p0 $0x1C05  }
0x7d: {  	[timem:s3], [sflag:s2] =	dma.local @!p0 [hbm:s0], s1  }
0x7e: {  	s0 =	simm.s32 @!p0 $0x5  }
0x7f: {  	_ =	swait.ge @!p0 [sflag:s0], s1  }
0x80: {  	s1 =	ssub.s32 @!p0 $0x0, s1;
	[sflag:s0] =	ssyncset.done @!p0 $0x0  }
0x81: {  	[sflag:s0] =	ssyncadd.s32 @!p0 s1  }
0x82: {  	[bflag:$0x3] =	sbarrier.arrive $0xFFFF  }
0x83: {  	_ =	shalt  }

// kernel: kernel.25.cloned.1.call-start
scs
__scs_entry_jumppad:
0x0: {  	(pc) =	sbr.rel $0x88, $3  }
0x1: {  	(tag) =	ssettag $0x0;
	lr =	simm.s32 $0x1  }
0x2: {  	[smem:$0x3F78] =	sst lr;
	_ =	strace $0xD0000000  }
0x3: {  	_ = 	snop  }
0x4: {  	_ = 	snop  }
0x5: {  	_ = 	snop  }
0x6: {  	_ = 	snop  }
0x7: {  	_ = 	snop  }
__scs_overlays_trampoline_lowered:
0x8: {  	[smem:$0x3F87] =	sst s0  }
0x9: {  	[smem:$0x3F88] =	sst s1  }
0xa: {  	[smem:$0x3F89] =	sst s2  }
0xb: {  	[smem:$0x3F8A] =	sst s3  }
0xc: {  	[smem:$0x3F8B] =	sst s4  }
0xd: {  	[smem:$0x3F8C] =	sst s5  }
0xe: {  	[smem:$0x3F8D] =	sst s6  }
0xf: {  	[smem:$0x3F8E] =	sst s7  }
0x10: {  	[smem:$0x3F8F] =	sst s8  }
0x11: {  	[smem:$0x3F90] =	sst s9;
	s0 =	simm.s32 @!p0 $0x0  }
0x12: {  	s1 =	sld [smem:$0x3F76];
	s0 =	simm.s32 @p0 $0x1  }
0x13: {  	[smem:$0x3F91] =	sst s0;
	s0 =	simm.s32 @!p1 $0x0  }
0x14: {  	s2 =	sld [smem:$0x3F75];
	s0 =	simm.s32 @p1 $0x1  }
0x15: {  	[smem:$0x3F92] =	sst s0;
	s0 =	simm.s32 @!p2 $0x0  }
0x16: {  	s3 =	sld [smem:$0x3FDB];
	s0 =	simm.s32 @p2 $0x1  }
0x17: {  	s4 =	simm.s32 $0x1BF5;
	[smem:$0x3F94] =	sst s0  }
0x18: {  	s0 =	sld [smem:$0x3F77];
	_ =	swait.ge [sflag:s4], $0x0  }
0x19: {  	s7 =	sld [smem:$0x3F78]  }
0x1a: {  	s8 =	sadd.s32 $0xFFFFE003, lr  }
0x1b: {  	s9 =	sadd.s32 $0xFFFFFEF7, lr;
	s5 =	simm.s32 $0xFFFFFFFF;
	p2 =	slt.u32 s8, $0xFFFFF086  }
0x1c: {  	p1 =	slt.u32 s9, $0xF7A;
	s5 =	simm.s32 @!p2 $0x0  }
0x1d: {  	s5 =	simm.s32 @p1 $0x1;
	p0 =	seq.s32 s7, s2  }
0x1e: {  	s7 =	smul.u32 @!p0 $0xF7A, s2;
	p2 =	seq.s32 @!p0 s5, $0x0  }
0x1f: {  	s9 =	smul.u32 $0xF7A, s1;
	s8 =	simm.s32 @!p0 $0x1BF5;
	p2 =	por !p2, p0  }
0x20: {  	[sflag:s8] =	ssyncset.s32 @!p0 $0xFFFFF086;
	s6 =	sadd.s32 @!p0 s3, s7;
	s7 =	simm.s32 @!p0 $0x108  }
0x21: {  	s3 =	sadd.s32 s3, s9;
	s6 =	sadd.s32 @!p0 $0x88, s6;
	s7 =	simm.s32 @p2 $0x1082  }
0x22: {  	[simem:s7], [sflag:s8] =	dma.local @!p0 [hbm:s6], $0xF7A  }
0x23: {  	s9 =	sor.u32 $0xD0000000, s2;
	s6 =	simm.s32 $0x108;
	_ =	swait.ge @!p0 [sflag:s8], $0x0  }
0x24: {  	s3 =	sadd.s32 $0x88, s3;
	s6 =	simm.s32 @!p1 $0x1082;
	[sflag:s4] =	ssyncset.s32 $0xFFFFF086  }
0x25: {  	[simem:s6], [sflag:s4] =	dma.local [hbm:s3], $0xF7A  }
0x26: {  	[smem:$0x3F78] =	sst s1;
	(tag) =	ssettag s2;
	_ =	strace s9  }
0x27: {  	s1 =	sld [smem:$0x3F88]  }
0x28: {  	s2 =	sld [smem:$0x3F89]  }
0x29: {  	s4 =	sld [smem:$0x3F8B]  }
0x2a: {  	p0 =	seq.s32 s5, $0x0;
	s5 =	sld [smem:$0x3F8C]  }
0x2b: {  	s6 =	sld [smem:$0x3F8D]  }
0x2c: {  	s7 =	sld [smem:$0x3F8E]  }
0x2d: {  	s3 =	simm.s32 $0x108;
	s8 =	sld [smem:$0x3F8F]  }
0x2e: {  	s3 =	simm.s32 @!p0 $0x1082;
	s9 =	sld [smem:$0x3F90]  }
0x2f: {  	lr =	sadd.s32 s0, s3;
	s0 =	sld [smem:$0x3F87]  }
0x30: {  	s3 =	sld [smem:$0x3F8A]  }
0x31: {  	[smem:$0x3F93] =	sst s10  }
0x32: {  	s10 =	sld [smem:$0x3F91];
	_ =	sdelay $0x3  }
0x33: {  	p0 =	seq.s32 s10, $0x1;
	s10 =	sld [smem:$0x3F93];
	_ =	sdelay $0x3  }
0x34: {  	[smem:$0x3F93] =	sst s10  }
0x35: {  	s10 =	sld [smem:$0x3F92];
	_ =	sdelay $0x3  }
0x36: {  	p1 =	seq.s32 s10, $0x1;
	s10 =	sld [smem:$0x3F93];
	_ =	sdelay $0x3  }
0x37: {  	[smem:$0x3F93] =	sst s10  }
0x38: {  	s10 =	sld [smem:$0x3F94]  }
0x39: {  	_ = 	snop;
	(pc) =	sbr.ind lr, $3  }
0x3a: {  	_ = 	snop  }
0x3b: {  	_ = 	snop  }
0x3c: {  	p2 =	seq.s32 s10, $0x1;
	s10 =	sld [smem:$0x3F93]  }
0x3d: {  	_ =	shalt  }
0x3e: {  	_ =	shalt  }
0x3f: {  	_ =	shalt  }
0x40: {  	_ =	shalt  }
0x41: {  	_ =	shalt  }
0x42: {  	_ =	shalt  }
0x43: {  	_ =	shalt  }
0x44: {  	_ =	shalt  }
0x45: {  	_ =	shalt  }
0x46: {  	_ =	shalt  }
0x47: {  	_ =	shalt  }
0x48: {  	_ =	shalt  }
0x49: {  	_ =	shalt  }
0x4a: {  	_ =	shalt  }
0x4b: {  	_ =	shalt  }
0x4c: {  	_ =	shalt  }
0x4d: {  	_ =	shalt  }
0x4e: {  	_ =	shalt  }
0x4f: {  	_ =	shalt  }
0x50: {  	_ =	shalt  }
0x51: {  	_ =	shalt  }
0x52: {  	_ =	shalt  }
0x53: {  	_ =	shalt  }
0x54: {  	_ =	shalt  }
0x55: {  	_ =	shalt  }
0x56: {  	_ =	shalt  }
0x57: {  	_ =	shalt  }
0x58: {  	_ =	shalt  }
0x59: {  	_ =	shalt  }
0x5a: {  	_ =	shalt  }
0x5b: {  	_ =	shalt  }
0x5c: {  	_ =	shalt  }
0x5d: {  	_ =	shalt  }
0x5e: {  	_ =	shalt  }
0x5f: {  	_ =	shalt  }
0x60: {  	_ =	shalt  }
0x61: {  	_ =	shalt  }
0x62: {  	_ =	shalt  }
0x63: {  	_ =	shalt  }
0x64: {  	_ =	shalt  }
0x65: {  	_ =	shalt  }
0x66: {  	_ =	shalt  }
0x67: {  	_ =	shalt  }
0x68: {  	_ =	shalt  }
0x69: {  	_ =	shalt  }
0x6a: {  	_ =	shalt  }
0x6b: {  	_ =	shalt  }
0x6c: {  	_ =	shalt  }
0x6d: {  	_ =	shalt  }
0x6e: {  	_ =	shalt  }
0x6f: {  	_ =	shalt  }
0x70: {  	_ =	shalt  }
0x71: {  	_ =	shalt  }
0x72: {  	_ =	shalt  }
0x73: {  	_ =	shalt  }
0x74: {  	_ =	shalt  }
0x75: {  	_ =	shalt  }
0x76: {  	_ =	shalt  }
0x77: {  	_ =	shalt  }
0x78: {  	_ =	shalt  }
0x79: {  	_ =	shalt  }
0x7a: {  	_ =	shalt  }
0x7b: {  	_ =	shalt  }
0x7c: {  	_ =	shalt  }
0x7d: {  	_ =	shalt  }
0x7e: {  	_ =	shalt  }
0x7f: {  	_ =	shalt  }
0x80: {  	_ =	shalt  }
0x81: {  	_ =	shalt  }
0x82: {  	_ =	shalt  }
0x83: {  	_ =	shalt  }
0x84: {  	_ =	shalt  }
0x85: {  	_ =	shalt  }
0x86: {  	_ =	shalt  }
0x87: {  	_ =	shalt  }
.Lfunc_end0:
.L_simem_size_0:
called_computation.4_lowered:
.L_overlay_start_0:
0x88: {  	s2 =	sld [smem:$0x3FD9]  }
0x89: {  	s3 =	sld [smem:$0x3FFE];
	_ =	sdelay $0x1  }
0x8a: {  	s1 =	srdreg.scid  }
0x8b: {  	s0 =	sand.u32 $0x1, s1  }
0x8c: {  	s16 =	sshll.u32 s0, $0xA;
	s2 =	sadd.s32 s3, s2  }
0x8d: {  	s2 =	sadd.s32 s2, s16  }
0x8e: {  	[smem:$0x3F9F] =	sst s2  }
0x8f: {  	_ = 	snop  }
0x90: {  	(tm) =	ssettm $0x1  }
0x91: {  	s17 =	sld [smem:$0x3FFB];
	_ =	sdelay $0x3  }
0x92: {  	_ =	strace s17  }
0x93: {  	s2 =	sld [smem:$0x3FFC];
	_ =	sdelay $0x3  }
0x94: {  	_ =	strace s2  }
0x95: {  	s2 =	sld [smem:$0x3FFD];
	_ =	sdelay $0x3  }
0x96: {  	_ =	strace s2  }
0x97: {  	_ =	strace $0x8FFFFFFF  }
0x98: {  	s18 =	sld [smem:$0x3FDB];
	_ =	sdelay $0x1  }
0x99: {  	s19 =	simm.s32 $_scs_section_size  }
0x9a: {  	s4 =	simm.s32 $_size__tile_overlayer_lowered;
	s5 =	simm.s32 $_tile_overlayer_lowered  }
0x9b: {  	s22 =	simm.s32 $0x1BFF;
	s21 =	sshll.u32 s5, $0x1;
	s2 =	sadd.s32 s19, s18  }
0x9c: {  	s6 =	simm.s32 $0x0;
	s20 =	sshll.u32 s4, $0x1;
	s4 =	sadd.s32 s21, s2  }
0x9d: {  	[timem:s6], [sflag:s22] =	dma.local [hbm:s4], s20  }
0x9e: {  	_ =	swait.ge [sflag:s22], s20  }
0x9f: {  	s3 =	ssub.s32 $0x0, s20;
	[sflag:s22] =	ssyncset.done $0x0  }
0xa0: {  	[sflag:s22] =	ssyncadd.s32 s3;
	_ =	sdelay $0x1  }
0xa1: {  	s23 =	simm.s32 $0x1B8B  }
0xa2: {  	_ =	swait.ge [sflag:s23], $0x1  }
0xa3: {  	[sflag:s23] =	ssyncset.done $0x0  }
0xa4: {  	s25 =	simm.s32 $0x1B8E;
	s24 =	sld [smem:$0x3FFE];
	[sflag:s23] =	ssyncadd.s32 $0xFFFFFFFF  }
0xa5: {  	s26 =	simm.s32 $execute0_lowered;
	[smem:$0x3FD2] =	sst s25  }
0xa6: {  	s4 =	sshll.u32 s26, $0x1;
	_ =	strace $0x80000052;
	[dreg:$0x1] =	wrdreg $0xFFFFFFFF  }
0xa7: {  	s28 =	simm.s32 $_size_execute0_lowered;
	s2 =	sadd.s32 s2, s4;
	[dreg:$0x0] =	wrdreg $0x0  }
0xa8: {  	s4 =	sshll.u32 s28, $0x1;
	[dreg:$0x2] =	wrdreg s2  }
0xa9: {  	[dreg:$0x3] =	wrdreg s4  }
0xaa: {  	[dreg:$0x4] =	wrdreg $0xC0  }
0xab: {  	_ =	task [dreg:s6], $0x5FFFF  }
0xac: {  	[dreg:$0x1] =	wrdreg $0xFFFFFFFF  }
0xad: {  	[dreg:$0x0] =	wrdreg $0x60  }
0xae: {  	[dreg:$0x2] =	wrdreg s24  }
0xaf: {  	[dreg:$0x3] =	wrdreg $0x0  }
0xb0: {  	[dreg:$0x4] =	wrdreg $0x9  }
0xb1: {  	_ =	task.clear_ibuf [dreg:s6], $0x5FFFF;
	_ =	strace $0x90000052  }
0xb2: {  	s29 =	simm.s32 $0x9;
	_ =	strace $0x80000054  }
0xb3: {  	_ =	swait.ge [sflag:s29], $0x1  }
0xb4: {  	[sflag:s29] =	ssyncadd.s32 $0xFFFFFFFF  }
0xb5: {  	_ =	strace $0x90000054  }
0xb6: {  	_ =	sfence  }
0xb7: {  	s30 =	sld [smem:$0x0];
	_ =	sdelay $0x2  }
0xb8: {  	s31 =	sshll.u32 s1, $0xD;
	s1 =	sshrl.u32 s1, $0x2  }
0xb9: {  	s3 =	sand.u32 $0x4000, s31;
	s1 =	sadd.s32 s1, s30  }
0xba: {  	s0 =	sor.u32 s3, s0;
	s1 =	sshll.u32 s1, $0x11  }
0xbb: {  	s0 =	sor.u32 s1, s0  }
0xbc: {  	s0 =	sadd.s32 $0x8F2B, s0  }
0xbd: {  	[sflag:s0] =	ssyncadd.remote.s32 $0x1  }
0xbe: {  	_ =	sfence.sel $0xFFFF  }
0xbf: {  	[dreg:$0x0] =	wrdreg $0xFFFFFFFF;
	(pc) =	sbr.abs _section_cstart, $3  }
0xc0: {  	[dreg:$0x1] =	wrdreg $0xFFFFFFFF  }
0xc1: {  	_ =	task.clear_ibuf [dreg:s6], $0x2FFFF;
	_ =	strace $0x9FFFFFFF  }
0xc2: {  	(tm) =	ssettm $0x7FFFFFFF  }
0xc3: {  	_ =	shalt  }
tec
execute0_lowered:
.L_overlay_start_1:
0x0: {  	(tag) =	ssettag $0x1  }
0x1: {  	s0 =	srdreg.scid;
	s1 =	rddreg [dreg:$0x0]  }
0x2: {  	s7 =	stileid.u32;
	s2 =	rddreg [dreg:$0x1];
	s18 =	simm.s32 $0x13900  }
0x3: {  	s19 =	simm.s32 $0x14D00;
	s20 =	simm.s32 $0x80;
	s28 =	simm.s32 $0x2  }
0x4: {  	s29 =	simm.s32 $0x4;
	s30 =	simm.s32 $0x16000;
	s31 =	simm.s32 $0x16080  }
0x5: {  	s0 =	sand.u32 $0x1, s0;
	s3 =	sshll.u32 s7, $0x1;
	s9 =	smul.u32 $0x4E000, s7  }
0x6: {  	s14 =	sadd.s32 $0xB3400, s1;
	s16 =	sadd.s32 $0xDA600, s1;
	s23 =	sshll.u32 s7, $0xA  }
0x7: {  	s24 =	sshll.u32 s7, $0x6;
	s10 =	sshll.u32 s7, $0x3;
	s13 =	smul.u32 $0x2700, s7  }
0x8: {  	p1 =	sgt.u32 s7, $0x1;
	p2 =	slt.u32 s7, $0x2;
	s4 =	sor.u32 s0, s3  }
0x9: {  	s3 =	simm.s32 $0x0;
	s8 =	ssub.s32 $0x2, s0;
	s12 =	sor.u32 $0x2700, s10  }
0xa: {  	p0 =	seq.s32 s0, $0x1;
	s11 =	smov.u32 s16;
	s5 =	smul.u32 $0x280, s4  }
0xb: {  	[smem:$0x7FF] =	sst s3;
	s4 =	sadd.s32 $0x89A00, s1;
	s21 =	sshrl.u32 s8, $0x1  }
0xc: {  	s22 =	sshrl.u32 s9, $0x2;
	s9 =	sadd.s32 s23, s2;
	s25 =	sshll.u32 s12, $0x7  }
0xd: {  	s26 =	sadd.s32 s14, s13;
	s12 =	sshll.u32 s12, $0x4;
	s13 =	sadd.s32 s16, s13  }
0xe: {  	s16 =	simm.s32 $0x5;
	s23 =	simm.s32 $0x1A100;
	_ =	strace $0x80000053  }
0xf: {  	s15 =	sadd.s32 s22, s2;
	s17 =	sadd.s32 $0x138000, s9;
	[dreg:$0x3] =	wrdreg s14  }
0x10: {  	[dreg:$0x4] =	wrdreg s26;
	s0 =	sadd.s32 s25, s2;
	s22 =	simm.s32 $0x13980  }
.Ltmp0:
0x11: {  	s26 =	simm.s32 $0x3;
	s6 =	sadd.s32 s5, s1;
	(pc) =	sbr.rel .LBB2_1-.Ltmp0, $4  }
0x12: {  	s5 =	sadd.s32 $0xB0C00, s1;
	s1 =	ssub.s32 s8, s21;
	s8 =	sor.u32 $0x1C05, s24  }
0x13: {  	s15 =	sshrl.u32 s15, $0x3;
	s17 =	sshrl.u32 @!p1 s17, $0x3;
	s21 =	simm.s32 $0x16100  }
0x14: {  	s24 =	simm.s32 $0x1;
	s25 =	sshrl.u32 s0, $0x3;
	s9 =	sadd.s32 $0x72E00, s6  }
0x15: {  	s10 =	sadd.s32 $0x84A00, s6;
	s14 =	smax.u32 s1, $0x1;
	s1 =	simm.s32 $0x0  }
.LBB2_6:
0x16: {  	s0 =	sadd.s32 s0, s12  }
0x17: {  	[hbm:s0], [sflag:s8] =	dma.local [spmem:s25], $0x80  }
0x18: {  	_ =	swait.ge [sflag:s16], $0x80  }
0x19: {  	[sflag:s16] =	ssyncset.done $0x0  }
0x1a: {  	[sflag:s16] =	ssyncadd.s32 $0xFFFFFF80  }
.LBB2_7:
0x1b: {  	s1 =	sadd.s32 $0x1, s1  }
0x1c: {  	p3 =	sne.s32 s1, s14  }
.Ltmp1:
0x1d: {  	_ = 	snop;
	(pc) =	sbr.rel @!p3 .LBB2_8-.Ltmp1, $1  }
0x1e: {  	_ =	sdelay $0x3  }
.LBB2_1:
0x1f: {  	[spmem:s15], [sflag:s8] =	dma.local [hbm:s5], $0x2700  }
0x20: {  	_ =	swait.ge [sflag:s16], $0x2700  }
0x21: {  	[sflag:s16] =	ssyncset.done $0x0  }
0x22: {  	s0 =	simm.s32 @!p1 $0x5;
	[sflag:s16] =	ssyncadd.s32 $0xFFFFD900  }
0x23: {  	[spmem:s17], [sflag:s8] =	dma.local @!p1 [hbm:s5], $0x80  }
0x24: {  	_ =	swait.ge @!p1 [sflag:s0], $0x80  }
0x25: {  	[sflag:s0] =	ssyncset.done @!p1 $0x0  }
0x26: {  	[sflag:s0] =	ssyncadd.s32 @!p1 $0xFFFFFF80  }
0x27: {  	[tilespmem:s18], [sflag:$0x5] =	stream.linear.gather [hbm4b:s9+s3], $0x1400, $0x38;
	[tilespmem:$0x1E100] =	vst v63  }
0x28: {  	_ =	swait.ge [sflag:s16], $0x1400  }
0x29: {  	[sflag:s16] =	ssyncset.done $0x0  }
0x2a: {  	[sflag:s16] =	ssyncadd.s32 $0xFFFFEC00  }
0x2b: {  	[tilespmem:s19], [sflag:$0x5] =	stream.linear.gather [hbm4b:s10+s3], $0x1400, $0x38;
	[tilespmem:$0x1E100] =	vst v63  }
0x2c: {  	_ =	swait.ge [sflag:s16], $0x1400  }
0x2d: {  	[sflag:s16] =	ssyncset.done $0x0  }
0x2e: {  	[sflag:s16] =	ssyncadd.s32 $0xFFFFEC00  }
0x2f: {  	[bflag:$0x0] =	sbarrier.arrive $0xFFFF  }
0x30: {  	[tilespmem:s21], [sflag:$0x1] =	stream.indirect.gather [hbm4b:s4+s20], $0x80, s18, s20, $0xb8;
	[tilespmem:$0x1E100] =	vst v63  }
0x31: {  	_ = 	snop  }
0x32: {  	[tilespmem:s23], [sflag:$0x2] =	stream.indirect.gather [hbm4b:s4+s20], $0x80, s22, s20, $0xb8;
	[tilespmem:$0x1E100] =	vst v63  }
0x33: {  	_ =	swait.ge [sflag:s24], $0x4000  }
0x34: {  	[sflag:s24] =	ssyncset.done $0x0  }
0x35: {  	s7 =	simm.s32 $0x14D00;
	[sflag:s24] =	ssyncadd.s32 $0xFFFFC000  }
0x36: {  	[spmem:s2] =	stream.indirect.scatter.add.f32 [tilespmem:s21], [sflag:$0x3], $0x80, s7, s20, $0xb8;
	[tilespmem:$0x1E100] =	vst v63  }
0x37: {  	_ =	swait.ge [sflag:s26], $0x4000  }
0x38: {  	[sflag:s26] =	ssyncset.done $0x0  }
0x39: {  	s6 =	simm.s32 $0x13A00;
	[sflag:s26] =	ssyncadd.s32 $0xFFFFC000  }
0x3a: {  	[tilespmem:s21], [sflag:$0x1] =	stream.indirect.gather [hbm4b:s4+s20], $0x80, s6, s20, $0xb8;
	[tilespmem:$0x1E100] =	vst v63  }
0x3b: {  	_ =	swait.ge [sflag:s28], $0x4000  }
0x3c: {  	[sflag:s28] =	ssyncset.done $0x0  }
0x3d: {  	s7 =	simm.s32 $0x14D80;
	[sflag:s28] =	ssyncadd.s32 $0xFFFFC000  }
0x3e: {  	[spmem:s2] =	stream.indirect.scatter.add.f32 [tilespmem:s23], [sflag:$0x4], $0x80, s7, s20, $0xb8;
	[tilespmem:$0x1E100] =	vst v63  }
0x3f: {  	_ =	swait.ge [sflag:s29], $0x4000  }
0x40: {  	[sflag:s29] =	ssyncset.done $0x0  }
0x41: {  	s0 =	simm.s32 $0x400;
	s6 =	simm.s32 $0x13A80;
	[sflag:s29] =	ssyncadd.s32 $0xFFFFC000  }
.LBB2_2:
0x42: {  	[tilespmem:s23], [sflag:$0x2] =	stream.indirect.gather [hbm4b:s4+s20], $0x80, s6, s20, $0xb8;
	[tilespmem:$0x1E100] =	vst v63  }
0x43: {  	s6 =	smov.u32 s0  }
0x44: {  	p3 =	sne.s32 s0, $0x4800;
	s0 =	sadd.s32 $0x400, s0;
	_ =	swait.ge [sflag:s24], $0x4000  }
0x45: {  	s6 =	sshra.s32 s6, $0x2;
	[sflag:s24] =	ssyncset.done $0x0  }
0x46: {  	s7 =	sadd.s32 $0x14D00, s6;
	[sflag:s24] =	ssyncadd.s32 $0xFFFFC000  }
0x47: {  	[spmem:s2] =	stream.indirect.scatter.add.f32 [tilespmem:s21], [sflag:$0x3], $0x80, s7, s20, $0xb8;
	[tilespmem:$0x1E100] =	vst v63  }
0x48: {  	_ =	swait.ge [sflag:s26], $0x4000  }
0x49: {  	[sflag:s26] =	ssyncset.done $0x0  }
0x4a: {  	s7 =	sadd.s32 $0x13A00, s6;
	[sflag:s26] =	ssyncadd.s32 $0xFFFFC000  }
0x4b: {  	[tilespmem:s21], [sflag:$0x1] =	stream.indirect.gather [hbm4b:s4+s20], $0x80, s7, s20, $0xb8;
	[tilespmem:$0x1E100] =	vst v63  }
0x4c: {  	_ =	swait.ge [sflag:s28], $0x4000  }
0x4d: {  	[sflag:s28] =	ssyncset.done $0x0  }
.Ltmp2:
0x4e: {  	s7 =	sadd.s32 $0x14D80, s6;
	[sflag:s28] =	ssyncadd.s32 $0xFFFFC000;
	(pc) =	sbr.rel @p3 .LBB2_2-.Ltmp2, $4  }
0x4f: {  	[spmem:s2] =	stream.indirect.scatter.add.f32 [tilespmem:s23], [sflag:$0x4], $0x80, s7, s20, $0xb8;
	[tilespmem:$0x1E100] =	vst v63  }
0x50: {  	_ =	swait.ge [sflag:s29], $0x4000  }
0x51: {  	[sflag:s29] =	ssyncset.done $0x0  }
0x52: {  	s6 =	sadd.s32 $0x13A80, s6;
	[sflag:s29] =	ssyncadd.s32 $0xFFFFC000  }
0x53: {  	[tilespmem:s23], [sflag:$0x2] =	stream.indirect.gather [hbm4b:s4+s20], $0x80, s6, s20, $0xb8;
	[tilespmem:$0x1E100] =	vst v63  }
0x54: {  	_ =	swait.ge [sflag:s24], $0x4000  }
0x55: {  	[sflag:s24] =	ssyncset.done $0x0  }
0x56: {  	[sflag:s24] =	ssyncadd.s32 $0xFFFFC000  }
0x57: {  	[spmem:s2] =	stream.indirect.scatter.add.f32 [tilespmem:s21], [sflag:$0x3], $0x80, s30, s20, $0xb8;
	[tilespmem:$0x1E100] =	vst v63  }
0x58: {  	_ =	swait.ge [sflag:s26], $0x4000  }
0x59: {  	[sflag:s26] =	ssyncset.done $0x0  }
0x5a: {  	[sflag:s26] =	ssyncadd.s32 $0xFFFFC000  }
0x5b: {  	_ =	swait.ge [sflag:s28], $0x4000  }
0x5c: {  	[sflag:s28] =	ssyncset.done $0x0  }
0x5d: {  	[sflag:s28] =	ssyncadd.s32 $0xFFFFC000  }
0x5e: {  	[spmem:s2] =	stream.indirect.scatter.add.f32 [tilespmem:s23], [sflag:$0x4], $0x80, s31, s20, $0xb8;
	[tilespmem:$0x1E100] =	vst v63  }
.Ltmp3:
0x5f: {  	_ =	swait.ge [sflag:s29], $0x4000;
	(pc) =	sbr.rel @!p0 .LBB2_4-.Ltmp3, $3  }
0x60: {  	[sflag:s29] =	ssyncset.done $0x0  }
0x61: {  	[sflag:s29] =	ssyncadd.s32 $0xFFFFC000  }
0x62: {  	[bflag:$0x0] =	sbarrier.arrive $0xFFFF;
	_ =	sdelay $0x1  }
0x63: {  	[hbm:s13], [sflag:s8] =	dma.local [spmem:s15], $0x2700  }
.Ltmp4:
0x64: {  	_ = 	snop;
	(pc) =	sbr.rel @p1 .LBB2_7-.Ltmp4, $4  }
.Ltmp5:
0x65: {  	_ = 	snop;
	(pc) =	sbr.rel @!p1 .LBB2_6-.Ltmp5, $4  }
0x66: {  	_ =	swait.ge [sflag:s16], $0x2700  }
0x67: {  	[sflag:s16] =	ssyncset.done $0x0  }
0x68: {  	s0 =	smov.u32 s11;
	[sflag:s16] =	ssyncadd.s32 $0xFFFFD900  }
0x69: {  	_ = 	snop  }
.LBB2_4:
0x6a: {  	s0 =	rddreg [dreg:$0x4]  }
0x6b: {  	[hbm:s0], [sflag:s8] =	dma.local [spmem:s15], $0x2700  }
.Ltmp6:
0x6c: {  	_ = 	snop;
	(pc) =	sbr.rel @p2 .LBB2_6-.Ltmp6, $4  }
.Ltmp7:
0x6d: {  	_ = 	snop;
	(pc) =	sbr.rel @!p2 .LBB2_7-.Ltmp7, $4  }
0x6e: {  	_ =	swait.ge [sflag:s16], $0x2700  }
0x6f: {  	[sflag:s16] =	ssyncset.done $0x0  }
0x70: {  	s0 =	rddreg [dreg:$0x3];
	[sflag:s16] =	ssyncadd.s32 $0xFFFFD900  }
0x71: {  	_ = 	snop  }
.LBB2_8:
0x72: {  	_ =	sfence.sel $0x180000  }
0x73: {  	[bflag:$0x0] =	sbarrier.arrive $0xFFFF  }
0x74: {  	_ =	strace $0x90000053  }
0x75: {  	s0 =	stileid.u32;
	[bflag:$0x2] =	sbarrier.arrive $0xFFFF  }
0x76: {  	p0 =	sne.s32 s0, $0x0;
	s0 =	rddreg [dreg:$0x2]  }
0x77: {  	s0 =	sadd.s32 @!p0 $0x100000, s0  }
0x78: {  	[sflag:s0] =	ssyncadd.tile.s32 @!p0 $0x1;
	_ =	shalt  }
.Lfunc_end2:
_tile_overlayer_lowered:
.L_overlay_start_2:
0x79: {  	(tag) =	ssettag $0x2  }
0x7a: {  	s0 =	rddreg [dreg:$0x0];
	s2 =	stileid.u32  }
0x7b: {  	s1 =	rddreg [dreg:$0x1];
	p0 =	sne.s32 s2, $0x0  }
0x7c: {  	s3 =	rddreg [dreg:$0x2];
	[bflag:$0x3] =	sbarrier.arrive $0xFFFF;
	s2 =	simm.s32 @!p0 $0x1C05  }
0x7d: {  	[timem:s3], [sflag:s2] =	dma.local @!p0 [hbm:s0], s1  }
0x7e: {  	s0 =	simm.s32 @!p0 $0x5  }
0x7f: {  	_ =	swait.ge @!p0 [sflag:s0], s1  }
0x80: {  	s1 =	ssub.s32 @!p0 $0x0, s1;
	[sflag:s0] =	ssyncset.done @!p0 $0x0  }
0x81: {  	[sflag:s0] =	ssyncadd.s32 @!p0 s1  }
0x82: {  	[bflag:$0x3] =	sbarrier.arrive $0xFFFF  }
0x83: {  	_ =	shalt  }

// kernel: kernel.28.cloned.1.call-start
scs
__scs_entry_jumppad:
0x0: {  	(pc) =	sbr.rel $0x88, $3  }
0x1: {  	(tag) =	ssettag $0x0;
	lr =	simm.s32 $0x1  }
0x2: {  	[smem:$0x3F78] =	sst lr;
	_ =	strace $0xD0000000  }
0x3: {  	_ = 	snop  }
0x4: {  	_ = 	snop  }
0x5: {  	_ = 	snop  }
0x6: {  	_ = 	snop  }
0x7: {  	_ = 	snop  }
__scs_overlays_trampoline_lowered:
0x8: {  	[smem:$0x3F87] =	sst s0  }
0x9: {  	[smem:$0x3F88] =	sst s1  }
0xa: {  	[smem:$0x3F89] =	sst s2  }
0xb: {  	[smem:$0x3F8A] =	sst s3  }
0xc: {  	[smem:$0x3F8B] =	sst s4  }
0xd: {  	[smem:$0x3F8C] =	sst s5  }
0xe: {  	[smem:$0x3F8D] =	sst s6  }
0xf: {  	[smem:$0x3F8E] =	sst s7  }
0x10: {  	[smem:$0x3F8F] =	sst s8  }
0x11: {  	[smem:$0x3F90] =	sst s9;
	s0 =	simm.s32 @!p0 $0x0  }
0x12: {  	s1 =	sld [smem:$0x3F76];
	s0 =	simm.s32 @p0 $0x1  }
0x13: {  	[smem:$0x3F91] =	sst s0;
	s0 =	simm.s32 @!p1 $0x0  }
0x14: {  	s2 =	sld [smem:$0x3F75];
	s0 =	simm.s32 @p1 $0x1  }
0x15: {  	[smem:$0x3F92] =	sst s0;
	s0 =	simm.s32 @!p2 $0x0  }
0x16: {  	s3 =	sld [smem:$0x3FDB];
	s0 =	simm.s32 @p2 $0x1  }
0x17: {  	s4 =	simm.s32 $0x1BF5;
	[smem:$0x3F94] =	sst s0  }
0x18: {  	s0 =	sld [smem:$0x3F77];
	_ =	swait.ge [sflag:s4], $0x0  }
0x19: {  	s7 =	sld [smem:$0x3F78]  }
0x1a: {  	s8 =	sadd.s32 $0xFFFFE003, lr  }
0x1b: {  	s9 =	sadd.s32 $0xFFFFFEF7, lr;
	s5 =	simm.s32 $0xFFFFFFFF;
	p2 =	slt.u32 s8, $0xFFFFF086  }
0x1c: {  	p1 =	slt.u32 s9, $0xF7A;
	s5 =	simm.s32 @!p2 $0x0  }
0x1d: {  	s5 =	simm.s32 @p1 $0x1;
	p0 =	seq.s32 s7, s2  }
0x1e: {  	s7 =	smul.u32 @!p0 $0xF7A, s2;
	p2 =	seq.s32 @!p0 s5, $0x0  }
0x1f: {  	s9 =	smul.u32 $0xF7A, s1;
	s8 =	simm.s32 @!p0 $0x1BF5;
	p2 =	por !p2, p0  }
0x20: {  	[sflag:s8] =	ssyncset.s32 @!p0 $0xFFFFF086;
	s6 =	sadd.s32 @!p0 s3, s7;
	s7 =	simm.s32 @!p0 $0x108  }
0x21: {  	s3 =	sadd.s32 s3, s9;
	s6 =	sadd.s32 @!p0 $0x88, s6;
	s7 =	simm.s32 @p2 $0x1082  }
0x22: {  	[simem:s7], [sflag:s8] =	dma.local @!p0 [hbm:s6], $0xF7A  }
0x23: {  	s9 =	sor.u32 $0xD0000000, s2;
	s6 =	simm.s32 $0x108;
	_ =	swait.ge @!p0 [sflag:s8], $0x0  }
0x24: {  	s3 =	sadd.s32 $0x88, s3;
	s6 =	simm.s32 @!p1 $0x1082;
	[sflag:s4] =	ssyncset.s32 $0xFFFFF086  }
0x25: {  	[simem:s6], [sflag:s4] =	dma.local [hbm:s3], $0xF7A  }
0x26: {  	[smem:$0x3F78] =	sst s1;
	(tag) =	ssettag s2;
	_ =	strace s9  }
0x27: {  	s1 =	sld [smem:$0x3F88]  }
0x28: {  	s2 =	sld [smem:$0x3F89]  }
0x29: {  	s4 =	sld [smem:$0x3F8B]  }
0x2a: {  	p0 =	seq.s32 s5, $0x0;
	s5 =	sld [smem:$0x3F8C]  }
0x2b: {  	s6 =	sld [smem:$0x3F8D]  }
0x2c: {  	s7 =	sld [smem:$0x3F8E]  }
0x2d: {  	s3 =	simm.s32 $0x108;
	s8 =	sld [smem:$0x3F8F]  }
0x2e: {  	s3 =	simm.s32 @!p0 $0x1082;
	s9 =	sld [smem:$0x3F90]  }
0x2f: {  	lr =	sadd.s32 s0, s3;
	s0 =	sld [smem:$0x3F87]  }
0x30: {  	s3 =	sld [smem:$0x3F8A]  }
0x31: {  	[smem:$0x3F93] =	sst s10  }
0x32: {  	s10 =	sld [smem:$0x3F91];
	_ =	sdelay $0x3  }
0x33: {  	p0 =	seq.s32 s10, $0x1;
	s10 =	sld [smem:$0x3F93];
	_ =	sdelay $0x3  }
0x34: {  	[smem:$0x3F93] =	sst s10  }
0x35: {  	s10 =	sld [smem:$0x3F92];
	_ =	sdelay $0x3  }
0x36: {  	p1 =	seq.s32 s10, $0x1;
	s10 =	sld [smem:$0x3F93];
	_ =	sdelay $0x3  }
0x37: {  	[smem:$0x3F93] =	sst s10  }
0x38: {  	s10 =	sld [smem:$0x3F94]  }
0x39: {  	_ = 	snop;
	(pc) =	sbr.ind lr, $3  }
0x3a: {  	_ = 	snop  }
0x3b: {  	_ = 	snop  }
0x3c: {  	p2 =	seq.s32 s10, $0x1;
	s10 =	sld [smem:$0x3F93]  }
0x3d: {  	_ =	shalt  }
0x3e: {  	_ =	shalt  }
0x3f: {  	_ =	shalt  }
0x40: {  	_ =	shalt  }
0x41: {  	_ =	shalt  }
0x42: {  	_ =	shalt  }
0x43: {  	_ =	shalt  }
0x44: {  	_ =	shalt  }
0x45: {  	_ =	shalt  }
0x46: {  	_ =	shalt  }
0x47: {  	_ =	shalt  }
0x48: {  	_ =	shalt  }
0x49: {  	_ =	shalt  }
0x4a: {  	_ =	shalt  }
0x4b: {  	_ =	shalt  }
0x4c: {  	_ =	shalt  }
0x4d: {  	_ =	shalt  }
0x4e: {  	_ =	shalt  }
0x4f: {  	_ =	shalt  }
0x50: {  	_ =	shalt  }
0x51: {  	_ =	shalt  }
0x52: {  	_ =	shalt  }
0x53: {  	_ =	shalt  }
0x54: {  	_ =	shalt  }
0x55: {  	_ =	shalt  }
0x56: {  	_ =	shalt  }
0x57: {  	_ =	shalt  }
0x58: {  	_ =	shalt  }
0x59: {  	_ =	shalt  }
0x5a: {  	_ =	shalt  }
0x5b: {  	_ =	shalt  }
0x5c: {  	_ =	shalt  }
0x5d: {  	_ =	shalt  }
0x5e: {  	_ =	shalt  }
0x5f: {  	_ =	shalt  }
0x60: {  	_ =	shalt  }
0x61: {  	_ =	shalt  }
0x62: {  	_ =	shalt  }
0x63: {  	_ =	shalt  }
0x64: {  	_ =	shalt  }
0x65: {  	_ =	shalt  }
0x66: {  	_ =	shalt  }
0x67: {  	_ =	shalt  }
0x68: {  	_ =	shalt  }
0x69: {  	_ =	shalt  }
0x6a: {  	_ =	shalt  }
0x6b: {  	_ =	shalt  }
0x6c: {  	_ =	shalt  }
0x6d: {  	_ =	shalt  }
0x6e: {  	_ =	shalt  }
0x6f: {  	_ =	shalt  }
0x70: {  	_ =	shalt  }
0x71: {  	_ =	shalt  }
0x72: {  	_ =	shalt  }
0x73: {  	_ =	shalt  }
0x74: {  	_ =	shalt  }
0x75: {  	_ =	shalt  }
0x76: {  	_ =	shalt  }
0x77: {  	_ =	shalt  }
0x78: {  	_ =	shalt  }
0x79: {  	_ =	shalt  }
0x7a: {  	_ =	shalt  }
0x7b: {  	_ =	shalt  }
0x7c: {  	_ =	shalt  }
0x7d: {  	_ =	shalt  }
0x7e: {  	_ =	shalt  }
0x7f: {  	_ =	shalt  }
0x80: {  	_ =	shalt  }
0x81: {  	_ =	shalt  }
0x82: {  	_ =	shalt  }
0x83: {  	_ =	shalt  }
0x84: {  	_ =	shalt  }
0x85: {  	_ =	shalt  }
0x86: {  	_ =	shalt  }
0x87: {  	_ =	shalt  }
.Lfunc_end0:
.L_simem_size_0:
called_computation.5_lowered:
.L_overlay_start_0:
0x88: {  	s2 =	sld [smem:$0x3FD9]  }
0x89: {  	s3 =	sld [smem:$0x3FFE];
	_ =	sdelay $0x1  }
0x8a: {  	s1 =	srdreg.scid  }
0x8b: {  	s0 =	sand.u32 $0x1, s1  }
0x8c: {  	s17 =	sshll.u32 s0, $0xA;
	s2 =	sadd.s32 s3, s2  }
0x8d: {  	s2 =	sadd.s32 s2, s17  }
0x8e: {  	[smem:$0x3F9F] =	sst s2  }
0x8f: {  	_ = 	snop  }
0x90: {  	s2 =	sld [smem:$0x3FA4]  }
0x91: {  	s18 =	sld [smem:$0x3FA2];
	(tm) =	ssettm $0x1  }
0x92: {  	s4 =	sld [smem:$0x3FFB];
	_ =	sdelay $0x3  }
0x93: {  	_ =	strace s4  }
0x94: {  	s4 =	sld [smem:$0x3FFC];
	_ =	sdelay $0x3  }
0x95: {  	_ =	strace s4  }
0x96: {  	s4 =	sld [smem:$0x3FFD];
	_ =	sdelay $0x3  }
0x97: {  	_ =	strace s4  }
0x98: {  	_ =	strace $0x8FFFFFFF  }
0x99: {  	s19 =	sld [smem:$0x3FDB];
	_ =	sdelay $0x1  }
0x9a: {  	s5 =	simm.s32 $_scs_section_size  }
0x9b: {  	s6 =	simm.s32 $_size__tile_overlayer_lowered;
	s7 =	simm.s32 $_tile_overlayer_lowered  }
0x9c: {  	s22 =	simm.s32 $0x1BFF;
	s21 =	sshll.u32 s7, $0x1;
	s4 =	sadd.s32 s5, s19  }
0x9d: {  	s8 =	simm.s32 $0x0;
	s20 =	sshll.u32 s6, $0x1;
	s6 =	sadd.s32 s21, s4  }
0x9e: {  	[timem:s8], [sflag:s22] =	dma.local [hbm:s6], s20  }
0x9f: {  	_ =	swait.ge [sflag:s22], s20  }
0xa0: {  	s5 =	ssub.s32 $0x0, s20;
	[sflag:s22] =	ssyncset.done $0x0  }
0xa1: {  	[sflag:s22] =	ssyncadd.s32 s5;
	_ =	sdelay $0x1  }
0xa2: {  	s23 =	simm.s32 $0x1B8B  }
0xa3: {  	_ =	swait.ge [sflag:s23], $0x1  }
0xa4: {  	[sflag:s23] =	ssyncset.done $0x0  }
0xa5: {  	s25 =	simm.s32 $0x1B8E;
	s24 =	sld [smem:$0x3FFE];
	[sflag:s23] =	ssyncadd.s32 $0xFFFFFFFF  }
0xa6: {  	s26 =	simm.s32 $execute0_lowered;
	[smem:$0x3FD2] =	sst s25  }
0xa7: {  	s6 =	sshll.u32 s26, $0x1;
	_ =	strace $0x80000055;
	[dreg:$0x1] =	wrdreg $0xFFFFFFFF  }
0xa8: {  	s28 =	simm.s32 $_size_execute0_lowered;
	s4 =	sadd.s32 s4, s6;
	[dreg:$0x0] =	wrdreg $0x0  }
0xa9: {  	s6 =	sshll.u32 s28, $0x1;
	[dreg:$0x2] =	wrdreg s4  }
0xaa: {  	[dreg:$0x3] =	wrdreg s6  }
0xab: {  	[dreg:$0x4] =	wrdreg $0xC0  }
0xac: {  	_ =	task [dreg:s8], $0x5FFFF  }
0xad: {  	[dreg:$0x1] =	wrdreg $0xFFFFFFFF  }
0xae: {  	[dreg:$0x0] =	wrdreg $0x60  }
0xaf: {  	[dreg:$0x2] =	wrdreg s24  }
0xb0: {  	[dreg:$0x3] =	wrdreg s18  }
0xb1: {  	[dreg:$0x4] =	wrdreg s2  }
0xb2: {  	[dreg:$0x5] =	wrdreg $0x0  }
0xb3: {  	[dreg:$0x6] =	wrdreg $0x3E800  }
0xb4: {  	[dreg:$0x7] =	wrdreg $0x7D000  }
0xb5: {  	[dreg:$0x8] =	wrdreg $0x9  }
0xb6: {  	_ =	task.clear_ibuf [dreg:s8], $0x9FFFF;
	_ =	strace $0x90000055  }
0xb7: {  	s29 =	simm.s32 $0x9;
	_ =	strace $0x80000057  }
0xb8: {  	_ =	swait.ge [sflag:s29], $0x1  }
0xb9: {  	[sflag:s29] =	ssyncadd.s32 $0xFFFFFFFF  }
0xba: {  	_ =	strace $0x90000057  }
0xbb: {  	_ =	sfence  }
0xbc: {  	s30 =	sld [smem:$0x0];
	_ =	sdelay $0x2  }
0xbd: {  	s31 =	sshll.u32 s1, $0xD;
	s1 =	sshrl.u32 s1, $0x2  }
0xbe: {  	s3 =	sand.u32 $0x4000, s31;
	s1 =	sadd.s32 s1, s30  }
0xbf: {  	s0 =	sor.u32 s3, s0;
	s1 =	sshll.u32 s1, $0x11  }
0xc0: {  	s0 =	sor.u32 s1, s0  }
0xc1: {  	s0 =	sadd.s32 $0x8F2B, s0  }
0xc2: {  	[sflag:s0] =	ssyncadd.remote.s32 $0x1  }
0xc3: {  	_ =	sfence.sel $0xFFFF  }
0xc4: {  	[dreg:$0x0] =	wrdreg $0xFFFFFFFF;
	(pc) =	sbr.abs _section_cstart, $3  }
0xc5: {  	[dreg:$0x1] =	wrdreg $0xFFFFFFFF  }
0xc6: {  	_ =	task.clear_ibuf [dreg:s8], $0x2FFFF;
	_ =	strace $0x9FFFFFFF  }
0xc7: {  	(tm) =	ssettm $0x7FFFFFFF  }
tec
execute0_lowered:
.L_overlay_start_1:
0x0: {  	(tag) =	ssettag $0x1  }
0x1: {  	s0 =	rddreg [dreg:$0x0]  }
0x2: {  	s1 =	rddreg [dreg:$0x1]  }
0x3: {  	s2 =	rddreg [dreg:$0x2]  }
0x4: {  	s3 =	rddreg [dreg:$0x3]  }
0x5: {  	s4 =	rddreg [dreg:$0x4]  }
0x6: {  	s5 =	rddreg [dreg:$0x5];
	s6 =	simm.s32 $0x0;
	s7 =	stileid.u32  }
0x7: {  	s9 =	srdreg.scid;
	s28 =	simm.s32 $0x8580;
	s29 =	simm.s32 $0x50  }
0x8: {  	[smem:$0x7FF] =	sst s6;
	s8 =	sadd.s32 $0x9E00, s0;
	s11 =	sadd.s32 $0x78000, s0  }
0x9: {  	s12 =	sadd.s32 $0x77E00, s0;
	s9 =	sand.u32 $0x1, s9;
	s13 =	sshll.u32 s7, $0x1  }
0xa: {  	s10 =	sadd.s32 $0x31000, s0;
	s16 =	sshll.u32 s7, $0x8;
	s20 =	sadd.s32 $0x31800, s0  }
0xb: {  	s25 =	smul.u32 $0x3C00, s7;
	s23 =	sadd.s32 $0x39600, s0;
	s24 =	sshll.u32 s7, $0x3  }
0xc: {  	p1 =	sgt.u32 s7, $0x9;
	p3 =	slt.u32 s7, $0xA;
	_ =	strace $0x80000056  }
0xd: {  	s14 =	ssub.s32 $0x2, s9;
	s15 =	sor.u32 s9, s13;
	[dreg:$0x10] =	wrdreg s23  }
0xe: {  	s16 =	sadd.s32 s16, s0;
	s13 =	sor.u32 $0x60, s13;
	[dreg:$0x7] =	wrdreg s20  }
0xf: {  	p2 =	sne.s32 s9, $0x0;
	s15 =	smul.u32 $0x5, s15;
	s19 =	sor.u32 s9, s13  }
0x10: {  	p0 =	sgt.u32 s13, $0x63;
	s13 =	sor.u32 $0x780, s24;
	s24 =	sadd.s32 $0x42400, s16  }
0x11: {  	s17 =	sshrl.u32 s14, $0x1;
	[dreg:$0x15] =	wrdreg s24;
	s18 =	sadd.s32 s11, s15  }
0x12: {  	s26 =	sadd.s32 s12, s15;
	s30 =	sadd.s32 $0xA0, s15;
	[dreg:$0x8] =	wrdreg s18  }
0x13: {  	s14 =	ssub.s32 s14, s17;
	[dreg:$0x9] =	wrdreg s26;
	s21 =	sadd.s32 s11, s30  }
0x14: {  	s15 =	sadd.s32 $0x140, s15;
	s18 =	sadd.s32 s12, s30;
	[dreg:$0xa] =	wrdreg s21  }
0x15: {  	s19 =	smul.u32 $0x5, s19;
	s31 =	sadd.s32 s11, s15;
	[dreg:$0xb] =	wrdreg s18  }
0x16: {  	s24 =	simm.s32 $0x8600;
	s15 =	sadd.s32 s12, s15;
	[dreg:$0xc] =	wrdreg s31  }
0x17: {  	s17 =	simm.s32 $0x0;
	s11 =	sadd.s32 s11, s19;
	[dreg:$0xd] =	wrdreg s15  }
0x18: {  	s26 =	smul.u32 $0x780, s7;
	s30 =	sshll.u32 s13, $0x7;
	[dreg:$0xe] =	wrdreg s11  }
0x19: {  	s18 =	sadd.s32 s12, s19;
	s19 =	sshll.u32 s7, $0xA;
	s21 =	sshll.u32 s7, $0x6  }
0x1a: {  	s12 =	sadd.s32 s25, s3;
	s31 =	sadd.s32 s30, s4;
	[dreg:$0xf] =	wrdreg s18  }
0x1b: {  	s22 =	sadd.s32 s19, s3;
	s21 =	sor.u32 $0x1C02, s21;
	s11 =	sadd.s32 s19, s4  }
0x1c: {  	s18 =	sshll.u32 s13, $0x4;
	s19 =	sadd.s32 s23, s26;
	s23 =	sadd.s32 s20, s26  }
0x1d: {  	s26 =	smax.u32 s14, $0x1;
	s30 =	sshrl.u32 s12, $0x3;
	[dreg:$0x12] =	wrdreg s18  }
0x1e: {  	s31 =	sshrl.u32 s31, $0x3;
	s20 =	simm.s32 $0x3;
	[dreg:$0x13] =	wrdreg s19  }
0x1f: {  	s12 =	simm.s32 $0xAE00;
	s13 =	simm.s32 $0x28;
	[dreg:$0x14] =	wrdreg s23  }
0x20: {  	s14 =	simm.s32 $0xAF00;
	s0 =	sadd.s32 $0x3C000, s22;
	[dreg:$0x17] =	wrdreg s26  }
0x21: {  	s22 =	sadd.s32 s25, s4;
	s25 =	sshll.u32 s7, $0xB;
	[dreg:$0x18] =	wrdreg s30  }
.Ltmp0:
0x22: {  	[dreg:$0x1b] =	wrdreg s31;
	s15 =	sadd.s32 s25, s5;
	(pc) =	sbr.rel .LBB2_1-.Ltmp0, $4  }
0x23: {  	s11 =	sadd.s32 $0x3C000, s11;
	s25 =	sadd.s32 $0x41400, s16;
	[dreg:$0x11] =	wrdreg s15  }
0x24: {  	s26 =	simm.s32 $0x2;
	s0 =	sshrl.u32 @!p1 s0, $0x3;
	[dreg:$0x16] =	wrdreg s25  }
0x25: {  	s16 =	simm.s32 $0xAE80;
	[dreg:$0x19] =	wrdreg s0;
	s0 =	sshrl.u32 @!p1 s11, $0x3  }
0x26: {  	s25 =	sand.u32 $0x1, s7;
	s15 =	simm.s32 $0x1;
	[dreg:$0x1a] =	wrdreg s0  }
.LBB2_10:
0x27: {  	s0 =	rddreg [dreg:$0x12]  }
0x28: {  	s4 =	rddreg [dreg:$0x1b];
	s0 =	sadd.s32 s23, s0  }
0x29: {  	[hbm:s0], [sflag:s21] =	dma.local [spmem:s4], $0x80  }
0x2a: {  	_ =	swait.ge [sflag:s26], $0x80  }
0x2b: {  	[sflag:s26] =	ssyncset.done $0x0  }
0x2c: {  	[sflag:s26] =	ssyncadd.s32 $0xFFFFFF80  }
.LBB2_11:
0x2d: {  	[hbm:s19], [sflag:s21] =	dma.local [spmem:s18], $0x100  }
0x2e: {  	_ =	swait.ge [sflag:s26], $0x100  }
0x2f: {  	s17 =	sadd.s32 $0x1, s17;
	s0 =	rddreg [dreg:$0x17]  }
0x30: {  	p4 =	sne.s32 s17, s0  }
.Ltmp1:
0x31: {  	_ = 	snop;
	(pc) =	sbr.rel @!p4 .LBB2_12-.Ltmp1, $3  }
0x32: {  	_ =	sdelay $0x1  }
0x33: {  	[sflag:s26] =	ssyncset.done $0x0  }
0x34: {  	[sflag:s26] =	ssyncadd.s32 $0xFFFFFF00  }
.LBB2_1:
0x35: {  	s0 =	rddreg [dreg:$0x18]  }
0x36: {  	[spmem:s0], [sflag:s21] =	dma.local [hbm:s10], $0x780  }
0x37: {  	_ =	swait.ge [sflag:s26], $0x780  }
0x38: {  	[sflag:s26] =	ssyncset.done $0x0  }
0x39: {  	s18 =	sshrl.u32 @p1 s22, $0x3;
	[sflag:s26] =	ssyncadd.s32 $0xFFFFF880  }
0x3a: {  	[spmem:s18], [sflag:s21] =	dma.local @p1 [hbm:s10], $0x780  }
0x3b: {  	s18 =	simm.s32 @p1 $0x2  }
0x3c: {  	_ =	swait.ge @p1 [sflag:s18], $0x780  }
0x3d: {  	[sflag:s18] =	ssyncset.done @p1 $0x0  }
0x3e: {  	s0 =	rddreg [dreg:$0x19];
	[sflag:s18] =	ssyncadd.s32 @p1 $0xFFFFF880;
	s18 =	simm.s32 @!p1 $0x2  }
0x3f: {  	[spmem:s0], [sflag:s21] =	dma.local @!p1 [hbm:s10], $0x80  }
0x40: {  	_ =	swait.ge @!p1 [sflag:s18], $0x80  }
0x41: {  	[sflag:s18] =	ssyncset.done @!p1 $0x0  }
0x42: {  	s19 =	sshrl.u32 @!p1 s22, $0x3;
	[sflag:s18] =	ssyncadd.s32 @!p1 $0xFFFFFF80  }
0x43: {  	[spmem:s19], [sflag:s21] =	dma.local @!p1 [hbm:s10], $0x780  }
0x44: {  	_ =	swait.ge @!p1 [sflag:s18], $0x780  }
0x45: {  	[sflag:s18] =	ssyncset.done @!p1 $0x0  }
0x46: {  	s0 =	rddreg [dreg:$0x1a];
	[sflag:s18] =	ssyncadd.s32 @!p1 $0xFFFFF880  }
0x47: {  	[spmem:s0], [sflag:s21] =	dma.local @!p1 [hbm:s10], $0x80  }
0x48: {  	_ =	swait.ge @!p1 [sflag:s18], $0x80  }
0x49: {  	[sflag:s18] =	ssyncset.done @!p1 $0x0;
	s31 =	rddreg [dreg:$0x11]  }
0x4a: {  	[sflag:s18] =	ssyncadd.s32 @!p1 $0xFFFFFF80;
	s18 =	sshrl.u32 s31, $0x3  }
0x4b: {  	[spmem:s18], [sflag:s21] =	dma.local [hbm:s10], $0x100  }
.Ltmp2:
0x4c: {  	_ =	swait.ge [sflag:s26], $0x100;
	(pc) =	sbr.rel .LBB2_2-.Ltmp2, $4  }
0x4d: {  	[sflag:s26] =	ssyncset.done $0x0  }
0x4e: {  	[sflag:s26] =	ssyncadd.s32 $0xFFFFFF00  }
0x4f: {  	[bflag:$0x0] =	sbarrier.arrive $0xFFFF  }
0x50: {  	s19 =	simm.s32 $0x0  }
.LBB2_6:
0x51: {  	s19 =	sadd.s32 $0x1, s19  }
0x52: {  	p4 =	sne.s32 s19, $0x8  }
.Ltmp3:
0x53: {  	_ = 	snop;
	(pc) =	sbr.rel @!p4 .LBB2_7-.Ltmp3, $1  }
0x54: {  	_ =	sdelay $0x3  }
.LBB2_2:
0x55: {  	s23 =	sshll.u32 s19, $0x4  }
0x56: {  	s23 =	sor.u32 s7, s23  }
0x57: {  	p4 =	sgt.u32 s23, $0x7C  }
0x58: {  	s30 =	smul.u32 @!p4 $0x500, s23;
	_ =	sdelay $0x1  }
0x59: {  	s31 =	simm.s32 @!p4 $0x0;
	s0 =	simm.s32 @!p4 $0x8600;
	s30 =	sadd.s32 @!p4 s8, s30  }
0x5a: {  	[tilespmem:s0], [sflag:$0x3] =	stream.linear.gather @!p4 [hbm4b:s30+s31], $0x2800, $0x38;
	[tilespmem:$0xC300] =	vst v63  }
0x5b: {  	s30 =	simm.s32 @!p4 $0x3  }
0x5c: {  	s23 =	smul.u32 @!p4 $0xA, s23;
	_ =	swait.ge @!p4 [sflag:s30], $0x2800  }
0x5d: {  	[sflag:s30] =	ssyncset.done @!p4 $0x0  }
0x5e: {  	s4 =	simm.s32 @!p4 $0x8500;
	s11 =	sadd.s32 @!p4 s1, s23;
	[sflag:s30] =	ssyncadd.s32 @!p4 $0xFFFFD800  }
0x5f: {  	[tilespmem:s4], [sflag:$0x3] =	stream.linear.gather @!p4 [hbm4b:s11+s31], $0x50, $0x38;
	[tilespmem:$0xC300] =	vst v63  }
0x60: {  	p5 =	sne.s32 @!p4 s25, s9;
	_ =	swait.ge @!p4 [sflag:s30], $0x50  }
0x61: {  	p5 =	por p4, p5;
	[sflag:s30] =	ssyncset.done @!p4 $0x0  }
.Ltmp4:
0x62: {  	s11 =	simm.s32 @!p4 $0x50;
	[sflag:s30] =	ssyncadd.s32 @!p4 $0xFFFFFFB0;
	(pc) =	sbr.rel @p5 .LBB2_6-.Ltmp4, $4  }
0x63: {  	[spmem:s3] =	stream.indirect.scatter.add.f32 @!p4 [tilespmem:s0], [sflag:$0x3], $0x80, s4, s11, $0xb8;
	[tilespmem:$0xC300] =	vst v63  }
0x64: {  	_ =	swait.ge @!p4 [sflag:s30], $0x2800  }
0x65: {  	[sflag:s30] =	ssyncset.done @!p4 $0x0  }
0x66: {  	[sflag:s30] =	ssyncadd.s32 @!p4 $0xFFFFD800  }
0x67: {  	s30 =	simm.s32 $0x0  }
0x68: {  	v2 =	vld [tilespmem:s30+$0x8600]  }
0x69: {  	v4 =	vld [tilespmem:s30+$0x8610]  }
0x6a: {  	v3 =	vld [tilespmem:s30+$0x8620]  }
0x6b: {  	v1 =	vld [tilespmem:s30+$0x8630]  }
0x6c: {  	v0 =	vld [tilespmem:s30+$0x8640]  }
0x6d: {  	v5 =	vmax.f32 v2, $0.0e+00;
	v2 =	vld [tilespmem:s30+$0x8650]  }
0x6e: {  	s31 =	simm.s32 $0x200;
	[tilespmem:s30+$0x8600] =	vst v5;
	v5 =	vmax.f32 v4, $0.0e+00;
	v4 =	vld [tilespmem:s30+$0x8660]  }
.LBB2_4:
0x6f: {  	s0 =	sshra.s32 s31, $0x2;
	p4 =	sne.s32 s31, $0x9E00;
	[tilespmem:s30+$0x8610] =	vst v5;
	v3 =	vmax.f32 v3, $0.0e+00;
	v5 =	vld [tilespmem:s30+$0x8670]  }
0x70: {  	v6 =	vld [tilespmem:s0+$0x8600];
	[tilespmem:s30+$0x8620] =	vst v3;
	v1 =	vmax.f32 v1, $0.0e+00  }
0x71: {  	v7 =	vld [tilespmem:s0+$0x8610];
	[tilespmem:s30+$0x8630] =	vst v1;
	v0 =	vmax.f32 v0, $0.0e+00  }
.Ltmp5:
0x72: {  	v3 =	vld [tilespmem:s0+$0x8620];
	[tilespmem:s30+$0x8640] =	vst v0;
	v0 =	vmax.f32 v2, $0.0e+00;
	(pc) =	sbr.rel @p4 .LBB2_4-.Ltmp5, $4  }
0x73: {  	v1 =	vld [tilespmem:s0+$0x8630];
	[tilespmem:s30+$0x8650] =	vst v0;
	v2 =	vmax.f32 v4, $0.0e+00  }
0x74: {  	v0 =	vld [tilespmem:s0+$0x8640];
	[tilespmem:s30+$0x8660] =	vst v2;
	v4 =	vmax.f32 v5, $0.0e+00  }
0x75: {  	v5 =	vmax.f32 v6, $0.0e+00;
	v2 =	vld [tilespmem:s0+$0x8650];
	[tilespmem:s30+$0x8670] =	vst v4;
	s30 =	smov.u32 s0  }
0x76: {  	s31 =	sadd.s32 $0x200, s31;
	[tilespmem:s30+$0x8600] =	vst v5;
	v5 =	vmax.f32 v7, $0.0e+00;
	v4 =	vld [tilespmem:s30+$0x8660]  }
0x77: {  	[tilespmem:s30+$0x8610] =	vst v5;
	v3 =	vmax.f32 v3, $0.0e+00;
	v60 =	vld [tilespmem:s30+$0x8670]  }
0x78: {  	[tilespmem:s30+$0x8620] =	vst v3;
	v1 =	vmax.f32 v1, $0.0e+00  }
0x79: {  	[tilespmem:s30+$0x8630] =	vst v1;
	v0 =	vmax.f32 v0, $0.0e+00  }
0x7a: {  	[tilespmem:s30+$0x8640] =	vst v0;
	v61 =	vmax.f32 v2, $0.0e+00  }
0x7b: {  	[tilespmem:s30+$0x8650] =	vst v61;
	v62 =	vmax.f32 v4, $0.0e+00  }
0x7c: {  	[tilespmem:s30+$0x8660] =	vst v62;
	v63 =	vmax.f32 v60, $0.0e+00  }
0x7d: {  	s0 =	sadd.s32 s2, s23;
	[tilespmem:s30+$0x8670] =	vst v63  }
0x7e: {  	[tilespmem:s28], [sflag:$0x3] =	stream.linear.gather [hbm4b:s0+s6], $0x50, $0x38;
	[tilespmem:$0xC300] =	vst v63  }
0x7f: {  	_ =	swait.ge [sflag:s20], $0x50  }
0x80: {  	[sflag:s20] =	ssyncset.done $0x0  }
.Ltmp6:
0x81: {  	[sflag:s20] =	ssyncadd.s32 $0xFFFFFFB0;
	(pc) =	sbr.rel .LBB2_6-.Ltmp6, $4  }
0x82: {  	[spmem:s5] =	stream.indirect.scatter.add.f32 [tilespmem:s24], [sflag:$0x2], $0x80, s28, s29, $0xb8;
	[tilespmem:$0xC300] =	vst v63  }
0x83: {  	_ =	swait.ge [sflag:s26], $0x2800  }
0x84: {  	[sflag:s26] =	ssyncset.done $0x0  }
0x85: {  	[sflag:s26] =	ssyncadd.s32 $0xFFFFD800  }
.LBB2_7:
0x86: {  	[bflag:$0x0] =	sbarrier.arrive $0xFFFF  }
0x87: {  	s0 =	rddreg [dreg:$0x8]  }
0x88: {  	[tilespmem:s12], [sflag:$0x3] =	stream.linear.gather [hbm4b:s0+s6], $0x28, $0x38;
	[tilespmem:$0xC300] =	vst v63  }
0x89: {  	_ =	swait.ge [sflag:s20], $0x28  }
0x8a: {  	[sflag:s20] =	ssyncset.done $0x0  }
0x8b: {  	[sflag:s20] =	ssyncadd.s32 $0xFFFFFFD8  }
0x8c: {  	[tilespmem:s14], [sflag:$0x1] =	stream.indirect.gather [spmem:s3], $0x80, s12, s13, $0xb8;
	[tilespmem:$0xC300] =	vst v63  }
0x8d: {  	_ =	swait.ge [sflag:s15], $0x1400  }
0x8e: {  	[sflag:s15] =	ssyncset.done $0x0  }
0x8f: {  	s4 =	rddreg [dreg:$0x9];
	[sflag:s15] =	ssyncadd.s32 $0xFFFFEC00  }
0x90: {  	[tilespmem:s16], [sflag:$0x3] =	stream.linear.gather [hbm4b:s4+s6], $0x28, $0x38;
	[tilespmem:$0xC300] =	vst v63  }
0x91: {  	_ =	swait.ge [sflag:s20], $0x28  }
0x92: {  	[sflag:s20] =	ssyncset.done $0x0  }
0x93: {  	[sflag:s20] =	ssyncadd.s32 $0xFFFFFFD8  }
0x94: {  	s30 =	rddreg [dreg:$0x4]  }
0x95: {  	[spmem:s30] =	stream.indirect.scatter.add.f32 [tilespmem:s14], [sflag:$0x2], $0x80, s16, s13, $0xb8;
	[tilespmem:$0xC300] =	vst v63  }
0x96: {  	_ =	swait.ge [sflag:s26], $0x1400  }
0x97: {  	[sflag:s26] =	ssyncset.done $0x0  }
0x98: {  	s11 =	rddreg [dreg:$0xa];
	[sflag:s26] =	ssyncadd.s32 $0xFFFFEC00  }
0x99: {  	[tilespmem:s12], [sflag:$0x3] =	stream.linear.gather [hbm4b:s11+s6], $0x28, $0x38;
	[tilespmem:$0xC300] =	vst v63  }
0x9a: {  	_ =	swait.ge [sflag:s20], $0x28  }
0x9b: {  	[sflag:s20] =	ssyncset.done $0x0  }
0x9c: {  	[sflag:s20] =	ssyncadd.s32 $0xFFFFFFD8  }
0x9d: {  	[tilespmem:s14], [sflag:$0x1] =	stream.indirect.gather [spmem:s3], $0x80, s12, s13, $0xb8;
	[tilespmem:$0xC300] =	vst v63  }
0x9e: {  	_ =	swait.ge [sflag:s15], $0x1400  }
0x9f: {  	[sflag:s15] =	ssyncset.done $0x0  }
0xa0: {  	s19 =	rddreg [dreg:$0xb];
	[sflag:s15] =	ssyncadd.s32 $0xFFFFEC00  }
0xa1: {  	[tilespmem:s16], [sflag:$0x3] =	stream.linear.gather [hbm4b:s19+s6], $0x28, $0x38;
	[tilespmem:$0xC300] =	vst v63  }
0xa2: {  	_ =	swait.ge [sflag:s20], $0x28  }
0xa3: {  	[sflag:s20] =	ssyncset.done $0x0  }
0xa4: {  	[sflag:s20] =	ssyncadd.s32 $0xFFFFFFD8  }
0xa5: {  	[spmem:s30] =	stream.indirect.scatter.add.f32 [tilespmem:s14], [sflag:$0x2], $0x80, s16, s13, $0xb8;
	[tilespmem:$0xC300] =	vst v63  }
0xa6: {  	_ =	swait.ge [sflag:s26], $0x1400  }
0xa7: {  	[sflag:s26] =	ssyncset.done $0x0  }
0xa8: {  	s23 =	rddreg [dreg:$0xc];
	[sflag:s26] =	ssyncadd.s32 $0xFFFFEC00  }
0xa9: {  	[tilespmem:s12], [sflag:$0x3] =	stream.linear.gather [hbm4b:s23+s6], $0x28, $0x38;
	[tilespmem:$0xC300] =	vst v63  }
0xaa: {  	_ =	swait.ge [sflag:s20], $0x28  }
0xab: {  	[sflag:s20] =	ssyncset.done $0x0  }
0xac: {  	[sflag:s20] =	ssyncadd.s32 $0xFFFFFFD8  }
0xad: {  	[tilespmem:s14], [sflag:$0x1] =	stream.indirect.gather [spmem:s3], $0x80, s12, s13, $0xb8;
	[tilespmem:$0xC300] =	vst v63  }
0xae: {  	_ =	swait.ge [sflag:s15], $0x1400  }
0xaf: {  	[sflag:s15] =	ssyncset.done $0x0  }
0xb0: {  	s31 =	rddreg [dreg:$0xd];
	[sflag:s15] =	ssyncadd.s32 $0xFFFFEC00  }
0xb1: {  	[tilespmem:s16], [sflag:$0x3] =	stream.linear.gather [hbm4b:s31+s6], $0x28, $0x38;
	[tilespmem:$0xC300] =	vst v63  }
0xb2: {  	_ =	swait.ge [sflag:s20], $0x28  }
0xb3: {  	[sflag:s20] =	ssyncset.done $0x0  }
0xb4: {  	[sflag:s20] =	ssyncadd.s32 $0xFFFFFFD8  }
0xb5: {  	[spmem:s30] =	stream.indirect.scatter.add.f32 [tilespmem:s14], [sflag:$0x2], $0x80, s16, s13, $0xb8;
	[tilespmem:$0xC300] =	vst v63  }
0xb6: {  	_ =	swait.ge [sflag:s26], $0x1400  }
0xb7: {  	s0 =	simm.s32 @!p0 $0x0;
	[sflag:s26] =	ssyncset.done $0x0  }
0xb8: {  	s4 =	simm.s32 @!p0 $0xAE00;
	s11 =	rddreg [dreg:$0xe];
	[sflag:s26] =	ssyncadd.s32 $0xFFFFEC00  }
0xb9: {  	[tilespmem:s4], [sflag:$0x3] =	stream.linear.gather @!p0 [hbm4b:s11+s0], $0x28, $0x38;
	[tilespmem:$0xC300] =	vst v63  }
0xba: {  	s11 =	simm.s32 @!p0 $0x3  }
0xbb: {  	_ =	swait.ge @!p0 [sflag:s11], $0x28  }
0xbc: {  	[sflag:s11] =	ssyncset.done @!p0 $0x0  }
0xbd: {  	s19 =	simm.s32 @!p0 $0x28;
	s23 =	simm.s32 @!p0 $0xAF00;
	[sflag:s11] =	ssyncadd.s32 @!p0 $0xFFFFFFD8  }
0xbe: {  	[tilespmem:s23], [sflag:$0x1] =	stream.indirect.gather @!p0 [spmem:s3], $0x80, s4, s19, $0xb8;
	[tilespmem:$0xC300] =	vst v63  }
0xbf: {  	s4 =	simm.s32 @!p0 $0x1  }
0xc0: {  	_ =	swait.ge @!p0 [sflag:s4], $0x1400  }
0xc1: {  	[sflag:s4] =	ssyncset.done @!p0 $0x0  }
0xc2: {  	s31 =	rddreg [dreg:$0xf];
	[sflag:s4] =	ssyncadd.s32 @!p0 $0xFFFFEC00;
	s4 =	simm.s32 @!p0 $0xAE80  }
0xc3: {  	[tilespmem:s4], [sflag:$0x3] =	stream.linear.gather @!p0 [hbm4b:s31+s0], $0x28, $0x38;
	[tilespmem:$0xC300] =	vst v63  }
0xc4: {  	_ =	swait.ge @!p0 [sflag:s11], $0x28  }
0xc5: {  	[sflag:s11] =	ssyncset.done @!p0 $0x0  }
0xc6: {  	s0 =	simm.s32 @!p0 $0x2;
	[sflag:s11] =	ssyncadd.s32 @!p0 $0xFFFFFFD8  }
0xc7: {  	[spmem:s30] =	stream.indirect.scatter.add.f32 @!p0 [tilespmem:s23], [sflag:$0x2], $0x80, s4, s19, $0xb8;
	[tilespmem:$0xC300] =	vst v63  }
.Ltmp7:
0xc8: {  	_ =	swait.ge @!p0 [sflag:s0], $0x1400;
	(pc) =	sbr.rel @p2 .LBB2_9-.Ltmp7, $4  }
0xc9: {  	[sflag:s0] =	ssyncset.done @!p0 $0x0  }
0xca: {  	[sflag:s0] =	ssyncadd.s32 @!p0 $0xFFFFEC00  }
0xcb: {  	[bflag:$0x0] =	sbarrier.arrive $0xFFFF  }
0xcc: {  	s19 =	sshrl.u32 s22, $0x3  }
0xcd: {  	s0 =	rddreg [dreg:$0x14]  }
0xce: {  	[hbm:s0], [sflag:s21] =	dma.local [spmem:s19], $0x780  }
.Ltmp8:
0xcf: {  	_ = 	snop;
	(pc) =	sbr.rel @p3 .LBB2_10-.Ltmp8, $4  }
.Ltmp9:
0xd0: {  	_ = 	snop;
	(pc) =	sbr.rel @!p3 .LBB2_11-.Ltmp9, $4  }
0xd1: {  	_ =	swait.ge [sflag:s26], $0x780  }
0xd2: {  	[sflag:s26] =	ssyncset.done $0x0;
	s23 =	rddreg [dreg:$0x7]  }
0xd3: {  	s19 =	rddreg [dreg:$0x16];
	[sflag:s26] =	ssyncadd.s32 $0xFFFFF880  }
0xd4: {  	_ = 	snop  }
.LBB2_9:
0xd5: {  	s0 =	rddreg [dreg:$0x13]  }
0xd6: {  	[hbm:s0], [sflag:s21] =	dma.local [spmem:s19], $0x780  }
.Ltmp10:
0xd7: {  	_ = 	snop;
	(pc) =	sbr.rel @p1 .LBB2_11-.Ltmp10, $4  }
.Ltmp11:
0xd8: {  	_ = 	snop;
	(pc) =	sbr.rel @!p1 .LBB2_10-.Ltmp11, $4  }
0xd9: {  	_ =	swait.ge [sflag:s26], $0x780  }
0xda: {  	[sflag:s26] =	ssyncset.done $0x0;
	s23 =	rddreg [dreg:$0x10]  }
0xdb: {  	s19 =	rddreg [dreg:$0x15];
	[sflag:s26] =	ssyncadd.s32 $0xFFFFF880  }
0xdc: {  	_ = 	snop  }
.LBB2_12:
0xdd: {  	_ =	sfence.sel $0x180000  }
0xde: {  	[bflag:$0x0] =	sbarrier.arrive $0xFFFF  }
0xdf: {  	_ =	strace $0x90000056  }
0xe0: {  	[bflag:$0x2] =	sbarrier.arrive $0xFFFF  }
0xe1: {  	p0 =	sne.s32 s7, $0x0;
	s0 =	rddreg [dreg:$0x6]  }
0xe2: {  	s0 =	sadd.s32 @!p0 $0x100000, s0  }
0xe3: {  	[sflag:s0] =	ssyncadd.tile.s32 @!p0 $0x1;
	_ =	shalt  }
.Lfunc_end2:
_tile_overlayer_lowered:
.L_overlay_start_2:
0xe4: {  	(tag) =	ssettag $0x2  }
0xe5: {  	s0 =	rddreg [dreg:$0x0];
	s2 =	stileid.u32  }
0xe6: {  	s1 =	rddreg [dreg:$0x1];
	p0 =	sne.s32 s2, $0x0  }
0xe7: {  	s3 =	rddreg [dreg:$0x2];
	[bflag:$0x3] =	sbarrier.arrive $0xFFFF;
	s2 =	simm.s32 @!p0 $0x1C02  }
0xe8: {  	[timem:s3], [sflag:s2] =	dma.local @!p0 [hbm:s0], s1  }
0xe9: {  	s0 =	simm.s32 @!p0 $0x2  }
0xea: {  	_ =	swait.ge @!p0 [sflag:s0], s1  }
0xeb: {  	s1 =	ssub.s32 @!p0 $0x0, s1;
	[sflag:s0] =	ssyncset.done @!p0 $0x0  }
0xec: {  	[sflag:s0] =	ssyncadd.s32 @!p0 s1  }
0xed: {  	[bflag:$0x3] =	sbarrier.arrive $0xFFFF  }
0xee: {  	_ =	shalt  }

</sc_bundles>
